<compile_context>
chip_gen: v7x
topology: tpu7x:2x2x1
jax: 0.10.2.dev20260603
libtpu: 0.0.44.dev20260713+nightly
codegen_flags: <defaults>
</compile_context>

<pallas_src>
import functools

import jax
import jax.numpy as jnp
import numpy as np
from jax import lax
from jax.experimental import pallas as pl
from jax.experimental.pallas import tpu as pltpu
from jax.experimental.pallas import tpu_sc as plsc

B = 16384
L = 50
D = 128
A = 1000
H = 64
AP = 1024
R = L * AP
AOUT = 1024

NC = 2
NS = 16
NW = NC * NS
NSPLIT = 1
BS = B // NSPLIT
SPW = BS // NW
CHUNK = 16
ROWS = CHUNK * L
NCHUNKS = SPW // CHUNK



def _rne_bf16_bits(t):
    u = lax.bitcast_convert_type(t, jnp.uint32)
    return (u + 0x7FFF + ((u >> 16) & 1)) >> 16


KL = 5
QR = AP // 4


def _table_body(e0, e1, e2, e3, w_ref, t_ref):
    es = (e0, e1, e2, e3)
    for k in range(KL):
        parts = []
        for c in range(4):
            t = jnp.dot(
                es[c][:], w_ref[k], preferred_element_type=jnp.float32
            )
            ra = _rne_bf16_bits(t[:, : H // 2])
            rb = _rne_bf16_bits(t[:, H // 2 :])
            parts.append(lax.bitcast_convert_type(ra | (rb << 16), jnp.int32))
        t_ref[pl.ds(k * QR, QR), :] = jnp.concatenate(parts, axis=1)


def _build_table(e4, w1t):
    espec = pl.BlockSpec((QR, D), lambda g: (0, 0))
    return pl.pallas_call(
        _table_body,
        grid=(L // KL,),
        in_specs=[
            espec,
            espec,
            espec,
            espec,
            pl.BlockSpec((KL, D, H), lambda g: (g, 0, 0)),
        ],
        out_specs=pl.BlockSpec((KL * QR, 128), lambda g: (g, 0)),
        out_shape=jax.ShapeDtypeStruct((R * (H // 2) // 128, 128), jnp.int32),
    )(*e4, w1t)



def _bag_body(table_hbm, idx_hbm, out_hbm, idx_v, rows0, rows1, h1_v, sem0, sem1):
    wid = lax.axis_index("s") * NC + lax.axis_index("c")
    base = wid * SPW
    pltpu.sync_copy(idx_hbm.at[pl.ds(base * L, SPW * L)], idx_v)

    def gather(c, rows, sem):
        return pltpu.make_async_copy(
            table_hbm.at[idx_v.at[pl.ds(c * ROWS, ROWS)]], rows, sem
        )

    hi_mask = jnp.full((16,), -65536, dtype=jnp.int32)

    lanes = lax.iota(jnp.int32, 16)
    rowidx = [lanes + j * 32 + e * 16 for j in range(H // 32) for e in (0, 1)]

    def accum(c, rows):
        def samp_body(s, carry):
            r0 = s * L
            col = jnp.full((16,), s, dtype=jnp.int32)
            for j in range(H // 32):
                acc_lo = jnp.zeros((16,), jnp.float32)
                acc_hi = jnp.zeros((16,), jnp.float32)
                for l in range(L):
                    w = rows[r0 + l, pl.ds(j * 16, 16)]
                    acc_lo = acc_lo + plsc.bitcast(
                        lax.shift_left(w, 16), jnp.float32
                    )
                    acc_hi = acc_hi + plsc.bitcast(
                        lax.bitwise_and(w, hi_mask), jnp.float32
                    )
                plsc.store_scatter(h1_v, [rowidx[2 * j], col], acc_lo)
                plsc.store_scatter(h1_v, [rowidx[2 * j + 1], col], acc_hi)
            return carry

        lax.fori_loop(0, CHUNK, samp_body, 0)
        pltpu.sync_copy(h1_v, out_hbm.at[:, pl.ds(base + c * CHUNK, CHUNK)])

    last = NCHUNKS - 1
    gather(0, rows0, sem0).start()

    def pair_body(k, carry):
        c0 = 2 * k
        gather(c0, rows0, sem0).wait()
        gather(c0 + 1, rows1, sem1).start()
        accum(c0, rows0)
        gather(c0 + 1, rows1, sem1).wait()
        gather(lax.min(c0 + 2, last), rows0, sem0).start()
        accum(c0 + 1, rows1)
        return carry

    lax.fori_loop(0, NCHUNKS // 2, pair_body, 0)
    gather(last, rows0, sem0).wait()


@functools.cache
def _bag():
    return pl.kernel(
        _bag_body,
        mesh=plsc.VectorSubcoreMesh(core_axis_name="c", subcore_axis_name="s"),
        compiler_params=pltpu.CompilerParams(
            use_tc_tiling_on_sc=False, needs_layout_passes=False
        ),
        out_type=jax.ShapeDtypeStruct((H, BS), jnp.float32),
        scratch_types=[
            pltpu.VMEM((SPW * L,), jnp.int32),
            pltpu.VMEM((ROWS, H // 2), jnp.int32),
            pltpu.VMEM((ROWS, H // 2), jnp.int32),
            pltpu.VMEM((H, CHUNK), jnp.float32),
            pltpu.SemaphoreType.DMA,
            pltpu.SemaphoreType.DMA,
        ],
    )



BT = 2048


def _mlp2_body(h_ref, b1_ref, w2_ref, b2_ref, o_ref):
    h = jnp.maximum(h_ref[:] + b1_ref[:], 0.0)
    o_ref[:] = (
        jnp.dot(w2_ref[:], h, preferred_element_type=jnp.float32) + b2_ref[:]
    )


def _mlp2_body_alias(prev_ref, h_ref, b1_ref, w2_ref, b2_ref, o_ref):
    del prev_ref
    _mlp2_body(h_ref, b1_ref, w2_ref, b2_ref, o_ref)


def _mlp2_part(h1t, b1c, w2c, b2c, part, prev=None):
    ntile = BS // BT
    common = dict(
        grid=(ntile,),
        out_specs=pl.BlockSpec((A, BT), lambda i, p=part: (0, i + p * ntile)),
        out_shape=jax.ShapeDtypeStruct((A, B), jnp.float32),
    )
    hspecs = [
        pl.BlockSpec((H, BT), lambda i: (0, i)),
        pl.BlockSpec((H, 1), lambda i: (0, 0)),
        pl.BlockSpec((A, H), lambda i: (0, 0)),
        pl.BlockSpec((A, 1), lambda i: (0, 0)),
    ]
    if prev is None:
        return pl.pallas_call(_mlp2_body, in_specs=hspecs, **common)(
            h1t, b1c, w2c, b2c
        )
    return pl.pallas_call(
        _mlp2_body_alias,
        in_specs=[pl.BlockSpec(memory_space=pltpu.MemorySpace.HBM)] + hspecs,
        input_output_aliases={0: 0},
        **common,
    )(prev, h1t, b1c, w2c, b2c)


_PERM = np.asarray(
    [j * 16 + 32 * e + i for j in range(H // 32) for e in (0, 1) for i in range(16)],
    dtype=np.int32,
)


def kernel(x, embed, W1, b1, W2, b2):
    embed_p = jnp.zeros((AP, D), jnp.float32).at[: A + 1, :].set(embed)
    e4 = [embed_p[c::4] for c in range(4)]
    w1t = W1.reshape(H, L, D).transpose(1, 2, 0)
    table_i32 = _build_table(e4, w1t).reshape(R, H // 2)

    flat_idx = (
        x.astype(jnp.int32) + (jnp.arange(L, dtype=jnp.int32) * AP)[None, :]
    ).reshape(-1)

    b1c = b1[_PERM].reshape(H, 1)
    w2c = W2[:, _PERM]
    b2c = b2.reshape(A, 1)

    h1ts = [
        _bag()(table_i32, flat_idx[p * BS * L : (p + 1) * BS * L])
        for p in range(NSPLIT)
    ]
    out_t = None
    for p in range(NSPLIT):
        out_t = _mlp2_part(h1ts[p], b1c, w2c, b2c, p, prev=out_t)
    return out_t.T

# --- scband reference (transcript-rebuilt; emitter-appended) ---
"""Pipeline reference for scband-policy-net-18717467476260 (READ-ONLY COPY).

The authoritative reference and input builder live on the scoring server;
editing this copy changes nothing except your own understanding.
"""

import jax, jax.numpy as jnp
import numpy as np

B = 16384
L = 50  # max_layers
D = 128  # embed_dim
A = 1000  # num_actions
H = 64


def setup_inputs(seed: int = 0) -> dict:
    key = jax.random.key(seed)
    k1, k2, k3, k4, k5, k6 = jax.random.split(key, 6)
    x = jax.random.randint(k1, (B, L), 0, A + 1)
    embed = jax.random.normal(k2, (A + 1, D), dtype=jnp.float32) * 0.02
    # torch nn.Linear convention: weight [out, in], y = x @ W.T + b
    W1 = jax.random.normal(k3, (H, D * L), dtype=jnp.float32) * (1.0 / np.sqrt(D * L))
    b1 = jax.random.uniform(k4, (H,), dtype=jnp.float32, minval=-1.0, maxval=1.0) * (1.0 / np.sqrt(D * L))
    W2 = jax.random.normal(k5, (A, H), dtype=jnp.float32) * (1.0 / np.sqrt(H))
    b2 = jax.random.uniform(k6, (A,), dtype=jnp.float32, minval=-1.0, maxval=1.0) * (1.0 / np.sqrt(H))
    return {"x": x, "embed": embed, "W1": W1, "b1": b1, "W2": W2, "b2": b2}


def reference(x, embed, W1, b1, W2, b2):
    h = jnp.take(embed, x, axis=0)          # [B, L, D] embedding gather
    h = h.reshape(h.shape[0], -1)            # [B, L*D]
    h = h @ W1.T + b1                        # Linear(L*D -> 64)
    h = jax.nn.relu(h)
    out = h @ W2.T + b2                      # Linear(64 -> num_actions)
    return out

if __name__ == "__main__":
    import jax
    _d = setup_inputs()
    print(jax.jit(kernel)(*tuple(_d.values())))

</pallas_src>

<mosaic_0001>
#map = affine_map<(d0, d1) -> (0, 0)>
#map1 = affine_map<(d0, d1) -> (0)>
module attributes {stable_mosaic.version = 14 : i64} {
  func.func @_bag_body(%arg0: i32, %arg1: i32, %arg2: memref<51200x32xi32, #tpu.memory_space<hbm>>, %arg3: memref<819200xi32, #tpu.memory_space<hbm>>, %arg4: memref<64x16384xf32, #tpu.memory_space<hbm>>, %arg5: memref<25600xi32, #tpu.memory_space<vmem>>, %arg6: memref<800x32xi32, #tpu.memory_space<vmem>>, %arg7: memref<800x32xi32, #tpu.memory_space<vmem>>, %arg8: memref<64x16xf32, #tpu.memory_space<vmem>>, %arg9: memref<!tpu.dma_semaphore, #tpu.memory_space<semaphore_mem>>, %arg10: memref<!tpu.dma_semaphore, #tpu.memory_space<semaphore_mem>>) attributes {dimension_semantics = [#tpu.dimension_semantics<core_parallel>, #tpu.dimension_semantics<subcore_parallel>], iteration_bounds = array<i64: 2, 16>, scalar_prefetch = 0 : i64, scratch_operands = 6 : i64, tpu.core_type = #tpu.core_type<sc_vector_subcore>, window_params = [{transform_indices = #map}, {transform_indices = #map1}, {transform_indices = #map}]} {
    %mul3A = arith.constant 2 : i32
    %mul3A_0 = arith.muli %arg1, %mul3A : i32
    %add3A = arith.addi %mul3A_0, %arg0 : i32
    %mul3A_1 = arith.constant 512 : i32
    %mul3A_2 = arith.muli %add3A, %mul3A_1 : i32
    %mul3A_3 = arith.constant 50 : i32
    %mul3A_4 = arith.muli %mul3A_2, %mul3A_3 : i32
    "tpu.region"() ({
      %run_scoped3A = tpu.sem_alloc : memref<!tpu.dma_semaphore, #tpu.memory_space<semaphore_mem>>
      %dma_start3A_43 = tpu.memref_slice %arg3[%mul3A_4] : memref<819200xi32, #tpu.memory_space<hbm>> -> memref<25600xi32, #tpu.memory_space<hbm>>
      %dma_start3A_44 = tpu.memref_slice %arg3[%mul3A_4] : memref<819200xi32, #tpu.memory_space<hbm>> -> memref<25600xi32, #tpu.memory_space<hbm>>
      tpu.enqueue_dma source(%dma_start3A_44 : memref<25600xi32, #tpu.memory_space<hbm>>) target(%arg5 : memref<25600xi32, #tpu.memory_space<vmem>>) target_semaphore(%run_scoped3A : memref<!tpu.dma_semaphore, #tpu.memory_space<semaphore_mem>>)
      %dma_wait3A_45 = tpu.memref_slice %arg3[%mul3A_4] : memref<819200xi32, #tpu.memory_space<hbm>> -> memref<25600xi32, #tpu.memory_space<hbm>>
      %dma_wait3A_46 = tpu.memref_slice %arg3[%mul3A_4] : memref<819200xi32, #tpu.memory_space<hbm>> -> memref<25600xi32, #tpu.memory_space<hbm>>
      tpu.wait_dma2 semaphore(%run_scoped3A : memref<!tpu.dma_semaphore, #tpu.memory_space<semaphore_mem>>) src(%dma_wait3A_46 : memref<25600xi32, #tpu.memory_space<hbm>>) dst(%arg5 : memref<25600xi32, #tpu.memory_space<vmem>>)
      tpu.yield
    }) : () -> ()
    %broadcast_in_dim3A = arith.constant -65536 : i32
    %broadcast_in_dim3A_5 = vector.broadcast %broadcast_in_dim3A : i32 to vector<16xi32>
    %iota3A = tpu.iota {dimensions = array<i32: 0>} : vector<16xi32>
    %add3A_6 = arith.constant 0 : i32
    %add3A_7 = vector.broadcast %add3A_6 : i32 to vector<16xi32>
    %add3A_8 = arith.addi %iota3A, %add3A_7 : vector<16xi32>
    %add3A_9 = arith.constant 0 : i32
    %add3A_10 = vector.broadcast %add3A_9 : i32 to vector<16xi32>
    %add3A_11 = arith.addi %add3A_8, %add3A_10 : vector<16xi32>
    %add3A_12 = arith.constant 0 : i32
    %add3A_13 = vector.broadcast %add3A_12 : i32 to vector<16xi32>
    %add3A_14 = arith.addi %iota3A, %add3A_13 : vector<16xi32>
    %add3A_15 = arith.constant 16 : i32
    %add3A_16 = vector.broadcast %add3A_15 : i32 to vector<16xi32>
    %add3A_17 = arith.addi %add3A_14, %add3A_16 : vector<16xi32>
    %add3A_18 = arith.constant 32 : i32
    %add3A_19 = vector.broadcast %add3A_18 : i32 to vector<16xi32>
    %add3A_20 = arith.addi %iota3A, %add3A_19 : vector<16xi32>
    %add3A_21 = arith.constant 0 : i32
    %add3A_22 = vector.broadcast %add3A_21 : i32 to vector<16xi32>
    %add3A_23 = arith.addi %add3A_20, %add3A_22 : vector<16xi32>
    %add3A_24 = arith.constant 32 : i32
    %add3A_25 = vector.broadcast %add3A_24 : i32 to vector<16xi32>
    %add3A_26 = arith.addi %iota3A, %add3A_25 : vector<16xi32>
    %add3A_27 = arith.constant 16 : i32
    %add3A_28 = vector.broadcast %add3A_27 : i32 to vector<16xi32>
    %add3A_29 = arith.addi %add3A_26, %add3A_28 : vector<16xi32>
    %dma_start3A = arith.constant 0 : i32
    %dma_start3A_30 = tpu.memref_slice %arg5[%dma_start3A] : memref<25600xi32, #tpu.memory_space<vmem>> -> memref<800xi32, #tpu.memory_space<vmem>>
    %dma_start3A_31 = arith.constant 0 : i32
    %dma_start3A_32 = arith.constant 0 : i32
    %dma_start3A_33 = tpu.memref_slice %arg2[%dma_start3A_31, %dma_start3A_32] : memref<51200x32xi32, #tpu.memory_space<hbm>> -> memref<51200x32xi32, #tpu.memory_space<hbm>>
    tpu.enqueue_indirect_dma source(%dma_start3A_33 : memref<51200x32xi32, #tpu.memory_space<hbm>>) target(%arg6 : memref<800x32xi32, #tpu.memory_space<vmem>>) offsets(%dma_start3A_30 : memref<800xi32, #tpu.memory_space<vmem>>) semaphore(%arg9 : memref<!tpu.dma_semaphore, #tpu.memory_space<semaphore_mem>>)
    %scan3A = arith.constant 0 : i32
    %scan3A_34 = arith.constant 0 : i32
    %scan3A_35 = arith.constant 16 : i32
    %scan3A_36 = arith.addi %scan3A_34, %scan3A_35 : i32
    %scan3A_37 = arith.constant 1 : i32
    scf.for %scan3A_43 = %scan3A_34 to %scan3A_36 step %scan3A_37  : i32 {
      %mul3A_44 = arith.constant 2 : i32
      %mul3A_45 = arith.muli %mul3A_44, %scan3A_43 : i32
      %mul3A_46 = arith.constant 800 : i32
      %mul3A_47 = arith.muli %mul3A_45, %mul3A_46 : i32
      %dma_wait3A_48 = tpu.memref_slice %arg5[%mul3A_47] : memref<25600xi32, #tpu.memory_space<vmem>> -> memref<800xi32, #tpu.memory_space<vmem>>
      %dma_wait3A_49 = arith.constant 0 : i32
      %dma_wait3A_50 = arith.constant 0 : i32
      %dma_wait3A_51 = tpu.memref_slice %arg2[%dma_wait3A_49, %dma_wait3A_50] : memref<51200x32xi32, #tpu.memory_space<hbm>> -> memref<51200x32xi32, #tpu.memory_space<hbm>>
      tpu.wait_indirect_dma semaphore(%arg9 : memref<!tpu.dma_semaphore, #tpu.memory_space<semaphore_mem>>) src(%dma_wait3A_51 : memref<51200x32xi32, #tpu.memory_space<hbm>>) dst(%arg6 : memref<800x32xi32, #tpu.memory_space<vmem>>)
      %add3A_52 = arith.constant 1 : i32
      %add3A_53 = arith.addi %mul3A_45, %add3A_52 : i32
      %mul3A_54 = arith.constant 800 : i32
      %mul3A_55 = arith.muli %add3A_53, %mul3A_54 : i32
      %dma_start3A_56 = tpu.memref_slice %arg5[%mul3A_55] : memref<25600xi32, #tpu.memory_space<vmem>> -> memref<800xi32, #tpu.memory_space<vmem>>
      %dma_start3A_57 = arith.constant 0 : i32
      %dma_start3A_58 = arith.constant 0 : i32
      %dma_start3A_59 = tpu.memref_slice %arg2[%dma_start3A_57, %dma_start3A_58] : memref<51200x32xi32, #tpu.memory_space<hbm>> -> memref<51200x32xi32, #tpu.memory_space<hbm>>
      tpu.enqueue_indirect_dma source(%dma_start3A_59 : memref<51200x32xi32, #tpu.memory_space<hbm>>) target(%arg7 : memref<800x32xi32, #tpu.memory_space<vmem>>) offsets(%dma_start3A_56 : memref<800xi32, #tpu.memory_space<vmem>>) semaphore(%arg10 : memref<!tpu.dma_semaphore, #tpu.memory_space<semaphore_mem>>)
      %scan3A_60 = arith.constant 0 : i32
      %scan3A_61 = arith.constant 0 : i32
      %scan3A_62 = arith.constant 16 : i32
      %scan3A_63 = arith.addi %scan3A_61, %scan3A_62 : i32
      %scan3A_64 = arith.constant 1 : i32
      scf.for %scan3A_97 = %scan3A_61 to %scan3A_63 step %scan3A_64  : i32 {
        %mul3A_98 = arith.constant 50 : i32
        %mul3A_99 = arith.muli %scan3A_97, %mul3A_98 : i32
        %broadcast_in_dim3A_100 = vector.broadcast %scan3A_97 : i32 to vector<16xi32>
        %broadcast_in_dim3A_101 = arith.constant 0.000000e+00 : f32
        %broadcast_in_dim3A_102 = vector.broadcast %broadcast_in_dim3A_101 : f32 to vector<16xf32>
        %broadcast_in_dim3A_103 = arith.constant 0.000000e+00 : f32
        %broadcast_in_dim3A_104 = vector.broadcast %broadcast_in_dim3A_103 : f32 to vector<16xf32>
        %add3A_105 = arith.constant 0 : i32
        %add3A_106 = arith.addi %mul3A_99, %add3A_105 : i32
        %get3A = arith.index_cast %add3A_106 : i32 to index
        %get3A_107 = arith.constant 0 : index
        %get3A_108 = tpu.vector_load %arg6[%get3A, %get3A_107] {strides = array<i32>} : memref<800x32xi32, #tpu.memory_space<vmem>>, vector<16xi32>,
        %shift_left3A = arith.constant 16 : i32
        %shift_left3A_109 = vector.broadcast %shift_left3A : i32 to vector<16xi32>
        %shift_left3A_110 = arith.shli %get3A_108, %shift_left3A_109 : vector<16xi32>
        %bitcast3A = vector.bitcast %shift_left3A_110 : vector<16xi32> to vector<16xf32>
        %add3A_111 = arith.addf %broadcast_in_dim3A_102, %bitcast3A : vector<16xf32>
        %and3A = arith.andi %get3A_108, %broadcast_in_dim3A_5 : vector<16xi32>
        %bitcast3A_112 = vector.bitcast %and3A : vector<16xi32> to vector<16xf32>
        %add3A_113 = arith.addf %broadcast_in_dim3A_104, %bitcast3A_112 : vector<16xf32>
        %add3A_114 = arith.constant 1 : i32
        %add3A_115 = arith.addi %mul3A_99, %add3A_114 : i32
        %get3A_116 = arith.index_cast %add3A_115 : i32 to index
        %get3A_117 = arith.constant 0 : index
        %get3A_118 = tpu.vector_load %arg6[%get3A_116, %get3A_117] {strides = array<i32>} : memref<800x32xi32, #tpu.memory_space<vmem>>, vector<16xi32>,
        %shift_left3A_119 = arith.constant 16 : i32
        %shift_left3A_120 = vector.broadcast %shift_left3A_119 : i32 to vector<16xi32>
        %shift_left3A_121 = arith.shli %get3A_118, %shift_left3A_120 : vector<16xi32>
        %bitcast3A_122 = vector.bitcast %shift_left3A_121 : vector<16xi32> to vector<16xf32>
        %add3A_123 = arith.addf %add3A_111, %bitcast3A_122 : vector<16xf32>
        %and3A_124 = arith.andi %get3A_118, %broadcast_in_dim3A_5 : vector<16xi32>
        %bitcast3A_125 = vector.bitcast %and3A_124 : vector<16xi32> to vector<16xf32>
        %add3A_126 = arith.addf %add3A_113, %bitcast3A_125 : vector<16xf32>
        %add3A_127 = arith.constant 2 : i32
        %add3A_128 = arith.addi %mul3A_99, %add3A_127 : i32
        %get3A_129 = arith.index_cast %add3A_128 : i32 to index
        %get3A_130 = arith.constant 0 : index
        %get3A_131 = tpu.vector_load %arg6[%get3A_129, %get3A_130] {strides = array<i32>} : memref<800x32xi32, #tpu.memory_space<vmem>>, vector<16xi32>,
        %shift_left3A_132 = arith.constant 16 : i32
        %shift_left3A_133 = vector.broadcast %shift_left3A_132 : i32 to vector<16xi32>
        %shift_left3A_134 = arith.shli %get3A_131, %shift_left3A_133 : vector<16xi32>
        %bitcast3A_135 = vector.bitcast %shift_left3A_134 : vector<16xi32> to vector<16xf32>
        %add3A_136 = arith.addf %add3A_123, %bitcast3A_135 : vector<16xf32>
        %and3A_137 = arith.andi %get3A_131, %broadcast_in_dim3A_5 : vector<16xi32>
        %bitcast3A_138 = vector.bitcast %and3A_137 : vector<16xi32> to vector<16xf32>
        %add3A_139 = arith.addf %add3A_126, %bitcast3A_138 : vector<16xf32>
        %add3A_140 = arith.constant 3 : i32
        %add3A_141 = arith.addi %mul3A_99, %add3A_140 : i32
        %get3A_142 = arith.index_cast %add3A_141 : i32 to index
        %get3A_143 = arith.constant 0 : index
        %get3A_144 = tpu.vector_load %arg6[%get3A_142, %get3A_143] {strides = array<i32>} : memref<800x32xi32, #tpu.memory_space<vmem>>, vector<16xi32>,
        %shift_left3A_145 = arith.constant 16 : i32
        %shift_left3A_146 = vector.broadcast %shift_left3A_145 : i32 to vector<16xi32>
        %shift_left3A_147 = arith.shli %get3A_144, %shift_left3A_146 : vector<16xi32>
        %bitcast3A_148 = vector.bitcast %shift_left3A_147 : vector<16xi32> to vector<16xf32>
        %add3A_149 = arith.addf %add3A_136, %bitcast3A_148 : vector<16xf32>
        %and3A_150 = arith.andi %get3A_144, %broadcast_in_dim3A_5 : vector<16xi32>
        %bitcast3A_151 = vector.bitcast %and3A_150 : vector<16xi32> to vector<16xf32>
        %add3A_152 = arith.addf %add3A_139, %bitcast3A_151 : vector<16xf32>
        %add3A_153 = arith.constant 4 : i32
        %add3A_154 = arith.addi %mul3A_99, %add3A_153 : i32
        %get3A_155 = arith.index_cast %add3A_154 : i32 to index
        %get3A_156 = arith.constant 0 : index
        %get3A_157 = tpu.vector_load %arg6[%get3A_155, %get3A_156] {strides = array<i32>} : memref<800x32xi32, #tpu.memory_space<vmem>>, vector<16xi32>,
        %shift_left3A_158 = arith.constant 16 : i32
        %shift_left3A_159 = vector.broadcast %shift_left3A_158 : i32 to vector<16xi32>
        %shift_left3A_160 = arith.shli %get3A_157, %shift_left3A_159 : vector<16xi32>
        %bitcast3A_161 = vector.bitcast %shift_left3A_160 : vector<16xi32> to vector<16xf32>
        %add3A_162 = arith.addf %add3A_149, %bitcast3A_161 : vector<16xf32>
        %and3A_163 = arith.andi %get3A_157, %broadcast_in_dim3A_5 : vector<16xi32>
        %bitcast3A_164 = vector.bitcast %and3A_163 : vector<16xi32> to vector<16xf32>
        %add3A_165 = arith.addf %add3A_152, %bitcast3A_164 : vector<16xf32>
        %add3A_166 = arith.constant 5 : i32
        %add3A_167 = arith.addi %mul3A_99, %add3A_166 : i32
        %get3A_168 = arith.index_cast %add3A_167 : i32 to index
        %get3A_169 = arith.constant 0 : index
        %get3A_170 = tpu.vector_load %arg6[%get3A_168, %get3A_169] {strides = array<i32>} : memref<800x32xi32, #tpu.memory_space<vmem>>, vector<16xi32>,
        %shift_left3A_171 = arith.constant 16 : i32
        %shift_left3A_172 = vector.broadcast %shift_left3A_171 : i32 to vector<16xi32>
        %shift_left3A_173 = arith.shli %get3A_170, %shift_left3A_172 : vector<16xi32>
        %bitcast3A_174 = vector.bitcast %shift_left3A_173 : vector<16xi32> to vector<16xf32>
        %add3A_175 = arith.addf %add3A_162, %bitcast3A_174 : vector<16xf32>
        %and3A_176 = arith.andi %get3A_170, %broadcast_in_dim3A_5 : vector<16xi32>
        %bitcast3A_177 = vector.bitcast %and3A_176 : vector<16xi32> to vector<16xf32>
        %add3A_178 = arith.addf %add3A_165, %bitcast3A_177 : vector<16xf32>
        %add3A_179 = arith.constant 6 : i32
        %add3A_180 = arith.addi %mul3A_99, %add3A_179 : i32
        %get3A_181 = arith.index_cast %add3A_180 : i32 to index
        %get3A_182 = arith.constant 0 : index
        %get3A_183 = tpu.vector_load %arg6[%get3A_181, %get3A_182] {strides = array<i32>} : memref<800x32xi32, #tpu.memory_space<vmem>>, vector<16xi32>,
        %shift_left3A_184 = arith.constant 16 : i32
        %shift_left3A_185 = vector.broadcast %shift_left3A_184 : i32 to vector<16xi32>
        %shift_left3A_186 = arith.shli %get3A_183, %shift_left3A_185 : vector<16xi32>
        %bitcast3A_187 = vector.bitcast %shift_left3A_186 : vector<16xi32> to vector<16xf32>
        %add3A_188 = arith.addf %add3A_175, %bitcast3A_187 : vector<16xf32>
        %and3A_189 = arith.andi %get3A_183, %broadcast_in_dim3A_5 : vector<16xi32>
        %bitcast3A_190 = vector.bitcast %and3A_189 : vector<16xi32> to vector<16xf32>
        %add3A_191 = arith.addf %add3A_178, %bitcast3A_190 : vector<16xf32>
        %add3A_192 = arith.constant 7 : i32
        %add3A_193 = arith.addi %mul3A_99, %add3A_192 : i32
        %get3A_194 = arith.index_cast %add3A_193 : i32 to index
        %get3A_195 = arith.constant 0 : index
        %get3A_196 = tpu.vector_load %arg6[%get3A_194, %get3A_195] {strides = array<i32>} : memref<800x32xi32, #tpu.memory_space<vmem>>, vector<16xi32>,
        %shift_left3A_197 = arith.constant 16 : i32
        %shift_left3A_198 = vector.broadcast %shift_left3A_197 : i32 to vector<16xi32>
        %shift_left3A_199 = arith.shli %get3A_196, %shift_left3A_198 : vector<16xi32>
        %bitcast3A_200 = vector.bitcast %shift_left3A_199 : vector<16xi32> to vector<16xf32>
        %add3A_201 = arith.addf %add3A_188, %bitcast3A_200 : vector<16xf32>
        %and3A_202 = arith.andi %get3A_196, %broadcast_in_dim3A_5 : vector<16xi32>
        %bitcast3A_203 = vector.bitcast %and3A_202 : vector<16xi32> to vector<16xf32>
        %add3A_204 = arith.addf %add3A_191, %bitcast3A_203 : vector<16xf32>
        %add3A_205 = arith.constant 8 : i32
        %add3A_206 = arith.addi %mul3A_99, %add3A_205 : i32
        %get3A_207 = arith.index_cast %add3A_206 : i32 to index
        %get3A_208 = arith.constant 0 : index
        %get3A_209 = tpu.vector_load %arg6[%get3A_207, %get3A_208] {strides = array<i32>} : memref<800x32xi32, #tpu.memory_space<vmem>>, vector<16xi32>,
        %shift_left3A_210 = arith.constant 16 : i32
        %shift_left3A_211 = vector.broadcast %shift_left3A_210 : i32 to vector<16xi32>
        %shift_left3A_212 = arith.shli %get3A_209, %shift_left3A_211 : vector<16xi32>
        %bitcast3A_213 = vector.bitcast %shift_left3A_212 : vector<16xi32> to vector<16xf32>
        %add3A_214 = arith.addf %add3A_201, %bitcast3A_213 : vector<16xf32>
        %and3A_215 = arith.andi %get3A_209, %broadcast_in_dim3A_5 : vector<16xi32>
        %bitcast3A_216 = vector.bitcast %and3A_215 : vector<16xi32> to vector<16xf32>
        %add3A_217 = arith.addf %add3A_204, %bitcast3A_216 : vector<16xf32>
        %add3A_218 = arith.constant 9 : i32
        %add3A_219 = arith.addi %mul3A_99, %add3A_218 : i32
        %get3A_220 = arith.index_cast %add3A_219 : i32 to index
        %get3A_221 = arith.constant 0 : index
        %get3A_222 = tpu.vector_load %arg6[%get3A_220, %get3A_221] {strides = array<i32>} : memref<800x32xi32, #tpu.memory_space<vmem>>, vector<16xi32>,
        %shift_left3A_223 = arith.constant 16 : i32
        %shift_left3A_224 = vector.broadcast %shift_left3A_223 : i32 to vector<16xi32>
        %shift_left3A_225 = arith.shli %get3A_222, %shift_left3A_224 : vector<16xi32>
        %bitcast3A_226 = vector.bitcast %shift_left3A_225 : vector<16xi32> to vector<16xf32>
        %add3A_227 = arith.addf %add3A_214, %bitcast3A_226 : vector<16xf32>
        %and3A_228 = arith.andi %get3A_222, %broadcast_in_dim3A_5 : vector<16xi32>
        %bitcast3A_229 = vector.bitcast %and3A_228 : vector<16xi32> to vector<16xf32>
        %add3A_230 = arith.addf %add3A_217, %bitcast3A_229 : vector<16xf32>
        %add3A_231 = arith.constant 10 : i32
        %add3A_232 = arith.addi %mul3A_99, %add3A_231 : i32
        %get3A_233 = arith.index_cast %add3A_232 : i32 to index
        %get3A_234 = arith.constant 0 : index
        %get3A_235 = tpu.vector_load %arg6[%get3A_233, %get3A_234] {strides = array<i32>} : memref<800x32xi32, #tpu.memory_space<vmem>>, vector<16xi32>,
        %shift_left3A_236 = arith.constant 16 : i32
        %shift_left3A_237 = vector.broadcast %shift_left3A_236 : i32 to vector<16xi32>
        %shift_left3A_238 = arith.shli %get3A_235, %shift_left3A_237 : vector<16xi32>
        %bitcast3A_239 = vector.bitcast %shift_left3A_238 : vector<16xi32> to vector<16xf32>
        %add3A_240 = arith.addf %add3A_227, %bitcast3A_239 : vector<16xf32>
        %and3A_241 = arith.andi %get3A_235, %broadcast_in_dim3A_5 : vector<16xi32>
        %bitcast3A_242 = vector.bitcast %and3A_241 : vector<16xi32> to vector<16xf32>
        %add3A_243 = arith.addf %add3A_230, %bitcast3A_242 : vector<16xf32>
        %add3A_244 = arith.constant 11 : i32
        %add3A_245 = arith.addi %mul3A_99, %add3A_244 : i32
        %get3A_246 = arith.index_cast %add3A_245 : i32 to index
        %get3A_247 = arith.constant 0 : index
        %get3A_248 = tpu.vector_load %arg6[%get3A_246, %get3A_247] {strides = array<i32>} : memref<800x32xi32, #tpu.memory_space<vmem>>, vector<16xi32>,
        %shift_left3A_249 = arith.constant 16 : i32
        %shift_left3A_250 = vector.broadcast %shift_left3A_249 : i32 to vector<16xi32>
        %shift_left3A_251 = arith.shli %get3A_248, %shift_left3A_250 : vector<16xi32>
        %bitcast3A_252 = vector.bitcast %shift_left3A_251 : vector<16xi32> to vector<16xf32>
        %add3A_253 = arith.addf %add3A_240, %bitcast3A_252 : vector<16xf32>
        %and3A_254 = arith.andi %get3A_248, %broadcast_in_dim3A_5 : vector<16xi32>
        %bitcast3A_255 = vector.bitcast %and3A_254 : vector<16xi32> to vector<16xf32>
        %add3A_256 = arith.addf %add3A_243, %bitcast3A_255 : vector<16xf32>
        %add3A_257 = arith.constant 12 : i32
        %add3A_258 = arith.addi %mul3A_99, %add3A_257 : i32
        %get3A_259 = arith.index_cast %add3A_258 : i32 to index
        %get3A_260 = arith.constant 0 : index
        %get3A_261 = tpu.vector_load %arg6[%get3A_259, %get3A_260] {strides = array<i32>} : memref<800x32xi32, #tpu.memory_space<vmem>>, vector<16xi32>,
        %shift_left3A_262 = arith.constant 16 : i32
        %shift_left3A_263 = vector.broadcast %shift_left3A_262 : i32 to vector<16xi32>
        %shift_left3A_264 = arith.shli %get3A_261, %shift_left3A_263 : vector<16xi32>
        %bitcast3A_265 = vector.bitcast %shift_left3A_264 : vector<16xi32> to vector<16xf32>
        %add3A_266 = arith.addf %add3A_253, %bitcast3A_265 : vector<16xf32>
        %and3A_267 = arith.andi %get3A_261, %broadcast_in_dim3A_5 : vector<16xi32>
        %bitcast3A_268 = vector.bitcast %and3A_267 : vector<16xi32> to vector<16xf32>
        %add3A_269 = arith.addf %add3A_256, %bitcast3A_268 : vector<16xf32>
        %add3A_270 = arith.constant 13 : i32
        %add3A_271 = arith.addi %mul3A_99, %add3A_270 : i32
        %get3A_272 = arith.index_cast %add3A_271 : i32 to index
        %get3A_273 = arith.constant 0 : index
        %get3A_274 = tpu.vector_load %arg6[%get3A_272, %get3A_273] {strides = array<i32>} : memref<800x32xi32, #tpu.memory_space<vmem>>, vector<16xi32>,
        %shift_left3A_275 = arith.constant 16 : i32
        %shift_left3A_276 = vector.broadcast %shift_left3A_275 : i32 to vector<16xi32>
        %shift_left3A_277 = arith.shli %get3A_274, %shift_left3A_276 : vector<16xi32>
        %bitcast3A_278 = vector.bitcast %shift_left3A_277 : vector<16xi32> to vector<16xf32>
        %add3A_279 = arith.addf %add3A_266, %bitcast3A_278 : vector<16xf32>
        %and3A_280 = arith.andi %get3A_274, %broadcast_in_dim3A_5 : vector<16xi32>
        %bitcast3A_281 = vector.bitcast %and3A_280 : vector<16xi32> to vector<16xf32>
        %add3A_282 = arith.addf %add3A_269, %bitcast3A_281 : vector<16xf32>
        %add3A_283 = arith.constant 14 : i32
        %add3A_284 = arith.addi %mul3A_99, %add3A_283 : i32
        %get3A_285 = arith.index_cast %add3A_284 : i32 to index
        %get3A_286 = arith.constant 0 : index
        %get3A_287 = tpu.vector_load %arg6[%get3A_285, %get3A_286] {strides = array<i32>} : memref<800x32xi32, #tpu.memory_space<vmem>>, vector<16xi32>,
        %shift_left3A_288 = arith.constant 16 : i32
        %shift_left3A_289 = vector.broadcast %shift_left3A_288 : i32 to vector<16xi32>
        %shift_left3A_290 = arith.shli %get3A_287, %shift_left3A_289 : vector<16xi32>
        %bitcast3A_291 = vector.bitcast %shift_left3A_290 : vector<16xi32> to vector<16xf32>
        %add3A_292 = arith.addf %add3A_279, %bitcast3A_291 : vector<16xf32>
        %and3A_293 = arith.andi %get3A_287, %broadcast_in_dim3A_5 : vector<16xi32>
        %bitcast3A_294 = vector.bitcast %and3A_293 : vector<16xi32> to vector<16xf32>
        %add3A_295 = arith.addf %add3A_282, %bitcast3A_294 : vector<16xf32>
        %add3A_296 = arith.constant 15 : i32
        %add3A_297 = arith.addi %mul3A_99, %add3A_296 : i32
        %get3A_298 = arith.index_cast %add3A_297 : i32 to index
        %get3A_299 = arith.constant 0 : index
        %get3A_300 = tpu.vector_load %arg6[%get3A_298, %get3A_299] {strides = array<i32>} : memref<800x32xi32, #tpu.memory_space<vmem>>, vector<16xi32>,
        %shift_left3A_301 = arith.constant 16 : i32
        %shift_left3A_302 = vector.broadcast %shift_left3A_301 : i32 to vector<16xi32>
        %shift_left3A_303 = arith.shli %get3A_300, %shift_left3A_302 : vector<16xi32>
        %bitcast3A_304 = vector.bitcast %shift_left3A_303 : vector<16xi32> to vector<16xf32>
        %add3A_305 = arith.addf %add3A_292, %bitcast3A_304 : vector<16xf32>
        %and3A_306 = arith.andi %get3A_300, %broadcast_in_dim3A_5 : vector<16xi32>
        %bitcast3A_307 = vector.bitcast %and3A_306 : vector<16xi32> to vector<16xf32>
        %add3A_308 = arith.addf %add3A_295, %bitcast3A_307 : vector<16xf32>
        %add3A_309 = arith.constant 16 : i32
        %add3A_310 = arith.addi %mul3A_99, %add3A_309 : i32
        %get3A_311 = arith.index_cast %add3A_310 : i32 to index
        %get3A_312 = arith.constant 0 : index
        %get3A_313 = tpu.vector_load %arg6[%get3A_311, %get3A_312] {strides = array<i32>} : memref<800x32xi32, #tpu.memory_space<vmem>>, vector<16xi32>,
        %shift_left3A_314 = arith.constant 16 : i32
        %shift_left3A_315 = vector.broadcast %shift_left3A_314 : i32 to vector<16xi32>
        %shift_left3A_316 = arith.shli %get3A_313, %shift_left3A_315 : vector<16xi32>
        %bitcast3A_317 = vector.bitcast %shift_left3A_316 : vector<16xi32> to vector<16xf32>
        %add3A_318 = arith.addf %add3A_305, %bitcast3A_317 : vector<16xf32>
        %and3A_319 = arith.andi %get3A_313, %broadcast_in_dim3A_5 : vector<16xi32>
        %bitcast3A_320 = vector.bitcast %and3A_319 : vector<16xi32> to vector<16xf32>
        %add3A_321 = arith.addf %add3A_308, %bitcast3A_320 : vector<16xf32>
        %add3A_322 = arith.constant 17 : i32
        %add3A_323 = arith.addi %mul3A_99, %add3A_322 : i32
        %get3A_324 = arith.index_cast %add3A_323 : i32 to index
        %get3A_325 = arith.constant 0 : index
        %get3A_326 = tpu.vector_load %arg6[%get3A_324, %get3A_325] {strides = array<i32>} : memref<800x32xi32, #tpu.memory_space<vmem>>, vector<16xi32>,
        %shift_left3A_327 = arith.constant 16 : i32
        %shift_left3A_328 = vector.broadcast %shift_left3A_327 : i32 to vector<16xi32>
        %shift_left3A_329 = arith.shli %get3A_326, %shift_left3A_328 : vector<16xi32>
        %bitcast3A_330 = vector.bitcast %shift_left3A_329 : vector<16xi32> to vector<16xf32>
        %add3A_331 = arith.addf %add3A_318, %bitcast3A_330 : vector<16xf32>
        %and3A_332 = arith.andi %get3A_326, %broadcast_in_dim3A_5 : vector<16xi32>
        %bitcast3A_333 = vector.bitcast %and3A_332 : vector<16xi32> to vector<16xf32>
        %add3A_334 = arith.addf %add3A_321, %bitcast3A_333 : vector<16xf32>
        %add3A_335 = arith.constant 18 : i32
        %add3A_336 = arith.addi %mul3A_99, %add3A_335 : i32
        %get3A_337 = arith.index_cast %add3A_336 : i32 to index
        %get3A_338 = arith.constant 0 : index
        %get3A_339 = tpu.vector_load %arg6[%get3A_337, %get3A_338] {strides = array<i32>} : memref<800x32xi32, #tpu.memory_space<vmem>>, vector<16xi32>,
        %shift_left3A_340 = arith.constant 16 : i32
        %shift_left3A_341 = vector.broadcast %shift_left3A_340 : i32 to vector<16xi32>
        %shift_left3A_342 = arith.shli %get3A_339, %shift_left3A_341 : vector<16xi32>
        %bitcast3A_343 = vector.bitcast %shift_left3A_342 : vector<16xi32> to vector<16xf32>
        %add3A_344 = arith.addf %add3A_331, %bitcast3A_343 : vector<16xf32>
        %and3A_345 = arith.andi %get3A_339, %broadcast_in_dim3A_5 : vector<16xi32>
        %bitcast3A_346 = vector.bitcast %and3A_345 : vector<16xi32> to vector<16xf32>
        %add3A_347 = arith.addf %add3A_334, %bitcast3A_346 : vector<16xf32>
        %add3A_348 = arith.constant 19 : i32
        %add3A_349 = arith.addi %mul3A_99, %add3A_348 : i32
        %get3A_350 = arith.index_cast %add3A_349 : i32 to index
        %get3A_351 = arith.constant 0 : index
        %get3A_352 = tpu.vector_load %arg6[%get3A_350, %get3A_351] {strides = array<i32>} : memref<800x32xi32, #tpu.memory_space<vmem>>, vector<16xi32>,
        %shift_left3A_353 = arith.constant 16 : i32
        %shift_left3A_354 = vector.broadcast %shift_left3A_353 : i32 to vector<16xi32>
        %shift_left3A_355 = arith.shli %get3A_352, %shift_left3A_354 : vector<16xi32>
        %bitcast3A_356 = vector.bitcast %shift_left3A_355 : vector<16xi32> to vector<16xf32>
        %add3A_357 = arith.addf %add3A_344, %bitcast3A_356 : vector<16xf32>
        %and3A_358 = arith.andi %get3A_352, %broadcast_in_dim3A_5 : vector<16xi32>
        %bitcast3A_359 = vector.bitcast %and3A_358 : vector<16xi32> to vector<16xf32>
        %add3A_360 = arith.addf %add3A_347, %bitcast3A_359 : vector<16xf32>
        %add3A_361 = arith.constant 20 : i32
        %add3A_362 = arith.addi %mul3A_99, %add3A_361 : i32
        %get3A_363 = arith.index_cast %add3A_362 : i32 to index
        %get3A_364 = arith.constant 0 : index
        %get3A_365 = tpu.vector_load %arg6[%get3A_363, %get3A_364] {strides = array<i32>} : memref<800x32xi32, #tpu.memory_space<vmem>>, vector<16xi32>,
        %shift_left3A_366 = arith.constant 16 : i32
        %shift_left3A_367 = vector.broadcast %shift_left3A_366 : i32 to vector<16xi32>
        %shift_left3A_368 = arith.shli %get3A_365, %shift_left3A_367 : vector<16xi32>
        %bitcast3A_369 = vector.bitcast %shift_left3A_368 : vector<16xi32> to vector<16xf32>
        %add3A_370 = arith.addf %add3A_357, %bitcast3A_369 : vector<16xf32>
        %and3A_371 = arith.andi %get3A_365, %broadcast_in_dim3A_5 : vector<16xi32>
        %bitcast3A_372 = vector.bitcast %and3A_371 : vector<16xi32> to vector<16xf32>
        %add3A_373 = arith.addf %add3A_360, %bitcast3A_372 : vector<16xf32>
        %add3A_374 = arith.constant 21 : i32
        %add3A_375 = arith.addi %mul3A_99, %add3A_374 : i32
        %get3A_376 = arith.index_cast %add3A_375 : i32 to index
        %get3A_377 = arith.constant 0 : index
        %get3A_378 = tpu.vector_load %arg6[%get3A_376, %get3A_377] {strides = array<i32>} : memref<800x32xi32, #tpu.memory_space<vmem>>, vector<16xi32>,
        %shift_left3A_379 = arith.constant 16 : i32
        %shift_left3A_380 = vector.broadcast %shift_left3A_379 : i32 to vector<16xi32>
        %shift_left3A_381 = arith.shli %get3A_378, %shift_left3A_380 : vector<16xi32>
        %bitcast3A_382 = vector.bitcast %shift_left3A_381 : vector<16xi32> to vector<16xf32>
        %add3A_383 = arith.addf %add3A_370, %bitcast3A_382 : vector<16xf32>
        %and3A_384 = arith.andi %get3A_378, %broadcast_in_dim3A_5 : vector<16xi32>
        %bitcast3A_385 = vector.bitcast %and3A_384 : vector<16xi32> to vector<16xf32>
        %add3A_386 = arith.addf %add3A_373, %bitcast3A_385 : vector<16xf32>
        %add3A_387 = arith.constant 22 : i32
        %add3A_388 = arith.addi %mul3A_99, %add3A_387 : i32
        %get3A_389 = arith.index_cast %add3A_388 : i32 to index
        %get3A_390 = arith.constant 0 : index
        %get3A_391 = tpu.vector_load %arg6[%get3A_389, %get3A_390] {strides = array<i32>} : memref<800x32xi32, #tpu.memory_space<vmem>>, vector<16xi32>,
        %shift_left3A_392 = arith.constant 16 : i32
        %shift_left3A_393 = vector.broadcast %shift_left3A_392 : i32 to vector<16xi32>
        %shift_left3A_394 = arith.shli %get3A_391, %shift_left3A_393 : vector<16xi32>
        %bitcast3A_395 = vector.bitcast %shift_left3A_394 : vector<16xi32> to vector<16xf32>
        %add3A_396 = arith.addf %add3A_383, %bitcast3A_395 : vector<16xf32>
        %and3A_397 = arith.andi %get3A_391, %broadcast_in_dim3A_5 : vector<16xi32>
        %bitcast3A_398 = vector.bitcast %and3A_397 : vector<16xi32> to vector<16xf32>
        %add3A_399 = arith.addf %add3A_386, %bitcast3A_398 : vector<16xf32>
        %add3A_400 = arith.constant 23 : i32
        %add3A_401 = arith.addi %mul3A_99, %add3A_400 : i32
        %get3A_402 = arith.index_cast %add3A_401 : i32 to index
        %get3A_403 = arith.constant 0 : index
        %get3A_404 = tpu.vector_load %arg6[%get3A_402, %get3A_403] {strides = array<i32>} : memref<800x32xi32, #tpu.memory_space<vmem>>, vector<16xi32>,
        %shift_left3A_405 = arith.constant 16 : i32
        %shift_left3A_406 = vector.broadcast %shift_left3A_405 : i32 to vector<16xi32>
        %shift_left3A_407 = arith.shli %get3A_404, %shift_left3A_406 : vector<16xi32>
        %bitcast3A_408 = vector.bitcast %shift_left3A_407 : vector<16xi32> to vector<16xf32>
        %add3A_409 = arith.addf %add3A_396, %bitcast3A_408 : vector<16xf32>
        %and3A_410 = arith.andi %get3A_404, %broadcast_in_dim3A_5 : vector<16xi32>
        %bitcast3A_411 = vector.bitcast %and3A_410 : vector<16xi32> to vector<16xf32>
        %add3A_412 = arith.addf %add3A_399, %bitcast3A_411 : vector<16xf32>
        %add3A_413 = arith.constant 24 : i32
        %add3A_414 = arith.addi %mul3A_99, %add3A_413 : i32
        %get3A_415 = arith.index_cast %add3A_414 : i32 to index
        %get3A_416 = arith.constant 0 : index
        %get3A_417 = tpu.vector_load %arg6[%get3A_415, %get3A_416] {strides = array<i32>} : memref<800x32xi32, #tpu.memory_space<vmem>>, vector<16xi32>,
        %shift_left3A_418 = arith.constant 16 : i32
        %shift_left3A_419 = vector.broadcast %shift_left3A_418 : i32 to vector<16xi32>
        %shift_left3A_420 = arith.shli %get3A_417, %shift_left3A_419 : vector<16xi32>
        %bitcast3A_421 = vector.bitcast %shift_left3A_420 : vector<16xi32> to vector<16xf32>
        %add3A_422 = arith.addf %add3A_409, %bitcast3A_421 : vector<16xf32>
        %and3A_423 = arith.andi %get3A_417, %broadcast_in_dim3A_5 : vector<16xi32>
        %bitcast3A_424 = vector.bitcast %and3A_423 : vector<16xi32> to vector<16xf32>
        %add3A_425 = arith.addf %add3A_412, %bitcast3A_424 : vector<16xf32>
        %add3A_426 = arith.constant 25 : i32
        %add3A_427 = arith.addi %mul3A_99, %add3A_426 : i32
        %get3A_428 = arith.index_cast %add3A_427 : i32 to index
        %get3A_429 = arith.constant 0 : index
        %get3A_430 = tpu.vector_load %arg6[%get3A_428, %get3A_429] {strides = array<i32>} : memref<800x32xi32, #tpu.memory_space<vmem>>, vector<16xi32>,
        %shift_left3A_431 = arith.constant 16 : i32
        %shift_left3A_432 = vector.broadcast %shift_left3A_431 : i32 to vector<16xi32>
        %shift_left3A_433 = arith.shli %get3A_430, %shift_left3A_432 : vector<16xi32>
        %bitcast3A_434 = vector.bitcast %shift_left3A_433 : vector<16xi32> to vector<16xf32>
        %add3A_435 = arith.addf %add3A_422, %bitcast3A_434 : vector<16xf32>
        %and3A_436 = arith.andi %get3A_430, %broadcast_in_dim3A_5 : vector<16xi32>
        %bitcast3A_437 = vector.bitcast %and3A_436 : vector<16xi32> to vector<16xf32>
        %add3A_438 = arith.addf %add3A_425, %bitcast3A_437 : vector<16xf32>
        %add3A_439 = arith.constant 26 : i32
        %add3A_440 = arith.addi %mul3A_99, %add3A_439 : i32
        %get3A_441 = arith.index_cast %add3A_440 : i32 to index
        %get3A_442 = arith.constant 0 : index
        %get3A_443 = tpu.vector_load %arg6[%get3A_441, %get3A_442] {strides = array<i32>} : memref<800x32xi32, #tpu.memory_space<vmem>>, vector<16xi32>,
        %shift_left3A_444 = arith.constant 16 : i32
        %shift_left3A_445 = vector.broadcast %shift_left3A_444 : i32 to vector<16xi32>
        %shift_left3A_446 = arith.shli %get3A_443, %shift_left3A_445 : vector<16xi32>
        %bitcast3A_447 = vector.bitcast %shift_left3A_446 : vector<16xi32> to vector<16xf32>
        %add3A_448 = arith.addf %add3A_435, %bitcast3A_447 : vector<16xf32>
        %and3A_449 = arith.andi %get3A_443, %broadcast_in_dim3A_5 : vector<16xi32>
        %bitcast3A_450 = vector.bitcast %and3A_449 : vector<16xi32> to vector<16xf32>
        %add3A_451 = arith.addf %add3A_438, %bitcast3A_450 : vector<16xf32>
        %add3A_452 = arith.constant 27 : i32
        %add3A_453 = arith.addi %mul3A_99, %add3A_452 : i32
        %get3A_454 = arith.index_cast %add3A_453 : i32 to index
        %get3A_455 = arith.constant 0 : index
        %get3A_456 = tpu.vector_load %arg6[%get3A_454, %get3A_455] {strides = array<i32>} : memref<800x32xi32, #tpu.memory_space<vmem>>, vector<16xi32>,
        %shift_left3A_457 = arith.constant 16 : i32
        %shift_left3A_458 = vector.broadcast %shift_left3A_457 : i32 to vector<16xi32>
        %shift_left3A_459 = arith.shli %get3A_456, %shift_left3A_458 : vector<16xi32>
        %bitcast3A_460 = vector.bitcast %shift_left3A_459 : vector<16xi32> to vector<16xf32>
        %add3A_461 = arith.addf %add3A_448, %bitcast3A_460 : vector<16xf32>
        %and3A_462 = arith.andi %get3A_456, %broadcast_in_dim3A_5 : vector<16xi32>
        %bitcast3A_463 = vector.bitcast %and3A_462 : vector<16xi32> to vector<16xf32>
        %add3A_464 = arith.addf %add3A_451, %bitcast3A_463 : vector<16xf32>
        %add3A_465 = arith.constant 28 : i32
        %add3A_466 = arith.addi %mul3A_99, %add3A_465 : i32
        %get3A_467 = arith.index_cast %add3A_466 : i32 to index
        %get3A_468 = arith.constant 0 : index
        %get3A_469 = tpu.vector_load %arg6[%get3A_467, %get3A_468] {strides = array<i32>} : memref<800x32xi32, #tpu.memory_space<vmem>>, vector<16xi32>,
        %shift_left3A_470 = arith.constant 16 : i32
        %shift_left3A_471 = vector.broadcast %shift_left3A_470 : i32 to vector<16xi32>
        %shift_left3A_472 = arith.shli %get3A_469, %shift_left3A_471 : vector<16xi32>
        %bitcast3A_473 = vector.bitcast %shift_left3A_472 : vector<16xi32> to vector<16xf32>
        %add3A_474 = arith.addf %add3A_461, %bitcast3A_473 : vector<16xf32>
        %and3A_475 = arith.andi %get3A_469, %broadcast_in_dim3A_5 : vector<16xi32>
        %bitcast3A_476 = vector.bitcast %and3A_475 : vector<16xi32> to vector<16xf32>
        %add3A_477 = arith.addf %add3A_464, %bitcast3A_476 : vector<16xf32>
        %add3A_478 = arith.constant 29 : i32
        %add3A_479 = arith.addi %mul3A_99, %add3A_478 : i32
        %get3A_480 = arith.index_cast %add3A_479 : i32 to index
        %get3A_481 = arith.constant 0 : index
        %get3A_482 = tpu.vector_load %arg6[%get3A_480, %get3A_481] {strides = array<i32>} : memref<800x32xi32, #tpu.memory_space<vmem>>, vector<16xi32>,
        %shift_left3A_483 = arith.constant 16 : i32
        %shift_left3A_484 = vector.broadcast %shift_left3A_483 : i32 to vector<16xi32>
        %shift_left3A_485 = arith.shli %get3A_482, %shift_left3A_484 : vector<16xi32>
        %bitcast3A_486 = vector.bitcast %shift_left3A_485 : vector<16xi32> to vector<16xf32>
        %add3A_487 = arith.addf %add3A_474, %bitcast3A_486 : vector<16xf32>
        %and3A_488 = arith.andi %get3A_482, %broadcast_in_dim3A_5 : vector<16xi32>
        %bitcast3A_489 = vector.bitcast %and3A_488 : vector<16xi32> to vector<16xf32>
        %add3A_490 = arith.addf %add3A_477, %bitcast3A_489 : vector<16xf32>
        %add3A_491 = arith.constant 30 : i32
        %add3A_492 = arith.addi %mul3A_99, %add3A_491 : i32
        %get3A_493 = arith.index_cast %add3A_492 : i32 to index
        %get3A_494 = arith.constant 0 : index
        %get3A_495 = tpu.vector_load %arg6[%get3A_493, %get3A_494] {strides = array<i32>} : memref<800x32xi32, #tpu.memory_space<vmem>>, vector<16xi32>,
        %shift_left3A_496 = arith.constant 16 : i32
        %shift_left3A_497 = vector.broadcast %shift_left3A_496 : i32 to vector<16xi32>
        %shift_left3A_498 = arith.shli %get3A_495, %shift_left3A_497 : vector<16xi32>
        %bitcast3A_499 = vector.bitcast %shift_left3A_498 : vector<16xi32> to vector<16xf32>
        %add3A_500 = arith.addf %add3A_487, %bitcast3A_499 : vector<16xf32>
        %and3A_501 = arith.andi %get3A_495, %broadcast_in_dim3A_5 : vector<16xi32>
        %bitcast3A_502 = vector.bitcast %and3A_501 : vector<16xi32> to vector<16xf32>
        %add3A_503 = arith.addf %add3A_490, %bitcast3A_502 : vector<16xf32>
        %add3A_504 = arith.constant 31 : i32
        %add3A_505 = arith.addi %mul3A_99, %add3A_504 : i32
        %get3A_506 = arith.index_cast %add3A_505 : i32 to index
        %get3A_507 = arith.constant 0 : index
        %get3A_508 = tpu.vector_load %arg6[%get3A_506, %get3A_507] {strides = array<i32>} : memref<800x32xi32, #tpu.memory_space<vmem>>, vector<16xi32>,
        %shift_left3A_509 = arith.constant 16 : i32
        %shift_left3A_510 = vector.broadcast %shift_left3A_509 : i32 to vector<16xi32>
        %shift_left3A_511 = arith.shli %get3A_508, %shift_left3A_510 : vector<16xi32>
        %bitcast3A_512 = vector.bitcast %shift_left3A_511 : vector<16xi32> to vector<16xf32>
        %add3A_513 = arith.addf %add3A_500, %bitcast3A_512 : vector<16xf32>
        %and3A_514 = arith.andi %get3A_508, %broadcast_in_dim3A_5 : vector<16xi32>
        %bitcast3A_515 = vector.bitcast %and3A_514 : vector<16xi32> to vector<16xf32>
        %add3A_516 = arith.addf %add3A_503, %bitcast3A_515 : vector<16xf32>
        %add3A_517 = arith.constant 32 : i32
        %add3A_518 = arith.addi %mul3A_99, %add3A_517 : i32
        %get3A_519 = arith.index_cast %add3A_518 : i32 to index
        %get3A_520 = arith.constant 0 : index
        %get3A_521 = tpu.vector_load %arg6[%get3A_519, %get3A_520] {strides = array<i32>} : memref<800x32xi32, #tpu.memory_space<vmem>>, vector<16xi32>,
        %shift_left3A_522 = arith.constant 16 : i32
        %shift_left3A_523 = vector.broadcast %shift_left3A_522 : i32 to vector<16xi32>
        %shift_left3A_524 = arith.shli %get3A_521, %shift_left3A_523 : vector<16xi32>
        %bitcast3A_525 = vector.bitcast %shift_left3A_524 : vector<16xi32> to vector<16xf32>
        %add3A_526 = arith.addf %add3A_513, %bitcast3A_525 : vector<16xf32>
        %and3A_527 = arith.andi %get3A_521, %broadcast_in_dim3A_5 : vector<16xi32>
        %bitcast3A_528 = vector.bitcast %and3A_527 : vector<16xi32> to vector<16xf32>
        %add3A_529 = arith.addf %add3A_516, %bitcast3A_528 : vector<16xf32>
        %add3A_530 = arith.constant 33 : i32
        %add3A_531 = arith.addi %mul3A_99, %add3A_530 : i32
        %get3A_532 = arith.index_cast %add3A_531 : i32 to index
        %get3A_533 = arith.constant 0 : index
        %get3A_534 = tpu.vector_load %arg6[%get3A_532, %get3A_533] {strides = array<i32>} : memref<800x32xi32, #tpu.memory_space<vmem>>, vector<16xi32>,
        %shift_left3A_535 = arith.constant 16 : i32
        %shift_left3A_536 = vector.broadcast %shift_left3A_535 : i32 to vector<16xi32>
        %shift_left3A_537 = arith.shli %get3A_534, %shift_left3A_536 : vector<16xi32>
        %bitcast3A_538 = vector.bitcast %shift_left3A_537 : vector<16xi32> to vector<16xf32>
        %add3A_539 = arith.addf %add3A_526, %bitcast3A_538 : vector<16xf32>
        %and3A_540 = arith.andi %get3A_534, %broadcast_in_dim3A_5 : vector<16xi32>
        %bitcast3A_541 = vector.bitcast %and3A_540 : vector<16xi32> to vector<16xf32>
        %add3A_542 = arith.addf %add3A_529, %bitcast3A_541 : vector<16xf32>
        %add3A_543 = arith.constant 34 : i32
        %add3A_544 = arith.addi %mul3A_99, %add3A_543 : i32
        %get3A_545 = arith.index_cast %add3A_544 : i32 to index
        %get3A_546 = arith.constant 0 : index
        %get3A_547 = tpu.vector_load %arg6[%get3A_545, %get3A_546] {strides = array<i32>} : memref<800x32xi32, #tpu.memory_space<vmem>>, vector<16xi32>,
        %shift_left3A_548 = arith.constant 16 : i32
        %shift_left3A_549 = vector.broadcast %shift_left3A_548 : i32 to vector<16xi32>
        %shift_left3A_550 = arith.shli %get3A_547, %shift_left3A_549 : vector<16xi32>
        %bitcast3A_551 = vector.bitcast %shift_left3A_550 : vector<16xi32> to vector<16xf32>
        %add3A_552 = arith.addf %add3A_539, %bitcast3A_551 : vector<16xf32>
        %and3A_553 = arith.andi %get3A_547, %broadcast_in_dim3A_5 : vector<16xi32>
        %bitcast3A_554 = vector.bitcast %and3A_553 : vector<16xi32> to vector<16xf32>
        %add3A_555 = arith.addf %add3A_542, %bitcast3A_554 : vector<16xf32>
        %add3A_556 = arith.constant 35 : i32
        %add3A_557 = arith.addi %mul3A_99, %add3A_556 : i32
        %get3A_558 = arith.index_cast %add3A_557 : i32 to index
        %get3A_559 = arith.constant 0 : index
        %get3A_560 = tpu.vector_load %arg6[%get3A_558, %get3A_559] {strides = array<i32>} : memref<800x32xi32, #tpu.memory_space<vmem>>, vector<16xi32>,
        %shift_left3A_561 = arith.constant 16 : i32
        %shift_left3A_562 = vector.broadcast %shift_left3A_561 : i32 to vector<16xi32>
        %shift_left3A_563 = arith.shli %get3A_560, %shift_left3A_562 : vector<16xi32>
        %bitcast3A_564 = vector.bitcast %shift_left3A_563 : vector<16xi32> to vector<16xf32>
        %add3A_565 = arith.addf %add3A_552, %bitcast3A_564 : vector<16xf32>
        %and3A_566 = arith.andi %get3A_560, %broadcast_in_dim3A_5 : vector<16xi32>
        %bitcast3A_567 = vector.bitcast %and3A_566 : vector<16xi32> to vector<16xf32>
        %add3A_568 = arith.addf %add3A_555, %bitcast3A_567 : vector<16xf32>
        %add3A_569 = arith.constant 36 : i32
        %add3A_570 = arith.addi %mul3A_99, %add3A_569 : i32
        %get3A_571 = arith.index_cast %add3A_570 : i32 to index
        %get3A_572 = arith.constant 0 : index
        %get3A_573 = tpu.vector_load %arg6[%get3A_571, %get3A_572] {strides = array<i32>} : memref<800x32xi32, #tpu.memory_space<vmem>>, vector<16xi32>,
        %shift_left3A_574 = arith.constant 16 : i32
        %shift_left3A_575 = vector.broadcast %shift_left3A_574 : i32 to vector<16xi32>
        %shift_left3A_576 = arith.shli %get3A_573, %shift_left3A_575 : vector<16xi32>
        %bitcast3A_577 = vector.bitcast %shift_left3A_576 : vector<16xi32> to vector<16xf32>
        %add3A_578 = arith.addf %add3A_565, %bitcast3A_577 : vector<16xf32>
        %and3A_579 = arith.andi %get3A_573, %broadcast_in_dim3A_5 : vector<16xi32>
        %bitcast3A_580 = vector.bitcast %and3A_579 : vector<16xi32> to vector<16xf32>
        %add3A_581 = arith.addf %add3A_568, %bitcast3A_580 : vector<16xf32>
        %add3A_582 = arith.constant 37 : i32
        %add3A_583 = arith.addi %mul3A_99, %add3A_582 : i32
        %get3A_584 = arith.index_cast %add3A_583 : i32 to index
        %get3A_585 = arith.constant 0 : index
        %get3A_586 = tpu.vector_load %arg6[%get3A_584, %get3A_585] {strides = array<i32>} : memref<800x32xi32, #tpu.memory_space<vmem>>, vector<16xi32>,
        %shift_left3A_587 = arith.constant 16 : i32
        %shift_left3A_588 = vector.broadcast %shift_left3A_587 : i32 to vector<16xi32>
        %shift_left3A_589 = arith.shli %get3A_586, %shift_left3A_588 : vector<16xi32>
        %bitcast3A_590 = vector.bitcast %shift_left3A_589 : vector<16xi32> to vector<16xf32>
        %add3A_591 = arith.addf %add3A_578, %bitcast3A_590 : vector<16xf32>
        %and3A_592 = arith.andi %get3A_586, %broadcast_in_dim3A_5 : vector<16xi32>
        %bitcast3A_593 = vector.bitcast %and3A_592 : vector<16xi32> to vector<16xf32>
        %add3A_594 = arith.addf %add3A_581, %bitcast3A_593 : vector<16xf32>
        %add3A_595 = arith.constant 38 : i32
        %add3A_596 = arith.addi %mul3A_99, %add3A_595 : i32
        %get3A_597 = arith.index_cast %add3A_596 : i32 to index
        %get3A_598 = arith.constant 0 : index
        %get3A_599 = tpu.vector_load %arg6[%get3A_597, %get3A_598] {strides = array<i32>} : memref<800x32xi32, #tpu.memory_space<vmem>>, vector<16xi32>,
        %shift_left3A_600 = arith.constant 16 : i32
        %shift_left3A_601 = vector.broadcast %shift_left3A_600 : i32 to vector<16xi32>
        %shift_left3A_602 = arith.shli %get3A_599, %shift_left3A_601 : vector<16xi32>
        %bitcast3A_603 = vector.bitcast %shift_left3A_602 : vector<16xi32> to vector<16xf32>
        %add3A_604 = arith.addf %add3A_591, %bitcast3A_603 : vector<16xf32>
        %and3A_605 = arith.andi %get3A_599, %broadcast_in_dim3A_5 : vector<16xi32>
        %bitcast3A_606 = vector.bitcast %and3A_605 : vector<16xi32> to vector<16xf32>
        %add3A_607 = arith.addf %add3A_594, %bitcast3A_606 : vector<16xf32>
        %add3A_608 = arith.constant 39 : i32
        %add3A_609 = arith.addi %mul3A_99, %add3A_608 : i32
        %get3A_610 = arith.index_cast %add3A_609 : i32 to index
        %get3A_611 = arith.constant 0 : index
        %get3A_612 = tpu.vector_load %arg6[%get3A_610, %get3A_611] {strides = array<i32>} : memref<800x32xi32, #tpu.memory_space<vmem>>, vector<16xi32>,
        %shift_left3A_613 = arith.constant 16 : i32
        %shift_left3A_614 = vector.broadcast %shift_left3A_613 : i32 to vector<16xi32>
        %shift_left3A_615 = arith.shli %get3A_612, %shift_left3A_614 : vector<16xi32>
        %bitcast3A_616 = vector.bitcast %shift_left3A_615 : vector<16xi32> to vector<16xf32>
        %add3A_617 = arith.addf %add3A_604, %bitcast3A_616 : vector<16xf32>
        %and3A_618 = arith.andi %get3A_612, %broadcast_in_dim3A_5 : vector<16xi32>
        %bitcast3A_619 = vector.bitcast %and3A_618 : vector<16xi32> to vector<16xf32>
        %add3A_620 = arith.addf %add3A_607, %bitcast3A_619 : vector<16xf32>
        %add3A_621 = arith.constant 40 : i32
        %add3A_622 = arith.addi %mul3A_99, %add3A_621 : i32
        %get3A_623 = arith.index_cast %add3A_622 : i32 to index
        %get3A_624 = arith.constant 0 : index
        %get3A_625 = tpu.vector_load %arg6[%get3A_623, %get3A_624] {strides = array<i32>} : memref<800x32xi32, #tpu.memory_space<vmem>>, vector<16xi32>,
        %shift_left3A_626 = arith.constant 16 : i32
        %shift_left3A_627 = vector.broadcast %shift_left3A_626 : i32 to vector<16xi32>
        %shift_left3A_628 = arith.shli %get3A_625, %shift_left3A_627 : vector<16xi32>
        %bitcast3A_629 = vector.bitcast %shift_left3A_628 : vector<16xi32> to vector<16xf32>
        %add3A_630 = arith.addf %add3A_617, %bitcast3A_629 : vector<16xf32>
        %and3A_631 = arith.andi %get3A_625, %broadcast_in_dim3A_5 : vector<16xi32>
        %bitcast3A_632 = vector.bitcast %and3A_631 : vector<16xi32> to vector<16xf32>
        %add3A_633 = arith.addf %add3A_620, %bitcast3A_632 : vector<16xf32>
        %add3A_634 = arith.constant 41 : i32
        %add3A_635 = arith.addi %mul3A_99, %add3A_634 : i32
        %get3A_636 = arith.index_cast %add3A_635 : i32 to index
        %get3A_637 = arith.constant 0 : index
        %get3A_638 = tpu.vector_load %arg6[%get3A_636, %get3A_637] {strides = array<i32>} : memref<800x32xi32, #tpu.memory_space<vmem>>, vector<16xi32>,
        %shift_left3A_639 = arith.constant 16 : i32
        %shift_left3A_640 = vector.broadcast %shift_left3A_639 : i32 to vector<16xi32>
        %shift_left3A_641 = arith.shli %get3A_638, %shift_left3A_640 : vector<16xi32>
        %bitcast3A_642 = vector.bitcast %shift_left3A_641 : vector<16xi32> to vector<16xf32>
        %add3A_643 = arith.addf %add3A_630, %bitcast3A_642 : vector<16xf32>
        %and3A_644 = arith.andi %get3A_638, %broadcast_in_dim3A_5 : vector<16xi32>
        %bitcast3A_645 = vector.bitcast %and3A_644 : vector<16xi32> to vector<16xf32>
        %add3A_646 = arith.addf %add3A_633, %bitcast3A_645 : vector<16xf32>
        %add3A_647 = arith.constant 42 : i32
        %add3A_648 = arith.addi %mul3A_99, %add3A_647 : i32
        %get3A_649 = arith.index_cast %add3A_648 : i32 to index
        %get3A_650 = arith.constant 0 : index
        %get3A_651 = tpu.vector_load %arg6[%get3A_649, %get3A_650] {strides = array<i32>} : memref<800x32xi32, #tpu.memory_space<vmem>>, vector<16xi32>,
        %shift_left3A_652 = arith.constant 16 : i32
        %shift_left3A_653 = vector.broadcast %shift_left3A_652 : i32 to vector<16xi32>
        %shift_left3A_654 = arith.shli %get3A_651, %shift_left3A_653 : vector<16xi32>
        %bitcast3A_655 = vector.bitcast %shift_left3A_654 : vector<16xi32> to vector<16xf32>
        %add3A_656 = arith.addf %add3A_643, %bitcast3A_655 : vector<16xf32>
        %and3A_657 = arith.andi %get3A_651, %broadcast_in_dim3A_5 : vector<16xi32>
        %bitcast3A_658 = vector.bitcast %and3A_657 : vector<16xi32> to vector<16xf32>
        %add3A_659 = arith.addf %add3A_646, %bitcast3A_658 : vector<16xf32>
        %add3A_660 = arith.constant 43 : i32
        %add3A_661 = arith.addi %mul3A_99, %add3A_660 : i32
        %get3A_662 = arith.index_cast %add3A_661 : i32 to index
        %get3A_663 = arith.constant 0 : index
        %get3A_664 = tpu.vector_load %arg6[%get3A_662, %get3A_663] {strides = array<i32>} : memref<800x32xi32, #tpu.memory_space<vmem>>, vector<16xi32>,
        %shift_left3A_665 = arith.constant 16 : i32
        %shift_left3A_666 = vector.broadcast %shift_left3A_665 : i32 to vector<16xi32>
        %shift_left3A_667 = arith.shli %get3A_664, %shift_left3A_666 : vector<16xi32>
        %bitcast3A_668 = vector.bitcast %shift_left3A_667 : vector<16xi32> to vector<16xf32>
        %add3A_669 = arith.addf %add3A_656, %bitcast3A_668 : vector<16xf32>
        %and3A_670 = arith.andi %get3A_664, %broadcast_in_dim3A_5 : vector<16xi32>
        %bitcast3A_671 = vector.bitcast %and3A_670 : vector<16xi32> to vector<16xf32>
        %add3A_672 = arith.addf %add3A_659, %bitcast3A_671 : vector<16xf32>
        %add3A_673 = arith.constant 44 : i32
        %add3A_674 = arith.addi %mul3A_99, %add3A_673 : i32
        %get3A_675 = arith.index_cast %add3A_674 : i32 to index
        %get3A_676 = arith.constant 0 : index
        %get3A_677 = tpu.vector_load %arg6[%get3A_675, %get3A_676] {strides = array<i32>} : memref<800x32xi32, #tpu.memory_space<vmem>>, vector<16xi32>,
        %shift_left3A_678 = arith.constant 16 : i32
        %shift_left3A_679 = vector.broadcast %shift_left3A_678 : i32 to vector<16xi32>
        %shift_left3A_680 = arith.shli %get3A_677, %shift_left3A_679 : vector<16xi32>
        %bitcast3A_681 = vector.bitcast %shift_left3A_680 : vector<16xi32> to vector<16xf32>
        %add3A_682 = arith.addf %add3A_669, %bitcast3A_681 : vector<16xf32>
        %and3A_683 = arith.andi %get3A_677, %broadcast_in_dim3A_5 : vector<16xi32>
        %bitcast3A_684 = vector.bitcast %and3A_683 : vector<16xi32> to vector<16xf32>
        %add3A_685 = arith.addf %add3A_672, %bitcast3A_684 : vector<16xf32>
        %add3A_686 = arith.constant 45 : i32
        %add3A_687 = arith.addi %mul3A_99, %add3A_686 : i32
        %get3A_688 = arith.index_cast %add3A_687 : i32 to index
        %get3A_689 = arith.constant 0 : index
        %get3A_690 = tpu.vector_load %arg6[%get3A_688, %get3A_689] {strides = array<i32>} : memref<800x32xi32, #tpu.memory_space<vmem>>, vector<16xi32>,
        %shift_left3A_691 = arith.constant 16 : i32
        %shift_left3A_692 = vector.broadcast %shift_left3A_691 : i32 to vector<16xi32>
        %shift_left3A_693 = arith.shli %get3A_690, %shift_left3A_692 : vector<16xi32>
        %bitcast3A_694 = vector.bitcast %shift_left3A_693 : vector<16xi32> to vector<16xf32>
        %add3A_695 = arith.addf %add3A_682, %bitcast3A_694 : vector<16xf32>
        %and3A_696 = arith.andi %get3A_690, %broadcast_in_dim3A_5 : vector<16xi32>
        %bitcast3A_697 = vector.bitcast %and3A_696 : vector<16xi32> to vector<16xf32>
        %add3A_698 = arith.addf %add3A_685, %bitcast3A_697 : vector<16xf32>
        %add3A_699 = arith.constant 46 : i32
        %add3A_700 = arith.addi %mul3A_99, %add3A_699 : i32
        %get3A_701 = arith.index_cast %add3A_700 : i32 to index
        %get3A_702 = arith.constant 0 : index
        %get3A_703 = tpu.vector_load %arg6[%get3A_701, %get3A_702] {strides = array<i32>} : memref<800x32xi32, #tpu.memory_space<vmem>>, vector<16xi32>,
        %shift_left3A_704 = arith.constant 16 : i32
        %shift_left3A_705 = vector.broadcast %shift_left3A_704 : i32 to vector<16xi32>
        %shift_left3A_706 = arith.shli %get3A_703, %shift_left3A_705 : vector<16xi32>
        %bitcast3A_707 = vector.bitcast %shift_left3A_706 : vector<16xi32> to vector<16xf32>
        %add3A_708 = arith.addf %add3A_695, %bitcast3A_707 : vector<16xf32>
        %and3A_709 = arith.andi %get3A_703, %broadcast_in_dim3A_5 : vector<16xi32>
        %bitcast3A_710 = vector.bitcast %and3A_709 : vector<16xi32> to vector<16xf32>
        %add3A_711 = arith.addf %add3A_698, %bitcast3A_710 : vector<16xf32>
        %add3A_712 = arith.constant 47 : i32
        %add3A_713 = arith.addi %mul3A_99, %add3A_712 : i32
        %get3A_714 = arith.index_cast %add3A_713 : i32 to index
        %get3A_715 = arith.constant 0 : index
        %get3A_716 = tpu.vector_load %arg6[%get3A_714, %get3A_715] {strides = array<i32>} : memref<800x32xi32, #tpu.memory_space<vmem>>, vector<16xi32>,
        %shift_left3A_717 = arith.constant 16 : i32
        %shift_left3A_718 = vector.broadcast %shift_left3A_717 : i32 to vector<16xi32>
        %shift_left3A_719 = arith.shli %get3A_716, %shift_left3A_718 : vector<16xi32>
        %bitcast3A_720 = vector.bitcast %shift_left3A_719 : vector<16xi32> to vector<16xf32>
        %add3A_721 = arith.addf %add3A_708, %bitcast3A_720 : vector<16xf32>
        %and3A_722 = arith.andi %get3A_716, %broadcast_in_dim3A_5 : vector<16xi32>
        %bitcast3A_723 = vector.bitcast %and3A_722 : vector<16xi32> to vector<16xf32>
        %add3A_724 = arith.addf %add3A_711, %bitcast3A_723 : vector<16xf32>
        %add3A_725 = arith.constant 48 : i32
        %add3A_726 = arith.addi %mul3A_99, %add3A_725 : i32
        %get3A_727 = arith.index_cast %add3A_726 : i32 to index
        %get3A_728 = arith.constant 0 : index
        %get3A_729 = tpu.vector_load %arg6[%get3A_727, %get3A_728] {strides = array<i32>} : memref<800x32xi32, #tpu.memory_space<vmem>>, vector<16xi32>,
        %shift_left3A_730 = arith.constant 16 : i32
        %shift_left3A_731 = vector.broadcast %shift_left3A_730 : i32 to vector<16xi32>
        %shift_left3A_732 = arith.shli %get3A_729, %shift_left3A_731 : vector<16xi32>
        %bitcast3A_733 = vector.bitcast %shift_left3A_732 : vector<16xi32> to vector<16xf32>
        %add3A_734 = arith.addf %add3A_721, %bitcast3A_733 : vector<16xf32>
        %and3A_735 = arith.andi %get3A_729, %broadcast_in_dim3A_5 : vector<16xi32>
        %bitcast3A_736 = vector.bitcast %and3A_735 : vector<16xi32> to vector<16xf32>
        %add3A_737 = arith.addf %add3A_724, %bitcast3A_736 : vector<16xf32>
        %add3A_738 = arith.constant 49 : i32
        %add3A_739 = arith.addi %mul3A_99, %add3A_738 : i32
        %get3A_740 = arith.index_cast %add3A_739 : i32 to index
        %get3A_741 = arith.constant 0 : index
        %get3A_742 = tpu.vector_load %arg6[%get3A_740, %get3A_741] {strides = array<i32>} : memref<800x32xi32, #tpu.memory_space<vmem>>, vector<16xi32>,
        %shift_left3A_743 = arith.constant 16 : i32
        %shift_left3A_744 = vector.broadcast %shift_left3A_743 : i32 to vector<16xi32>
        %shift_left3A_745 = arith.shli %get3A_742, %shift_left3A_744 : vector<16xi32>
        %bitcast3A_746 = vector.bitcast %shift_left3A_745 : vector<16xi32> to vector<16xf32>
        %add3A_747 = arith.addf %add3A_734, %bitcast3A_746 : vector<16xf32>
        %and3A_748 = arith.andi %get3A_742, %broadcast_in_dim3A_5 : vector<16xi32>
        %bitcast3A_749 = vector.bitcast %and3A_748 : vector<16xi32> to vector<16xf32>
        %add3A_750 = arith.addf %add3A_737, %bitcast3A_749 : vector<16xf32>
        tpu.vector_store_idx %arg8[%add3A_11, %broadcast_in_dim3A_100], %add3A_747 : memref<64x16xf32, #tpu.memory_space<vmem>>[vector<16xi32>, vector<16xi32>], vector<16xf32>,
        tpu.vector_store_idx %arg8[%add3A_17, %broadcast_in_dim3A_100], %add3A_750 : memref<64x16xf32, #tpu.memory_space<vmem>>[vector<16xi32>, vector<16xi32>], vector<16xf32>,
        %broadcast_in_dim3A_751 = arith.constant 0.000000e+00 : f32
        %broadcast_in_dim3A_752 = vector.broadcast %broadcast_in_dim3A_751 : f32 to vector<16xf32>
        %broadcast_in_dim3A_753 = arith.constant 0.000000e+00 : f32
        %broadcast_in_dim3A_754 = vector.broadcast %broadcast_in_dim3A_753 : f32 to vector<16xf32>
        %add3A_755 = arith.constant 0 : i32
        %add3A_756 = arith.addi %mul3A_99, %add3A_755 : i32
        %get3A_757 = arith.index_cast %add3A_756 : i32 to index
        %get3A_758 = arith.constant 16 : index
        %get3A_759 = tpu.vector_load %arg6[%get3A_757, %get3A_758] {strides = array<i32>} : memref<800x32xi32, #tpu.memory_space<vmem>>, vector<16xi32>,
        %shift_left3A_760 = arith.constant 16 : i32
        %shift_left3A_761 = vector.broadcast %shift_left3A_760 : i32 to vector<16xi32>
        %shift_left3A_762 = arith.shli %get3A_759, %shift_left3A_761 : vector<16xi32>
        %bitcast3A_763 = vector.bitcast %shift_left3A_762 : vector<16xi32> to vector<16xf32>
        %add3A_764 = arith.addf %broadcast_in_dim3A_752, %bitcast3A_763 : vector<16xf32>
        %and3A_765 = arith.andi %get3A_759, %broadcast_in_dim3A_5 : vector<16xi32>
        %bitcast3A_766 = vector.bitcast %and3A_765 : vector<16xi32> to vector<16xf32>
        %add3A_767 = arith.addf %broadcast_in_dim3A_754, %bitcast3A_766 : vector<16xf32>
        %add3A_768 = arith.constant 1 : i32
        %add3A_769 = arith.addi %mul3A_99, %add3A_768 : i32
        %get3A_770 = arith.index_cast %add3A_769 : i32 to index
        %get3A_771 = arith.constant 16 : index
        %get3A_772 = tpu.vector_load %arg6[%get3A_770, %get3A_771] {strides = array<i32>} : memref<800x32xi32, #tpu.memory_space<vmem>>, vector<16xi32>,
        %shift_left3A_773 = arith.constant 16 : i32
        %shift_left3A_774 = vector.broadcast %shift_left3A_773 : i32 to vector<16xi32>
        %shift_left3A_775 = arith.shli %get3A_772, %shift_left3A_774 : vector<16xi32>
        %bitcast3A_776 = vector.bitcast %shift_left3A_775 : vector<16xi32> to vector<16xf32>
        %add3A_777 = arith.addf %add3A_764, %bitcast3A_776 : vector<16xf32>
        %and3A_778 = arith.andi %get3A_772, %broadcast_in_dim3A_5 : vector<16xi32>
        %bitcast3A_779 = vector.bitcast %and3A_778 : vector<16xi32> to vector<16xf32>
        %add3A_780 = arith.addf %add3A_767, %bitcast3A_779 : vector<16xf32>
        %add3A_781 = arith.constant 2 : i32
        %add3A_782 = arith.addi %mul3A_99, %add3A_781 : i32
        %get3A_783 = arith.index_cast %add3A_782 : i32 to index
        %get3A_784 = arith.constant 16 : index
        %get3A_785 = tpu.vector_load %arg6[%get3A_783, %get3A_784] {strides = array<i32>} : memref<800x32xi32, #tpu.memory_space<vmem>>, vector<16xi32>,
        %shift_left3A_786 = arith.constant 16 : i32
        %shift_left3A_787 = vector.broadcast %shift_left3A_786 : i32 to vector<16xi32>
        %shift_left3A_788 = arith.shli %get3A_785, %shift_left3A_787 : vector<16xi32>
        %bitcast3A_789 = vector.bitcast %shift_left3A_788 : vector<16xi32> to vector<16xf32>
        %add3A_790 = arith.addf %add3A_777, %bitcast3A_789 : vector<16xf32>
        %and3A_791 = arith.andi %get3A_785, %broadcast_in_dim3A_5 : vector<16xi32>
        %bitcast3A_792 = vector.bitcast %and3A_791 : vector<16xi32> to vector<16xf32>
        %add3A_793 = arith.addf %add3A_780, %bitcast3A_792 : vector<16xf32>
        %add3A_794 = arith.constant 3 : i32
        %add3A_795 = arith.addi %mul3A_99, %add3A_794 : i32
        %get3A_796 = arith.index_cast %add3A_795 : i32 to index
        %get3A_797 = arith.constant 16 : index
        %get3A_798 = tpu.vector_load %arg6[%get3A_796, %get3A_797] {strides = array<i32>} : memref<800x32xi32, #tpu.memory_space<vmem>>, vector<16xi32>,
        %shift_left3A_799 = arith.constant 16 : i32
        %shift_left3A_800 = vector.broadcast %shift_left3A_799 : i32 to vector<16xi32>
        %shift_left3A_801 = arith.shli %get3A_798, %shift_left3A_800 : vector<16xi32>
        %bitcast3A_802 = vector.bitcast %shift_left3A_801 : vector<16xi32> to vector<16xf32>
        %add3A_803 = arith.addf %add3A_790, %bitcast3A_802 : vector<16xf32>
        %and3A_804 = arith.andi %get3A_798, %broadcast_in_dim3A_5 : vector<16xi32>
        %bitcast3A_805 = vector.bitcast %and3A_804 : vector<16xi32> to vector<16xf32>
        %add3A_806 = arith.addf %add3A_793, %bitcast3A_805 : vector<16xf32>
        %add3A_807 = arith.constant 4 : i32
        %add3A_808 = arith.addi %mul3A_99, %add3A_807 : i32
        %get3A_809 = arith.index_cast %add3A_808 : i32 to index
        %get3A_810 = arith.constant 16 : index
        %get3A_811 = tpu.vector_load %arg6[%get3A_809, %get3A_810] {strides = array<i32>} : memref<800x32xi32, #tpu.memory_space<vmem>>, vector<16xi32>,
        %shift_left3A_812 = arith.constant 16 : i32
        %shift_left3A_813 = vector.broadcast %shift_left3A_812 : i32 to vector<16xi32>
        %shift_left3A_814 = arith.shli %get3A_811, %shift_left3A_813 : vector<16xi32>
        %bitcast3A_815 = vector.bitcast %shift_left3A_814 : vector<16xi32> to vector<16xf32>
        %add3A_816 = arith.addf %add3A_803, %bitcast3A_815 : vector<16xf32>
        %and3A_817 = arith.andi %get3A_811, %broadcast_in_dim3A_5 : vector<16xi32>
        %bitcast3A_818 = vector.bitcast %and3A_817 : vector<16xi32> to vector<16xf32>
        %add3A_819 = arith.addf %add3A_806, %bitcast3A_818 : vector<16xf32>
        %add3A_820 = arith.constant 5 : i32
        %add3A_821 = arith.addi %mul3A_99, %add3A_820 : i32
        %get3A_822 = arith.index_cast %add3A_821 : i32 to index
        %get3A_823 = arith.constant 16 : index
        %get3A_824 = tpu.vector_load %arg6[%get3A_822, %get3A_823] {strides = array<i32>} : memref<800x32xi32, #tpu.memory_space<vmem>>, vector<16xi32>,
        %shift_left3A_825 = arith.constant 16 : i32
        %shift_left3A_826 = vector.broadcast %shift_left3A_825 : i32 to vector<16xi32>
        %shift_left3A_827 = arith.shli %get3A_824, %shift_left3A_826 : vector<16xi32>
        %bitcast3A_828 = vector.bitcast %shift_left3A_827 : vector<16xi32> to vector<16xf32>
        %add3A_829 = arith.addf %add3A_816, %bitcast3A_828 : vector<16xf32>
        %and3A_830 = arith.andi %get3A_824, %broadcast_in_dim3A_5 : vector<16xi32>
        %bitcast3A_831 = vector.bitcast %and3A_830 : vector<16xi32> to vector<16xf32>
        %add3A_832 = arith.addf %add3A_819, %bitcast3A_831 : vector<16xf32>
        %add3A_833 = arith.constant 6 : i32
        %add3A_834 = arith.addi %mul3A_99, %add3A_833 : i32
        %get3A_835 = arith.index_cast %add3A_834 : i32 to index
        %get3A_836 = arith.constant 16 : index
        %get3A_837 = tpu.vector_load %arg6[%get3A_835, %get3A_836] {strides = array<i32>} : memref<800x32xi32, #tpu.memory_space<vmem>>, vector<16xi32>,
        %shift_left3A_838 = arith.constant 16 : i32
        %shift_left3A_839 = vector.broadcast %shift_left3A_838 : i32 to vector<16xi32>
        %shift_left3A_840 = arith.shli %get3A_837, %shift_left3A_839 : vector<16xi32>
        %bitcast3A_841 = vector.bitcast %shift_left3A_840 : vector<16xi32> to vector<16xf32>
        %add3A_842 = arith.addf %add3A_829, %bitcast3A_841 : vector<16xf32>
        %and3A_843 = arith.andi %get3A_837, %broadcast_in_dim3A_5 : vector<16xi32>
        %bitcast3A_844 = vector.bitcast %and3A_843 : vector<16xi32> to vector<16xf32>
        %add3A_845 = arith.addf %add3A_832, %bitcast3A_844 : vector<16xf32>
        %add3A_846 = arith.constant 7 : i32
        %add3A_847 = arith.addi %mul3A_99, %add3A_846 : i32
        %get3A_848 = arith.index_cast %add3A_847 : i32 to index
        %get3A_849 = arith.constant 16 : index
        %get3A_850 = tpu.vector_load %arg6[%get3A_848, %get3A_849] {strides = array<i32>} : memref<800x32xi32, #tpu.memory_space<vmem>>, vector<16xi32>,
        %shift_left3A_851 = arith.constant 16 : i32
        %shift_left3A_852 = vector.broadcast %shift_left3A_851 : i32 to vector<16xi32>
        %shift_left3A_853 = arith.shli %get3A_850, %shift_left3A_852 : vector<16xi32>
        %bitcast3A_854 = vector.bitcast %shift_left3A_853 : vector<16xi32> to vector<16xf32>
        %add3A_855 = arith.addf %add3A_842, %bitcast3A_854 : vector<16xf32>
        %and3A_856 = arith.andi %get3A_850, %broadcast_in_dim3A_5 : vector<16xi32>
        %bitcast3A_857 = vector.bitcast %and3A_856 : vector<16xi32> to vector<16xf32>
        %add3A_858 = arith.addf %add3A_845, %bitcast3A_857 : vector<16xf32>
        %add3A_859 = arith.constant 8 : i32
        %add3A_860 = arith.addi %mul3A_99, %add3A_859 : i32
        %get3A_861 = arith.index_cast %add3A_860 : i32 to index
        %get3A_862 = arith.constant 16 : index
        %get3A_863 = tpu.vector_load %arg6[%get3A_861, %get3A_862] {strides = array<i32>} : memref<800x32xi32, #tpu.memory_space<vmem>>, vector<16xi32>,
        %shift_left3A_864 = arith.constant 16 : i32
        %shift_left3A_865 = vector.broadcast %shift_left3A_864 : i32 to vector<16xi32>
        %shift_left3A_866 = arith.shli %get3A_863, %shift_left3A_865 : vector<16xi32>
        %bitcast3A_867 = vector.bitcast %shift_left3A_866 : vector<16xi32> to vector<16xf32>
        %add3A_868 = arith.addf %add3A_855, %bitcast3A_867 : vector<16xf32>
        %and3A_869 = arith.andi %get3A_863, %broadcast_in_dim3A_5 : vector<16xi32>
        %bitcast3A_870 = vector.bitcast %and3A_869 : vector<16xi32> to vector<16xf32>
        %add3A_871 = arith.addf %add3A_858, %bitcast3A_870 : vector<16xf32>
        %add3A_872 = arith.constant 9 : i32
        %add3A_873 = arith.addi %mul3A_99, %add3A_872 : i32
        %get3A_874 = arith.index_cast %add3A_873 : i32 to index
        %get3A_875 = arith.constant 16 : index
        %get3A_876 = tpu.vector_load %arg6[%get3A_874, %get3A_875] {strides = array<i32>} : memref<800x32xi32, #tpu.memory_space<vmem>>, vector<16xi32>,
        %shift_left3A_877 = arith.constant 16 : i32
        %shift_left3A_878 = vector.broadcast %shift_left3A_877 : i32 to vector<16xi32>
        %shift_left3A_879 = arith.shli %get3A_876, %shift_left3A_878 : vector<16xi32>
        %bitcast3A_880 = vector.bitcast %shift_left3A_879 : vector<16xi32> to vector<16xf32>
        %add3A_881 = arith.addf %add3A_868, %bitcast3A_880 : vector<16xf32>
        %and3A_882 = arith.andi %get3A_876, %broadcast_in_dim3A_5 : vector<16xi32>
        %bitcast3A_883 = vector.bitcast %and3A_882 : vector<16xi32> to vector<16xf32>
        %add3A_884 = arith.addf %add3A_871, %bitcast3A_883 : vector<16xf32>
        %add3A_885 = arith.constant 10 : i32
        %add3A_886 = arith.addi %mul3A_99, %add3A_885 : i32
        %get3A_887 = arith.index_cast %add3A_886 : i32 to index
        %get3A_888 = arith.constant 16 : index
        %get3A_889 = tpu.vector_load %arg6[%get3A_887, %get3A_888] {strides = array<i32>} : memref<800x32xi32, #tpu.memory_space<vmem>>, vector<16xi32>,
        %shift_left3A_890 = arith.constant 16 : i32
        %shift_left3A_891 = vector.broadcast %shift_left3A_890 : i32 to vector<16xi32>
        %shift_left3A_892 = arith.shli %get3A_889, %shift_left3A_891 : vector<16xi32>
        %bitcast3A_893 = vector.bitcast %shift_left3A_892 : vector<16xi32> to vector<16xf32>
        %add3A_894 = arith.addf %add3A_881, %bitcast3A_893 : vector<16xf32>
        %and3A_895 = arith.andi %get3A_889, %broadcast_in_dim3A_5 : vector<16xi32>
        %bitcast3A_896 = vector.bitcast %and3A_895 : vector<16xi32> to vector<16xf32>
        %add3A_897 = arith.addf %add3A_884, %bitcast3A_896 : vector<16xf32>
        %add3A_898 = arith.constant 11 : i32
        %add3A_899 = arith.addi %mul3A_99, %add3A_898 : i32
        %get3A_900 = arith.index_cast %add3A_899 : i32 to index
        %get3A_901 = arith.constant 16 : index
        %get3A_902 = tpu.vector_load %arg6[%get3A_900, %get3A_901] {strides = array<i32>} : memref<800x32xi32, #tpu.memory_space<vmem>>, vector<16xi32>,
        %shift_left3A_903 = arith.constant 16 : i32
        %shift_left3A_904 = vector.broadcast %shift_left3A_903 : i32 to vector<16xi32>
        %shift_left3A_905 = arith.shli %get3A_902, %shift_left3A_904 : vector<16xi32>
        %bitcast3A_906 = vector.bitcast %shift_left3A_905 : vector<16xi32> to vector<16xf32>
        %add3A_907 = arith.addf %add3A_894, %bitcast3A_906 : vector<16xf32>
        %and3A_908 = arith.andi %get3A_902, %broadcast_in_dim3A_5 : vector<16xi32>
        %bitcast3A_909 = vector.bitcast %and3A_908 : vector<16xi32> to vector<16xf32>
        %add3A_910 = arith.addf %add3A_897, %bitcast3A_909 : vector<16xf32>
        %add3A_911 = arith.constant 12 : i32
        %add3A_912 = arith.addi %mul3A_99, %add3A_911 : i32
        %get3A_913 = arith.index_cast %add3A_912 : i32 to index
        %get3A_914 = arith.constant 16 : index
        %get3A_915 = tpu.vector_load %arg6[%get3A_913, %get3A_914] {strides = array<i32>} : memref<800x32xi32, #tpu.memory_space<vmem>>, vector<16xi32>,
        %shift_left3A_916 = arith.constant 16 : i32
        %shift_left3A_917 = vector.broadcast %shift_left3A_916 : i32 to vector<16xi32>
        %shift_left3A_918 = arith.shli %get3A_915, %shift_left3A_917 : vector<16xi32>
        %bitcast3A_919 = vector.bitcast %shift_left3A_918 : vector<16xi32> to vector<16xf32>
        %add3A_920 = arith.addf %add3A_907, %bitcast3A_919 : vector<16xf32>
        %and3A_921 = arith.andi %get3A_915, %broadcast_in_dim3A_5 : vector<16xi32>
        %bitcast3A_922 = vector.bitcast %and3A_921 : vector<16xi32> to vector<16xf32>
        %add3A_923 = arith.addf %add3A_910, %bitcast3A_922 : vector<16xf32>
        %add3A_924 = arith.constant 13 : i32
        %add3A_925 = arith.addi %mul3A_99, %add3A_924 : i32
        %get3A_926 = arith.index_cast %add3A_925 : i32 to index
        %get3A_927 = arith.constant 16 : index
        %get3A_928 = tpu.vector_load %arg6[%get3A_926, %get3A_927] {strides = array<i32>} : memref<800x32xi32, #tpu.memory_space<vmem>>, vector<16xi32>,
        %shift_left3A_929 = arith.constant 16 : i32
        %shift_left3A_930 = vector.broadcast %shift_left3A_929 : i32 to vector<16xi32>
        %shift_left3A_931 = arith.shli %get3A_928, %shift_left3A_930 : vector<16xi32>
        %bitcast3A_932 = vector.bitcast %shift_left3A_931 : vector<16xi32> to vector<16xf32>
        %add3A_933 = arith.addf %add3A_920, %bitcast3A_932 : vector<16xf32>
        %and3A_934 = arith.andi %get3A_928, %broadcast_in_dim3A_5 : vector<16xi32>
        %bitcast3A_935 = vector.bitcast %and3A_934 : vector<16xi32> to vector<16xf32>
        %add3A_936 = arith.addf %add3A_923, %bitcast3A_935 : vector<16xf32>
        %add3A_937 = arith.constant 14 : i32
        %add3A_938 = arith.addi %mul3A_99, %add3A_937 : i32
        %get3A_939 = arith.index_cast %add3A_938 : i32 to index
        %get3A_940 = arith.constant 16 : index
        %get3A_941 = tpu.vector_load %arg6[%get3A_939, %get3A_940] {strides = array<i32>} : memref<800x32xi32, #tpu.memory_space<vmem>>, vector<16xi32>,
        %shift_left3A_942 = arith.constant 16 : i32
        %shift_left3A_943 = vector.broadcast %shift_left3A_942 : i32 to vector<16xi32>
        %shift_left3A_944 = arith.shli %get3A_941, %shift_left3A_943 : vector<16xi32>
        %bitcast3A_945 = vector.bitcast %shift_left3A_944 : vector<16xi32> to vector<16xf32>
        %add3A_946 = arith.addf %add3A_933, %bitcast3A_945 : vector<16xf32>
        %and3A_947 = arith.andi %get3A_941, %broadcast_in_dim3A_5 : vector<16xi32>
        %bitcast3A_948 = vector.bitcast %and3A_947 : vector<16xi32> to vector<16xf32>
        %add3A_949 = arith.addf %add3A_936, %bitcast3A_948 : vector<16xf32>
        %add3A_950 = arith.constant 15 : i32
        %add3A_951 = arith.addi %mul3A_99, %add3A_950 : i32
        %get3A_952 = arith.index_cast %add3A_951 : i32 to index
        %get3A_953 = arith.constant 16 : index
        %get3A_954 = tpu.vector_load %arg6[%get3A_952, %get3A_953] {strides = array<i32>} : memref<800x32xi32, #tpu.memory_space<vmem>>, vector<16xi32>,
        %shift_left3A_955 = arith.constant 16 : i32
        %shift_left3A_956 = vector.broadcast %shift_left3A_955 : i32 to vector<16xi32>
        %shift_left3A_957 = arith.shli %get3A_954, %shift_left3A_956 : vector<16xi32>
        %bitcast3A_958 = vector.bitcast %shift_left3A_957 : vector<16xi32> to vector<16xf32>
        %add3A_959 = arith.addf %add3A_946, %bitcast3A_958 : vector<16xf32>
        %and3A_960 = arith.andi %get3A_954, %broadcast_in_dim3A_5 : vector<16xi32>
        %bitcast3A_961 = vector.bitcast %and3A_960 : vector<16xi32> to vector<16xf32>
        %add3A_962 = arith.addf %add3A_949, %bitcast3A_961 : vector<16xf32>
        %add3A_963 = arith.constant 16 : i32
        %add3A_964 = arith.addi %mul3A_99, %add3A_963 : i32
        %get3A_965 = arith.index_cast %add3A_964 : i32 to index
        %get3A_966 = arith.constant 16 : index
        %get3A_967 = tpu.vector_load %arg6[%get3A_965, %get3A_966] {strides = array<i32>} : memref<800x32xi32, #tpu.memory_space<vmem>>, vector<16xi32>,
        %shift_left3A_968 = arith.constant 16 : i32
        %shift_left3A_969 = vector.broadcast %shift_left3A_968 : i32 to vector<16xi32>
        %shift_left3A_970 = arith.shli %get3A_967, %shift_left3A_969 : vector<16xi32>
        %bitcast3A_971 = vector.bitcast %shift_left3A_970 : vector<16xi32> to vector<16xf32>
        %add3A_972 = arith.addf %add3A_959, %bitcast3A_971 : vector<16xf32>
        %and3A_973 = arith.andi %get3A_967, %broadcast_in_dim3A_5 : vector<16xi32>
        %bitcast3A_974 = vector.bitcast %and3A_973 : vector<16xi32> to vector<16xf32>
        %add3A_975 = arith.addf %add3A_962, %bitcast3A_974 : vector<16xf32>
        %add3A_976 = arith.constant 17 : i32
        %add3A_977 = arith.addi %mul3A_99, %add3A_976 : i32
        %get3A_978 = arith.index_cast %add3A_977 : i32 to index
        %get3A_979 = arith.constant 16 : index
        %get3A_980 = tpu.vector_load %arg6[%get3A_978, %get3A_979] {strides = array<i32>} : memref<800x32xi32, #tpu.memory_space<vmem>>, vector<16xi32>,
        %shift_left3A_981 = arith.constant 16 : i32
        %shift_left3A_982 = vector.broadcast %shift_left3A_981 : i32 to vector<16xi32>
        %shift_left3A_983 = arith.shli %get3A_980, %shift_left3A_982 : vector<16xi32>
        %bitcast3A_984 = vector.bitcast %shift_left3A_983 : vector<16xi32> to vector<16xf32>
        %add3A_985 = arith.addf %add3A_972, %bitcast3A_984 : vector<16xf32>
        %and3A_986 = arith.andi %get3A_980, %broadcast_in_dim3A_5 : vector<16xi32>
        %bitcast3A_987 = vector.bitcast %and3A_986 : vector<16xi32> to vector<16xf32>
        %add3A_988 = arith.addf %add3A_975, %bitcast3A_987 : vector<16xf32>
        %add3A_989 = arith.constant 18 : i32
        %add3A_990 = arith.addi %mul3A_99, %add3A_989 : i32
        %get3A_991 = arith.index_cast %add3A_990 : i32 to index
        %get3A_992 = arith.constant 16 : index
        %get3A_993 = tpu.vector_load %arg6[%get3A_991, %get3A_992] {strides = array<i32>} : memref<800x32xi32, #tpu.memory_space<vmem>>, vector<16xi32>,
        %shift_left3A_994 = arith.constant 16 : i32
        %shift_left3A_995 = vector.broadcast %shift_left3A_994 : i32 to vector<16xi32>
        %shift_left3A_996 = arith.shli %get3A_993, %shift_left3A_995 : vector<16xi32>
        %bitcast3A_997 = vector.bitcast %shift_left3A_996 : vector<16xi32> to vector<16xf32>
        %add3A_998 = arith.addf %add3A_985, %bitcast3A_997 : vector<16xf32>
        %and3A_999 = arith.andi %get3A_993, %broadcast_in_dim3A_5 : vector<16xi32>
        %bitcast3A_1000 = vector.bitcast %and3A_999 : vector<16xi32> to vector<16xf32>
        %add3A_1001 = arith.addf %add3A_988, %bitcast3A_1000 : vector<16xf32>
        %add3A_1002 = arith.constant 19 : i32
        %add3A_1003 = arith.addi %mul3A_99, %add3A_1002 : i32
        %get3A_1004 = arith.index_cast %add3A_1003 : i32 to index
        %get3A_1005 = arith.constant 16 : index
        %get3A_1006 = tpu.vector_load %arg6[%get3A_1004, %get3A_1005] {strides = array<i32>} : memref<800x32xi32, #tpu.memory_space<vmem>>, vector<16xi32>,
        %shift_left3A_1007 = arith.constant 16 : i32
        %shift_left3A_1008 = vector.broadcast %shift_left3A_1007 : i32 to vector<16xi32>
        %shift_left3A_1009 = arith.shli %get3A_1006, %shift_left3A_1008 : vector<16xi32>
        %bitcast3A_1010 = vector.bitcast %shift_left3A_1009 : vector<16xi32> to vector<16xf32>
        %add3A_1011 = arith.addf %add3A_998, %bitcast3A_1010 : vector<16xf32>
        %and3A_1012 = arith.andi %get3A_1006, %broadcast_in_dim3A_5 : vector<16xi32>
        %bitcast3A_1013 = vector.bitcast %and3A_1012 : vector<16xi32> to vector<16xf32>
        %add3A_1014 = arith.addf %add3A_1001, %bitcast3A_1013 : vector<16xf32>
        %add3A_1015 = arith.constant 20 : i32
        %add3A_1016 = arith.addi %mul3A_99, %add3A_1015 : i32
        %get3A_1017 = arith.index_cast %add3A_1016 : i32 to index
        %get3A_1018 = arith.constant 16 : index
        %get3A_1019 = tpu.vector_load %arg6[%get3A_1017, %get3A_1018] {strides = array<i32>} : memref<800x32xi32, #tpu.memory_space<vmem>>, vector<16xi32>,
        %shift_left3A_1020 = arith.constant 16 : i32
        %shift_left3A_1021 = vector.broadcast %shift_left3A_1020 : i32 to vector<16xi32>
        %shift_left3A_1022 = arith.shli %get3A_1019, %shift_left3A_1021 : vector<16xi32>
        %bitcast3A_1023 = vector.bitcast %shift_left3A_1022 : vector<16xi32> to vector<16xf32>
        %add3A_1024 = arith.addf %add3A_1011, %bitcast3A_1023 : vector<16xf32>
        %and3A_1025 = arith.andi %get3A_1019, %broadcast_in_dim3A_5 : vector<16xi32>
        %bitcast3A_1026 = vector.bitcast %and3A_1025 : vector<16xi32> to vector<16xf32>
        %add3A_1027 = arith.addf %add3A_1014, %bitcast3A_1026 : vector<16xf32>
        %add3A_1028 = arith.constant 21 : i32
        %add3A_1029 = arith.addi %mul3A_99, %add3A_1028 : i32
        %get3A_1030 = arith.index_cast %add3A_1029 : i32 to index
        %get3A_1031 = arith.constant 16 : index
        %get3A_1032 = tpu.vector_load %arg6[%get3A_1030, %get3A_1031] {strides = array<i32>} : memref<800x32xi32, #tpu.memory_space<vmem>>, vector<16xi32>,
        %shift_left3A_1033 = arith.constant 16 : i32
        %shift_left3A_1034 = vector.broadcast %shift_left3A_1033 : i32 to vector<16xi32>
        %shift_left3A_1035 = arith.shli %get3A_1032, %shift_left3A_1034 : vector<16xi32>
        %bitcast3A_1036 = vector.bitcast %shift_left3A_1035 : vector<16xi32> to vector<16xf32>
        %add3A_1037 = arith.addf %add3A_1024, %bitcast3A_1036 : vector<16xf32>
        %and3A_1038 = arith.andi %get3A_1032, %broadcast_in_dim3A_5 : vector<16xi32>
        %bitcast3A_1039 = vector.bitcast %and3A_1038 : vector<16xi32> to vector<16xf32>
        %add3A_1040 = arith.addf %add3A_1027, %bitcast3A_1039 : vector<16xf32>
        %add3A_1041 = arith.constant 22 : i32
        %add3A_1042 = arith.addi %mul3A_99, %add3A_1041 : i32
        %get3A_1043 = arith.index_cast %add3A_1042 : i32 to index
        %get3A_1044 = arith.constant 16 : index
        %get3A_1045 = tpu.vector_load %arg6[%get3A_1043, %get3A_1044] {strides = array<i32>} : memref<800x32xi32, #tpu.memory_space<vmem>>, vector<16xi32>,
        %shift_left3A_1046 = arith.constant 16 : i32
        %shift_left3A_1047 = vector.broadcast %shift_left3A_1046 : i32 to vector<16xi32>
        %shift_left3A_1048 = arith.shli %get3A_1045, %shift_left3A_1047 : vector<16xi32>
        %bitcast3A_1049 = vector.bitcast %shift_left3A_1048 : vector<16xi32> to vector<16xf32>
        %add3A_1050 = arith.addf %add3A_1037, %bitcast3A_1049 : vector<16xf32>
        %and3A_1051 = arith.andi %get3A_1045, %broadcast_in_dim3A_5 : vector<16xi32>
        %bitcast3A_1052 = vector.bitcast %and3A_1051 : vector<16xi32> to vector<16xf32>
        %add3A_1053 = arith.addf %add3A_1040, %bitcast3A_1052 : vector<16xf32>
        %add3A_1054 = arith.constant 23 : i32
        %add3A_1055 = arith.addi %mul3A_99, %add3A_1054 : i32
        %get3A_1056 = arith.index_cast %add3A_1055 : i32 to index
        %get3A_1057 = arith.constant 16 : index
        %get3A_1058 = tpu.vector_load %arg6[%get3A_1056, %get3A_1057] {strides = array<i32>} : memref<800x32xi32, #tpu.memory_space<vmem>>, vector<16xi32>,
        %shift_left3A_1059 = arith.constant 16 : i32
        %shift_left3A_1060 = vector.broadcast %shift_left3A_1059 : i32 to vector<16xi32>
        %shift_left3A_1061 = arith.shli %get3A_1058, %shift_left3A_1060 : vector<16xi32>
        %bitcast3A_1062 = vector.bitcast %shift_left3A_1061 : vector<16xi32> to vector<16xf32>
        %add3A_1063 = arith.addf %add3A_1050, %bitcast3A_1062 : vector<16xf32>
        %and3A_1064 = arith.andi %get3A_1058, %broadcast_in_dim3A_5 : vector<16xi32>
        %bitcast3A_1065 = vector.bitcast %and3A_1064 : vector<16xi32> to vector<16xf32>
        %add3A_1066 = arith.addf %add3A_1053, %bitcast3A_1065 : vector<16xf32>
        %add3A_1067 = arith.constant 24 : i32
        %add3A_1068 = arith.addi %mul3A_99, %add3A_1067 : i32
        %get3A_1069 = arith.index_cast %add3A_1068 : i32 to index
        %get3A_1070 = arith.constant 16 : index
        %get3A_1071 = tpu.vector_load %arg6[%get3A_1069, %get3A_1070] {strides = array<i32>} : memref<800x32xi32, #tpu.memory_space<vmem>>, vector<16xi32>,
        %shift_left3A_1072 = arith.constant 16 : i32
        %shift_left3A_1073 = vector.broadcast %shift_left3A_1072 : i32 to vector<16xi32>
        %shift_left3A_1074 = arith.shli %get3A_1071, %shift_left3A_1073 : vector<16xi32>
        %bitcast3A_1075 = vector.bitcast %shift_left3A_1074 : vector<16xi32> to vector<16xf32>
        %add3A_1076 = arith.addf %add3A_1063, %bitcast3A_1075 : vector<16xf32>
        %and3A_1077 = arith.andi %get3A_1071, %broadcast_in_dim3A_5 : vector<16xi32>
        %bitcast3A_1078 = vector.bitcast %and3A_1077 : vector<16xi32> to vector<16xf32>
        %add3A_1079 = arith.addf %add3A_1066, %bitcast3A_1078 : vector<16xf32>
        %add3A_1080 = arith.constant 25 : i32
        %add3A_1081 = arith.addi %mul3A_99, %add3A_1080 : i32
        %get3A_1082 = arith.index_cast %add3A_1081 : i32 to index
        %get3A_1083 = arith.constant 16 : index
        %get3A_1084 = tpu.vector_load %arg6[%get3A_1082, %get3A_1083] {strides = array<i32>} : memref<800x32xi32, #tpu.memory_space<vmem>>, vector<16xi32>,
        %shift_left3A_1085 = arith.constant 16 : i32
        %shift_left3A_1086 = vector.broadcast %shift_left3A_1085 : i32 to vector<16xi32>
        %shift_left3A_1087 = arith.shli %get3A_1084, %shift_left3A_1086 : vector<16xi32>
        %bitcast3A_1088 = vector.bitcast %shift_left3A_1087 : vector<16xi32> to vector<16xf32>
        %add3A_1089 = arith.addf %add3A_1076, %bitcast3A_1088 : vector<16xf32>
        %and3A_1090 = arith.andi %get3A_1084, %broadcast_in_dim3A_5 : vector<16xi32>
        %bitcast3A_1091 = vector.bitcast %and3A_1090 : vector<16xi32> to vector<16xf32>
        %add3A_1092 = arith.addf %add3A_1079, %bitcast3A_1091 : vector<16xf32>
        %add3A_1093 = arith.constant 26 : i32
        %add3A_1094 = arith.addi %mul3A_99, %add3A_1093 : i32
        %get3A_1095 = arith.index_cast %add3A_1094 : i32 to index
        %get3A_1096 = arith.constant 16 : index
        %get3A_1097 = tpu.vector_load %arg6[%get3A_1095, %get3A_1096] {strides = array<i32>} : memref<800x32xi32, #tpu.memory_space<vmem>>, vector<16xi32>,
        %shift_left3A_1098 = arith.constant 16 : i32
        %shift_left3A_1099 = vector.broadcast %shift_left3A_1098 : i32 to vector<16xi32>
        %shift_left3A_1100 = arith.shli %get3A_1097, %shift_left3A_1099 : vector<16xi32>
        %bitcast3A_1101 = vector.bitcast %shift_left3A_1100 : vector<16xi32> to vector<16xf32>
        %add3A_1102 = arith.addf %add3A_1089, %bitcast3A_1101 : vector<16xf32>
        %and3A_1103 = arith.andi %get3A_1097, %broadcast_in_dim3A_5 : vector<16xi32>
        %bitcast3A_1104 = vector.bitcast %and3A_1103 : vector<16xi32> to vector<16xf32>
        %add3A_1105 = arith.addf %add3A_1092, %bitcast3A_1104 : vector<16xf32>
        %add3A_1106 = arith.constant 27 : i32
        %add3A_1107 = arith.addi %mul3A_99, %add3A_1106 : i32
        %get3A_1108 = arith.index_cast %add3A_1107 : i32 to index
        %get3A_1109 = arith.constant 16 : index
        %get3A_1110 = tpu.vector_load %arg6[%get3A_1108, %get3A_1109] {strides = array<i32>} : memref<800x32xi32, #tpu.memory_space<vmem>>, vector<16xi32>,
        %shift_left3A_1111 = arith.constant 16 : i32
        %shift_left3A_1112 = vector.broadcast %shift_left3A_1111 : i32 to vector<16xi32>
        %shift_left3A_1113 = arith.shli %get3A_1110, %shift_left3A_1112 : vector<16xi32>
        %bitcast3A_1114 = vector.bitcast %shift_left3A_1113 : vector<16xi32> to vector<16xf32>
        %add3A_1115 = arith.addf %add3A_1102, %bitcast3A_1114 : vector<16xf32>
        %and3A_1116 = arith.andi %get3A_1110, %broadcast_in_dim3A_5 : vector<16xi32>
        %bitcast3A_1117 = vector.bitcast %and3A_1116 : vector<16xi32> to vector<16xf32>
        %add3A_1118 = arith.addf %add3A_1105, %bitcast3A_1117 : vector<16xf32>
        %add3A_1119 = arith.constant 28 : i32
        %add3A_1120 = arith.addi %mul3A_99, %add3A_1119 : i32
        %get3A_1121 = arith.index_cast %add3A_1120 : i32 to index
        %get3A_1122 = arith.constant 16 : index
        %get3A_1123 = tpu.vector_load %arg6[%get3A_1121, %get3A_1122] {strides = array<i32>} : memref<800x32xi32, #tpu.memory_space<vmem>>, vector<16xi32>,
        %shift_left3A_1124 = arith.constant 16 : i32
        %shift_left3A_1125 = vector.broadcast %shift_left3A_1124 : i32 to vector<16xi32>
        %shift_left3A_1126 = arith.shli %get3A_1123, %shift_left3A_1125 : vector<16xi32>
        %bitcast3A_1127 = vector.bitcast %shift_left3A_1126 : vector<16xi32> to vector<16xf32>
        %add3A_1128 = arith.addf %add3A_1115, %bitcast3A_1127 : vector<16xf32>
        %and3A_1129 = arith.andi %get3A_1123, %broadcast_in_dim3A_5 : vector<16xi32>
        %bitcast3A_1130 = vector.bitcast %and3A_1129 : vector<16xi32> to vector<16xf32>
        %add3A_1131 = arith.addf %add3A_1118, %bitcast3A_1130 : vector<16xf32>
        %add3A_1132 = arith.constant 29 : i32
        %add3A_1133 = arith.addi %mul3A_99, %add3A_1132 : i32
        %get3A_1134 = arith.index_cast %add3A_1133 : i32 to index
        %get3A_1135 = arith.constant 16 : index
        %get3A_1136 = tpu.vector_load %arg6[%get3A_1134, %get3A_1135] {strides = array<i32>} : memref<800x32xi32, #tpu.memory_space<vmem>>, vector<16xi32>,
        %shift_left3A_1137 = arith.constant 16 : i32
        %shift_left3A_1138 = vector.broadcast %shift_left3A_1137 : i32 to vector<16xi32>
        %shift_left3A_1139 = arith.shli %get3A_1136, %shift_left3A_1138 : vector<16xi32>
        %bitcast3A_1140 = vector.bitcast %shift_left3A_1139 : vector<16xi32> to vector<16xf32>
        %add3A_1141 = arith.addf %add3A_1128, %bitcast3A_1140 : vector<16xf32>
        %and3A_1142 = arith.andi %get3A_1136, %broadcast_in_dim3A_5 : vector<16xi32>
        %bitcast3A_1143 = vector.bitcast %and3A_1142 : vector<16xi32> to vector<16xf32>
        %add3A_1144 = arith.addf %add3A_1131, %bitcast3A_1143 : vector<16xf32>
        %add3A_1145 = arith.constant 30 : i32
        %add3A_1146 = arith.addi %mul3A_99, %add3A_1145 : i32
        %get3A_1147 = arith.index_cast %add3A_1146 : i32 to index
        %get3A_1148 = arith.constant 16 : index
        %get3A_1149 = tpu.vector_load %arg6[%get3A_1147, %get3A_1148] {strides = array<i32>} : memref<800x32xi32, #tpu.memory_space<vmem>>, vector<16xi32>,
        %shift_left3A_1150 = arith.constant 16 : i32
        %shift_left3A_1151 = vector.broadcast %shift_left3A_1150 : i32 to vector<16xi32>
        %shift_left3A_1152 = arith.shli %get3A_1149, %shift_left3A_1151 : vector<16xi32>
        %bitcast3A_1153 = vector.bitcast %shift_left3A_1152 : vector<16xi32> to vector<16xf32>
        %add3A_1154 = arith.addf %add3A_1141, %bitcast3A_1153 : vector<16xf32>
        %and3A_1155 = arith.andi %get3A_1149, %broadcast_in_dim3A_5 : vector<16xi32>
        %bitcast3A_1156 = vector.bitcast %and3A_1155 : vector<16xi32> to vector<16xf32>
        %add3A_1157 = arith.addf %add3A_1144, %bitcast3A_1156 : vector<16xf32>
        %add3A_1158 = arith.constant 31 : i32
        %add3A_1159 = arith.addi %mul3A_99, %add3A_1158 : i32
        %get3A_1160 = arith.index_cast %add3A_1159 : i32 to index
        %get3A_1161 = arith.constant 16 : index
        %get3A_1162 = tpu.vector_load %arg6[%get3A_1160, %get3A_1161] {strides = array<i32>} : memref<800x32xi32, #tpu.memory_space<vmem>>, vector<16xi32>,
        %shift_left3A_1163 = arith.constant 16 : i32
        %shift_left3A_1164 = vector.broadcast %shift_left3A_1163 : i32 to vector<16xi32>
        %shift_left3A_1165 = arith.shli %get3A_1162, %shift_left3A_1164 : vector<16xi32>
        %bitcast3A_1166 = vector.bitcast %shift_left3A_1165 : vector<16xi32> to vector<16xf32>
        %add3A_1167 = arith.addf %add3A_1154, %bitcast3A_1166 : vector<16xf32>
        %and3A_1168 = arith.andi %get3A_1162, %broadcast_in_dim3A_5 : vector<16xi32>
        %bitcast3A_1169 = vector.bitcast %and3A_1168 : vector<16xi32> to vector<16xf32>
        %add3A_1170 = arith.addf %add3A_1157, %bitcast3A_1169 : vector<16xf32>
        %add3A_1171 = arith.constant 32 : i32
        %add3A_1172 = arith.addi %mul3A_99, %add3A_1171 : i32
        %get3A_1173 = arith.index_cast %add3A_1172 : i32 to index
        %get3A_1174 = arith.constant 16 : index
        %get3A_1175 = tpu.vector_load %arg6[%get3A_1173, %get3A_1174] {strides = array<i32>} : memref<800x32xi32, #tpu.memory_space<vmem>>, vector<16xi32>,
        %shift_left3A_1176 = arith.constant 16 : i32
        %shift_left3A_1177 = vector.broadcast %shift_left3A_1176 : i32 to vector<16xi32>
        %shift_left3A_1178 = arith.shli %get3A_1175, %shift_left3A_1177 : vector<16xi32>
        %bitcast3A_1179 = vector.bitcast %shift_left3A_1178 : vector<16xi32> to vector<16xf32>
        %add3A_1180 = arith.addf %add3A_1167, %bitcast3A_1179 : vector<16xf32>
        %and3A_1181 = arith.andi %get3A_1175, %broadcast_in_dim3A_5 : vector<16xi32>
        %bitcast3A_1182 = vector.bitcast %and3A_1181 : vector<16xi32> to vector<16xf32>
        %add3A_1183 = arith.addf %add3A_1170, %bitcast3A_1182 : vector<16xf32>
        %add3A_1184 = arith.constant 33 : i32
        %add3A_1185 = arith.addi %mul3A_99, %add3A_1184 : i32
        %get3A_1186 = arith.index_cast %add3A_1185 : i32 to index
        %get3A_1187 = arith.constant 16 : index
        %get3A_1188 = tpu.vector_load %arg6[%get3A_1186, %get3A_1187] {strides = array<i32>} : memref<800x32xi32, #tpu.memory_space<vmem>>, vector<16xi32>,
        %shift_left3A_1189 = arith.constant 16 : i32
        %shift_left3A_1190 = vector.broadcast %shift_left3A_1189 : i32 to vector<16xi32>
        %shift_left3A_1191 = arith.shli %get3A_1188, %shift_left3A_1190 : vector<16xi32>
        %bitcast3A_1192 = vector.bitcast %shift_left3A_1191 : vector<16xi32> to vector<16xf32>
        %add3A_1193 = arith.addf %add3A_1180, %bitcast3A_1192 : vector<16xf32>
        %and3A_1194 = arith.andi %get3A_1188, %broadcast_in_dim3A_5 : vector<16xi32>
        %bitcast3A_1195 = vector.bitcast %and3A_1194 : vector<16xi32> to vector<16xf32>
        %add3A_1196 = arith.addf %add3A_1183, %bitcast3A_1195 : vector<16xf32>
        %add3A_1197 = arith.constant 34 : i32
        %add3A_1198 = arith.addi %mul3A_99, %add3A_1197 : i32
        %get3A_1199 = arith.index_cast %add3A_1198 : i32 to index
        %get3A_1200 = arith.constant 16 : index
        %get3A_1201 = tpu.vector_load %arg6[%get3A_1199, %get3A_1200] {strides = array<i32>} : memref<800x32xi32, #tpu.memory_space<vmem>>, vector<16xi32>,
        %shift_left3A_1202 = arith.constant 16 : i32
        %shift_left3A_1203 = vector.broadcast %shift_left3A_1202 : i32 to vector<16xi32>
        %shift_left3A_1204 = arith.shli %get3A_1201, %shift_left3A_1203 : vector<16xi32>
        %bitcast3A_1205 = vector.bitcast %shift_left3A_1204 : vector<16xi32> to vector<16xf32>
        %add3A_1206 = arith.addf %add3A_1193, %bitcast3A_1205 : vector<16xf32>
        %and3A_1207 = arith.andi %get3A_1201, %broadcast_in_dim3A_5 : vector<16xi32>
        %bitcast3A_1208 = vector.bitcast %and3A_1207 : vector<16xi32> to vector<16xf32>
        %add3A_1209 = arith.addf %add3A_1196, %bitcast3A_1208 : vector<16xf32>
        %add3A_1210 = arith.constant 35 : i32
        %add3A_1211 = arith.addi %mul3A_99, %add3A_1210 : i32
        %get3A_1212 = arith.index_cast %add3A_1211 : i32 to index
        %get3A_1213 = arith.constant 16 : index
        %get3A_1214 = tpu.vector_load %arg6[%get3A_1212, %get3A_1213] {strides = array<i32>} : memref<800x32xi32, #tpu.memory_space<vmem>>, vector<16xi32>,
        %shift_left3A_1215 = arith.constant 16 : i32
        %shift_left3A_1216 = vector.broadcast %shift_left3A_1215 : i32 to vector<16xi32>
        %shift_left3A_1217 = arith.shli %get3A_1214, %shift_left3A_1216 : vector<16xi32>
        %bitcast3A_1218 = vector.bitcast %shift_left3A_1217 : vector<16xi32> to vector<16xf32>
        %add3A_1219 = arith.addf %add3A_1206, %bitcast3A_1218 : vector<16xf32>
        %and3A_1220 = arith.andi %get3A_1214, %broadcast_in_dim3A_5 : vector<16xi32>
        %bitcast3A_1221 = vector.bitcast %and3A_1220 : vector<16xi32> to vector<16xf32>
        %add3A_1222 = arith.addf %add3A_1209, %bitcast3A_1221 : vector<16xf32>
        %add3A_1223 = arith.constant 36 : i32
        %add3A_1224 = arith.addi %mul3A_99, %add3A_1223 : i32
        %get3A_1225 = arith.index_cast %add3A_1224 : i32 to index
        %get3A_1226 = arith.constant 16 : index
        %get3A_1227 = tpu.vector_load %arg6[%get3A_1225, %get3A_1226] {strides = array<i32>} : memref<800x32xi32, #tpu.memory_space<vmem>>, vector<16xi32>,
        %shift_left3A_1228 = arith.constant 16 : i32
        %shift_left3A_1229 = vector.broadcast %shift_left3A_1228 : i32 to vector<16xi32>
        %shift_left3A_1230 = arith.shli %get3A_1227, %shift_left3A_1229 : vector<16xi32>
        %bitcast3A_1231 = vector.bitcast %shift_left3A_1230 : vector<16xi32> to vector<16xf32>
        %add3A_1232 = arith.addf %add3A_1219, %bitcast3A_1231 : vector<16xf32>
        %and3A_1233 = arith.andi %get3A_1227, %broadcast_in_dim3A_5 : vector<16xi32>
        %bitcast3A_1234 = vector.bitcast %and3A_1233 : vector<16xi32> to vector<16xf32>
        %add3A_1235 = arith.addf %add3A_1222, %bitcast3A_1234 : vector<16xf32>
        %add3A_1236 = arith.constant 37 : i32
        %add3A_1237 = arith.addi %mul3A_99, %add3A_1236 : i32
        %get3A_1238 = arith.index_cast %add3A_1237 : i32 to index
        %get3A_1239 = arith.constant 16 : index
        %get3A_1240 = tpu.vector_load %arg6[%get3A_1238, %get3A_1239] {strides = array<i32>} : memref<800x32xi32, #tpu.memory_space<vmem>>, vector<16xi32>,
        %shift_left3A_1241 = arith.constant 16 : i32
        %shift_left3A_1242 = vector.broadcast %shift_left3A_1241 : i32 to vector<16xi32>
        %shift_left3A_1243 = arith.shli %get3A_1240, %shift_left3A_1242 : vector<16xi32>
        %bitcast3A_1244 = vector.bitcast %shift_left3A_1243 : vector<16xi32> to vector<16xf32>
        %add3A_1245 = arith.addf %add3A_1232, %bitcast3A_1244 : vector<16xf32>
        %and3A_1246 = arith.andi %get3A_1240, %broadcast_in_dim3A_5 : vector<16xi32>
        %bitcast3A_1247 = vector.bitcast %and3A_1246 : vector<16xi32> to vector<16xf32>
        %add3A_1248 = arith.addf %add3A_1235, %bitcast3A_1247 : vector<16xf32>
        %add3A_1249 = arith.constant 38 : i32
        %add3A_1250 = arith.addi %mul3A_99, %add3A_1249 : i32
        %get3A_1251 = arith.index_cast %add3A_1250 : i32 to index
        %get3A_1252 = arith.constant 16 : index
        %get3A_1253 = tpu.vector_load %arg6[%get3A_1251, %get3A_1252] {strides = array<i32>} : memref<800x32xi32, #tpu.memory_space<vmem>>, vector<16xi32>,
        %shift_left3A_1254 = arith.constant 16 : i32
        %shift_left3A_1255 = vector.broadcast %shift_left3A_1254 : i32 to vector<16xi32>
        %shift_left3A_1256 = arith.shli %get3A_1253, %shift_left3A_1255 : vector<16xi32>
        %bitcast3A_1257 = vector.bitcast %shift_left3A_1256 : vector<16xi32> to vector<16xf32>
        %add3A_1258 = arith.addf %add3A_1245, %bitcast3A_1257 : vector<16xf32>
        %and3A_1259 = arith.andi %get3A_1253, %broadcast_in_dim3A_5 : vector<16xi32>
        %bitcast3A_1260 = vector.bitcast %and3A_1259 : vector<16xi32> to vector<16xf32>
        %add3A_1261 = arith.addf %add3A_1248, %bitcast3A_1260 : vector<16xf32>
        %add3A_1262 = arith.constant 39 : i32
        %add3A_1263 = arith.addi %mul3A_99, %add3A_1262 : i32
        %get3A_1264 = arith.index_cast %add3A_1263 : i32 to index
        %get3A_1265 = arith.constant 16 : index
        %get3A_1266 = tpu.vector_load %arg6[%get3A_1264, %get3A_1265] {strides = array<i32>} : memref<800x32xi32, #tpu.memory_space<vmem>>, vector<16xi32>,
        %shift_left3A_1267 = arith.constant 16 : i32
        %shift_left3A_1268 = vector.broadcast %shift_left3A_1267 : i32 to vector<16xi32>
        %shift_left3A_1269 = arith.shli %get3A_1266, %shift_left3A_1268 : vector<16xi32>
        %bitcast3A_1270 = vector.bitcast %shift_left3A_1269 : vector<16xi32> to vector<16xf32>
        %add3A_1271 = arith.addf %add3A_1258, %bitcast3A_1270 : vector<16xf32>
        %and3A_1272 = arith.andi %get3A_1266, %broadcast_in_dim3A_5 : vector<16xi32>
        %bitcast3A_1273 = vector.bitcast %and3A_1272 : vector<16xi32> to vector<16xf32>
        %add3A_1274 = arith.addf %add3A_1261, %bitcast3A_1273 : vector<16xf32>
        %add3A_1275 = arith.constant 40 : i32
        %add3A_1276 = arith.addi %mul3A_99, %add3A_1275 : i32
        %get3A_1277 = arith.index_cast %add3A_1276 : i32 to index
        %get3A_1278 = arith.constant 16 : index
        %get3A_1279 = tpu.vector_load %arg6[%get3A_1277, %get3A_1278] {strides = array<i32>} : memref<800x32xi32, #tpu.memory_space<vmem>>, vector<16xi32>,
        %shift_left3A_1280 = arith.constant 16 : i32
        %shift_left3A_1281 = vector.broadcast %shift_left3A_1280 : i32 to vector<16xi32>
        %shift_left3A_1282 = arith.shli %get3A_1279, %shift_left3A_1281 : vector<16xi32>
        %bitcast3A_1283 = vector.bitcast %shift_left3A_1282 : vector<16xi32> to vector<16xf32>
        %add3A_1284 = arith.addf %add3A_1271, %bitcast3A_1283 : vector<16xf32>
        %and3A_1285 = arith.andi %get3A_1279, %broadcast_in_dim3A_5 : vector<16xi32>
        %bitcast3A_1286 = vector.bitcast %and3A_1285 : vector<16xi32> to vector<16xf32>
        %add3A_1287 = arith.addf %add3A_1274, %bitcast3A_1286 : vector<16xf32>
        %add3A_1288 = arith.constant 41 : i32
        %add3A_1289 = arith.addi %mul3A_99, %add3A_1288 : i32
        %get3A_1290 = arith.index_cast %add3A_1289 : i32 to index
        %get3A_1291 = arith.constant 16 : index
        %get3A_1292 = tpu.vector_load %arg6[%get3A_1290, %get3A_1291] {strides = array<i32>} : memref<800x32xi32, #tpu.memory_space<vmem>>, vector<16xi32>,
        %shift_left3A_1293 = arith.constant 16 : i32
        %shift_left3A_1294 = vector.broadcast %shift_left3A_1293 : i32 to vector<16xi32>
        %shift_left3A_1295 = arith.shli %get3A_1292, %shift_left3A_1294 : vector<16xi32>
        %bitcast3A_1296 = vector.bitcast %shift_left3A_1295 : vector<16xi32> to vector<16xf32>
        %add3A_1297 = arith.addf %add3A_1284, %bitcast3A_1296 : vector<16xf32>
        %and3A_1298 = arith.andi %get3A_1292, %broadcast_in_dim3A_5 : vector<16xi32>
        %bitcast3A_1299 = vector.bitcast %and3A_1298 : vector<16xi32> to vector<16xf32>
        %add3A_1300 = arith.addf %add3A_1287, %bitcast3A_1299 : vector<16xf32>
        %add3A_1301 = arith.constant 42 : i32
        %add3A_1302 = arith.addi %mul3A_99, %add3A_1301 : i32
        %get3A_1303 = arith.index_cast %add3A_1302 : i32 to index
        %get3A_1304 = arith.constant 16 : index
        %get3A_1305 = tpu.vector_load %arg6[%get3A_1303, %get3A_1304] {strides = array<i32>} : memref<800x32xi32, #tpu.memory_space<vmem>>, vector<16xi32>,
        %shift_left3A_1306 = arith.constant 16 : i32
        %shift_left3A_1307 = vector.broadcast %shift_left3A_1306 : i32 to vector<16xi32>
        %shift_left3A_1308 = arith.shli %get3A_1305, %shift_left3A_1307 : vector<16xi32>
        %bitcast3A_1309 = vector.bitcast %shift_left3A_1308 : vector<16xi32> to vector<16xf32>
        %add3A_1310 = arith.addf %add3A_1297, %bitcast3A_1309 : vector<16xf32>
        %and3A_1311 = arith.andi %get3A_1305, %broadcast_in_dim3A_5 : vector<16xi32>
        %bitcast3A_1312 = vector.bitcast %and3A_1311 : vector<16xi32> to vector<16xf32>
        %add3A_1313 = arith.addf %add3A_1300, %bitcast3A_1312 : vector<16xf32>
        %add3A_1314 = arith.constant 43 : i32
        %add3A_1315 = arith.addi %mul3A_99, %add3A_1314 : i32
        %get3A_1316 = arith.index_cast %add3A_1315 : i32 to index
        %get3A_1317 = arith.constant 16 : index
        %get3A_1318 = tpu.vector_load %arg6[%get3A_1316, %get3A_1317] {strides = array<i32>} : memref<800x32xi32, #tpu.memory_space<vmem>>, vector<16xi32>,
        %shift_left3A_1319 = arith.constant 16 : i32
        %shift_left3A_1320 = vector.broadcast %shift_left3A_1319 : i32 to vector<16xi32>
        %shift_left3A_1321 = arith.shli %get3A_1318, %shift_left3A_1320 : vector<16xi32>
        %bitcast3A_1322 = vector.bitcast %shift_left3A_1321 : vector<16xi32> to vector<16xf32>
        %add3A_1323 = arith.addf %add3A_1310, %bitcast3A_1322 : vector<16xf32>
        %and3A_1324 = arith.andi %get3A_1318, %broadcast_in_dim3A_5 : vector<16xi32>
        %bitcast3A_1325 = vector.bitcast %and3A_1324 : vector<16xi32> to vector<16xf32>
        %add3A_1326 = arith.addf %add3A_1313, %bitcast3A_1325 : vector<16xf32>
        %add3A_1327 = arith.constant 44 : i32
        %add3A_1328 = arith.addi %mul3A_99, %add3A_1327 : i32
        %get3A_1329 = arith.index_cast %add3A_1328 : i32 to index
        %get3A_1330 = arith.constant 16 : index
        %get3A_1331 = tpu.vector_load %arg6[%get3A_1329, %get3A_1330] {strides = array<i32>} : memref<800x32xi32, #tpu.memory_space<vmem>>, vector<16xi32>,
        %shift_left3A_1332 = arith.constant 16 : i32
        %shift_left3A_1333 = vector.broadcast %shift_left3A_1332 : i32 to vector<16xi32>
        %shift_left3A_1334 = arith.shli %get3A_1331, %shift_left3A_1333 : vector<16xi32>
        %bitcast3A_1335 = vector.bitcast %shift_left3A_1334 : vector<16xi32> to vector<16xf32>
        %add3A_1336 = arith.addf %add3A_1323, %bitcast3A_1335 : vector<16xf32>
        %and3A_1337 = arith.andi %get3A_1331, %broadcast_in_dim3A_5 : vector<16xi32>
        %bitcast3A_1338 = vector.bitcast %and3A_1337 : vector<16xi32> to vector<16xf32>
        %add3A_1339 = arith.addf %add3A_1326, %bitcast3A_1338 : vector<16xf32>
        %add3A_1340 = arith.constant 45 : i32
        %add3A_1341 = arith.addi %mul3A_99, %add3A_1340 : i32
        %get3A_1342 = arith.index_cast %add3A_1341 : i32 to index
        %get3A_1343 = arith.constant 16 : index
        %get3A_1344 = tpu.vector_load %arg6[%get3A_1342, %get3A_1343] {strides = array<i32>} : memref<800x32xi32, #tpu.memory_space<vmem>>, vector<16xi32>,
        %shift_left3A_1345 = arith.constant 16 : i32
        %shift_left3A_1346 = vector.broadcast %shift_left3A_1345 : i32 to vector<16xi32>
        %shift_left3A_1347 = arith.shli %get3A_1344, %shift_left3A_1346 : vector<16xi32>
        %bitcast3A_1348 = vector.bitcast %shift_left3A_1347 : vector<16xi32> to vector<16xf32>
        %add3A_1349 = arith.addf %add3A_1336, %bitcast3A_1348 : vector<16xf32>
        %and3A_1350 = arith.andi %get3A_1344, %broadcast_in_dim3A_5 : vector<16xi32>
        %bitcast3A_1351 = vector.bitcast %and3A_1350 : vector<16xi32> to vector<16xf32>
        %add3A_1352 = arith.addf %add3A_1339, %bitcast3A_1351 : vector<16xf32>
        %add3A_1353 = arith.constant 46 : i32
        %add3A_1354 = arith.addi %mul3A_99, %add3A_1353 : i32
        %get3A_1355 = arith.index_cast %add3A_1354 : i32 to index
        %get3A_1356 = arith.constant 16 : index
        %get3A_1357 = tpu.vector_load %arg6[%get3A_1355, %get3A_1356] {strides = array<i32>} : memref<800x32xi32, #tpu.memory_space<vmem>>, vector<16xi32>,
        %shift_left3A_1358 = arith.constant 16 : i32
        %shift_left3A_1359 = vector.broadcast %shift_left3A_1358 : i32 to vector<16xi32>
        %shift_left3A_1360 = arith.shli %get3A_1357, %shift_left3A_1359 : vector<16xi32>
        %bitcast3A_1361 = vector.bitcast %shift_left3A_1360 : vector<16xi32> to vector<16xf32>
        %add3A_1362 = arith.addf %add3A_1349, %bitcast3A_1361 : vector<16xf32>
        %and3A_1363 = arith.andi %get3A_1357, %broadcast_in_dim3A_5 : vector<16xi32>
        %bitcast3A_1364 = vector.bitcast %and3A_1363 : vector<16xi32> to vector<16xf32>
        %add3A_1365 = arith.addf %add3A_1352, %bitcast3A_1364 : vector<16xf32>
        %add3A_1366 = arith.constant 47 : i32
        %add3A_1367 = arith.addi %mul3A_99, %add3A_1366 : i32
        %get3A_1368 = arith.index_cast %add3A_1367 : i32 to index
        %get3A_1369 = arith.constant 16 : index
        %get3A_1370 = tpu.vector_load %arg6[%get3A_1368, %get3A_1369] {strides = array<i32>} : memref<800x32xi32, #tpu.memory_space<vmem>>, vector<16xi32>,
        %shift_left3A_1371 = arith.constant 16 : i32
        %shift_left3A_1372 = vector.broadcast %shift_left3A_1371 : i32 to vector<16xi32>
        %shift_left3A_1373 = arith.shli %get3A_1370, %shift_left3A_1372 : vector<16xi32>
        %bitcast3A_1374 = vector.bitcast %shift_left3A_1373 : vector<16xi32> to vector<16xf32>
        %add3A_1375 = arith.addf %add3A_1362, %bitcast3A_1374 : vector<16xf32>
        %and3A_1376 = arith.andi %get3A_1370, %broadcast_in_dim3A_5 : vector<16xi32>
        %bitcast3A_1377 = vector.bitcast %and3A_1376 : vector<16xi32> to vector<16xf32>
        %add3A_1378 = arith.addf %add3A_1365, %bitcast3A_1377 : vector<16xf32>
        %add3A_1379 = arith.constant 48 : i32
        %add3A_1380 = arith.addi %mul3A_99, %add3A_1379 : i32
        %get3A_1381 = arith.index_cast %add3A_1380 : i32 to index
        %get3A_1382 = arith.constant 16 : index
        %get3A_1383 = tpu.vector_load %arg6[%get3A_1381, %get3A_1382] {strides = array<i32>} : memref<800x32xi32, #tpu.memory_space<vmem>>, vector<16xi32>,
        %shift_left3A_1384 = arith.constant 16 : i32
        %shift_left3A_1385 = vector.broadcast %shift_left3A_1384 : i32 to vector<16xi32>
        %shift_left3A_1386 = arith.shli %get3A_1383, %shift_left3A_1385 : vector<16xi32>
        %bitcast3A_1387 = vector.bitcast %shift_left3A_1386 : vector<16xi32> to vector<16xf32>
        %add3A_1388 = arith.addf %add3A_1375, %bitcast3A_1387 : vector<16xf32>
        %and3A_1389 = arith.andi %get3A_1383, %broadcast_in_dim3A_5 : vector<16xi32>
        %bitcast3A_1390 = vector.bitcast %and3A_1389 : vector<16xi32> to vector<16xf32>
        %add3A_1391 = arith.addf %add3A_1378, %bitcast3A_1390 : vector<16xf32>
        %add3A_1392 = arith.constant 49 : i32
        %add3A_1393 = arith.addi %mul3A_99, %add3A_1392 : i32
        %get3A_1394 = arith.index_cast %add3A_1393 : i32 to index
        %get3A_1395 = arith.constant 16 : index
        %get3A_1396 = tpu.vector_load %arg6[%get3A_1394, %get3A_1395] {strides = array<i32>} : memref<800x32xi32, #tpu.memory_space<vmem>>, vector<16xi32>,
        %shift_left3A_1397 = arith.constant 16 : i32
        %shift_left3A_1398 = vector.broadcast %shift_left3A_1397 : i32 to vector<16xi32>
        %shift_left3A_1399 = arith.shli %get3A_1396, %shift_left3A_1398 : vector<16xi32>
        %bitcast3A_1400 = vector.bitcast %shift_left3A_1399 : vector<16xi32> to vector<16xf32>
        %add3A_1401 = arith.addf %add3A_1388, %bitcast3A_1400 : vector<16xf32>
        %and3A_1402 = arith.andi %get3A_1396, %broadcast_in_dim3A_5 : vector<16xi32>
        %bitcast3A_1403 = vector.bitcast %and3A_1402 : vector<16xi32> to vector<16xf32>
        %add3A_1404 = arith.addf %add3A_1391, %bitcast3A_1403 : vector<16xf32>
        tpu.vector_store_idx %arg8[%add3A_23, %broadcast_in_dim3A_100], %add3A_1401 : memref<64x16xf32, #tpu.memory_space<vmem>>[vector<16xi32>, vector<16xi32>], vector<16xf32>,
        tpu.vector_store_idx %arg8[%add3A_29, %broadcast_in_dim3A_100], %add3A_1404 : memref<64x16xf32, #tpu.memory_space<vmem>>[vector<16xi32>, vector<16xi32>], vector<16xf32>,
      }
      %scan3A_65 = arith.constant 16 : i32
      %mul3A_66 = arith.constant 16 : i32
      %mul3A_67 = arith.muli %mul3A_45, %mul3A_66 : i32
      %add3A_68 = arith.addi %mul3A_2, %mul3A_67 : i32
      "tpu.region"() ({
        %run_scoped3A = tpu.sem_alloc : memref<!tpu.dma_semaphore, #tpu.memory_space<semaphore_mem>>
        %dma_start3A_97 = arith.constant 0 : i32
        %dma_start3A_98 = tpu.memref_slice %arg4[%dma_start3A_97, %add3A_68] : memref<64x16384xf32, #tpu.memory_space<hbm>> -> memref<64x16xf32, #tpu.memory_space<hbm>>
        %dma_start3A_99 = arith.constant 0 : i32
        %dma_start3A_100 = tpu.memref_slice %arg4[%dma_start3A_99, %add3A_68] : memref<64x16384xf32, #tpu.memory_space<hbm>> -> memref<64x16xf32, #tpu.memory_space<hbm>>
        tpu.enqueue_dma source(%arg8 : memref<64x16xf32, #tpu.memory_space<vmem>>) target(%dma_start3A_100 : memref<64x16xf32, #tpu.memory_space<hbm>>) target_semaphore(%run_scoped3A : memref<!tpu.dma_semaphore, #tpu.memory_space<semaphore_mem>>)
        %dma_wait3A_101 = arith.constant 0 : i32
        %dma_wait3A_102 = tpu.memref_slice %arg4[%dma_wait3A_101, %add3A_68] : memref<64x16384xf32, #tpu.memory_space<hbm>> -> memref<64x16xf32, #tpu.memory_space<hbm>>
        %dma_wait3A_103 = arith.constant 0 : i32
        %dma_wait3A_104 = tpu.memref_slice %arg4[%dma_wait3A_103, %add3A_68] : memref<64x16384xf32, #tpu.memory_space<hbm>> -> memref<64x16xf32, #tpu.memory_space<hbm>>
        tpu.wait_dma2 semaphore(%run_scoped3A : memref<!tpu.dma_semaphore, #tpu.memory_space<semaphore_mem>>) src(%arg8 : memref<64x16xf32, #tpu.memory_space<vmem>>) dst(%dma_wait3A_104 : memref<64x16xf32, #tpu.memory_space<hbm>>)
        tpu.yield
      }) : () -> ()
      %add3A_69 = arith.constant 1 : i32
      %add3A_70 = arith.addi %mul3A_45, %add3A_69 : i32
      %mul3A_71 = arith.constant 800 : i32
      %mul3A_72 = arith.muli %add3A_70, %mul3A_71 : i32
      %dma_wait3A_73 = tpu.memref_slice %arg5[%mul3A_72] : memref<25600xi32, #tpu.memory_space<vmem>> -> memref<800xi32, #tpu.memory_space<vmem>>
      %dma_wait3A_74 = arith.constant 0 : i32
      %dma_wait3A_75 = arith.constant 0 : i32
      %dma_wait3A_76 = tpu.memref_slice %arg2[%dma_wait3A_74, %dma_wait3A_75] : memref<51200x32xi32, #tpu.memory_space<hbm>> -> memref<51200x32xi32, #tpu.memory_space<hbm>>
      tpu.wait_indirect_dma semaphore(%arg10 : memref<!tpu.dma_semaphore, #tpu.memory_space<semaphore_mem>>) src(%dma_wait3A_76 : memref<51200x32xi32, #tpu.memory_space<hbm>>) dst(%arg7 : memref<800x32xi32, #tpu.memory_space<vmem>>)
      %add3A_77 = arith.constant 2 : i32
      %add3A_78 = arith.addi %mul3A_45, %add3A_77 : i32
      %min3A = arith.constant 31 : i32
      %min3A_79 = arith.minsi %add3A_78, %min3A : i32
      %mul3A_80 = arith.constant 800 : i32
      %mul3A_81 = arith.muli %min3A_79, %mul3A_80 : i32
      %dma_start3A_82 = tpu.memref_slice %arg5[%mul3A_81] : memref<25600xi32, #tpu.memory_space<vmem>> -> memref<800xi32, #tpu.memory_space<vmem>>
      %dma_start3A_83 = arith.constant 0 : i32
      %dma_start3A_84 = arith.constant 0 : i32
      %dma_start3A_85 = tpu.memref_slice %arg2[%dma_start3A_83, %dma_start3A_84] : memref<51200x32xi32, #tpu.memory_space<hbm>> -> memref<51200x32xi32, #tpu.memory_space<hbm>>
      tpu.enqueue_indirect_dma source(%dma_start3A_85 : memref<51200x32xi32, #tpu.memory_space<hbm>>) target(%arg6 : memref<800x32xi32, #tpu.memory_space<vmem>>) offsets(%dma_start3A_82 : memref<800xi32, #tpu.memory_space<vmem>>) semaphore(%arg9 : memref<!tpu.dma_semaphore, #tpu.memory_space<semaphore_mem>>)
      %add3A_86 = arith.constant 1 : i32
      %add3A_87 = arith.addi %mul3A_45, %add3A_86 : i32
      %scan3A_88 = arith.constant 0 : i32
      %scan3A_89 = arith.constant 0 : i32
      %scan3A_90 = arith.constant 16 : i32
      %scan3A_91 = arith.addi %scan3A_89, %scan3A_90 : i32
      %scan3A_92 = arith.constant 1 : i32
      scf.for %scan3A_97 = %scan3A_89 to %scan3A_91 step %scan3A_92  : i32 {
        %mul3A_98 = arith.constant 50 : i32
        %mul3A_99 = arith.muli %scan3A_97, %mul3A_98 : i32
        %broadcast_in_dim3A_100 = vector.broadcast %scan3A_97 : i32 to vector<16xi32>
        %broadcast_in_dim3A_101 = arith.constant 0.000000e+00 : f32
        %broadcast_in_dim3A_102 = vector.broadcast %broadcast_in_dim3A_101 : f32 to vector<16xf32>
        %broadcast_in_dim3A_103 = arith.constant 0.000000e+00 : f32
        %broadcast_in_dim3A_104 = vector.broadcast %broadcast_in_dim3A_103 : f32 to vector<16xf32>
        %add3A_105 = arith.constant 0 : i32
        %add3A_106 = arith.addi %mul3A_99, %add3A_105 : i32
        %get3A = arith.index_cast %add3A_106 : i32 to index
        %get3A_107 = arith.constant 0 : index
        %get3A_108 = tpu.vector_load %arg7[%get3A, %get3A_107] {strides = array<i32>} : memref<800x32xi32, #tpu.memory_space<vmem>>, vector<16xi32>,
        %shift_left3A = arith.constant 16 : i32
        %shift_left3A_109 = vector.broadcast %shift_left3A : i32 to vector<16xi32>
        %shift_left3A_110 = arith.shli %get3A_108, %shift_left3A_109 : vector<16xi32>
        %bitcast3A = vector.bitcast %shift_left3A_110 : vector<16xi32> to vector<16xf32>
        %add3A_111 = arith.addf %broadcast_in_dim3A_102, %bitcast3A : vector<16xf32>
        %and3A = arith.andi %get3A_108, %broadcast_in_dim3A_5 : vector<16xi32>
        %bitcast3A_112 = vector.bitcast %and3A : vector<16xi32> to vector<16xf32>
        %add3A_113 = arith.addf %broadcast_in_dim3A_104, %bitcast3A_112 : vector<16xf32>
        %add3A_114 = arith.constant 1 : i32
        %add3A_115 = arith.addi %mul3A_99, %add3A_114 : i32
        %get3A_116 = arith.index_cast %add3A_115 : i32 to index
        %get3A_117 = arith.constant 0 : index
        %get3A_118 = tpu.vector_load %arg7[%get3A_116, %get3A_117] {strides = array<i32>} : memref<800x32xi32, #tpu.memory_space<vmem>>, vector<16xi32>,
        %shift_left3A_119 = arith.constant 16 : i32
        %shift_left3A_120 = vector.broadcast %shift_left3A_119 : i32 to vector<16xi32>
        %shift_left3A_121 = arith.shli %get3A_118, %shift_left3A_120 : vector<16xi32>
        %bitcast3A_122 = vector.bitcast %shift_left3A_121 : vector<16xi32> to vector<16xf32>
        %add3A_123 = arith.addf %add3A_111, %bitcast3A_122 : vector<16xf32>
        %and3A_124 = arith.andi %get3A_118, %broadcast_in_dim3A_5 : vector<16xi32>
        %bitcast3A_125 = vector.bitcast %and3A_124 : vector<16xi32> to vector<16xf32>
        %add3A_126 = arith.addf %add3A_113, %bitcast3A_125 : vector<16xf32>
        %add3A_127 = arith.constant 2 : i32
        %add3A_128 = arith.addi %mul3A_99, %add3A_127 : i32
        %get3A_129 = arith.index_cast %add3A_128 : i32 to index
        %get3A_130 = arith.constant 0 : index
        %get3A_131 = tpu.vector_load %arg7[%get3A_129, %get3A_130] {strides = array<i32>} : memref<800x32xi32, #tpu.memory_space<vmem>>, vector<16xi32>,
        %shift_left3A_132 = arith.constant 16 : i32
        %shift_left3A_133 = vector.broadcast %shift_left3A_132 : i32 to vector<16xi32>
        %shift_left3A_134 = arith.shli %get3A_131, %shift_left3A_133 : vector<16xi32>
        %bitcast3A_135 = vector.bitcast %shift_left3A_134 : vector<16xi32> to vector<16xf32>
        %add3A_136 = arith.addf %add3A_123, %bitcast3A_135 : vector<16xf32>
        %and3A_137 = arith.andi %get3A_131, %broadcast_in_dim3A_5 : vector<16xi32>
        %bitcast3A_138 = vector.bitcast %and3A_137 : vector<16xi32> to vector<16xf32>
        %add3A_139 = arith.addf %add3A_126, %bitcast3A_138 : vector<16xf32>
        %add3A_140 = arith.constant 3 : i32
        %add3A_141 = arith.addi %mul3A_99, %add3A_140 : i32
        %get3A_142 = arith.index_cast %add3A_141 : i32 to index
        %get3A_143 = arith.constant 0 : index
        %get3A_144 = tpu.vector_load %arg7[%get3A_142, %get3A_143] {strides = array<i32>} : memref<800x32xi32, #tpu.memory_space<vmem>>, vector<16xi32>,
        %shift_left3A_145 = arith.constant 16 : i32
        %shift_left3A_146 = vector.broadcast %shift_left3A_145 : i32 to vector<16xi32>
        %shift_left3A_147 = arith.shli %get3A_144, %shift_left3A_146 : vector<16xi32>
        %bitcast3A_148 = vector.bitcast %shift_left3A_147 : vector<16xi32> to vector<16xf32>
        %add3A_149 = arith.addf %add3A_136, %bitcast3A_148 : vector<16xf32>
        %and3A_150 = arith.andi %get3A_144, %broadcast_in_dim3A_5 : vector<16xi32>
        %bitcast3A_151 = vector.bitcast %and3A_150 : vector<16xi32> to vector<16xf32>
        %add3A_152 = arith.addf %add3A_139, %bitcast3A_151 : vector<16xf32>
        %add3A_153 = arith.constant 4 : i32
        %add3A_154 = arith.addi %mul3A_99, %add3A_153 : i32
        %get3A_155 = arith.index_cast %add3A_154 : i32 to index
        %get3A_156 = arith.constant 0 : index
        %get3A_157 = tpu.vector_load %arg7[%get3A_155, %get3A_156] {strides = array<i32>} : memref<800x32xi32, #tpu.memory_space<vmem>>, vector<16xi32>,
        %shift_left3A_158 = arith.constant 16 : i32
        %shift_left3A_159 = vector.broadcast %shift_left3A_158 : i32 to vector<16xi32>
        %shift_left3A_160 = arith.shli %get3A_157, %shift_left3A_159 : vector<16xi32>
        %bitcast3A_161 = vector.bitcast %shift_left3A_160 : vector<16xi32> to vector<16xf32>
        %add3A_162 = arith.addf %add3A_149, %bitcast3A_161 : vector<16xf32>
        %and3A_163 = arith.andi %get3A_157, %broadcast_in_dim3A_5 : vector<16xi32>
        %bitcast3A_164 = vector.bitcast %and3A_163 : vector<16xi32> to vector<16xf32>
        %add3A_165 = arith.addf %add3A_152, %bitcast3A_164 : vector<16xf32>
        %add3A_166 = arith.constant 5 : i32
        %add3A_167 = arith.addi %mul3A_99, %add3A_166 : i32
        %get3A_168 = arith.index_cast %add3A_167 : i32 to index
        %get3A_169 = arith.constant 0 : index
        %get3A_170 = tpu.vector_load %arg7[%get3A_168, %get3A_169] {strides = array<i32>} : memref<800x32xi32, #tpu.memory_space<vmem>>, vector<16xi32>,
        %shift_left3A_171 = arith.constant 16 : i32
        %shift_left3A_172 = vector.broadcast %shift_left3A_171 : i32 to vector<16xi32>
        %shift_left3A_173 = arith.shli %get3A_170, %shift_left3A_172 : vector<16xi32>
        %bitcast3A_174 = vector.bitcast %shift_left3A_173 : vector<16xi32> to vector<16xf32>
        %add3A_175 = arith.addf %add3A_162, %bitcast3A_174 : vector<16xf32>
        %and3A_176 = arith.andi %get3A_170, %broadcast_in_dim3A_5 : vector<16xi32>
        %bitcast3A_177 = vector.bitcast %and3A_176 : vector<16xi32> to vector<16xf32>
        %add3A_178 = arith.addf %add3A_165, %bitcast3A_177 : vector<16xf32>
        %add3A_179 = arith.constant 6 : i32
        %add3A_180 = arith.addi %mul3A_99, %add3A_179 : i32
        %get3A_181 = arith.index_cast %add3A_180 : i32 to index
        %get3A_182 = arith.constant 0 : index
        %get3A_183 = tpu.vector_load %arg7[%get3A_181, %get3A_182] {strides = array<i32>} : memref<800x32xi32, #tpu.memory_space<vmem>>, vector<16xi32>,
        %shift_left3A_184 = arith.constant 16 : i32
        %shift_left3A_185 = vector.broadcast %shift_left3A_184 : i32 to vector<16xi32>
        %shift_left3A_186 = arith.shli %get3A_183, %shift_left3A_185 : vector<16xi32>
        %bitcast3A_187 = vector.bitcast %shift_left3A_186 : vector<16xi32> to vector<16xf32>
        %add3A_188 = arith.addf %add3A_175, %bitcast3A_187 : vector<16xf32>
        %and3A_189 = arith.andi %get3A_183, %broadcast_in_dim3A_5 : vector<16xi32>
        %bitcast3A_190 = vector.bitcast %and3A_189 : vector<16xi32> to vector<16xf32>
        %add3A_191 = arith.addf %add3A_178, %bitcast3A_190 : vector<16xf32>
        %add3A_192 = arith.constant 7 : i32
        %add3A_193 = arith.addi %mul3A_99, %add3A_192 : i32
        %get3A_194 = arith.index_cast %add3A_193 : i32 to index
        %get3A_195 = arith.constant 0 : index
        %get3A_196 = tpu.vector_load %arg7[%get3A_194, %get3A_195] {strides = array<i32>} : memref<800x32xi32, #tpu.memory_space<vmem>>, vector<16xi32>,
        %shift_left3A_197 = arith.constant 16 : i32
        %shift_left3A_198 = vector.broadcast %shift_left3A_197 : i32 to vector<16xi32>
        %shift_left3A_199 = arith.shli %get3A_196, %shift_left3A_198 : vector<16xi32>
        %bitcast3A_200 = vector.bitcast %shift_left3A_199 : vector<16xi32> to vector<16xf32>
        %add3A_201 = arith.addf %add3A_188, %bitcast3A_200 : vector<16xf32>
        %and3A_202 = arith.andi %get3A_196, %broadcast_in_dim3A_5 : vector<16xi32>
        %bitcast3A_203 = vector.bitcast %and3A_202 : vector<16xi32> to vector<16xf32>
        %add3A_204 = arith.addf %add3A_191, %bitcast3A_203 : vector<16xf32>
        %add3A_205 = arith.constant 8 : i32
        %add3A_206 = arith.addi %mul3A_99, %add3A_205 : i32
        %get3A_207 = arith.index_cast %add3A_206 : i32 to index
        %get3A_208 = arith.constant 0 : index
        %get3A_209 = tpu.vector_load %arg7[%get3A_207, %get3A_208] {strides = array<i32>} : memref<800x32xi32, #tpu.memory_space<vmem>>, vector<16xi32>,
        %shift_left3A_210 = arith.constant 16 : i32
        %shift_left3A_211 = vector.broadcast %shift_left3A_210 : i32 to vector<16xi32>
        %shift_left3A_212 = arith.shli %get3A_209, %shift_left3A_211 : vector<16xi32>
        %bitcast3A_213 = vector.bitcast %shift_left3A_212 : vector<16xi32> to vector<16xf32>
        %add3A_214 = arith.addf %add3A_201, %bitcast3A_213 : vector<16xf32>
        %and3A_215 = arith.andi %get3A_209, %broadcast_in_dim3A_5 : vector<16xi32>
        %bitcast3A_216 = vector.bitcast %and3A_215 : vector<16xi32> to vector<16xf32>
        %add3A_217 = arith.addf %add3A_204, %bitcast3A_216 : vector<16xf32>
        %add3A_218 = arith.constant 9 : i32
        %add3A_219 = arith.addi %mul3A_99, %add3A_218 : i32
        %get3A_220 = arith.index_cast %add3A_219 : i32 to index
        %get3A_221 = arith.constant 0 : index
        %get3A_222 = tpu.vector_load %arg7[%get3A_220, %get3A_221] {strides = array<i32>} : memref<800x32xi32, #tpu.memory_space<vmem>>, vector<16xi32>,
        %shift_left3A_223 = arith.constant 16 : i32
        %shift_left3A_224 = vector.broadcast %shift_left3A_223 : i32 to vector<16xi32>
        %shift_left3A_225 = arith.shli %get3A_222, %shift_left3A_224 : vector<16xi32>
        %bitcast3A_226 = vector.bitcast %shift_left3A_225 : vector<16xi32> to vector<16xf32>
        %add3A_227 = arith.addf %add3A_214, %bitcast3A_226 : vector<16xf32>
        %and3A_228 = arith.andi %get3A_222, %broadcast_in_dim3A_5 : vector<16xi32>
        %bitcast3A_229 = vector.bitcast %and3A_228 : vector<16xi32> to vector<16xf32>
        %add3A_230 = arith.addf %add3A_217, %bitcast3A_229 : vector<16xf32>
        %add3A_231 = arith.constant 10 : i32
        %add3A_232 = arith.addi %mul3A_99, %add3A_231 : i32
        %get3A_233 = arith.index_cast %add3A_232 : i32 to index
        %get3A_234 = arith.constant 0 : index
        %get3A_235 = tpu.vector_load %arg7[%get3A_233, %get3A_234] {strides = array<i32>} : memref<800x32xi32, #tpu.memory_space<vmem>>, vector<16xi32>,
        %shift_left3A_236 = arith.constant 16 : i32
        %shift_left3A_237 = vector.broadcast %shift_left3A_236 : i32 to vector<16xi32>
        %shift_left3A_238 = arith.shli %get3A_235, %shift_left3A_237 : vector<16xi32>
        %bitcast3A_239 = vector.bitcast %shift_left3A_238 : vector<16xi32> to vector<16xf32>
        %add3A_240 = arith.addf %add3A_227, %bitcast3A_239 : vector<16xf32>
        %and3A_241 = arith.andi %get3A_235, %broadcast_in_dim3A_5 : vector<16xi32>
        %bitcast3A_242 = vector.bitcast %and3A_241 : vector<16xi32> to vector<16xf32>
        %add3A_243 = arith.addf %add3A_230, %bitcast3A_242 : vector<16xf32>
        %add3A_244 = arith.constant 11 : i32
        %add3A_245 = arith.addi %mul3A_99, %add3A_244 : i32
        %get3A_246 = arith.index_cast %add3A_245 : i32 to index
        %get3A_247 = arith.constant 0 : index
        %get3A_248 = tpu.vector_load %arg7[%get3A_246, %get3A_247] {strides = array<i32>} : memref<800x32xi32, #tpu.memory_space<vmem>>, vector<16xi32>,
        %shift_left3A_249 = arith.constant 16 : i32
        %shift_left3A_250 = vector.broadcast %shift_left3A_249 : i32 to vector<16xi32>
        %shift_left3A_251 = arith.shli %get3A_248, %shift_left3A_250 : vector<16xi32>
        %bitcast3A_252 = vector.bitcast %shift_left3A_251 : vector<16xi32> to vector<16xf32>
        %add3A_253 = arith.addf %add3A_240, %bitcast3A_252 : vector<16xf32>
        %and3A_254 = arith.andi %get3A_248, %broadcast_in_dim3A_5 : vector<16xi32>
        %bitcast3A_255 = vector.bitcast %and3A_254 : vector<16xi32> to vector<16xf32>
        %add3A_256 = arith.addf %add3A_243, %bitcast3A_255 : vector<16xf32>
        %add3A_257 = arith.constant 12 : i32
        %add3A_258 = arith.addi %mul3A_99, %add3A_257 : i32
        %get3A_259 = arith.index_cast %add3A_258 : i32 to index
        %get3A_260 = arith.constant 0 : index
        %get3A_261 = tpu.vector_load %arg7[%get3A_259, %get3A_260] {strides = array<i32>} : memref<800x32xi32, #tpu.memory_space<vmem>>, vector<16xi32>,
        %shift_left3A_262 = arith.constant 16 : i32
        %shift_left3A_263 = vector.broadcast %shift_left3A_262 : i32 to vector<16xi32>
        %shift_left3A_264 = arith.shli %get3A_261, %shift_left3A_263 : vector<16xi32>
        %bitcast3A_265 = vector.bitcast %shift_left3A_264 : vector<16xi32> to vector<16xf32>
        %add3A_266 = arith.addf %add3A_253, %bitcast3A_265 : vector<16xf32>
        %and3A_267 = arith.andi %get3A_261, %broadcast_in_dim3A_5 : vector<16xi32>
        %bitcast3A_268 = vector.bitcast %and3A_267 : vector<16xi32> to vector<16xf32>
        %add3A_269 = arith.addf %add3A_256, %bitcast3A_268 : vector<16xf32>
        %add3A_270 = arith.constant 13 : i32
        %add3A_271 = arith.addi %mul3A_99, %add3A_270 : i32
        %get3A_272 = arith.index_cast %add3A_271 : i32 to index
        %get3A_273 = arith.constant 0 : index
        %get3A_274 = tpu.vector_load %arg7[%get3A_272, %get3A_273] {strides = array<i32>} : memref<800x32xi32, #tpu.memory_space<vmem>>, vector<16xi32>,
        %shift_left3A_275 = arith.constant 16 : i32
        %shift_left3A_276 = vector.broadcast %shift_left3A_275 : i32 to vector<16xi32>
        %shift_left3A_277 = arith.shli %get3A_274, %shift_left3A_276 : vector<16xi32>
        %bitcast3A_278 = vector.bitcast %shift_left3A_277 : vector<16xi32> to vector<16xf32>
        %add3A_279 = arith.addf %add3A_266, %bitcast3A_278 : vector<16xf32>
        %and3A_280 = arith.andi %get3A_274, %broadcast_in_dim3A_5 : vector<16xi32>
        %bitcast3A_281 = vector.bitcast %and3A_280 : vector<16xi32> to vector<16xf32>
        %add3A_282 = arith.addf %add3A_269, %bitcast3A_281 : vector<16xf32>
        %add3A_283 = arith.constant 14 : i32
        %add3A_284 = arith.addi %mul3A_99, %add3A_283 : i32
        %get3A_285 = arith.index_cast %add3A_284 : i32 to index
        %get3A_286 = arith.constant 0 : index
        %get3A_287 = tpu.vector_load %arg7[%get3A_285, %get3A_286] {strides = array<i32>} : memref<800x32xi32, #tpu.memory_space<vmem>>, vector<16xi32>,
        %shift_left3A_288 = arith.constant 16 : i32
        %shift_left3A_289 = vector.broadcast %shift_left3A_288 : i32 to vector<16xi32>
        %shift_left3A_290 = arith.shli %get3A_287, %shift_left3A_289 : vector<16xi32>
        %bitcast3A_291 = vector.bitcast %shift_left3A_290 : vector<16xi32> to vector<16xf32>
        %add3A_292 = arith.addf %add3A_279, %bitcast3A_291 : vector<16xf32>
        %and3A_293 = arith.andi %get3A_287, %broadcast_in_dim3A_5 : vector<16xi32>
        %bitcast3A_294 = vector.bitcast %and3A_293 : vector<16xi32> to vector<16xf32>
        %add3A_295 = arith.addf %add3A_282, %bitcast3A_294 : vector<16xf32>
        %add3A_296 = arith.constant 15 : i32
        %add3A_297 = arith.addi %mul3A_99, %add3A_296 : i32
        %get3A_298 = arith.index_cast %add3A_297 : i32 to index
        %get3A_299 = arith.constant 0 : index
        %get3A_300 = tpu.vector_load %arg7[%get3A_298, %get3A_299] {strides = array<i32>} : memref<800x32xi32, #tpu.memory_space<vmem>>, vector<16xi32>,
        %shift_left3A_301 = arith.constant 16 : i32
        %shift_left3A_302 = vector.broadcast %shift_left3A_301 : i32 to vector<16xi32>
        %shift_left3A_303 = arith.shli %get3A_300, %shift_left3A_302 : vector<16xi32>
        %bitcast3A_304 = vector.bitcast %shift_left3A_303 : vector<16xi32> to vector<16xf32>
        %add3A_305 = arith.addf %add3A_292, %bitcast3A_304 : vector<16xf32>
        %and3A_306 = arith.andi %get3A_300, %broadcast_in_dim3A_5 : vector<16xi32>
        %bitcast3A_307 = vector.bitcast %and3A_306 : vector<16xi32> to vector<16xf32>
        %add3A_308 = arith.addf %add3A_295, %bitcast3A_307 : vector<16xf32>
        %add3A_309 = arith.constant 16 : i32
        %add3A_310 = arith.addi %mul3A_99, %add3A_309 : i32
        %get3A_311 = arith.index_cast %add3A_310 : i32 to index
        %get3A_312 = arith.constant 0 : index
        %get3A_313 = tpu.vector_load %arg7[%get3A_311, %get3A_312] {strides = array<i32>} : memref<800x32xi32, #tpu.memory_space<vmem>>, vector<16xi32>,
        %shift_left3A_314 = arith.constant 16 : i32
        %shift_left3A_315 = vector.broadcast %shift_left3A_314 : i32 to vector<16xi32>
        %shift_left3A_316 = arith.shli %get3A_313, %shift_left3A_315 : vector<16xi32>
        %bitcast3A_317 = vector.bitcast %shift_left3A_316 : vector<16xi32> to vector<16xf32>
        %add3A_318 = arith.addf %add3A_305, %bitcast3A_317 : vector<16xf32>
        %and3A_319 = arith.andi %get3A_313, %broadcast_in_dim3A_5 : vector<16xi32>
        %bitcast3A_320 = vector.bitcast %and3A_319 : vector<16xi32> to vector<16xf32>
        %add3A_321 = arith.addf %add3A_308, %bitcast3A_320 : vector<16xf32>
        %add3A_322 = arith.constant 17 : i32
        %add3A_323 = arith.addi %mul3A_99, %add3A_322 : i32
        %get3A_324 = arith.index_cast %add3A_323 : i32 to index
        %get3A_325 = arith.constant 0 : index
        %get3A_326 = tpu.vector_load %arg7[%get3A_324, %get3A_325] {strides = array<i32>} : memref<800x32xi32, #tpu.memory_space<vmem>>, vector<16xi32>,
        %shift_left3A_327 = arith.constant 16 : i32
        %shift_left3A_328 = vector.broadcast %shift_left3A_327 : i32 to vector<16xi32>
        %shift_left3A_329 = arith.shli %get3A_326, %shift_left3A_328 : vector<16xi32>
        %bitcast3A_330 = vector.bitcast %shift_left3A_329 : vector<16xi32> to vector<16xf32>
        %add3A_331 = arith.addf %add3A_318, %bitcast3A_330 : vector<16xf32>
        %and3A_332 = arith.andi %get3A_326, %broadcast_in_dim3A_5 : vector<16xi32>
        %bitcast3A_333 = vector.bitcast %and3A_332 : vector<16xi32> to vector<16xf32>
        %add3A_334 = arith.addf %add3A_321, %bitcast3A_333 : vector<16xf32>
        %add3A_335 = arith.constant 18 : i32
        %add3A_336 = arith.addi %mul3A_99, %add3A_335 : i32
        %get3A_337 = arith.index_cast %add3A_336 : i32 to index
        %get3A_338 = arith.constant 0 : index
        %get3A_339 = tpu.vector_load %arg7[%get3A_337, %get3A_338] {strides = array<i32>} : memref<800x32xi32, #tpu.memory_space<vmem>>, vector<16xi32>,
        %shift_left3A_340 = arith.constant 16 : i32
        %shift_left3A_341 = vector.broadcast %shift_left3A_340 : i32 to vector<16xi32>
        %shift_left3A_342 = arith.shli %get3A_339, %shift_left3A_341 : vector<16xi32>
        %bitcast3A_343 = vector.bitcast %shift_left3A_342 : vector<16xi32> to vector<16xf32>
        %add3A_344 = arith.addf %add3A_331, %bitcast3A_343 : vector<16xf32>
        %and3A_345 = arith.andi %get3A_339, %broadcast_in_dim3A_5 : vector<16xi32>
        %bitcast3A_346 = vector.bitcast %and3A_345 : vector<16xi32> to vector<16xf32>
        %add3A_347 = arith.addf %add3A_334, %bitcast3A_346 : vector<16xf32>
        %add3A_348 = arith.constant 19 : i32
        %add3A_349 = arith.addi %mul3A_99, %add3A_348 : i32
        %get3A_350 = arith.index_cast %add3A_349 : i32 to index
        %get3A_351 = arith.constant 0 : index
        %get3A_352 = tpu.vector_load %arg7[%get3A_350, %get3A_351] {strides = array<i32>} : memref<800x32xi32, #tpu.memory_space<vmem>>, vector<16xi32>,
        %shift_left3A_353 = arith.constant 16 : i32
        %shift_left3A_354 = vector.broadcast %shift_left3A_353 : i32 to vector<16xi32>
        %shift_left3A_355 = arith.shli %get3A_352, %shift_left3A_354 : vector<16xi32>
        %bitcast3A_356 = vector.bitcast %shift_left3A_355 : vector<16xi32> to vector<16xf32>
        %add3A_357 = arith.addf %add3A_344, %bitcast3A_356 : vector<16xf32>
        %and3A_358 = arith.andi %get3A_352, %broadcast_in_dim3A_5 : vector<16xi32>
        %bitcast3A_359 = vector.bitcast %and3A_358 : vector<16xi32> to vector<16xf32>
        %add3A_360 = arith.addf %add3A_347, %bitcast3A_359 : vector<16xf32>
        %add3A_361 = arith.constant 20 : i32
        %add3A_362 = arith.addi %mul3A_99, %add3A_361 : i32
        %get3A_363 = arith.index_cast %add3A_362 : i32 to index
        %get3A_364 = arith.constant 0 : index
        %get3A_365 = tpu.vector_load %arg7[%get3A_363, %get3A_364] {strides = array<i32>} : memref<800x32xi32, #tpu.memory_space<vmem>>, vector<16xi32>,
        %shift_left3A_366 = arith.constant 16 : i32
        %shift_left3A_367 = vector.broadcast %shift_left3A_366 : i32 to vector<16xi32>
        %shift_left3A_368 = arith.shli %get3A_365, %shift_left3A_367 : vector<16xi32>
        %bitcast3A_369 = vector.bitcast %shift_left3A_368 : vector<16xi32> to vector<16xf32>
        %add3A_370 = arith.addf %add3A_357, %bitcast3A_369 : vector<16xf32>
        %and3A_371 = arith.andi %get3A_365, %broadcast_in_dim3A_5 : vector<16xi32>
        %bitcast3A_372 = vector.bitcast %and3A_371 : vector<16xi32> to vector<16xf32>
        %add3A_373 = arith.addf %add3A_360, %bitcast3A_372 : vector<16xf32>
        %add3A_374 = arith.constant 21 : i32
        %add3A_375 = arith.addi %mul3A_99, %add3A_374 : i32
        %get3A_376 = arith.index_cast %add3A_375 : i32 to index
        %get3A_377 = arith.constant 0 : index
        %get3A_378 = tpu.vector_load %arg7[%get3A_376, %get3A_377] {strides = array<i32>} : memref<800x32xi32, #tpu.memory_space<vmem>>, vector<16xi32>,
        %shift_left3A_379 = arith.constant 16 : i32
        %shift_left3A_380 = vector.broadcast %shift_left3A_379 : i32 to vector<16xi32>
        %shift_left3A_381 = arith.shli %get3A_378, %shift_left3A_380 : vector<16xi32>
        %bitcast3A_382 = vector.bitcast %shift_left3A_381 : vector<16xi32> to vector<16xf32>
        %add3A_383 = arith.addf %add3A_370, %bitcast3A_382 : vector<16xf32>
        %and3A_384 = arith.andi %get3A_378, %broadcast_in_dim3A_5 : vector<16xi32>
        %bitcast3A_385 = vector.bitcast %and3A_384 : vector<16xi32> to vector<16xf32>
        %add3A_386 = arith.addf %add3A_373, %bitcast3A_385 : vector<16xf32>
        %add3A_387 = arith.constant 22 : i32
        %add3A_388 = arith.addi %mul3A_99, %add3A_387 : i32
        %get3A_389 = arith.index_cast %add3A_388 : i32 to index
        %get3A_390 = arith.constant 0 : index
        %get3A_391 = tpu.vector_load %arg7[%get3A_389, %get3A_390] {strides = array<i32>} : memref<800x32xi32, #tpu.memory_space<vmem>>, vector<16xi32>,
        %shift_left3A_392 = arith.constant 16 : i32
        %shift_left3A_393 = vector.broadcast %shift_left3A_392 : i32 to vector<16xi32>
        %shift_left3A_394 = arith.shli %get3A_391, %shift_left3A_393 : vector<16xi32>
        %bitcast3A_395 = vector.bitcast %shift_left3A_394 : vector<16xi32> to vector<16xf32>
        %add3A_396 = arith.addf %add3A_383, %bitcast3A_395 : vector<16xf32>
        %and3A_397 = arith.andi %get3A_391, %broadcast_in_dim3A_5 : vector<16xi32>
        %bitcast3A_398 = vector.bitcast %and3A_397 : vector<16xi32> to vector<16xf32>
        %add3A_399 = arith.addf %add3A_386, %bitcast3A_398 : vector<16xf32>
        %add3A_400 = arith.constant 23 : i32
        %add3A_401 = arith.addi %mul3A_99, %add3A_400 : i32
        %get3A_402 = arith.index_cast %add3A_401 : i32 to index
        %get3A_403 = arith.constant 0 : index
        %get3A_404 = tpu.vector_load %arg7[%get3A_402, %get3A_403] {strides = array<i32>} : memref<800x32xi32, #tpu.memory_space<vmem>>, vector<16xi32>,
        %shift_left3A_405 = arith.constant 16 : i32
        %shift_left3A_406 = vector.broadcast %shift_left3A_405 : i32 to vector<16xi32>
        %shift_left3A_407 = arith.shli %get3A_404, %shift_left3A_406 : vector<16xi32>
        %bitcast3A_408 = vector.bitcast %shift_left3A_407 : vector<16xi32> to vector<16xf32>
        %add3A_409 = arith.addf %add3A_396, %bitcast3A_408 : vector<16xf32>
        %and3A_410 = arith.andi %get3A_404, %broadcast_in_dim3A_5 : vector<16xi32>
        %bitcast3A_411 = vector.bitcast %and3A_410 : vector<16xi32> to vector<16xf32>
        %add3A_412 = arith.addf %add3A_399, %bitcast3A_411 : vector<16xf32>
        %add3A_413 = arith.constant 24 : i32
        %add3A_414 = arith.addi %mul3A_99, %add3A_413 : i32
        %get3A_415 = arith.index_cast %add3A_414 : i32 to index
        %get3A_416 = arith.constant 0 : index
        %get3A_417 = tpu.vector_load %arg7[%get3A_415, %get3A_416] {strides = array<i32>} : memref<800x32xi32, #tpu.memory_space<vmem>>, vector<16xi32>,
        %shift_left3A_418 = arith.constant 16 : i32
        %shift_left3A_419 = vector.broadcast %shift_left3A_418 : i32 to vector<16xi32>
        %shift_left3A_420 = arith.shli %get3A_417, %shift_left3A_419 : vector<16xi32>
        %bitcast3A_421 = vector.bitcast %shift_left3A_420 : vector<16xi32> to vector<16xf32>
        %add3A_422 = arith.addf %add3A_409, %bitcast3A_421 : vector<16xf32>
        %and3A_423 = arith.andi %get3A_417, %broadcast_in_dim3A_5 : vector<16xi32>
        %bitcast3A_424 = vector.bitcast %and3A_423 : vector<16xi32> to vector<16xf32>
        %add3A_425 = arith.addf %add3A_412, %bitcast3A_424 : vector<16xf32>
        %add3A_426 = arith.constant 25 : i32
        %add3A_427 = arith.addi %mul3A_99, %add3A_426 : i32
        %get3A_428 = arith.index_cast %add3A_427 : i32 to index
        %get3A_429 = arith.constant 0 : index
        %get3A_430 = tpu.vector_load %arg7[%get3A_428, %get3A_429] {strides = array<i32>} : memref<800x32xi32, #tpu.memory_space<vmem>>, vector<16xi32>,
        %shift_left3A_431 = arith.constant 16 : i32
        %shift_left3A_432 = vector.broadcast %shift_left3A_431 : i32 to vector<16xi32>
        %shift_left3A_433 = arith.shli %get3A_430, %shift_left3A_432 : vector<16xi32>
        %bitcast3A_434 = vector.bitcast %shift_left3A_433 : vector<16xi32> to vector<16xf32>
        %add3A_435 = arith.addf %add3A_422, %bitcast3A_434 : vector<16xf32>
        %and3A_436 = arith.andi %get3A_430, %broadcast_in_dim3A_5 : vector<16xi32>
        %bitcast3A_437 = vector.bitcast %and3A_436 : vector<16xi32> to vector<16xf32>
        %add3A_438 = arith.addf %add3A_425, %bitcast3A_437 : vector<16xf32>
        %add3A_439 = arith.constant 26 : i32
        %add3A_440 = arith.addi %mul3A_99, %add3A_439 : i32
        %get3A_441 = arith.index_cast %add3A_440 : i32 to index
        %get3A_442 = arith.constant 0 : index
        %get3A_443 = tpu.vector_load %arg7[%get3A_441, %get3A_442] {strides = array<i32>} : memref<800x32xi32, #tpu.memory_space<vmem>>, vector<16xi32>,
        %shift_left3A_444 = arith.constant 16 : i32
        %shift_left3A_445 = vector.broadcast %shift_left3A_444 : i32 to vector<16xi32>
        %shift_left3A_446 = arith.shli %get3A_443, %shift_left3A_445 : vector<16xi32>
        %bitcast3A_447 = vector.bitcast %shift_left3A_446 : vector<16xi32> to vector<16xf32>
        %add3A_448 = arith.addf %add3A_435, %bitcast3A_447 : vector<16xf32>
        %and3A_449 = arith.andi %get3A_443, %broadcast_in_dim3A_5 : vector<16xi32>
        %bitcast3A_450 = vector.bitcast %and3A_449 : vector<16xi32> to vector<16xf32>
        %add3A_451 = arith.addf %add3A_438, %bitcast3A_450 : vector<16xf32>
        %add3A_452 = arith.constant 27 : i32
        %add3A_453 = arith.addi %mul3A_99, %add3A_452 : i32
        %get3A_454 = arith.index_cast %add3A_453 : i32 to index
        %get3A_455 = arith.constant 0 : index
        %get3A_456 = tpu.vector_load %arg7[%get3A_454, %get3A_455] {strides = array<i32>} : memref<800x32xi32, #tpu.memory_space<vmem>>, vector<16xi32>,
        %shift_left3A_457 = arith.constant 16 : i32
        %shift_left3A_458 = vector.broadcast %shift_left3A_457 : i32 to vector<16xi32>
        %shift_left3A_459 = arith.shli %get3A_456, %shift_left3A_458 : vector<16xi32>
        %bitcast3A_460 = vector.bitcast %shift_left3A_459 : vector<16xi32> to vector<16xf32>
        %add3A_461 = arith.addf %add3A_448, %bitcast3A_460 : vector<16xf32>
        %and3A_462 = arith.andi %get3A_456, %broadcast_in_dim3A_5 : vector<16xi32>
        %bitcast3A_463 = vector.bitcast %and3A_462 : vector<16xi32> to vector<16xf32>
        %add3A_464 = arith.addf %add3A_451, %bitcast3A_463 : vector<16xf32>
        %add3A_465 = arith.constant 28 : i32
        %add3A_466 = arith.addi %mul3A_99, %add3A_465 : i32
        %get3A_467 = arith.index_cast %add3A_466 : i32 to index
        %get3A_468 = arith.constant 0 : index
        %get3A_469 = tpu.vector_load %arg7[%get3A_467, %get3A_468] {strides = array<i32>} : memref<800x32xi32, #tpu.memory_space<vmem>>, vector<16xi32>,
        %shift_left3A_470 = arith.constant 16 : i32
        %shift_left3A_471 = vector.broadcast %shift_left3A_470 : i32 to vector<16xi32>
        %shift_left3A_472 = arith.shli %get3A_469, %shift_left3A_471 : vector<16xi32>
        %bitcast3A_473 = vector.bitcast %shift_left3A_472 : vector<16xi32> to vector<16xf32>
        %add3A_474 = arith.addf %add3A_461, %bitcast3A_473 : vector<16xf32>
        %and3A_475 = arith.andi %get3A_469, %broadcast_in_dim3A_5 : vector<16xi32>
        %bitcast3A_476 = vector.bitcast %and3A_475 : vector<16xi32> to vector<16xf32>
        %add3A_477 = arith.addf %add3A_464, %bitcast3A_476 : vector<16xf32>
        %add3A_478 = arith.constant 29 : i32
        %add3A_479 = arith.addi %mul3A_99, %add3A_478 : i32
        %get3A_480 = arith.index_cast %add3A_479 : i32 to index
        %get3A_481 = arith.constant 0 : index
        %get3A_482 = tpu.vector_load %arg7[%get3A_480, %get3A_481] {strides = array<i32>} : memref<800x32xi32, #tpu.memory_space<vmem>>, vector<16xi32>,
        %shift_left3A_483 = arith.constant 16 : i32
        %shift_left3A_484 = vector.broadcast %shift_left3A_483 : i32 to vector<16xi32>
        %shift_left3A_485 = arith.shli %get3A_482, %shift_left3A_484 : vector<16xi32>
        %bitcast3A_486 = vector.bitcast %shift_left3A_485 : vector<16xi32> to vector<16xf32>
        %add3A_487 = arith.addf %add3A_474, %bitcast3A_486 : vector<16xf32>
        %and3A_488 = arith.andi %get3A_482, %broadcast_in_dim3A_5 : vector<16xi32>
        %bitcast3A_489 = vector.bitcast %and3A_488 : vector<16xi32> to vector<16xf32>
        %add3A_490 = arith.addf %add3A_477, %bitcast3A_489 : vector<16xf32>
        %add3A_491 = arith.constant 30 : i32
        %add3A_492 = arith.addi %mul3A_99, %add3A_491 : i32
        %get3A_493 = arith.index_cast %add3A_492 : i32 to index
        %get3A_494 = arith.constant 0 : index
        %get3A_495 = tpu.vector_load %arg7[%get3A_493, %get3A_494] {strides = array<i32>} : memref<800x32xi32, #tpu.memory_space<vmem>>, vector<16xi32>,
        %shift_left3A_496 = arith.constant 16 : i32
        %shift_left3A_497 = vector.broadcast %shift_left3A_496 : i32 to vector<16xi32>
        %shift_left3A_498 = arith.shli %get3A_495, %shift_left3A_497 : vector<16xi32>
        %bitcast3A_499 = vector.bitcast %shift_left3A_498 : vector<16xi32> to vector<16xf32>
        %add3A_500 = arith.addf %add3A_487, %bitcast3A_499 : vector<16xf32>
        %and3A_501 = arith.andi %get3A_495, %broadcast_in_dim3A_5 : vector<16xi32>
        %bitcast3A_502 = vector.bitcast %and3A_501 : vector<16xi32> to vector<16xf32>
        %add3A_503 = arith.addf %add3A_490, %bitcast3A_502 : vector<16xf32>
        %add3A_504 = arith.constant 31 : i32
        %add3A_505 = arith.addi %mul3A_99, %add3A_504 : i32
        %get3A_506 = arith.index_cast %add3A_505 : i32 to index
        %get3A_507 = arith.constant 0 : index
        %get3A_508 = tpu.vector_load %arg7[%get3A_506, %get3A_507] {strides = array<i32>} : memref<800x32xi32, #tpu.memory_space<vmem>>, vector<16xi32>,
        %shift_left3A_509 = arith.constant 16 : i32
        %shift_left3A_510 = vector.broadcast %shift_left3A_509 : i32 to vector<16xi32>
        %shift_left3A_511 = arith.shli %get3A_508, %shift_left3A_510 : vector<16xi32>
        %bitcast3A_512 = vector.bitcast %shift_left3A_511 : vector<16xi32> to vector<16xf32>
        %add3A_513 = arith.addf %add3A_500, %bitcast3A_512 : vector<16xf32>
        %and3A_514 = arith.andi %get3A_508, %broadcast_in_dim3A_5 : vector<16xi32>
        %bitcast3A_515 = vector.bitcast %and3A_514 : vector<16xi32> to vector<16xf32>
        %add3A_516 = arith.addf %add3A_503, %bitcast3A_515 : vector<16xf32>
        %add3A_517 = arith.constant 32 : i32
        %add3A_518 = arith.addi %mul3A_99, %add3A_517 : i32
        %get3A_519 = arith.index_cast %add3A_518 : i32 to index
        %get3A_520 = arith.constant 0 : index
        %get3A_521 = tpu.vector_load %arg7[%get3A_519, %get3A_520] {strides = array<i32>} : memref<800x32xi32, #tpu.memory_space<vmem>>, vector<16xi32>,
        %shift_left3A_522 = arith.constant 16 : i32
        %shift_left3A_523 = vector.broadcast %shift_left3A_522 : i32 to vector<16xi32>
        %shift_left3A_524 = arith.shli %get3A_521, %shift_left3A_523 : vector<16xi32>
        %bitcast3A_525 = vector.bitcast %shift_left3A_524 : vector<16xi32> to vector<16xf32>
        %add3A_526 = arith.addf %add3A_513, %bitcast3A_525 : vector<16xf32>
        %and3A_527 = arith.andi %get3A_521, %broadcast_in_dim3A_5 : vector<16xi32>
        %bitcast3A_528 = vector.bitcast %and3A_527 : vector<16xi32> to vector<16xf32>
        %add3A_529 = arith.addf %add3A_516, %bitcast3A_528 : vector<16xf32>
        %add3A_530 = arith.constant 33 : i32
        %add3A_531 = arith.addi %mul3A_99, %add3A_530 : i32
        %get3A_532 = arith.index_cast %add3A_531 : i32 to index
        %get3A_533 = arith.constant 0 : index
        %get3A_534 = tpu.vector_load %arg7[%get3A_532, %get3A_533] {strides = array<i32>} : memref<800x32xi32, #tpu.memory_space<vmem>>, vector<16xi32>,
        %shift_left3A_535 = arith.constant 16 : i32
        %shift_left3A_536 = vector.broadcast %shift_left3A_535 : i32 to vector<16xi32>
        %shift_left3A_537 = arith.shli %get3A_534, %shift_left3A_536 : vector<16xi32>
        %bitcast3A_538 = vector.bitcast %shift_left3A_537 : vector<16xi32> to vector<16xf32>
        %add3A_539 = arith.addf %add3A_526, %bitcast3A_538 : vector<16xf32>
        %and3A_540 = arith.andi %get3A_534, %broadcast_in_dim3A_5 : vector<16xi32>
        %bitcast3A_541 = vector.bitcast %and3A_540 : vector<16xi32> to vector<16xf32>
        %add3A_542 = arith.addf %add3A_529, %bitcast3A_541 : vector<16xf32>
        %add3A_543 = arith.constant 34 : i32
        %add3A_544 = arith.addi %mul3A_99, %add3A_543 : i32
        %get3A_545 = arith.index_cast %add3A_544 : i32 to index
        %get3A_546 = arith.constant 0 : index
        %get3A_547 = tpu.vector_load %arg7[%get3A_545, %get3A_546] {strides = array<i32>} : memref<800x32xi32, #tpu.memory_space<vmem>>, vector<16xi32>,
        %shift_left3A_548 = arith.constant 16 : i32
        %shift_left3A_549 = vector.broadcast %shift_left3A_548 : i32 to vector<16xi32>
        %shift_left3A_550 = arith.shli %get3A_547, %shift_left3A_549 : vector<16xi32>
        %bitcast3A_551 = vector.bitcast %shift_left3A_550 : vector<16xi32> to vector<16xf32>
        %add3A_552 = arith.addf %add3A_539, %bitcast3A_551 : vector<16xf32>
        %and3A_553 = arith.andi %get3A_547, %broadcast_in_dim3A_5 : vector<16xi32>
        %bitcast3A_554 = vector.bitcast %and3A_553 : vector<16xi32> to vector<16xf32>
        %add3A_555 = arith.addf %add3A_542, %bitcast3A_554 : vector<16xf32>
        %add3A_556 = arith.constant 35 : i32
        %add3A_557 = arith.addi %mul3A_99, %add3A_556 : i32
        %get3A_558 = arith.index_cast %add3A_557 : i32 to index
        %get3A_559 = arith.constant 0 : index
        %get3A_560 = tpu.vector_load %arg7[%get3A_558, %get3A_559] {strides = array<i32>} : memref<800x32xi32, #tpu.memory_space<vmem>>, vector<16xi32>,
        %shift_left3A_561 = arith.constant 16 : i32
        %shift_left3A_562 = vector.broadcast %shift_left3A_561 : i32 to vector<16xi32>
        %shift_left3A_563 = arith.shli %get3A_560, %shift_left3A_562 : vector<16xi32>
        %bitcast3A_564 = vector.bitcast %shift_left3A_563 : vector<16xi32> to vector<16xf32>
        %add3A_565 = arith.addf %add3A_552, %bitcast3A_564 : vector<16xf32>
        %and3A_566 = arith.andi %get3A_560, %broadcast_in_dim3A_5 : vector<16xi32>
        %bitcast3A_567 = vector.bitcast %and3A_566 : vector<16xi32> to vector<16xf32>
        %add3A_568 = arith.addf %add3A_555, %bitcast3A_567 : vector<16xf32>
        %add3A_569 = arith.constant 36 : i32
        %add3A_570 = arith.addi %mul3A_99, %add3A_569 : i32
        %get3A_571 = arith.index_cast %add3A_570 : i32 to index
        %get3A_572 = arith.constant 0 : index
        %get3A_573 = tpu.vector_load %arg7[%get3A_571, %get3A_572] {strides = array<i32>} : memref<800x32xi32, #tpu.memory_space<vmem>>, vector<16xi32>,
        %shift_left3A_574 = arith.constant 16 : i32
        %shift_left3A_575 = vector.broadcast %shift_left3A_574 : i32 to vector<16xi32>
        %shift_left3A_576 = arith.shli %get3A_573, %shift_left3A_575 : vector<16xi32>
        %bitcast3A_577 = vector.bitcast %shift_left3A_576 : vector<16xi32> to vector<16xf32>
        %add3A_578 = arith.addf %add3A_565, %bitcast3A_577 : vector<16xf32>
        %and3A_579 = arith.andi %get3A_573, %broadcast_in_dim3A_5 : vector<16xi32>
        %bitcast3A_580 = vector.bitcast %and3A_579 : vector<16xi32> to vector<16xf32>
        %add3A_581 = arith.addf %add3A_568, %bitcast3A_580 : vector<16xf32>
        %add3A_582 = arith.constant 37 : i32
        %add3A_583 = arith.addi %mul3A_99, %add3A_582 : i32
        %get3A_584 = arith.index_cast %add3A_583 : i32 to index
        %get3A_585 = arith.constant 0 : index
        %get3A_586 = tpu.vector_load %arg7[%get3A_584, %get3A_585] {strides = array<i32>} : memref<800x32xi32, #tpu.memory_space<vmem>>, vector<16xi32>,
        %shift_left3A_587 = arith.constant 16 : i32
        %shift_left3A_588 = vector.broadcast %shift_left3A_587 : i32 to vector<16xi32>
        %shift_left3A_589 = arith.shli %get3A_586, %shift_left3A_588 : vector<16xi32>
        %bitcast3A_590 = vector.bitcast %shift_left3A_589 : vector<16xi32> to vector<16xf32>
        %add3A_591 = arith.addf %add3A_578, %bitcast3A_590 : vector<16xf32>
        %and3A_592 = arith.andi %get3A_586, %broadcast_in_dim3A_5 : vector<16xi32>
        %bitcast3A_593 = vector.bitcast %and3A_592 : vector<16xi32> to vector<16xf32>
        %add3A_594 = arith.addf %add3A_581, %bitcast3A_593 : vector<16xf32>
        %add3A_595 = arith.constant 38 : i32
        %add3A_596 = arith.addi %mul3A_99, %add3A_595 : i32
        %get3A_597 = arith.index_cast %add3A_596 : i32 to index
        %get3A_598 = arith.constant 0 : index
        %get3A_599 = tpu.vector_load %arg7[%get3A_597, %get3A_598] {strides = array<i32>} : memref<800x32xi32, #tpu.memory_space<vmem>>, vector<16xi32>,
        %shift_left3A_600 = arith.constant 16 : i32
        %shift_left3A_601 = vector.broadcast %shift_left3A_600 : i32 to vector<16xi32>
        %shift_left3A_602 = arith.shli %get3A_599, %shift_left3A_601 : vector<16xi32>
        %bitcast3A_603 = vector.bitcast %shift_left3A_602 : vector<16xi32> to vector<16xf32>
        %add3A_604 = arith.addf %add3A_591, %bitcast3A_603 : vector<16xf32>
        %and3A_605 = arith.andi %get3A_599, %broadcast_in_dim3A_5 : vector<16xi32>
        %bitcast3A_606 = vector.bitcast %and3A_605 : vector<16xi32> to vector<16xf32>
        %add3A_607 = arith.addf %add3A_594, %bitcast3A_606 : vector<16xf32>
        %add3A_608 = arith.constant 39 : i32
        %add3A_609 = arith.addi %mul3A_99, %add3A_608 : i32
        %get3A_610 = arith.index_cast %add3A_609 : i32 to index
        %get3A_611 = arith.constant 0 : index
        %get3A_612 = tpu.vector_load %arg7[%get3A_610, %get3A_611] {strides = array<i32>} : memref<800x32xi32, #tpu.memory_space<vmem>>, vector<16xi32>,
        %shift_left3A_613 = arith.constant 16 : i32
        %shift_left3A_614 = vector.broadcast %shift_left3A_613 : i32 to vector<16xi32>
        %shift_left3A_615 = arith.shli %get3A_612, %shift_left3A_614 : vector<16xi32>
        %bitcast3A_616 = vector.bitcast %shift_left3A_615 : vector<16xi32> to vector<16xf32>
        %add3A_617 = arith.addf %add3A_604, %bitcast3A_616 : vector<16xf32>
        %and3A_618 = arith.andi %get3A_612, %broadcast_in_dim3A_5 : vector<16xi32>
        %bitcast3A_619 = vector.bitcast %and3A_618 : vector<16xi32> to vector<16xf32>
        %add3A_620 = arith.addf %add3A_607, %bitcast3A_619 : vector<16xf32>
        %add3A_621 = arith.constant 40 : i32
        %add3A_622 = arith.addi %mul3A_99, %add3A_621 : i32
        %get3A_623 = arith.index_cast %add3A_622 : i32 to index
        %get3A_624 = arith.constant 0 : index
        %get3A_625 = tpu.vector_load %arg7[%get3A_623, %get3A_624] {strides = array<i32>} : memref<800x32xi32, #tpu.memory_space<vmem>>, vector<16xi32>,
        %shift_left3A_626 = arith.constant 16 : i32
        %shift_left3A_627 = vector.broadcast %shift_left3A_626 : i32 to vector<16xi32>
        %shift_left3A_628 = arith.shli %get3A_625, %shift_left3A_627 : vector<16xi32>
        %bitcast3A_629 = vector.bitcast %shift_left3A_628 : vector<16xi32> to vector<16xf32>
        %add3A_630 = arith.addf %add3A_617, %bitcast3A_629 : vector<16xf32>
        %and3A_631 = arith.andi %get3A_625, %broadcast_in_dim3A_5 : vector<16xi32>
        %bitcast3A_632 = vector.bitcast %and3A_631 : vector<16xi32> to vector<16xf32>
        %add3A_633 = arith.addf %add3A_620, %bitcast3A_632 : vector<16xf32>
        %add3A_634 = arith.constant 41 : i32
        %add3A_635 = arith.addi %mul3A_99, %add3A_634 : i32
        %get3A_636 = arith.index_cast %add3A_635 : i32 to index
        %get3A_637 = arith.constant 0 : index
        %get3A_638 = tpu.vector_load %arg7[%get3A_636, %get3A_637] {strides = array<i32>} : memref<800x32xi32, #tpu.memory_space<vmem>>, vector<16xi32>,
        %shift_left3A_639 = arith.constant 16 : i32
        %shift_left3A_640 = vector.broadcast %shift_left3A_639 : i32 to vector<16xi32>
        %shift_left3A_641 = arith.shli %get3A_638, %shift_left3A_640 : vector<16xi32>
        %bitcast3A_642 = vector.bitcast %shift_left3A_641 : vector<16xi32> to vector<16xf32>
        %add3A_643 = arith.addf %add3A_630, %bitcast3A_642 : vector<16xf32>
        %and3A_644 = arith.andi %get3A_638, %broadcast_in_dim3A_5 : vector<16xi32>
        %bitcast3A_645 = vector.bitcast %and3A_644 : vector<16xi32> to vector<16xf32>
        %add3A_646 = arith.addf %add3A_633, %bitcast3A_645 : vector<16xf32>
        %add3A_647 = arith.constant 42 : i32
        %add3A_648 = arith.addi %mul3A_99, %add3A_647 : i32
        %get3A_649 = arith.index_cast %add3A_648 : i32 to index
        %get3A_650 = arith.constant 0 : index
        %get3A_651 = tpu.vector_load %arg7[%get3A_649, %get3A_650] {strides = array<i32>} : memref<800x32xi32, #tpu.memory_space<vmem>>, vector<16xi32>,
        %shift_left3A_652 = arith.constant 16 : i32
        %shift_left3A_653 = vector.broadcast %shift_left3A_652 : i32 to vector<16xi32>
        %shift_left3A_654 = arith.shli %get3A_651, %shift_left3A_653 : vector<16xi32>
        %bitcast3A_655 = vector.bitcast %shift_left3A_654 : vector<16xi32> to vector<16xf32>
        %add3A_656 = arith.addf %add3A_643, %bitcast3A_655 : vector<16xf32>
        %and3A_657 = arith.andi %get3A_651, %broadcast_in_dim3A_5 : vector<16xi32>
        %bitcast3A_658 = vector.bitcast %and3A_657 : vector<16xi32> to vector<16xf32>
        %add3A_659 = arith.addf %add3A_646, %bitcast3A_658 : vector<16xf32>
        %add3A_660 = arith.constant 43 : i32
        %add3A_661 = arith.addi %mul3A_99, %add3A_660 : i32
        %get3A_662 = arith.index_cast %add3A_661 : i32 to index
        %get3A_663 = arith.constant 0 : index
        %get3A_664 = tpu.vector_load %arg7[%get3A_662, %get3A_663] {strides = array<i32>} : memref<800x32xi32, #tpu.memory_space<vmem>>, vector<16xi32>,
        %shift_left3A_665 = arith.constant 16 : i32
        %shift_left3A_666 = vector.broadcast %shift_left3A_665 : i32 to vector<16xi32>
        %shift_left3A_667 = arith.shli %get3A_664, %shift_left3A_666 : vector<16xi32>
        %bitcast3A_668 = vector.bitcast %shift_left3A_667 : vector<16xi32> to vector<16xf32>
        %add3A_669 = arith.addf %add3A_656, %bitcast3A_668 : vector<16xf32>
        %and3A_670 = arith.andi %get3A_664, %broadcast_in_dim3A_5 : vector<16xi32>
        %bitcast3A_671 = vector.bitcast %and3A_670 : vector<16xi32> to vector<16xf32>
        %add3A_672 = arith.addf %add3A_659, %bitcast3A_671 : vector<16xf32>
        %add3A_673 = arith.constant 44 : i32
        %add3A_674 = arith.addi %mul3A_99, %add3A_673 : i32
        %get3A_675 = arith.index_cast %add3A_674 : i32 to index
        %get3A_676 = arith.constant 0 : index
        %get3A_677 = tpu.vector_load %arg7[%get3A_675, %get3A_676] {strides = array<i32>} : memref<800x32xi32, #tpu.memory_space<vmem>>, vector<16xi32>,
        %shift_left3A_678 = arith.constant 16 : i32
        %shift_left3A_679 = vector.broadcast %shift_left3A_678 : i32 to vector<16xi32>
        %shift_left3A_680 = arith.shli %get3A_677, %shift_left3A_679 : vector<16xi32>
        %bitcast3A_681 = vector.bitcast %shift_left3A_680 : vector<16xi32> to vector<16xf32>
        %add3A_682 = arith.addf %add3A_669, %bitcast3A_681 : vector<16xf32>
        %and3A_683 = arith.andi %get3A_677, %broadcast_in_dim3A_5 : vector<16xi32>
        %bitcast3A_684 = vector.bitcast %and3A_683 : vector<16xi32> to vector<16xf32>
        %add3A_685 = arith.addf %add3A_672, %bitcast3A_684 : vector<16xf32>
        %add3A_686 = arith.constant 45 : i32
        %add3A_687 = arith.addi %mul3A_99, %add3A_686 : i32
        %get3A_688 = arith.index_cast %add3A_687 : i32 to index
        %get3A_689 = arith.constant 0 : index
        %get3A_690 = tpu.vector_load %arg7[%get3A_688, %get3A_689] {strides = array<i32>} : memref<800x32xi32, #tpu.memory_space<vmem>>, vector<16xi32>,
        %shift_left3A_691 = arith.constant 16 : i32
        %shift_left3A_692 = vector.broadcast %shift_left3A_691 : i32 to vector<16xi32>
        %shift_left3A_693 = arith.shli %get3A_690, %shift_left3A_692 : vector<16xi32>
        %bitcast3A_694 = vector.bitcast %shift_left3A_693 : vector<16xi32> to vector<16xf32>
        %add3A_695 = arith.addf %add3A_682, %bitcast3A_694 : vector<16xf32>
        %and3A_696 = arith.andi %get3A_690, %broadcast_in_dim3A_5 : vector<16xi32>
        %bitcast3A_697 = vector.bitcast %and3A_696 : vector<16xi32> to vector<16xf32>
        %add3A_698 = arith.addf %add3A_685, %bitcast3A_697 : vector<16xf32>
        %add3A_699 = arith.constant 46 : i32
        %add3A_700 = arith.addi %mul3A_99, %add3A_699 : i32
        %get3A_701 = arith.index_cast %add3A_700 : i32 to index
        %get3A_702 = arith.constant 0 : index
        %get3A_703 = tpu.vector_load %arg7[%get3A_701, %get3A_702] {strides = array<i32>} : memref<800x32xi32, #tpu.memory_space<vmem>>, vector<16xi32>,
        %shift_left3A_704 = arith.constant 16 : i32
        %shift_left3A_705 = vector.broadcast %shift_left3A_704 : i32 to vector<16xi32>
        %shift_left3A_706 = arith.shli %get3A_703, %shift_left3A_705 : vector<16xi32>
        %bitcast3A_707 = vector.bitcast %shift_left3A_706 : vector<16xi32> to vector<16xf32>
        %add3A_708 = arith.addf %add3A_695, %bitcast3A_707 : vector<16xf32>
        %and3A_709 = arith.andi %get3A_703, %broadcast_in_dim3A_5 : vector<16xi32>
        %bitcast3A_710 = vector.bitcast %and3A_709 : vector<16xi32> to vector<16xf32>
        %add3A_711 = arith.addf %add3A_698, %bitcast3A_710 : vector<16xf32>
        %add3A_712 = arith.constant 47 : i32
        %add3A_713 = arith.addi %mul3A_99, %add3A_712 : i32
        %get3A_714 = arith.index_cast %add3A_713 : i32 to index
        %get3A_715 = arith.constant 0 : index
        %get3A_716 = tpu.vector_load %arg7[%get3A_714, %get3A_715] {strides = array<i32>} : memref<800x32xi32, #tpu.memory_space<vmem>>, vector<16xi32>,
        %shift_left3A_717 = arith.constant 16 : i32
        %shift_left3A_718 = vector.broadcast %shift_left3A_717 : i32 to vector<16xi32>
        %shift_left3A_719 = arith.shli %get3A_716, %shift_left3A_718 : vector<16xi32>
        %bitcast3A_720 = vector.bitcast %shift_left3A_719 : vector<16xi32> to vector<16xf32>
        %add3A_721 = arith.addf %add3A_708, %bitcast3A_720 : vector<16xf32>
        %and3A_722 = arith.andi %get3A_716, %broadcast_in_dim3A_5 : vector<16xi32>
        %bitcast3A_723 = vector.bitcast %and3A_722 : vector<16xi32> to vector<16xf32>
        %add3A_724 = arith.addf %add3A_711, %bitcast3A_723 : vector<16xf32>
        %add3A_725 = arith.constant 48 : i32
        %add3A_726 = arith.addi %mul3A_99, %add3A_725 : i32
        %get3A_727 = arith.index_cast %add3A_726 : i32 to index
        %get3A_728 = arith.constant 0 : index
        %get3A_729 = tpu.vector_load %arg7[%get3A_727, %get3A_728] {strides = array<i32>} : memref<800x32xi32, #tpu.memory_space<vmem>>, vector<16xi32>,
        %shift_left3A_730 = arith.constant 16 : i32
        %shift_left3A_731 = vector.broadcast %shift_left3A_730 : i32 to vector<16xi32>
        %shift_left3A_732 = arith.shli %get3A_729, %shift_left3A_731 : vector<16xi32>
        %bitcast3A_733 = vector.bitcast %shift_left3A_732 : vector<16xi32> to vector<16xf32>
        %add3A_734 = arith.addf %add3A_721, %bitcast3A_733 : vector<16xf32>
        %and3A_735 = arith.andi %get3A_729, %broadcast_in_dim3A_5 : vector<16xi32>
        %bitcast3A_736 = vector.bitcast %and3A_735 : vector<16xi32> to vector<16xf32>
        %add3A_737 = arith.addf %add3A_724, %bitcast3A_736 : vector<16xf32>
        %add3A_738 = arith.constant 49 : i32
        %add3A_739 = arith.addi %mul3A_99, %add3A_738 : i32
        %get3A_740 = arith.index_cast %add3A_739 : i32 to index
        %get3A_741 = arith.constant 0 : index
        %get3A_742 = tpu.vector_load %arg7[%get3A_740, %get3A_741] {strides = array<i32>} : memref<800x32xi32, #tpu.memory_space<vmem>>, vector<16xi32>,
        %shift_left3A_743 = arith.constant 16 : i32
        %shift_left3A_744 = vector.broadcast %shift_left3A_743 : i32 to vector<16xi32>
        %shift_left3A_745 = arith.shli %get3A_742, %shift_left3A_744 : vector<16xi32>
        %bitcast3A_746 = vector.bitcast %shift_left3A_745 : vector<16xi32> to vector<16xf32>
        %add3A_747 = arith.addf %add3A_734, %bitcast3A_746 : vector<16xf32>
        %and3A_748 = arith.andi %get3A_742, %broadcast_in_dim3A_5 : vector<16xi32>
        %bitcast3A_749 = vector.bitcast %and3A_748 : vector<16xi32> to vector<16xf32>
        %add3A_750 = arith.addf %add3A_737, %bitcast3A_749 : vector<16xf32>
        tpu.vector_store_idx %arg8[%add3A_11, %broadcast_in_dim3A_100], %add3A_747 : memref<64x16xf32, #tpu.memory_space<vmem>>[vector<16xi32>, vector<16xi32>], vector<16xf32>,
        tpu.vector_store_idx %arg8[%add3A_17, %broadcast_in_dim3A_100], %add3A_750 : memref<64x16xf32, #tpu.memory_space<vmem>>[vector<16xi32>, vector<16xi32>], vector<16xf32>,
        %broadcast_in_dim3A_751 = arith.constant 0.000000e+00 : f32
        %broadcast_in_dim3A_752 = vector.broadcast %broadcast_in_dim3A_751 : f32 to vector<16xf32>
        %broadcast_in_dim3A_753 = arith.constant 0.000000e+00 : f32
        %broadcast_in_dim3A_754 = vector.broadcast %broadcast_in_dim3A_753 : f32 to vector<16xf32>
        %add3A_755 = arith.constant 0 : i32
        %add3A_756 = arith.addi %mul3A_99, %add3A_755 : i32
        %get3A_757 = arith.index_cast %add3A_756 : i32 to index
        %get3A_758 = arith.constant 16 : index
        %get3A_759 = tpu.vector_load %arg7[%get3A_757, %get3A_758] {strides = array<i32>} : memref<800x32xi32, #tpu.memory_space<vmem>>, vector<16xi32>,
        %shift_left3A_760 = arith.constant 16 : i32
        %shift_left3A_761 = vector.broadcast %shift_left3A_760 : i32 to vector<16xi32>
        %shift_left3A_762 = arith.shli %get3A_759, %shift_left3A_761 : vector<16xi32>
        %bitcast3A_763 = vector.bitcast %shift_left3A_762 : vector<16xi32> to vector<16xf32>
        %add3A_764 = arith.addf %broadcast_in_dim3A_752, %bitcast3A_763 : vector<16xf32>
        %and3A_765 = arith.andi %get3A_759, %broadcast_in_dim3A_5 : vector<16xi32>
        %bitcast3A_766 = vector.bitcast %and3A_765 : vector<16xi32> to vector<16xf32>
        %add3A_767 = arith.addf %broadcast_in_dim3A_754, %bitcast3A_766 : vector<16xf32>
        %add3A_768 = arith.constant 1 : i32
        %add3A_769 = arith.addi %mul3A_99, %add3A_768 : i32
        %get3A_770 = arith.index_cast %add3A_769 : i32 to index
        %get3A_771 = arith.constant 16 : index
        %get3A_772 = tpu.vector_load %arg7[%get3A_770, %get3A_771] {strides = array<i32>} : memref<800x32xi32, #tpu.memory_space<vmem>>, vector<16xi32>,
        %shift_left3A_773 = arith.constant 16 : i32
        %shift_left3A_774 = vector.broadcast %shift_left3A_773 : i32 to vector<16xi32>
        %shift_left3A_775 = arith.shli %get3A_772, %shift_left3A_774 : vector<16xi32>
        %bitcast3A_776 = vector.bitcast %shift_left3A_775 : vector<16xi32> to vector<16xf32>
        %add3A_777 = arith.addf %add3A_764, %bitcast3A_776 : vector<16xf32>
        %and3A_778 = arith.andi %get3A_772, %broadcast_in_dim3A_5 : vector<16xi32>
        %bitcast3A_779 = vector.bitcast %and3A_778 : vector<16xi32> to vector<16xf32>
        %add3A_780 = arith.addf %add3A_767, %bitcast3A_779 : vector<16xf32>
        %add3A_781 = arith.constant 2 : i32
        %add3A_782 = arith.addi %mul3A_99, %add3A_781 : i32
        %get3A_783 = arith.index_cast %add3A_782 : i32 to index
        %get3A_784 = arith.constant 16 : index
        %get3A_785 = tpu.vector_load %arg7[%get3A_783, %get3A_784] {strides = array<i32>} : memref<800x32xi32, #tpu.memory_space<vmem>>, vector<16xi32>,
        %shift_left3A_786 = arith.constant 16 : i32
        %shift_left3A_787 = vector.broadcast %shift_left3A_786 : i32 to vector<16xi32>
        %shift_left3A_788 = arith.shli %get3A_785, %shift_left3A_787 : vector<16xi32>
        %bitcast3A_789 = vector.bitcast %shift_left3A_788 : vector<16xi32> to vector<16xf32>
        %add3A_790 = arith.addf %add3A_777, %bitcast3A_789 : vector<16xf32>
        %and3A_791 = arith.andi %get3A_785, %broadcast_in_dim3A_5 : vector<16xi32>
        %bitcast3A_792 = vector.bitcast %and3A_791 : vector<16xi32> to vector<16xf32>
        %add3A_793 = arith.addf %add3A_780, %bitcast3A_792 : vector<16xf32>
        %add3A_794 = arith.constant 3 : i32
        %add3A_795 = arith.addi %mul3A_99, %add3A_794 : i32
        %get3A_796 = arith.index_cast %add3A_795 : i32 to index
        %get3A_797 = arith.constant 16 : index
        %get3A_798 = tpu.vector_load %arg7[%get3A_796, %get3A_797] {strides = array<i32>} : memref<800x32xi32, #tpu.memory_space<vmem>>, vector<16xi32>,
        %shift_left3A_799 = arith.constant 16 : i32
        %shift_left3A_800 = vector.broadcast %shift_left3A_799 : i32 to vector<16xi32>
        %shift_left3A_801 = arith.shli %get3A_798, %shift_left3A_800 : vector<16xi32>
        %bitcast3A_802 = vector.bitcast %shift_left3A_801 : vector<16xi32> to vector<16xf32>
        %add3A_803 = arith.addf %add3A_790, %bitcast3A_802 : vector<16xf32>
        %and3A_804 = arith.andi %get3A_798, %broadcast_in_dim3A_5 : vector<16xi32>
        %bitcast3A_805 = vector.bitcast %and3A_804 : vector<16xi32> to vector<16xf32>
        %add3A_806 = arith.addf %add3A_793, %bitcast3A_805 : vector<16xf32>
        %add3A_807 = arith.constant 4 : i32
        %add3A_808 = arith.addi %mul3A_99, %add3A_807 : i32
        %get3A_809 = arith.index_cast %add3A_808 : i32 to index
        %get3A_810 = arith.constant 16 : index
        %get3A_811 = tpu.vector_load %arg7[%get3A_809, %get3A_810] {strides = array<i32>} : memref<800x32xi32, #tpu.memory_space<vmem>>, vector<16xi32>,
        %shift_left3A_812 = arith.constant 16 : i32
        %shift_left3A_813 = vector.broadcast %shift_left3A_812 : i32 to vector<16xi32>
        %shift_left3A_814 = arith.shli %get3A_811, %shift_left3A_813 : vector<16xi32>
        %bitcast3A_815 = vector.bitcast %shift_left3A_814 : vector<16xi32> to vector<16xf32>
        %add3A_816 = arith.addf %add3A_803, %bitcast3A_815 : vector<16xf32>
        %and3A_817 = arith.andi %get3A_811, %broadcast_in_dim3A_5 : vector<16xi32>
        %bitcast3A_818 = vector.bitcast %and3A_817 : vector<16xi32> to vector<16xf32>
        %add3A_819 = arith.addf %add3A_806, %bitcast3A_818 : vector<16xf32>
        %add3A_820 = arith.constant 5 : i32
        %add3A_821 = arith.addi %mul3A_99, %add3A_820 : i32
        %get3A_822 = arith.index_cast %add3A_821 : i32 to index
        %get3A_823 = arith.constant 16 : index
        %get3A_824 = tpu.vector_load %arg7[%get3A_822, %get3A_823] {strides = array<i32>} : memref<800x32xi32, #tpu.memory_space<vmem>>, vector<16xi32>,
        %shift_left3A_825 = arith.constant 16 : i32
        %shift_left3A_826 = vector.broadcast %shift_left3A_825 : i32 to vector<16xi32>
        %shift_left3A_827 = arith.shli %get3A_824, %shift_left3A_826 : vector<16xi32>
        %bitcast3A_828 = vector.bitcast %shift_left3A_827 : vector<16xi32> to vector<16xf32>
        %add3A_829 = arith.addf %add3A_816, %bitcast3A_828 : vector<16xf32>
        %and3A_830 = arith.andi %get3A_824, %broadcast_in_dim3A_5 : vector<16xi32>
        %bitcast3A_831 = vector.bitcast %and3A_830 : vector<16xi32> to vector<16xf32>
        %add3A_832 = arith.addf %add3A_819, %bitcast3A_831 : vector<16xf32>
        %add3A_833 = arith.constant 6 : i32
        %add3A_834 = arith.addi %mul3A_99, %add3A_833 : i32
        %get3A_835 = arith.index_cast %add3A_834 : i32 to index
        %get3A_836 = arith.constant 16 : index
        %get3A_837 = tpu.vector_load %arg7[%get3A_835, %get3A_836] {strides = array<i32>} : memref<800x32xi32, #tpu.memory_space<vmem>>, vector<16xi32>,
        %shift_left3A_838 = arith.constant 16 : i32
        %shift_left3A_839 = vector.broadcast %shift_left3A_838 : i32 to vector<16xi32>
        %shift_left3A_840 = arith.shli %get3A_837, %shift_left3A_839 : vector<16xi32>
        %bitcast3A_841 = vector.bitcast %shift_left3A_840 : vector<16xi32> to vector<16xf32>
        %add3A_842 = arith.addf %add3A_829, %bitcast3A_841 : vector<16xf32>
        %and3A_843 = arith.andi %get3A_837, %broadcast_in_dim3A_5 : vector<16xi32>
        %bitcast3A_844 = vector.bitcast %and3A_843 : vector<16xi32> to vector<16xf32>
        %add3A_845 = arith.addf %add3A_832, %bitcast3A_844 : vector<16xf32>
        %add3A_846 = arith.constant 7 : i32
        %add3A_847 = arith.addi %mul3A_99, %add3A_846 : i32
        %get3A_848 = arith.index_cast %add3A_847 : i32 to index
        %get3A_849 = arith.constant 16 : index
        %get3A_850 = tpu.vector_load %arg7[%get3A_848, %get3A_849] {strides = array<i32>} : memref<800x32xi32, #tpu.memory_space<vmem>>, vector<16xi32>,
        %shift_left3A_851 = arith.constant 16 : i32
        %shift_left3A_852 = vector.broadcast %shift_left3A_851 : i32 to vector<16xi32>
        %shift_left3A_853 = arith.shli %get3A_850, %shift_left3A_852 : vector<16xi32>
        %bitcast3A_854 = vector.bitcast %shift_left3A_853 : vector<16xi32> to vector<16xf32>
        %add3A_855 = arith.addf %add3A_842, %bitcast3A_854 : vector<16xf32>
        %and3A_856 = arith.andi %get3A_850, %broadcast_in_dim3A_5 : vector<16xi32>
        %bitcast3A_857 = vector.bitcast %and3A_856 : vector<16xi32> to vector<16xf32>
        %add3A_858 = arith.addf %add3A_845, %bitcast3A_857 : vector<16xf32>
        %add3A_859 = arith.constant 8 : i32
        %add3A_860 = arith.addi %mul3A_99, %add3A_859 : i32
        %get3A_861 = arith.index_cast %add3A_860 : i32 to index
        %get3A_862 = arith.constant 16 : index
        %get3A_863 = tpu.vector_load %arg7[%get3A_861, %get3A_862] {strides = array<i32>} : memref<800x32xi32, #tpu.memory_space<vmem>>, vector<16xi32>,
        %shift_left3A_864 = arith.constant 16 : i32
        %shift_left3A_865 = vector.broadcast %shift_left3A_864 : i32 to vector<16xi32>
        %shift_left3A_866 = arith.shli %get3A_863, %shift_left3A_865 : vector<16xi32>
        %bitcast3A_867 = vector.bitcast %shift_left3A_866 : vector<16xi32> to vector<16xf32>
        %add3A_868 = arith.addf %add3A_855, %bitcast3A_867 : vector<16xf32>
        %and3A_869 = arith.andi %get3A_863, %broadcast_in_dim3A_5 : vector<16xi32>
        %bitcast3A_870 = vector.bitcast %and3A_869 : vector<16xi32> to vector<16xf32>
        %add3A_871 = arith.addf %add3A_858, %bitcast3A_870 : vector<16xf32>
        %add3A_872 = arith.constant 9 : i32
        %add3A_873 = arith.addi %mul3A_99, %add3A_872 : i32
        %get3A_874 = arith.index_cast %add3A_873 : i32 to index
        %get3A_875 = arith.constant 16 : index
        %get3A_876 = tpu.vector_load %arg7[%get3A_874, %get3A_875] {strides = array<i32>} : memref<800x32xi32, #tpu.memory_space<vmem>>, vector<16xi32>,
        %shift_left3A_877 = arith.constant 16 : i32
        %shift_left3A_878 = vector.broadcast %shift_left3A_877 : i32 to vector<16xi32>
        %shift_left3A_879 = arith.shli %get3A_876, %shift_left3A_878 : vector<16xi32>
        %bitcast3A_880 = vector.bitcast %shift_left3A_879 : vector<16xi32> to vector<16xf32>
        %add3A_881 = arith.addf %add3A_868, %bitcast3A_880 : vector<16xf32>
        %and3A_882 = arith.andi %get3A_876, %broadcast_in_dim3A_5 : vector<16xi32>
        %bitcast3A_883 = vector.bitcast %and3A_882 : vector<16xi32> to vector<16xf32>
        %add3A_884 = arith.addf %add3A_871, %bitcast3A_883 : vector<16xf32>
        %add3A_885 = arith.constant 10 : i32
        %add3A_886 = arith.addi %mul3A_99, %add3A_885 : i32
        %get3A_887 = arith.index_cast %add3A_886 : i32 to index
        %get3A_888 = arith.constant 16 : index
        %get3A_889 = tpu.vector_load %arg7[%get3A_887, %get3A_888] {strides = array<i32>} : memref<800x32xi32, #tpu.memory_space<vmem>>, vector<16xi32>,
        %shift_left3A_890 = arith.constant 16 : i32
        %shift_left3A_891 = vector.broadcast %shift_left3A_890 : i32 to vector<16xi32>
        %shift_left3A_892 = arith.shli %get3A_889, %shift_left3A_891 : vector<16xi32>
        %bitcast3A_893 = vector.bitcast %shift_left3A_892 : vector<16xi32> to vector<16xf32>
        %add3A_894 = arith.addf %add3A_881, %bitcast3A_893 : vector<16xf32>
        %and3A_895 = arith.andi %get3A_889, %broadcast_in_dim3A_5 : vector<16xi32>
        %bitcast3A_896 = vector.bitcast %and3A_895 : vector<16xi32> to vector<16xf32>
        %add3A_897 = arith.addf %add3A_884, %bitcast3A_896 : vector<16xf32>
        %add3A_898 = arith.constant 11 : i32
        %add3A_899 = arith.addi %mul3A_99, %add3A_898 : i32
        %get3A_900 = arith.index_cast %add3A_899 : i32 to index
        %get3A_901 = arith.constant 16 : index
        %get3A_902 = tpu.vector_load %arg7[%get3A_900, %get3A_901] {strides = array<i32>} : memref<800x32xi32, #tpu.memory_space<vmem>>, vector<16xi32>,
        %shift_left3A_903 = arith.constant 16 : i32
        %shift_left3A_904 = vector.broadcast %shift_left3A_903 : i32 to vector<16xi32>
        %shift_left3A_905 = arith.shli %get3A_902, %shift_left3A_904 : vector<16xi32>
        %bitcast3A_906 = vector.bitcast %shift_left3A_905 : vector<16xi32> to vector<16xf32>
        %add3A_907 = arith.addf %add3A_894, %bitcast3A_906 : vector<16xf32>
        %and3A_908 = arith.andi %get3A_902, %broadcast_in_dim3A_5 : vector<16xi32>
        %bitcast3A_909 = vector.bitcast %and3A_908 : vector<16xi32> to vector<16xf32>
        %add3A_910 = arith.addf %add3A_897, %bitcast3A_909 : vector<16xf32>
        %add3A_911 = arith.constant 12 : i32
        %add3A_912 = arith.addi %mul3A_99, %add3A_911 : i32
        %get3A_913 = arith.index_cast %add3A_912 : i32 to index
        %get3A_914 = arith.constant 16 : index
        %get3A_915 = tpu.vector_load %arg7[%get3A_913, %get3A_914] {strides = array<i32>} : memref<800x32xi32, #tpu.memory_space<vmem>>, vector<16xi32>,
        %shift_left3A_916 = arith.constant 16 : i32
        %shift_left3A_917 = vector.broadcast %shift_left3A_916 : i32 to vector<16xi32>
        %shift_left3A_918 = arith.shli %get3A_915, %shift_left3A_917 : vector<16xi32>
        %bitcast3A_919 = vector.bitcast %shift_left3A_918 : vector<16xi32> to vector<16xf32>
        %add3A_920 = arith.addf %add3A_907, %bitcast3A_919 : vector<16xf32>
        %and3A_921 = arith.andi %get3A_915, %broadcast_in_dim3A_5 : vector<16xi32>
        %bitcast3A_922 = vector.bitcast %and3A_921 : vector<16xi32> to vector<16xf32>
        %add3A_923 = arith.addf %add3A_910, %bitcast3A_922 : vector<16xf32>
        %add3A_924 = arith.constant 13 : i32
        %add3A_925 = arith.addi %mul3A_99, %add3A_924 : i32
        %get3A_926 = arith.index_cast %add3A_925 : i32 to index
        %get3A_927 = arith.constant 16 : index
        %get3A_928 = tpu.vector_load %arg7[%get3A_926, %get3A_927] {strides = array<i32>} : memref<800x32xi32, #tpu.memory_space<vmem>>, vector<16xi32>,
        %shift_left3A_929 = arith.constant 16 : i32
        %shift_left3A_930 = vector.broadcast %shift_left3A_929 : i32 to vector<16xi32>
        %shift_left3A_931 = arith.shli %get3A_928, %shift_left3A_930 : vector<16xi32>
        %bitcast3A_932 = vector.bitcast %shift_left3A_931 : vector<16xi32> to vector<16xf32>
        %add3A_933 = arith.addf %add3A_920, %bitcast3A_932 : vector<16xf32>
        %and3A_934 = arith.andi %get3A_928, %broadcast_in_dim3A_5 : vector<16xi32>
        %bitcast3A_935 = vector.bitcast %and3A_934 : vector<16xi32> to vector<16xf32>
        %add3A_936 = arith.addf %add3A_923, %bitcast3A_935 : vector<16xf32>
        %add3A_937 = arith.constant 14 : i32
        %add3A_938 = arith.addi %mul3A_99, %add3A_937 : i32
        %get3A_939 = arith.index_cast %add3A_938 : i32 to index
        %get3A_940 = arith.constant 16 : index
        %get3A_941 = tpu.vector_load %arg7[%get3A_939, %get3A_940] {strides = array<i32>} : memref<800x32xi32, #tpu.memory_space<vmem>>, vector<16xi32>,
        %shift_left3A_942 = arith.constant 16 : i32
        %shift_left3A_943 = vector.broadcast %shift_left3A_942 : i32 to vector<16xi32>
        %shift_left3A_944 = arith.shli %get3A_941, %shift_left3A_943 : vector<16xi32>
        %bitcast3A_945 = vector.bitcast %shift_left3A_944 : vector<16xi32> to vector<16xf32>
        %add3A_946 = arith.addf %add3A_933, %bitcast3A_945 : vector<16xf32>
        %and3A_947 = arith.andi %get3A_941, %broadcast_in_dim3A_5 : vector<16xi32>
        %bitcast3A_948 = vector.bitcast %and3A_947 : vector<16xi32> to vector<16xf32>
        %add3A_949 = arith.addf %add3A_936, %bitcast3A_948 : vector<16xf32>
        %add3A_950 = arith.constant 15 : i32
        %add3A_951 = arith.addi %mul3A_99, %add3A_950 : i32
        %get3A_952 = arith.index_cast %add3A_951 : i32 to index
        %get3A_953 = arith.constant 16 : index
        %get3A_954 = tpu.vector_load %arg7[%get3A_952, %get3A_953] {strides = array<i32>} : memref<800x32xi32, #tpu.memory_space<vmem>>, vector<16xi32>,
        %shift_left3A_955 = arith.constant 16 : i32
        %shift_left3A_956 = vector.broadcast %shift_left3A_955 : i32 to vector<16xi32>
        %shift_left3A_957 = arith.shli %get3A_954, %shift_left3A_956 : vector<16xi32>
        %bitcast3A_958 = vector.bitcast %shift_left3A_957 : vector<16xi32> to vector<16xf32>
        %add3A_959 = arith.addf %add3A_946, %bitcast3A_958 : vector<16xf32>
        %and3A_960 = arith.andi %get3A_954, %broadcast_in_dim3A_5 : vector<16xi32>
        %bitcast3A_961 = vector.bitcast %and3A_960 : vector<16xi32> to vector<16xf32>
        %add3A_962 = arith.addf %add3A_949, %bitcast3A_961 : vector<16xf32>
        %add3A_963 = arith.constant 16 : i32
        %add3A_964 = arith.addi %mul3A_99, %add3A_963 : i32
        %get3A_965 = arith.index_cast %add3A_964 : i32 to index
        %get3A_966 = arith.constant 16 : index
        %get3A_967 = tpu.vector_load %arg7[%get3A_965, %get3A_966] {strides = array<i32>} : memref<800x32xi32, #tpu.memory_space<vmem>>, vector<16xi32>,
        %shift_left3A_968 = arith.constant 16 : i32
        %shift_left3A_969 = vector.broadcast %shift_left3A_968 : i32 to vector<16xi32>
        %shift_left3A_970 = arith.shli %get3A_967, %shift_left3A_969 : vector<16xi32>
        %bitcast3A_971 = vector.bitcast %shift_left3A_970 : vector<16xi32> to vector<16xf32>
        %add3A_972 = arith.addf %add3A_959, %bitcast3A_971 : vector<16xf32>
        %and3A_973 = arith.andi %get3A_967, %broadcast_in_dim3A_5 : vector<16xi32>
        %bitcast3A_974 = vector.bitcast %and3A_973 : vector<16xi32> to vector<16xf32>
        %add3A_975 = arith.addf %add3A_962, %bitcast3A_974 : vector<16xf32>
        %add3A_976 = arith.constant 17 : i32
        %add3A_977 = arith.addi %mul3A_99, %add3A_976 : i32
        %get3A_978 = arith.index_cast %add3A_977 : i32 to index
        %get3A_979 = arith.constant 16 : index
        %get3A_980 = tpu.vector_load %arg7[%get3A_978, %get3A_979] {strides = array<i32>} : memref<800x32xi32, #tpu.memory_space<vmem>>, vector<16xi32>,
        %shift_left3A_981 = arith.constant 16 : i32
        %shift_left3A_982 = vector.broadcast %shift_left3A_981 : i32 to vector<16xi32>
        %shift_left3A_983 = arith.shli %get3A_980, %shift_left3A_982 : vector<16xi32>
        %bitcast3A_984 = vector.bitcast %shift_left3A_983 : vector<16xi32> to vector<16xf32>
        %add3A_985 = arith.addf %add3A_972, %bitcast3A_984 : vector<16xf32>
        %and3A_986 = arith.andi %get3A_980, %broadcast_in_dim3A_5 : vector<16xi32>
        %bitcast3A_987 = vector.bitcast %and3A_986 : vector<16xi32> to vector<16xf32>
        %add3A_988 = arith.addf %add3A_975, %bitcast3A_987 : vector<16xf32>
        %add3A_989 = arith.constant 18 : i32
        %add3A_990 = arith.addi %mul3A_99, %add3A_989 : i32
        %get3A_991 = arith.index_cast %add3A_990 : i32 to index
        %get3A_992 = arith.constant 16 : index
        %get3A_993 = tpu.vector_load %arg7[%get3A_991, %get3A_992] {strides = array<i32>} : memref<800x32xi32, #tpu.memory_space<vmem>>, vector<16xi32>,
        %shift_left3A_994 = arith.constant 16 : i32
        %shift_left3A_995 = vector.broadcast %shift_left3A_994 : i32 to vector<16xi32>
        %shift_left3A_996 = arith.shli %get3A_993, %shift_left3A_995 : vector<16xi32>
        %bitcast3A_997 = vector.bitcast %shift_left3A_996 : vector<16xi32> to vector<16xf32>
        %add3A_998 = arith.addf %add3A_985, %bitcast3A_997 : vector<16xf32>
        %and3A_999 = arith.andi %get3A_993, %broadcast_in_dim3A_5 : vector<16xi32>
        %bitcast3A_1000 = vector.bitcast %and3A_999 : vector<16xi32> to vector<16xf32>
        %add3A_1001 = arith.addf %add3A_988, %bitcast3A_1000 : vector<16xf32>
        %add3A_1002 = arith.constant 19 : i32
        %add3A_1003 = arith.addi %mul3A_99, %add3A_1002 : i32
        %get3A_1004 = arith.index_cast %add3A_1003 : i32 to index
        %get3A_1005 = arith.constant 16 : index
        %get3A_1006 = tpu.vector_load %arg7[%get3A_1004, %get3A_1005] {strides = array<i32>} : memref<800x32xi32, #tpu.memory_space<vmem>>, vector<16xi32>,
        %shift_left3A_1007 = arith.constant 16 : i32
        %shift_left3A_1008 = vector.broadcast %shift_left3A_1007 : i32 to vector<16xi32>
        %shift_left3A_1009 = arith.shli %get3A_1006, %shift_left3A_1008 : vector<16xi32>
        %bitcast3A_1010 = vector.bitcast %shift_left3A_1009 : vector<16xi32> to vector<16xf32>
        %add3A_1011 = arith.addf %add3A_998, %bitcast3A_1010 : vector<16xf32>
        %and3A_1012 = arith.andi %get3A_1006, %broadcast_in_dim3A_5 : vector<16xi32>
        %bitcast3A_1013 = vector.bitcast %and3A_1012 : vector<16xi32> to vector<16xf32>
        %add3A_1014 = arith.addf %add3A_1001, %bitcast3A_1013 : vector<16xf32>
        %add3A_1015 = arith.constant 20 : i32
        %add3A_1016 = arith.addi %mul3A_99, %add3A_1015 : i32
        %get3A_1017 = arith.index_cast %add3A_1016 : i32 to index
        %get3A_1018 = arith.constant 16 : index
        %get3A_1019 = tpu.vector_load %arg7[%get3A_1017, %get3A_1018] {strides = array<i32>} : memref<800x32xi32, #tpu.memory_space<vmem>>, vector<16xi32>,
        %shift_left3A_1020 = arith.constant 16 : i32
        %shift_left3A_1021 = vector.broadcast %shift_left3A_1020 : i32 to vector<16xi32>
        %shift_left3A_1022 = arith.shli %get3A_1019, %shift_left3A_1021 : vector<16xi32>
        %bitcast3A_1023 = vector.bitcast %shift_left3A_1022 : vector<16xi32> to vector<16xf32>
        %add3A_1024 = arith.addf %add3A_1011, %bitcast3A_1023 : vector<16xf32>
        %and3A_1025 = arith.andi %get3A_1019, %broadcast_in_dim3A_5 : vector<16xi32>
        %bitcast3A_1026 = vector.bitcast %and3A_1025 : vector<16xi32> to vector<16xf32>
        %add3A_1027 = arith.addf %add3A_1014, %bitcast3A_1026 : vector<16xf32>
        %add3A_1028 = arith.constant 21 : i32
        %add3A_1029 = arith.addi %mul3A_99, %add3A_1028 : i32
        %get3A_1030 = arith.index_cast %add3A_1029 : i32 to index
        %get3A_1031 = arith.constant 16 : index
        %get3A_1032 = tpu.vector_load %arg7[%get3A_1030, %get3A_1031] {strides = array<i32>} : memref<800x32xi32, #tpu.memory_space<vmem>>, vector<16xi32>,
        %shift_left3A_1033 = arith.constant 16 : i32
        %shift_left3A_1034 = vector.broadcast %shift_left3A_1033 : i32 to vector<16xi32>
        %shift_left3A_1035 = arith.shli %get3A_1032, %shift_left3A_1034 : vector<16xi32>
        %bitcast3A_1036 = vector.bitcast %shift_left3A_1035 : vector<16xi32> to vector<16xf32>
        %add3A_1037 = arith.addf %add3A_1024, %bitcast3A_1036 : vector<16xf32>
        %and3A_1038 = arith.andi %get3A_1032, %broadcast_in_dim3A_5 : vector<16xi32>
        %bitcast3A_1039 = vector.bitcast %and3A_1038 : vector<16xi32> to vector<16xf32>
        %add3A_1040 = arith.addf %add3A_1027, %bitcast3A_1039 : vector<16xf32>
        %add3A_1041 = arith.constant 22 : i32
        %add3A_1042 = arith.addi %mul3A_99, %add3A_1041 : i32
        %get3A_1043 = arith.index_cast %add3A_1042 : i32 to index
        %get3A_1044 = arith.constant 16 : index
        %get3A_1045 = tpu.vector_load %arg7[%get3A_1043, %get3A_1044] {strides = array<i32>} : memref<800x32xi32, #tpu.memory_space<vmem>>, vector<16xi32>,
        %shift_left3A_1046 = arith.constant 16 : i32
        %shift_left3A_1047 = vector.broadcast %shift_left3A_1046 : i32 to vector<16xi32>
        %shift_left3A_1048 = arith.shli %get3A_1045, %shift_left3A_1047 : vector<16xi32>
        %bitcast3A_1049 = vector.bitcast %shift_left3A_1048 : vector<16xi32> to vector<16xf32>
        %add3A_1050 = arith.addf %add3A_1037, %bitcast3A_1049 : vector<16xf32>
        %and3A_1051 = arith.andi %get3A_1045, %broadcast_in_dim3A_5 : vector<16xi32>
        %bitcast3A_1052 = vector.bitcast %and3A_1051 : vector<16xi32> to vector<16xf32>
        %add3A_1053 = arith.addf %add3A_1040, %bitcast3A_1052 : vector<16xf32>
        %add3A_1054 = arith.constant 23 : i32
        %add3A_1055 = arith.addi %mul3A_99, %add3A_1054 : i32
        %get3A_1056 = arith.index_cast %add3A_1055 : i32 to index
        %get3A_1057 = arith.constant 16 : index
        %get3A_1058 = tpu.vector_load %arg7[%get3A_1056, %get3A_1057] {strides = array<i32>} : memref<800x32xi32, #tpu.memory_space<vmem>>, vector<16xi32>,
        %shift_left3A_1059 = arith.constant 16 : i32
        %shift_left3A_1060 = vector.broadcast %shift_left3A_1059 : i32 to vector<16xi32>
        %shift_left3A_1061 = arith.shli %get3A_1058, %shift_left3A_1060 : vector<16xi32>
        %bitcast3A_1062 = vector.bitcast %shift_left3A_1061 : vector<16xi32> to vector<16xf32>
        %add3A_1063 = arith.addf %add3A_1050, %bitcast3A_1062 : vector<16xf32>
        %and3A_1064 = arith.andi %get3A_1058, %broadcast_in_dim3A_5 : vector<16xi32>
        %bitcast3A_1065 = vector.bitcast %and3A_1064 : vector<16xi32> to vector<16xf32>
        %add3A_1066 = arith.addf %add3A_1053, %bitcast3A_1065 : vector<16xf32>
        %add3A_1067 = arith.constant 24 : i32
        %add3A_1068 = arith.addi %mul3A_99, %add3A_1067 : i32
        %get3A_1069 = arith.index_cast %add3A_1068 : i32 to index
        %get3A_1070 = arith.constant 16 : index
        %get3A_1071 = tpu.vector_load %arg7[%get3A_1069, %get3A_1070] {strides = array<i32>} : memref<800x32xi32, #tpu.memory_space<vmem>>, vector<16xi32>,
        %shift_left3A_1072 = arith.constant 16 : i32
        %shift_left3A_1073 = vector.broadcast %shift_left3A_1072 : i32 to vector<16xi32>
        %shift_left3A_1074 = arith.shli %get3A_1071, %shift_left3A_1073 : vector<16xi32>
        %bitcast3A_1075 = vector.bitcast %shift_left3A_1074 : vector<16xi32> to vector<16xf32>
        %add3A_1076 = arith.addf %add3A_1063, %bitcast3A_1075 : vector<16xf32>
        %and3A_1077 = arith.andi %get3A_1071, %broadcast_in_dim3A_5 : vector<16xi32>
        %bitcast3A_1078 = vector.bitcast %and3A_1077 : vector<16xi32> to vector<16xf32>
        %add3A_1079 = arith.addf %add3A_1066, %bitcast3A_1078 : vector<16xf32>
        %add3A_1080 = arith.constant 25 : i32
        %add3A_1081 = arith.addi %mul3A_99, %add3A_1080 : i32
        %get3A_1082 = arith.index_cast %add3A_1081 : i32 to index
        %get3A_1083 = arith.constant 16 : index
        %get3A_1084 = tpu.vector_load %arg7[%get3A_1082, %get3A_1083] {strides = array<i32>} : memref<800x32xi32, #tpu.memory_space<vmem>>, vector<16xi32>,
        %shift_left3A_1085 = arith.constant 16 : i32
        %shift_left3A_1086 = vector.broadcast %shift_left3A_1085 : i32 to vector<16xi32>
        %shift_left3A_1087 = arith.shli %get3A_1084, %shift_left3A_1086 : vector<16xi32>
        %bitcast3A_1088 = vector.bitcast %shift_left3A_1087 : vector<16xi32> to vector<16xf32>
        %add3A_1089 = arith.addf %add3A_1076, %bitcast3A_1088 : vector<16xf32>
        %and3A_1090 = arith.andi %get3A_1084, %broadcast_in_dim3A_5 : vector<16xi32>
        %bitcast3A_1091 = vector.bitcast %and3A_1090 : vector<16xi32> to vector<16xf32>
        %add3A_1092 = arith.addf %add3A_1079, %bitcast3A_1091 : vector<16xf32>
        %add3A_1093 = arith.constant 26 : i32
        %add3A_1094 = arith.addi %mul3A_99, %add3A_1093 : i32
        %get3A_1095 = arith.index_cast %add3A_1094 : i32 to index
        %get3A_1096 = arith.constant 16 : index
        %get3A_1097 = tpu.vector_load %arg7[%get3A_1095, %get3A_1096] {strides = array<i32>} : memref<800x32xi32, #tpu.memory_space<vmem>>, vector<16xi32>,
        %shift_left3A_1098 = arith.constant 16 : i32
        %shift_left3A_1099 = vector.broadcast %shift_left3A_1098 : i32 to vector<16xi32>
        %shift_left3A_1100 = arith.shli %get3A_1097, %shift_left3A_1099 : vector<16xi32>
        %bitcast3A_1101 = vector.bitcast %shift_left3A_1100 : vector<16xi32> to vector<16xf32>
        %add3A_1102 = arith.addf %add3A_1089, %bitcast3A_1101 : vector<16xf32>
        %and3A_1103 = arith.andi %get3A_1097, %broadcast_in_dim3A_5 : vector<16xi32>
        %bitcast3A_1104 = vector.bitcast %and3A_1103 : vector<16xi32> to vector<16xf32>
        %add3A_1105 = arith.addf %add3A_1092, %bitcast3A_1104 : vector<16xf32>
        %add3A_1106 = arith.constant 27 : i32
        %add3A_1107 = arith.addi %mul3A_99, %add3A_1106 : i32
        %get3A_1108 = arith.index_cast %add3A_1107 : i32 to index
        %get3A_1109 = arith.constant 16 : index
        %get3A_1110 = tpu.vector_load %arg7[%get3A_1108, %get3A_1109] {strides = array<i32>} : memref<800x32xi32, #tpu.memory_space<vmem>>, vector<16xi32>,
        %shift_left3A_1111 = arith.constant 16 : i32
        %shift_left3A_1112 = vector.broadcast %shift_left3A_1111 : i32 to vector<16xi32>
        %shift_left3A_1113 = arith.shli %get3A_1110, %shift_left3A_1112 : vector<16xi32>
        %bitcast3A_1114 = vector.bitcast %shift_left3A_1113 : vector<16xi32> to vector<16xf32>
        %add3A_1115 = arith.addf %add3A_1102, %bitcast3A_1114 : vector<16xf32>
        %and3A_1116 = arith.andi %get3A_1110, %broadcast_in_dim3A_5 : vector<16xi32>
        %bitcast3A_1117 = vector.bitcast %and3A_1116 : vector<16xi32> to vector<16xf32>
        %add3A_1118 = arith.addf %add3A_1105, %bitcast3A_1117 : vector<16xf32>
        %add3A_1119 = arith.constant 28 : i32
        %add3A_1120 = arith.addi %mul3A_99, %add3A_1119 : i32
        %get3A_1121 = arith.index_cast %add3A_1120 : i32 to index
        %get3A_1122 = arith.constant 16 : index
        %get3A_1123 = tpu.vector_load %arg7[%get3A_1121, %get3A_1122] {strides = array<i32>} : memref<800x32xi32, #tpu.memory_space<vmem>>, vector<16xi32>,
        %shift_left3A_1124 = arith.constant 16 : i32
        %shift_left3A_1125 = vector.broadcast %shift_left3A_1124 : i32 to vector<16xi32>
        %shift_left3A_1126 = arith.shli %get3A_1123, %shift_left3A_1125 : vector<16xi32>
        %bitcast3A_1127 = vector.bitcast %shift_left3A_1126 : vector<16xi32> to vector<16xf32>
        %add3A_1128 = arith.addf %add3A_1115, %bitcast3A_1127 : vector<16xf32>
        %and3A_1129 = arith.andi %get3A_1123, %broadcast_in_dim3A_5 : vector<16xi32>
        %bitcast3A_1130 = vector.bitcast %and3A_1129 : vector<16xi32> to vector<16xf32>
        %add3A_1131 = arith.addf %add3A_1118, %bitcast3A_1130 : vector<16xf32>
        %add3A_1132 = arith.constant 29 : i32
        %add3A_1133 = arith.addi %mul3A_99, %add3A_1132 : i32
        %get3A_1134 = arith.index_cast %add3A_1133 : i32 to index
        %get3A_1135 = arith.constant 16 : index
        %get3A_1136 = tpu.vector_load %arg7[%get3A_1134, %get3A_1135] {strides = array<i32>} : memref<800x32xi32, #tpu.memory_space<vmem>>, vector<16xi32>,
        %shift_left3A_1137 = arith.constant 16 : i32
        %shift_left3A_1138 = vector.broadcast %shift_left3A_1137 : i32 to vector<16xi32>
        %shift_left3A_1139 = arith.shli %get3A_1136, %shift_left3A_1138 : vector<16xi32>
        %bitcast3A_1140 = vector.bitcast %shift_left3A_1139 : vector<16xi32> to vector<16xf32>
        %add3A_1141 = arith.addf %add3A_1128, %bitcast3A_1140 : vector<16xf32>
        %and3A_1142 = arith.andi %get3A_1136, %broadcast_in_dim3A_5 : vector<16xi32>
        %bitcast3A_1143 = vector.bitcast %and3A_1142 : vector<16xi32> to vector<16xf32>
        %add3A_1144 = arith.addf %add3A_1131, %bitcast3A_1143 : vector<16xf32>
        %add3A_1145 = arith.constant 30 : i32
        %add3A_1146 = arith.addi %mul3A_99, %add3A_1145 : i32
        %get3A_1147 = arith.index_cast %add3A_1146 : i32 to index
        %get3A_1148 = arith.constant 16 : index
        %get3A_1149 = tpu.vector_load %arg7[%get3A_1147, %get3A_1148] {strides = array<i32>} : memref<800x32xi32, #tpu.memory_space<vmem>>, vector<16xi32>,
        %shift_left3A_1150 = arith.constant 16 : i32
        %shift_left3A_1151 = vector.broadcast %shift_left3A_1150 : i32 to vector<16xi32>
        %shift_left3A_1152 = arith.shli %get3A_1149, %shift_left3A_1151 : vector<16xi32>
        %bitcast3A_1153 = vector.bitcast %shift_left3A_1152 : vector<16xi32> to vector<16xf32>
        %add3A_1154 = arith.addf %add3A_1141, %bitcast3A_1153 : vector<16xf32>
        %and3A_1155 = arith.andi %get3A_1149, %broadcast_in_dim3A_5 : vector<16xi32>
        %bitcast3A_1156 = vector.bitcast %and3A_1155 : vector<16xi32> to vector<16xf32>
        %add3A_1157 = arith.addf %add3A_1144, %bitcast3A_1156 : vector<16xf32>
        %add3A_1158 = arith.constant 31 : i32
        %add3A_1159 = arith.addi %mul3A_99, %add3A_1158 : i32
        %get3A_1160 = arith.index_cast %add3A_1159 : i32 to index
        %get3A_1161 = arith.constant 16 : index
        %get3A_1162 = tpu.vector_load %arg7[%get3A_1160, %get3A_1161] {strides = array<i32>} : memref<800x32xi32, #tpu.memory_space<vmem>>, vector<16xi32>,
        %shift_left3A_1163 = arith.constant 16 : i32
        %shift_left3A_1164 = vector.broadcast %shift_left3A_1163 : i32 to vector<16xi32>
        %shift_left3A_1165 = arith.shli %get3A_1162, %shift_left3A_1164 : vector<16xi32>
        %bitcast3A_1166 = vector.bitcast %shift_left3A_1165 : vector<16xi32> to vector<16xf32>
        %add3A_1167 = arith.addf %add3A_1154, %bitcast3A_1166 : vector<16xf32>
        %and3A_1168 = arith.andi %get3A_1162, %broadcast_in_dim3A_5 : vector<16xi32>
        %bitcast3A_1169 = vector.bitcast %and3A_1168 : vector<16xi32> to vector<16xf32>
        %add3A_1170 = arith.addf %add3A_1157, %bitcast3A_1169 : vector<16xf32>
        %add3A_1171 = arith.constant 32 : i32
        %add3A_1172 = arith.addi %mul3A_99, %add3A_1171 : i32
        %get3A_1173 = arith.index_cast %add3A_1172 : i32 to index
        %get3A_1174 = arith.constant 16 : index
        %get3A_1175 = tpu.vector_load %arg7[%get3A_1173, %get3A_1174] {strides = array<i32>} : memref<800x32xi32, #tpu.memory_space<vmem>>, vector<16xi32>,
        %shift_left3A_1176 = arith.constant 16 : i32
        %shift_left3A_1177 = vector.broadcast %shift_left3A_1176 : i32 to vector<16xi32>
        %shift_left3A_1178 = arith.shli %get3A_1175, %shift_left3A_1177 : vector<16xi32>
        %bitcast3A_1179 = vector.bitcast %shift_left3A_1178 : vector<16xi32> to vector<16xf32>
        %add3A_1180 = arith.addf %add3A_1167, %bitcast3A_1179 : vector<16xf32>
        %and3A_1181 = arith.andi %get3A_1175, %broadcast_in_dim3A_5 : vector<16xi32>
        %bitcast3A_1182 = vector.bitcast %and3A_1181 : vector<16xi32> to vector<16xf32>
        %add3A_1183 = arith.addf %add3A_1170, %bitcast3A_1182 : vector<16xf32>
        %add3A_1184 = arith.constant 33 : i32
        %add3A_1185 = arith.addi %mul3A_99, %add3A_1184 : i32
        %get3A_1186 = arith.index_cast %add3A_1185 : i32 to index
        %get3A_1187 = arith.constant 16 : index
        %get3A_1188 = tpu.vector_load %arg7[%get3A_1186, %get3A_1187] {strides = array<i32>} : memref<800x32xi32, #tpu.memory_space<vmem>>, vector<16xi32>,
        %shift_left3A_1189 = arith.constant 16 : i32
        %shift_left3A_1190 = vector.broadcast %shift_left3A_1189 : i32 to vector<16xi32>
        %shift_left3A_1191 = arith.shli %get3A_1188, %shift_left3A_1190 : vector<16xi32>
        %bitcast3A_1192 = vector.bitcast %shift_left3A_1191 : vector<16xi32> to vector<16xf32>
        %add3A_1193 = arith.addf %add3A_1180, %bitcast3A_1192 : vector<16xf32>
        %and3A_1194 = arith.andi %get3A_1188, %broadcast_in_dim3A_5 : vector<16xi32>
        %bitcast3A_1195 = vector.bitcast %and3A_1194 : vector<16xi32> to vector<16xf32>
        %add3A_1196 = arith.addf %add3A_1183, %bitcast3A_1195 : vector<16xf32>
        %add3A_1197 = arith.constant 34 : i32
        %add3A_1198 = arith.addi %mul3A_99, %add3A_1197 : i32
        %get3A_1199 = arith.index_cast %add3A_1198 : i32 to index
        %get3A_1200 = arith.constant 16 : index
        %get3A_1201 = tpu.vector_load %arg7[%get3A_1199, %get3A_1200] {strides = array<i32>} : memref<800x32xi32, #tpu.memory_space<vmem>>, vector<16xi32>,
        %shift_left3A_1202 = arith.constant 16 : i32
        %shift_left3A_1203 = vector.broadcast %shift_left3A_1202 : i32 to vector<16xi32>
        %shift_left3A_1204 = arith.shli %get3A_1201, %shift_left3A_1203 : vector<16xi32>
        %bitcast3A_1205 = vector.bitcast %shift_left3A_1204 : vector<16xi32> to vector<16xf32>
        %add3A_1206 = arith.addf %add3A_1193, %bitcast3A_1205 : vector<16xf32>
        %and3A_1207 = arith.andi %get3A_1201, %broadcast_in_dim3A_5 : vector<16xi32>
        %bitcast3A_1208 = vector.bitcast %and3A_1207 : vector<16xi32> to vector<16xf32>
        %add3A_1209 = arith.addf %add3A_1196, %bitcast3A_1208 : vector<16xf32>
        %add3A_1210 = arith.constant 35 : i32
        %add3A_1211 = arith.addi %mul3A_99, %add3A_1210 : i32
        %get3A_1212 = arith.index_cast %add3A_1211 : i32 to index
        %get3A_1213 = arith.constant 16 : index
        %get3A_1214 = tpu.vector_load %arg7[%get3A_1212, %get3A_1213] {strides = array<i32>} : memref<800x32xi32, #tpu.memory_space<vmem>>, vector<16xi32>,
        %shift_left3A_1215 = arith.constant 16 : i32
        %shift_left3A_1216 = vector.broadcast %shift_left3A_1215 : i32 to vector<16xi32>
        %shift_left3A_1217 = arith.shli %get3A_1214, %shift_left3A_1216 : vector<16xi32>
        %bitcast3A_1218 = vector.bitcast %shift_left3A_1217 : vector<16xi32> to vector<16xf32>
        %add3A_1219 = arith.addf %add3A_1206, %bitcast3A_1218 : vector<16xf32>
        %and3A_1220 = arith.andi %get3A_1214, %broadcast_in_dim3A_5 : vector<16xi32>
        %bitcast3A_1221 = vector.bitcast %and3A_1220 : vector<16xi32> to vector<16xf32>
        %add3A_1222 = arith.addf %add3A_1209, %bitcast3A_1221 : vector<16xf32>
        %add3A_1223 = arith.constant 36 : i32
        %add3A_1224 = arith.addi %mul3A_99, %add3A_1223 : i32
        %get3A_1225 = arith.index_cast %add3A_1224 : i32 to index
        %get3A_1226 = arith.constant 16 : index
        %get3A_1227 = tpu.vector_load %arg7[%get3A_1225, %get3A_1226] {strides = array<i32>} : memref<800x32xi32, #tpu.memory_space<vmem>>, vector<16xi32>,
        %shift_left3A_1228 = arith.constant 16 : i32
        %shift_left3A_1229 = vector.broadcast %shift_left3A_1228 : i32 to vector<16xi32>
        %shift_left3A_1230 = arith.shli %get3A_1227, %shift_left3A_1229 : vector<16xi32>
        %bitcast3A_1231 = vector.bitcast %shift_left3A_1230 : vector<16xi32> to vector<16xf32>
        %add3A_1232 = arith.addf %add3A_1219, %bitcast3A_1231 : vector<16xf32>
        %and3A_1233 = arith.andi %get3A_1227, %broadcast_in_dim3A_5 : vector<16xi32>
        %bitcast3A_1234 = vector.bitcast %and3A_1233 : vector<16xi32> to vector<16xf32>
        %add3A_1235 = arith.addf %add3A_1222, %bitcast3A_1234 : vector<16xf32>
        %add3A_1236 = arith.constant 37 : i32
        %add3A_1237 = arith.addi %mul3A_99, %add3A_1236 : i32
        %get3A_1238 = arith.index_cast %add3A_1237 : i32 to index
        %get3A_1239 = arith.constant 16 : index
        %get3A_1240 = tpu.vector_load %arg7[%get3A_1238, %get3A_1239] {strides = array<i32>} : memref<800x32xi32, #tpu.memory_space<vmem>>, vector<16xi32>,
        %shift_left3A_1241 = arith.constant 16 : i32
        %shift_left3A_1242 = vector.broadcast %shift_left3A_1241 : i32 to vector<16xi32>
        %shift_left3A_1243 = arith.shli %get3A_1240, %shift_left3A_1242 : vector<16xi32>
        %bitcast3A_1244 = vector.bitcast %shift_left3A_1243 : vector<16xi32> to vector<16xf32>
        %add3A_1245 = arith.addf %add3A_1232, %bitcast3A_1244 : vector<16xf32>
        %and3A_1246 = arith.andi %get3A_1240, %broadcast_in_dim3A_5 : vector<16xi32>
        %bitcast3A_1247 = vector.bitcast %and3A_1246 : vector<16xi32> to vector<16xf32>
        %add3A_1248 = arith.addf %add3A_1235, %bitcast3A_1247 : vector<16xf32>
        %add3A_1249 = arith.constant 38 : i32
        %add3A_1250 = arith.addi %mul3A_99, %add3A_1249 : i32
        %get3A_1251 = arith.index_cast %add3A_1250 : i32 to index
        %get3A_1252 = arith.constant 16 : index
        %get3A_1253 = tpu.vector_load %arg7[%get3A_1251, %get3A_1252] {strides = array<i32>} : memref<800x32xi32, #tpu.memory_space<vmem>>, vector<16xi32>,
        %shift_left3A_1254 = arith.constant 16 : i32
        %shift_left3A_1255 = vector.broadcast %shift_left3A_1254 : i32 to vector<16xi32>
        %shift_left3A_1256 = arith.shli %get3A_1253, %shift_left3A_1255 : vector<16xi32>
        %bitcast3A_1257 = vector.bitcast %shift_left3A_1256 : vector<16xi32> to vector<16xf32>
        %add3A_1258 = arith.addf %add3A_1245, %bitcast3A_1257 : vector<16xf32>
        %and3A_1259 = arith.andi %get3A_1253, %broadcast_in_dim3A_5 : vector<16xi32>
        %bitcast3A_1260 = vector.bitcast %and3A_1259 : vector<16xi32> to vector<16xf32>
        %add3A_1261 = arith.addf %add3A_1248, %bitcast3A_1260 : vector<16xf32>
        %add3A_1262 = arith.constant 39 : i32
        %add3A_1263 = arith.addi %mul3A_99, %add3A_1262 : i32
        %get3A_1264 = arith.index_cast %add3A_1263 : i32 to index
        %get3A_1265 = arith.constant 16 : index
        %get3A_1266 = tpu.vector_load %arg7[%get3A_1264, %get3A_1265] {strides = array<i32>} : memref<800x32xi32, #tpu.memory_space<vmem>>, vector<16xi32>,
        %shift_left3A_1267 = arith.constant 16 : i32
        %shift_left3A_1268 = vector.broadcast %shift_left3A_1267 : i32 to vector<16xi32>
        %shift_left3A_1269 = arith.shli %get3A_1266, %shift_left3A_1268 : vector<16xi32>
        %bitcast3A_1270 = vector.bitcast %shift_left3A_1269 : vector<16xi32> to vector<16xf32>
        %add3A_1271 = arith.addf %add3A_1258, %bitcast3A_1270 : vector<16xf32>
        %and3A_1272 = arith.andi %get3A_1266, %broadcast_in_dim3A_5 : vector<16xi32>
        %bitcast3A_1273 = vector.bitcast %and3A_1272 : vector<16xi32> to vector<16xf32>
        %add3A_1274 = arith.addf %add3A_1261, %bitcast3A_1273 : vector<16xf32>
        %add3A_1275 = arith.constant 40 : i32
        %add3A_1276 = arith.addi %mul3A_99, %add3A_1275 : i32
        %get3A_1277 = arith.index_cast %add3A_1276 : i32 to index
        %get3A_1278 = arith.constant 16 : index
        %get3A_1279 = tpu.vector_load %arg7[%get3A_1277, %get3A_1278] {strides = array<i32>} : memref<800x32xi32, #tpu.memory_space<vmem>>, vector<16xi32>,
        %shift_left3A_1280 = arith.constant 16 : i32
        %shift_left3A_1281 = vector.broadcast %shift_left3A_1280 : i32 to vector<16xi32>
        %shift_left3A_1282 = arith.shli %get3A_1279, %shift_left3A_1281 : vector<16xi32>
        %bitcast3A_1283 = vector.bitcast %shift_left3A_1282 : vector<16xi32> to vector<16xf32>
        %add3A_1284 = arith.addf %add3A_1271, %bitcast3A_1283 : vector<16xf32>
        %and3A_1285 = arith.andi %get3A_1279, %broadcast_in_dim3A_5 : vector<16xi32>
        %bitcast3A_1286 = vector.bitcast %and3A_1285 : vector<16xi32> to vector<16xf32>
        %add3A_1287 = arith.addf %add3A_1274, %bitcast3A_1286 : vector<16xf32>
        %add3A_1288 = arith.constant 41 : i32
        %add3A_1289 = arith.addi %mul3A_99, %add3A_1288 : i32
        %get3A_1290 = arith.index_cast %add3A_1289 : i32 to index
        %get3A_1291 = arith.constant 16 : index
        %get3A_1292 = tpu.vector_load %arg7[%get3A_1290, %get3A_1291] {strides = array<i32>} : memref<800x32xi32, #tpu.memory_space<vmem>>, vector<16xi32>,
        %shift_left3A_1293 = arith.constant 16 : i32
        %shift_left3A_1294 = vector.broadcast %shift_left3A_1293 : i32 to vector<16xi32>
        %shift_left3A_1295 = arith.shli %get3A_1292, %shift_left3A_1294 : vector<16xi32>
        %bitcast3A_1296 = vector.bitcast %shift_left3A_1295 : vector<16xi32> to vector<16xf32>
        %add3A_1297 = arith.addf %add3A_1284, %bitcast3A_1296 : vector<16xf32>
        %and3A_1298 = arith.andi %get3A_1292, %broadcast_in_dim3A_5 : vector<16xi32>
        %bitcast3A_1299 = vector.bitcast %and3A_1298 : vector<16xi32> to vector<16xf32>
        %add3A_1300 = arith.addf %add3A_1287, %bitcast3A_1299 : vector<16xf32>
        %add3A_1301 = arith.constant 42 : i32
        %add3A_1302 = arith.addi %mul3A_99, %add3A_1301 : i32
        %get3A_1303 = arith.index_cast %add3A_1302 : i32 to index
        %get3A_1304 = arith.constant 16 : index
        %get3A_1305 = tpu.vector_load %arg7[%get3A_1303, %get3A_1304] {strides = array<i32>} : memref<800x32xi32, #tpu.memory_space<vmem>>, vector<16xi32>,
        %shift_left3A_1306 = arith.constant 16 : i32
        %shift_left3A_1307 = vector.broadcast %shift_left3A_1306 : i32 to vector<16xi32>
        %shift_left3A_1308 = arith.shli %get3A_1305, %shift_left3A_1307 : vector<16xi32>
        %bitcast3A_1309 = vector.bitcast %shift_left3A_1308 : vector<16xi32> to vector<16xf32>
        %add3A_1310 = arith.addf %add3A_1297, %bitcast3A_1309 : vector<16xf32>
        %and3A_1311 = arith.andi %get3A_1305, %broadcast_in_dim3A_5 : vector<16xi32>
        %bitcast3A_1312 = vector.bitcast %and3A_1311 : vector<16xi32> to vector<16xf32>
        %add3A_1313 = arith.addf %add3A_1300, %bitcast3A_1312 : vector<16xf32>
        %add3A_1314 = arith.constant 43 : i32
        %add3A_1315 = arith.addi %mul3A_99, %add3A_1314 : i32
        %get3A_1316 = arith.index_cast %add3A_1315 : i32 to index
        %get3A_1317 = arith.constant 16 : index
        %get3A_1318 = tpu.vector_load %arg7[%get3A_1316, %get3A_1317] {strides = array<i32>} : memref<800x32xi32, #tpu.memory_space<vmem>>, vector<16xi32>,
        %shift_left3A_1319 = arith.constant 16 : i32
        %shift_left3A_1320 = vector.broadcast %shift_left3A_1319 : i32 to vector<16xi32>
        %shift_left3A_1321 = arith.shli %get3A_1318, %shift_left3A_1320 : vector<16xi32>
        %bitcast3A_1322 = vector.bitcast %shift_left3A_1321 : vector<16xi32> to vector<16xf32>
        %add3A_1323 = arith.addf %add3A_1310, %bitcast3A_1322 : vector<16xf32>
        %and3A_1324 = arith.andi %get3A_1318, %broadcast_in_dim3A_5 : vector<16xi32>
        %bitcast3A_1325 = vector.bitcast %and3A_1324 : vector<16xi32> to vector<16xf32>
        %add3A_1326 = arith.addf %add3A_1313, %bitcast3A_1325 : vector<16xf32>
        %add3A_1327 = arith.constant 44 : i32
        %add3A_1328 = arith.addi %mul3A_99, %add3A_1327 : i32
        %get3A_1329 = arith.index_cast %add3A_1328 : i32 to index
        %get3A_1330 = arith.constant 16 : index
        %get3A_1331 = tpu.vector_load %arg7[%get3A_1329, %get3A_1330] {strides = array<i32>} : memref<800x32xi32, #tpu.memory_space<vmem>>, vector<16xi32>,
        %shift_left3A_1332 = arith.constant 16 : i32
        %shift_left3A_1333 = vector.broadcast %shift_left3A_1332 : i32 to vector<16xi32>
        %shift_left3A_1334 = arith.shli %get3A_1331, %shift_left3A_1333 : vector<16xi32>
        %bitcast3A_1335 = vector.bitcast %shift_left3A_1334 : vector<16xi32> to vector<16xf32>
        %add3A_1336 = arith.addf %add3A_1323, %bitcast3A_1335 : vector<16xf32>
        %and3A_1337 = arith.andi %get3A_1331, %broadcast_in_dim3A_5 : vector<16xi32>
        %bitcast3A_1338 = vector.bitcast %and3A_1337 : vector<16xi32> to vector<16xf32>
        %add3A_1339 = arith.addf %add3A_1326, %bitcast3A_1338 : vector<16xf32>
        %add3A_1340 = arith.constant 45 : i32
        %add3A_1341 = arith.addi %mul3A_99, %add3A_1340 : i32
        %get3A_1342 = arith.index_cast %add3A_1341 : i32 to index
        %get3A_1343 = arith.constant 16 : index
        %get3A_1344 = tpu.vector_load %arg7[%get3A_1342, %get3A_1343] {strides = array<i32>} : memref<800x32xi32, #tpu.memory_space<vmem>>, vector<16xi32>,
        %shift_left3A_1345 = arith.constant 16 : i32
        %shift_left3A_1346 = vector.broadcast %shift_left3A_1345 : i32 to vector<16xi32>
        %shift_left3A_1347 = arith.shli %get3A_1344, %shift_left3A_1346 : vector<16xi32>
        %bitcast3A_1348 = vector.bitcast %shift_left3A_1347 : vector<16xi32> to vector<16xf32>
        %add3A_1349 = arith.addf %add3A_1336, %bitcast3A_1348 : vector<16xf32>
        %and3A_1350 = arith.andi %get3A_1344, %broadcast_in_dim3A_5 : vector<16xi32>
        %bitcast3A_1351 = vector.bitcast %and3A_1350 : vector<16xi32> to vector<16xf32>
        %add3A_1352 = arith.addf %add3A_1339, %bitcast3A_1351 : vector<16xf32>
        %add3A_1353 = arith.constant 46 : i32
        %add3A_1354 = arith.addi %mul3A_99, %add3A_1353 : i32
        %get3A_1355 = arith.index_cast %add3A_1354 : i32 to index
        %get3A_1356 = arith.constant 16 : index
        %get3A_1357 = tpu.vector_load %arg7[%get3A_1355, %get3A_1356] {strides = array<i32>} : memref<800x32xi32, #tpu.memory_space<vmem>>, vector<16xi32>,
        %shift_left3A_1358 = arith.constant 16 : i32
        %shift_left3A_1359 = vector.broadcast %shift_left3A_1358 : i32 to vector<16xi32>
        %shift_left3A_1360 = arith.shli %get3A_1357, %shift_left3A_1359 : vector<16xi32>
        %bitcast3A_1361 = vector.bitcast %shift_left3A_1360 : vector<16xi32> to vector<16xf32>
        %add3A_1362 = arith.addf %add3A_1349, %bitcast3A_1361 : vector<16xf32>
        %and3A_1363 = arith.andi %get3A_1357, %broadcast_in_dim3A_5 : vector<16xi32>
        %bitcast3A_1364 = vector.bitcast %and3A_1363 : vector<16xi32> to vector<16xf32>
        %add3A_1365 = arith.addf %add3A_1352, %bitcast3A_1364 : vector<16xf32>
        %add3A_1366 = arith.constant 47 : i32
        %add3A_1367 = arith.addi %mul3A_99, %add3A_1366 : i32
        %get3A_1368 = arith.index_cast %add3A_1367 : i32 to index
        %get3A_1369 = arith.constant 16 : index
        %get3A_1370 = tpu.vector_load %arg7[%get3A_1368, %get3A_1369] {strides = array<i32>} : memref<800x32xi32, #tpu.memory_space<vmem>>, vector<16xi32>,
        %shift_left3A_1371 = arith.constant 16 : i32
        %shift_left3A_1372 = vector.broadcast %shift_left3A_1371 : i32 to vector<16xi32>
        %shift_left3A_1373 = arith.shli %get3A_1370, %shift_left3A_1372 : vector<16xi32>
        %bitcast3A_1374 = vector.bitcast %shift_left3A_1373 : vector<16xi32> to vector<16xf32>
        %add3A_1375 = arith.addf %add3A_1362, %bitcast3A_1374 : vector<16xf32>
        %and3A_1376 = arith.andi %get3A_1370, %broadcast_in_dim3A_5 : vector<16xi32>
        %bitcast3A_1377 = vector.bitcast %and3A_1376 : vector<16xi32> to vector<16xf32>
        %add3A_1378 = arith.addf %add3A_1365, %bitcast3A_1377 : vector<16xf32>
        %add3A_1379 = arith.constant 48 : i32
        %add3A_1380 = arith.addi %mul3A_99, %add3A_1379 : i32
        %get3A_1381 = arith.index_cast %add3A_1380 : i32 to index
        %get3A_1382 = arith.constant 16 : index
        %get3A_1383 = tpu.vector_load %arg7[%get3A_1381, %get3A_1382] {strides = array<i32>} : memref<800x32xi32, #tpu.memory_space<vmem>>, vector<16xi32>,
        %shift_left3A_1384 = arith.constant 16 : i32
        %shift_left3A_1385 = vector.broadcast %shift_left3A_1384 : i32 to vector<16xi32>
        %shift_left3A_1386 = arith.shli %get3A_1383, %shift_left3A_1385 : vector<16xi32>
        %bitcast3A_1387 = vector.bitcast %shift_left3A_1386 : vector<16xi32> to vector<16xf32>
        %add3A_1388 = arith.addf %add3A_1375, %bitcast3A_1387 : vector<16xf32>
        %and3A_1389 = arith.andi %get3A_1383, %broadcast_in_dim3A_5 : vector<16xi32>
        %bitcast3A_1390 = vector.bitcast %and3A_1389 : vector<16xi32> to vector<16xf32>
        %add3A_1391 = arith.addf %add3A_1378, %bitcast3A_1390 : vector<16xf32>
        %add3A_1392 = arith.constant 49 : i32
        %add3A_1393 = arith.addi %mul3A_99, %add3A_1392 : i32
        %get3A_1394 = arith.index_cast %add3A_1393 : i32 to index
        %get3A_1395 = arith.constant 16 : index
        %get3A_1396 = tpu.vector_load %arg7[%get3A_1394, %get3A_1395] {strides = array<i32>} : memref<800x32xi32, #tpu.memory_space<vmem>>, vector<16xi32>,
        %shift_left3A_1397 = arith.constant 16 : i32
        %shift_left3A_1398 = vector.broadcast %shift_left3A_1397 : i32 to vector<16xi32>
        %shift_left3A_1399 = arith.shli %get3A_1396, %shift_left3A_1398 : vector<16xi32>
        %bitcast3A_1400 = vector.bitcast %shift_left3A_1399 : vector<16xi32> to vector<16xf32>
        %add3A_1401 = arith.addf %add3A_1388, %bitcast3A_1400 : vector<16xf32>
        %and3A_1402 = arith.andi %get3A_1396, %broadcast_in_dim3A_5 : vector<16xi32>
        %bitcast3A_1403 = vector.bitcast %and3A_1402 : vector<16xi32> to vector<16xf32>
        %add3A_1404 = arith.addf %add3A_1391, %bitcast3A_1403 : vector<16xf32>
        tpu.vector_store_idx %arg8[%add3A_23, %broadcast_in_dim3A_100], %add3A_1401 : memref<64x16xf32, #tpu.memory_space<vmem>>[vector<16xi32>, vector<16xi32>], vector<16xf32>,
        tpu.vector_store_idx %arg8[%add3A_29, %broadcast_in_dim3A_100], %add3A_1404 : memref<64x16xf32, #tpu.memory_space<vmem>>[vector<16xi32>, vector<16xi32>], vector<16xf32>,
      }
      %scan3A_93 = arith.constant 16 : i32
      %mul3A_94 = arith.constant 16 : i32
      %mul3A_95 = arith.muli %add3A_87, %mul3A_94 : i32
      %add3A_96 = arith.addi %mul3A_2, %mul3A_95 : i32
      "tpu.region"() ({
        %run_scoped3A = tpu.sem_alloc : memref<!tpu.dma_semaphore, #tpu.memory_space<semaphore_mem>>
        %dma_start3A_97 = arith.constant 0 : i32
        %dma_start3A_98 = tpu.memref_slice %arg4[%dma_start3A_97, %add3A_96] : memref<64x16384xf32, #tpu.memory_space<hbm>> -> memref<64x16xf32, #tpu.memory_space<hbm>>
        %dma_start3A_99 = arith.constant 0 : i32
        %dma_start3A_100 = tpu.memref_slice %arg4[%dma_start3A_99, %add3A_96] : memref<64x16384xf32, #tpu.memory_space<hbm>> -> memref<64x16xf32, #tpu.memory_space<hbm>>
        tpu.enqueue_dma source(%arg8 : memref<64x16xf32, #tpu.memory_space<vmem>>) target(%dma_start3A_100 : memref<64x16xf32, #tpu.memory_space<hbm>>) target_semaphore(%run_scoped3A : memref<!tpu.dma_semaphore, #tpu.memory_space<semaphore_mem>>)
        %dma_wait3A_101 = arith.constant 0 : i32
        %dma_wait3A_102 = tpu.memref_slice %arg4[%dma_wait3A_101, %add3A_96] : memref<64x16384xf32, #tpu.memory_space<hbm>> -> memref<64x16xf32, #tpu.memory_space<hbm>>
        %dma_wait3A_103 = arith.constant 0 : i32
        %dma_wait3A_104 = tpu.memref_slice %arg4[%dma_wait3A_103, %add3A_96] : memref<64x16384xf32, #tpu.memory_space<hbm>> -> memref<64x16xf32, #tpu.memory_space<hbm>>
        tpu.wait_dma2 semaphore(%run_scoped3A : memref<!tpu.dma_semaphore, #tpu.memory_space<semaphore_mem>>) src(%arg8 : memref<64x16xf32, #tpu.memory_space<vmem>>) dst(%dma_wait3A_104 : memref<64x16xf32, #tpu.memory_space<hbm>>)
        tpu.yield
      }) : () -> ()
    }
    %scan3A_38 = arith.constant 16 : i32
    %dma_wait3A = arith.constant 24800 : i32
    %dma_wait3A_39 = tpu.memref_slice %arg5[%dma_wait3A] : memref<25600xi32, #tpu.memory_space<vmem>> -> memref<800xi32, #tpu.memory_space<vmem>>
    %dma_wait3A_40 = arith.constant 0 : i32
    %dma_wait3A_41 = arith.constant 0 : i32
    %dma_wait3A_42 = tpu.memref_slice %arg2[%dma_wait3A_40, %dma_wait3A_41] : memref<51200x32xi32, #tpu.memory_space<hbm>> -> memref<51200x32xi32, #tpu.memory_space<hbm>>
    tpu.wait_indirect_dma semaphore(%arg9 : memref<!tpu.dma_semaphore, #tpu.memory_space<semaphore_mem>>) src(%dma_wait3A_42 : memref<51200x32xi32, #tpu.memory_space<hbm>>) dst(%arg6 : memref<800x32xi32, #tpu.memory_space<vmem>>)
    return
  }
}

module attributes {stable_mosaic.version = 14 : i64} {
  func.func @_table_body(%arg0: i32, %arg1: memref<256x128xf32, #tpu.memory_space<vmem>>, %arg2: memref<256x128xf32, #tpu.memory_space<vmem>>, %arg3: memref<256x128xf32, #tpu.memory_space<vmem>>, %arg4: memref<256x128xf32, #tpu.memory_space<vmem>>, %arg5: memref<5x128x64xf32, #tpu.memory_space<vmem>>, %arg6: memref<1280x128xi32, #tpu.memory_space<vmem>>) attributes {dimension_semantics = [#tpu.dimension_semantics<arbitrary>], iteration_bounds = array<i64: 10>, scalar_prefetch = 0 : i64, scratch_operands = 0 : i64, tpu.core_type = #tpu.core_type<tc>, window_params = [{pipeline_mode = #tpu.pipeline_mode<synchronous>, transform_indices = @transform_0, window_bounds = array<i64: 256, 128>}, {pipeline_mode = #tpu.pipeline_mode<synchronous>, transform_indices = @transform_1, window_bounds = array<i64: 256, 128>}, {pipeline_mode = #tpu.pipeline_mode<synchronous>, transform_indices = @transform_2, window_bounds = array<i64: 256, 128>}, {pipeline_mode = #tpu.pipeline_mode<synchronous>, transform_indices = @transform_3, window_bounds = array<i64: 256, 128>}, {transform_indices = @transform_4, window_bounds = array<i64: 5, 128, 64>}, {transform_indices = @transform_5, window_bounds = array<i64: 1280, 128>}]} {
    %get3A = arith.constant 0 : index
    %get3A_0 = arith.constant 0 : index
    %get3A_1 = vector.load %arg1[%get3A, %get3A_0] : memref<256x128xf32, #tpu.memory_space<vmem>>, vector<256x128xf32>
    %get3A_2 = arith.constant 0 : index
    %get3A_3 = arith.constant 0 : index
    %get3A_4 = arith.constant 0 : index
    %get3A_5 = vector.load %arg5[%get3A_2, %get3A_3, %get3A_4] : memref<5x128x64xf32, #tpu.memory_space<vmem>>, vector<1x128x64xf32>
    %get3A_6 = vector.shape_cast %get3A_5 : vector<1x128x64xf32> to vector<128x64xf32>
    %dot_general3A = arith.constant dense<0.000000e+00> : vector<256x64xf32>
    %dot_general3A_7 = tpu.matmul %get3A_1, %get3A_6, %dot_general3A {dimension_numbers = #tpu.dot_dimension_numbers<[1], [0], [0], [1], [0, 0, 1, 1], [], []>, transpose_lhs_hint = false} : vector<256x128xf32>, vector<128x64xf32>, vector<256x64xf32> -> vector<256x64xf32>
    %slice3A = vector.extract_strided_slice %dot_general3A_7 {offsets = [0, 0], sizes = [256, 32], strides = [1, 1]} : vector<256x64xf32> to vector<256x32xf32>
    %bitcast_convert_type3A = tpu.bitcast %slice3A : vector<256x32xf32> -> vector<256x32xi32>
    %add3A = arith.constant 32767 : i32
    %add3A_8 = vector.broadcast %add3A : i32 to vector<256x32xi32>
    %add3A_9 = arith.addi %bitcast_convert_type3A, %add3A_8 : vector<256x32xi32>
    %shift_right_logical3A = arith.constant 16 : i32
    %shift_right_logical3A_10 = vector.broadcast %shift_right_logical3A : i32 to vector<256x32xi32>
    %shift_right_logical3A_11 = arith.shrui %bitcast_convert_type3A, %shift_right_logical3A_10 : vector<256x32xi32>
    %and3A = arith.constant 1 : i32
    %and3A_12 = vector.broadcast %and3A : i32 to vector<256x32xi32>
    %and3A_13 = arith.andi %shift_right_logical3A_11, %and3A_12 : vector<256x32xi32>
    %add3A_14 = arith.addi %add3A_9, %and3A_13 : vector<256x32xi32>
    %shift_right_logical3A_15 = arith.constant 16 : i32
    %shift_right_logical3A_16 = vector.broadcast %shift_right_logical3A_15 : i32 to vector<256x32xi32>
    %shift_right_logical3A_17 = arith.shrui %add3A_14, %shift_right_logical3A_16 : vector<256x32xi32>
    %slice3A_18 = vector.extract_strided_slice %dot_general3A_7 {offsets = [0, 32], sizes = [256, 32], strides = [1, 1]} : vector<256x64xf32> to vector<256x32xf32>
    %bitcast_convert_type3A_19 = tpu.bitcast %slice3A_18 : vector<256x32xf32> -> vector<256x32xi32>
    %add3A_20 = arith.constant 32767 : i32
    %add3A_21 = vector.broadcast %add3A_20 : i32 to vector<256x32xi32>
    %add3A_22 = arith.addi %bitcast_convert_type3A_19, %add3A_21 : vector<256x32xi32>
    %shift_right_logical3A_23 = arith.constant 16 : i32
    %shift_right_logical3A_24 = vector.broadcast %shift_right_logical3A_23 : i32 to vector<256x32xi32>
    %shift_right_logical3A_25 = arith.shrui %bitcast_convert_type3A_19, %shift_right_logical3A_24 : vector<256x32xi32>
    %and3A_26 = arith.constant 1 : i32
    %and3A_27 = vector.broadcast %and3A_26 : i32 to vector<256x32xi32>
    %and3A_28 = arith.andi %shift_right_logical3A_25, %and3A_27 : vector<256x32xi32>
    %add3A_29 = arith.addi %add3A_22, %and3A_28 : vector<256x32xi32>
    %shift_right_logical3A_30 = arith.constant 16 : i32
    %shift_right_logical3A_31 = vector.broadcast %shift_right_logical3A_30 : i32 to vector<256x32xi32>
    %shift_right_logical3A_32 = arith.shrui %add3A_29, %shift_right_logical3A_31 : vector<256x32xi32>
    %shift_left3A = arith.constant 16 : i32
    %shift_left3A_33 = vector.broadcast %shift_left3A : i32 to vector<256x32xi32>
    %shift_left3A_34 = arith.shli %shift_right_logical3A_32, %shift_left3A_33 : vector<256x32xi32>
    %or3A = arith.ori %shift_right_logical3A_17, %shift_left3A_34 : vector<256x32xi32>
    %bitcast_convert_type3A_35 = tpu.bitcast %or3A : vector<256x32xi32> -> vector<256x32xi32>
    %get3A_36 = arith.constant 0 : index
    %get3A_37 = arith.constant 0 : index
    %get3A_38 = vector.load %arg2[%get3A_36, %get3A_37] : memref<256x128xf32, #tpu.memory_space<vmem>>, vector<256x128xf32>
    %get3A_39 = arith.constant 0 : index
    %get3A_40 = arith.constant 0 : index
    %get3A_41 = arith.constant 0 : index
    %get3A_42 = vector.load %arg5[%get3A_39, %get3A_40, %get3A_41] : memref<5x128x64xf32, #tpu.memory_space<vmem>>, vector<1x128x64xf32>
    %get3A_43 = vector.shape_cast %get3A_42 : vector<1x128x64xf32> to vector<128x64xf32>
    %dot_general3A_44 = arith.constant dense<0.000000e+00> : vector<256x64xf32>
    %dot_general3A_45 = tpu.matmul %get3A_38, %get3A_43, %dot_general3A_44 {dimension_numbers = #tpu.dot_dimension_numbers<[1], [0], [0], [1], [0, 0, 1, 1], [], []>, transpose_lhs_hint = false} : vector<256x128xf32>, vector<128x64xf32>, vector<256x64xf32> -> vector<256x64xf32>
    %slice3A_46 = vector.extract_strided_slice %dot_general3A_45 {offsets = [0, 0], sizes = [256, 32], strides = [1, 1]} : vector<256x64xf32> to vector<256x32xf32>
    %bitcast_convert_type3A_47 = tpu.bitcast %slice3A_46 : vector<256x32xf32> -> vector<256x32xi32>
    %add3A_48 = arith.constant 32767 : i32
    %add3A_49 = vector.broadcast %add3A_48 : i32 to vector<256x32xi32>
    %add3A_50 = arith.addi %bitcast_convert_type3A_47, %add3A_49 : vector<256x32xi32>
    %shift_right_logical3A_51 = arith.constant 16 : i32
    %shift_right_logical3A_52 = vector.broadcast %shift_right_logical3A_51 : i32 to vector<256x32xi32>
    %shift_right_logical3A_53 = arith.shrui %bitcast_convert_type3A_47, %shift_right_logical3A_52 : vector<256x32xi32>
    %and3A_54 = arith.constant 1 : i32
    %and3A_55 = vector.broadcast %and3A_54 : i32 to vector<256x32xi32>
    %and3A_56 = arith.andi %shift_right_logical3A_53, %and3A_55 : vector<256x32xi32>
    %add3A_57 = arith.addi %add3A_50, %and3A_56 : vector<256x32xi32>
    %shift_right_logical3A_58 = arith.constant 16 : i32
    %shift_right_logical3A_59 = vector.broadcast %shift_right_logical3A_58 : i32 to vector<256x32xi32>
    %shift_right_logical3A_60 = arith.shrui %add3A_57, %shift_right_logical3A_59 : vector<256x32xi32>
    %slice3A_61 = vector.extract_strided_slice %dot_general3A_45 {offsets = [0, 32], sizes = [256, 32], strides = [1, 1]} : vector<256x64xf32> to vector<256x32xf32>
    %bitcast_convert_type3A_62 = tpu.bitcast %slice3A_61 : vector<256x32xf32> -> vector<256x32xi32>
    %add3A_63 = arith.constant 32767 : i32
    %add3A_64 = vector.broadcast %add3A_63 : i32 to vector<256x32xi32>
    %add3A_65 = arith.addi %bitcast_convert_type3A_62, %add3A_64 : vector<256x32xi32>
    %shift_right_logical3A_66 = arith.constant 16 : i32
    %shift_right_logical3A_67 = vector.broadcast %shift_right_logical3A_66 : i32 to vector<256x32xi32>
    %shift_right_logical3A_68 = arith.shrui %bitcast_convert_type3A_62, %shift_right_logical3A_67 : vector<256x32xi32>
    %and3A_69 = arith.constant 1 : i32
    %and3A_70 = vector.broadcast %and3A_69 : i32 to vector<256x32xi32>
    %and3A_71 = arith.andi %shift_right_logical3A_68, %and3A_70 : vector<256x32xi32>
    %add3A_72 = arith.addi %add3A_65, %and3A_71 : vector<256x32xi32>
    %shift_right_logical3A_73 = arith.constant 16 : i32
    %shift_right_logical3A_74 = vector.broadcast %shift_right_logical3A_73 : i32 to vector<256x32xi32>
    %shift_right_logical3A_75 = arith.shrui %add3A_72, %shift_right_logical3A_74 : vector<256x32xi32>
    %shift_left3A_76 = arith.constant 16 : i32
    %shift_left3A_77 = vector.broadcast %shift_left3A_76 : i32 to vector<256x32xi32>
    %shift_left3A_78 = arith.shli %shift_right_logical3A_75, %shift_left3A_77 : vector<256x32xi32>
    %or3A_79 = arith.ori %shift_right_logical3A_60, %shift_left3A_78 : vector<256x32xi32>
    %bitcast_convert_type3A_80 = tpu.bitcast %or3A_79 : vector<256x32xi32> -> vector<256x32xi32>
    %get3A_81 = arith.constant 0 : index
    %get3A_82 = arith.constant 0 : index
    %get3A_83 = vector.load %arg3[%get3A_81, %get3A_82] : memref<256x128xf32, #tpu.memory_space<vmem>>, vector<256x128xf32>
    %get3A_84 = arith.constant 0 : index
    %get3A_85 = arith.constant 0 : index
    %get3A_86 = arith.constant 0 : index
    %get3A_87 = vector.load %arg5[%get3A_84, %get3A_85, %get3A_86] : memref<5x128x64xf32, #tpu.memory_space<vmem>>, vector<1x128x64xf32>
    %get3A_88 = vector.shape_cast %get3A_87 : vector<1x128x64xf32> to vector<128x64xf32>
    %dot_general3A_89 = arith.constant dense<0.000000e+00> : vector<256x64xf32>
    %dot_general3A_90 = tpu.matmul %get3A_83, %get3A_88, %dot_general3A_89 {dimension_numbers = #tpu.dot_dimension_numbers<[1], [0], [0], [1], [0, 0, 1, 1], [], []>, transpose_lhs_hint = false} : vector<256x128xf32>, vector<128x64xf32>, vector<256x64xf32> -> vector<256x64xf32>
    %slice3A_91 = vector.extract_strided_slice %dot_general3A_90 {offsets = [0, 0], sizes = [256, 32], strides = [1, 1]} : vector<256x64xf32> to vector<256x32xf32>
    %bitcast_convert_type3A_92 = tpu.bitcast %slice3A_91 : vector<256x32xf32> -> vector<256x32xi32>
    %add3A_93 = arith.constant 32767 : i32
    %add3A_94 = vector.broadcast %add3A_93 : i32 to vector<256x32xi32>
    %add3A_95 = arith.addi %bitcast_convert_type3A_92, %add3A_94 : vector<256x32xi32>
    %shift_right_logical3A_96 = arith.constant 16 : i32
    %shift_right_logical3A_97 = vector.broadcast %shift_right_logical3A_96 : i32 to vector<256x32xi32>
    %shift_right_logical3A_98 = arith.shrui %bitcast_convert_type3A_92, %shift_right_logical3A_97 : vector<256x32xi32>
    %and3A_99 = arith.constant 1 : i32
    %and3A_100 = vector.broadcast %and3A_99 : i32 to vector<256x32xi32>
    %and3A_101 = arith.andi %shift_right_logical3A_98, %and3A_100 : vector<256x32xi32>
    %add3A_102 = arith.addi %add3A_95, %and3A_101 : vector<256x32xi32>
    %shift_right_logical3A_103 = arith.constant 16 : i32
    %shift_right_logical3A_104 = vector.broadcast %shift_right_logical3A_103 : i32 to vector<256x32xi32>
    %shift_right_logical3A_105 = arith.shrui %add3A_102, %shift_right_logical3A_104 : vector<256x32xi32>
    %slice3A_106 = vector.extract_strided_slice %dot_general3A_90 {offsets = [0, 32], sizes = [256, 32], strides = [1, 1]} : vector<256x64xf32> to vector<256x32xf32>
    %bitcast_convert_type3A_107 = tpu.bitcast %slice3A_106 : vector<256x32xf32> -> vector<256x32xi32>
    %add3A_108 = arith.constant 32767 : i32
    %add3A_109 = vector.broadcast %add3A_108 : i32 to vector<256x32xi32>
    %add3A_110 = arith.addi %bitcast_convert_type3A_107, %add3A_109 : vector<256x32xi32>
    %shift_right_logical3A_111 = arith.constant 16 : i32
    %shift_right_logical3A_112 = vector.broadcast %shift_right_logical3A_111 : i32 to vector<256x32xi32>
    %shift_right_logical3A_113 = arith.shrui %bitcast_convert_type3A_107, %shift_right_logical3A_112 : vector<256x32xi32>
    %and3A_114 = arith.constant 1 : i32
    %and3A_115 = vector.broadcast %and3A_114 : i32 to vector<256x32xi32>
    %and3A_116 = arith.andi %shift_right_logical3A_113, %and3A_115 : vector<256x32xi32>
    %add3A_117 = arith.addi %add3A_110, %and3A_116 : vector<256x32xi32>
    %shift_right_logical3A_118 = arith.constant 16 : i32
    %shift_right_logical3A_119 = vector.broadcast %shift_right_logical3A_118 : i32 to vector<256x32xi32>
    %shift_right_logical3A_120 = arith.shrui %add3A_117, %shift_right_logical3A_119 : vector<256x32xi32>
    %shift_left3A_121 = arith.constant 16 : i32
    %shift_left3A_122 = vector.broadcast %shift_left3A_121 : i32 to vector<256x32xi32>
    %shift_left3A_123 = arith.shli %shift_right_logical3A_120, %shift_left3A_122 : vector<256x32xi32>
    %or3A_124 = arith.ori %shift_right_logical3A_105, %shift_left3A_123 : vector<256x32xi32>
    %bitcast_convert_type3A_125 = tpu.bitcast %or3A_124 : vector<256x32xi32> -> vector<256x32xi32>
    %get3A_126 = arith.constant 0 : index
    %get3A_127 = arith.constant 0 : index
    %get3A_128 = vector.load %arg4[%get3A_126, %get3A_127] : memref<256x128xf32, #tpu.memory_space<vmem>>, vector<256x128xf32>
    %get3A_129 = arith.constant 0 : index
    %get3A_130 = arith.constant 0 : index
    %get3A_131 = arith.constant 0 : index
    %get3A_132 = vector.load %arg5[%get3A_129, %get3A_130, %get3A_131] : memref<5x128x64xf32, #tpu.memory_space<vmem>>, vector<1x128x64xf32>
    %get3A_133 = vector.shape_cast %get3A_132 : vector<1x128x64xf32> to vector<128x64xf32>
    %dot_general3A_134 = arith.constant dense<0.000000e+00> : vector<256x64xf32>
    %dot_general3A_135 = tpu.matmul %get3A_128, %get3A_133, %dot_general3A_134 {dimension_numbers = #tpu.dot_dimension_numbers<[1], [0], [0], [1], [0, 0, 1, 1], [], []>, transpose_lhs_hint = false} : vector<256x128xf32>, vector<128x64xf32>, vector<256x64xf32> -> vector<256x64xf32>
    %slice3A_136 = vector.extract_strided_slice %dot_general3A_135 {offsets = [0, 0], sizes = [256, 32], strides = [1, 1]} : vector<256x64xf32> to vector<256x32xf32>
    %bitcast_convert_type3A_137 = tpu.bitcast %slice3A_136 : vector<256x32xf32> -> vector<256x32xi32>
    %add3A_138 = arith.constant 32767 : i32
    %add3A_139 = vector.broadcast %add3A_138 : i32 to vector<256x32xi32>
    %add3A_140 = arith.addi %bitcast_convert_type3A_137, %add3A_139 : vector<256x32xi32>
    %shift_right_logical3A_141 = arith.constant 16 : i32
    %shift_right_logical3A_142 = vector.broadcast %shift_right_logical3A_141 : i32 to vector<256x32xi32>
    %shift_right_logical3A_143 = arith.shrui %bitcast_convert_type3A_137, %shift_right_logical3A_142 : vector<256x32xi32>
    %and3A_144 = arith.constant 1 : i32
    %and3A_145 = vector.broadcast %and3A_144 : i32 to vector<256x32xi32>
    %and3A_146 = arith.andi %shift_right_logical3A_143, %and3A_145 : vector<256x32xi32>
    %add3A_147 = arith.addi %add3A_140, %and3A_146 : vector<256x32xi32>
    %shift_right_logical3A_148 = arith.constant 16 : i32
    %shift_right_logical3A_149 = vector.broadcast %shift_right_logical3A_148 : i32 to vector<256x32xi32>
    %shift_right_logical3A_150 = arith.shrui %add3A_147, %shift_right_logical3A_149 : vector<256x32xi32>
    %slice3A_151 = vector.extract_strided_slice %dot_general3A_135 {offsets = [0, 32], sizes = [256, 32], strides = [1, 1]} : vector<256x64xf32> to vector<256x32xf32>
    %bitcast_convert_type3A_152 = tpu.bitcast %slice3A_151 : vector<256x32xf32> -> vector<256x32xi32>
    %add3A_153 = arith.constant 32767 : i32
    %add3A_154 = vector.broadcast %add3A_153 : i32 to vector<256x32xi32>
    %add3A_155 = arith.addi %bitcast_convert_type3A_152, %add3A_154 : vector<256x32xi32>
    %shift_right_logical3A_156 = arith.constant 16 : i32
    %shift_right_logical3A_157 = vector.broadcast %shift_right_logical3A_156 : i32 to vector<256x32xi32>
    %shift_right_logical3A_158 = arith.shrui %bitcast_convert_type3A_152, %shift_right_logical3A_157 : vector<256x32xi32>
    %and3A_159 = arith.constant 1 : i32
    %and3A_160 = vector.broadcast %and3A_159 : i32 to vector<256x32xi32>
    %and3A_161 = arith.andi %shift_right_logical3A_158, %and3A_160 : vector<256x32xi32>
    %add3A_162 = arith.addi %add3A_155, %and3A_161 : vector<256x32xi32>
    %shift_right_logical3A_163 = arith.constant 16 : i32
    %shift_right_logical3A_164 = vector.broadcast %shift_right_logical3A_163 : i32 to vector<256x32xi32>
    %shift_right_logical3A_165 = arith.shrui %add3A_162, %shift_right_logical3A_164 : vector<256x32xi32>
    %shift_left3A_166 = arith.constant 16 : i32
    %shift_left3A_167 = vector.broadcast %shift_left3A_166 : i32 to vector<256x32xi32>
    %shift_left3A_168 = arith.shli %shift_right_logical3A_165, %shift_left3A_167 : vector<256x32xi32>
    %or3A_169 = arith.ori %shift_right_logical3A_150, %shift_left3A_168 : vector<256x32xi32>
    %bitcast_convert_type3A_170 = tpu.bitcast %or3A_169 : vector<256x32xi32> -> vector<256x32xi32>
    %concatenate3A = tpu.concatenate %bitcast_convert_type3A_35, %bitcast_convert_type3A_80, %bitcast_convert_type3A_125, %bitcast_convert_type3A_170 in 1 : vector<256x32xi32>, vector<256x32xi32>, vector<256x32xi32>, vector<256x32xi32> -> vector<256x128xi32>
    %swap3A = arith.constant 0 : index
    %swap3A_171 = arith.constant 0 : index
    %swap3A_172 = vector.load %arg6[%swap3A, %swap3A_171] : memref<1280x128xi32, #tpu.memory_space<vmem>>, vector<256x128xi32>
    tpu.vector_store %arg6[%swap3A, %swap3A_171], %concatenate3A {strides = array<i32>} : memref<1280x128xi32, #tpu.memory_space<vmem>>, vector<256x128xi32>,
    %get3A_173 = arith.constant 0 : index
    %get3A_174 = arith.constant 0 : index
    %get3A_175 = vector.load %arg1[%get3A_173, %get3A_174] : memref<256x128xf32, #tpu.memory_space<vmem>>, vector<256x128xf32>
    %get3A_176 = arith.constant 1 : index
    %get3A_177 = arith.constant 0 : index
    %get3A_178 = arith.constant 0 : index
    %get3A_179 = vector.load %arg5[%get3A_176, %get3A_177, %get3A_178] : memref<5x128x64xf32, #tpu.memory_space<vmem>>, vector<1x128x64xf32>
    %get3A_180 = vector.shape_cast %get3A_179 : vector<1x128x64xf32> to vector<128x64xf32>
    %dot_general3A_181 = arith.constant dense<0.000000e+00> : vector<256x64xf32>
    %dot_general3A_182 = tpu.matmul %get3A_175, %get3A_180, %dot_general3A_181 {dimension_numbers = #tpu.dot_dimension_numbers<[1], [0], [0], [1], [0, 0, 1, 1], [], []>, transpose_lhs_hint = false} : vector<256x128xf32>, vector<128x64xf32>, vector<256x64xf32> -> vector<256x64xf32>
    %slice3A_183 = vector.extract_strided_slice %dot_general3A_182 {offsets = [0, 0], sizes = [256, 32], strides = [1, 1]} : vector<256x64xf32> to vector<256x32xf32>
    %bitcast_convert_type3A_184 = tpu.bitcast %slice3A_183 : vector<256x32xf32> -> vector<256x32xi32>
    %add3A_185 = arith.constant 32767 : i32
    %add3A_186 = vector.broadcast %add3A_185 : i32 to vector<256x32xi32>
    %add3A_187 = arith.addi %bitcast_convert_type3A_184, %add3A_186 : vector<256x32xi32>
    %shift_right_logical3A_188 = arith.constant 16 : i32
    %shift_right_logical3A_189 = vector.broadcast %shift_right_logical3A_188 : i32 to vector<256x32xi32>
    %shift_right_logical3A_190 = arith.shrui %bitcast_convert_type3A_184, %shift_right_logical3A_189 : vector<256x32xi32>
    %and3A_191 = arith.constant 1 : i32
    %and3A_192 = vector.broadcast %and3A_191 : i32 to vector<256x32xi32>
    %and3A_193 = arith.andi %shift_right_logical3A_190, %and3A_192 : vector<256x32xi32>
    %add3A_194 = arith.addi %add3A_187, %and3A_193 : vector<256x32xi32>
    %shift_right_logical3A_195 = arith.constant 16 : i32
    %shift_right_logical3A_196 = vector.broadcast %shift_right_logical3A_195 : i32 to vector<256x32xi32>
    %shift_right_logical3A_197 = arith.shrui %add3A_194, %shift_right_logical3A_196 : vector<256x32xi32>
    %slice3A_198 = vector.extract_strided_slice %dot_general3A_182 {offsets = [0, 32], sizes = [256, 32], strides = [1, 1]} : vector<256x64xf32> to vector<256x32xf32>
    %bitcast_convert_type3A_199 = tpu.bitcast %slice3A_198 : vector<256x32xf32> -> vector<256x32xi32>
    %add3A_200 = arith.constant 32767 : i32
    %add3A_201 = vector.broadcast %add3A_200 : i32 to vector<256x32xi32>
    %add3A_202 = arith.addi %bitcast_convert_type3A_199, %add3A_201 : vector<256x32xi32>
    %shift_right_logical3A_203 = arith.constant 16 : i32
    %shift_right_logical3A_204 = vector.broadcast %shift_right_logical3A_203 : i32 to vector<256x32xi32>
    %shift_right_logical3A_205 = arith.shrui %bitcast_convert_type3A_199, %shift_right_logical3A_204 : vector<256x32xi32>
    %and3A_206 = arith.constant 1 : i32
    %and3A_207 = vector.broadcast %and3A_206 : i32 to vector<256x32xi32>
    %and3A_208 = arith.andi %shift_right_logical3A_205, %and3A_207 : vector<256x32xi32>
    %add3A_209 = arith.addi %add3A_202, %and3A_208 : vector<256x32xi32>
    %shift_right_logical3A_210 = arith.constant 16 : i32
    %shift_right_logical3A_211 = vector.broadcast %shift_right_logical3A_210 : i32 to vector<256x32xi32>
    %shift_right_logical3A_212 = arith.shrui %add3A_209, %shift_right_logical3A_211 : vector<256x32xi32>
    %shift_left3A_213 = arith.constant 16 : i32
    %shift_left3A_214 = vector.broadcast %shift_left3A_213 : i32 to vector<256x32xi32>
    %shift_left3A_215 = arith.shli %shift_right_logical3A_212, %shift_left3A_214 : vector<256x32xi32>
    %or3A_216 = arith.ori %shift_right_logical3A_197, %shift_left3A_215 : vector<256x32xi32>
    %bitcast_convert_type3A_217 = tpu.bitcast %or3A_216 : vector<256x32xi32> -> vector<256x32xi32>
    %get3A_218 = arith.constant 0 : index
    %get3A_219 = arith.constant 0 : index
    %get3A_220 = vector.load %arg2[%get3A_218, %get3A_219] : memref<256x128xf32, #tpu.memory_space<vmem>>, vector<256x128xf32>
    %get3A_221 = arith.constant 1 : index
    %get3A_222 = arith.constant 0 : index
    %get3A_223 = arith.constant 0 : index
    %get3A_224 = vector.load %arg5[%get3A_221, %get3A_222, %get3A_223] : memref<5x128x64xf32, #tpu.memory_space<vmem>>, vector<1x128x64xf32>
    %get3A_225 = vector.shape_cast %get3A_224 : vector<1x128x64xf32> to vector<128x64xf32>
    %dot_general3A_226 = arith.constant dense<0.000000e+00> : vector<256x64xf32>
    %dot_general3A_227 = tpu.matmul %get3A_220, %get3A_225, %dot_general3A_226 {dimension_numbers = #tpu.dot_dimension_numbers<[1], [0], [0], [1], [0, 0, 1, 1], [], []>, transpose_lhs_hint = false} : vector<256x128xf32>, vector<128x64xf32>, vector<256x64xf32> -> vector<256x64xf32>
    %slice3A_228 = vector.extract_strided_slice %dot_general3A_227 {offsets = [0, 0], sizes = [256, 32], strides = [1, 1]} : vector<256x64xf32> to vector<256x32xf32>
    %bitcast_convert_type3A_229 = tpu.bitcast %slice3A_228 : vector<256x32xf32> -> vector<256x32xi32>
    %add3A_230 = arith.constant 32767 : i32
    %add3A_231 = vector.broadcast %add3A_230 : i32 to vector<256x32xi32>
    %add3A_232 = arith.addi %bitcast_convert_type3A_229, %add3A_231 : vector<256x32xi32>
    %shift_right_logical3A_233 = arith.constant 16 : i32
    %shift_right_logical3A_234 = vector.broadcast %shift_right_logical3A_233 : i32 to vector<256x32xi32>
    %shift_right_logical3A_235 = arith.shrui %bitcast_convert_type3A_229, %shift_right_logical3A_234 : vector<256x32xi32>
    %and3A_236 = arith.constant 1 : i32
    %and3A_237 = vector.broadcast %and3A_236 : i32 to vector<256x32xi32>
    %and3A_238 = arith.andi %shift_right_logical3A_235, %and3A_237 : vector<256x32xi32>
    %add3A_239 = arith.addi %add3A_232, %and3A_238 : vector<256x32xi32>
    %shift_right_logical3A_240 = arith.constant 16 : i32
    %shift_right_logical3A_241 = vector.broadcast %shift_right_logical3A_240 : i32 to vector<256x32xi32>
    %shift_right_logical3A_242 = arith.shrui %add3A_239, %shift_right_logical3A_241 : vector<256x32xi32>
    %slice3A_243 = vector.extract_strided_slice %dot_general3A_227 {offsets = [0, 32], sizes = [256, 32], strides = [1, 1]} : vector<256x64xf32> to vector<256x32xf32>
    %bitcast_convert_type3A_244 = tpu.bitcast %slice3A_243 : vector<256x32xf32> -> vector<256x32xi32>
    %add3A_245 = arith.constant 32767 : i32
    %add3A_246 = vector.broadcast %add3A_245 : i32 to vector<256x32xi32>
    %add3A_247 = arith.addi %bitcast_convert_type3A_244, %add3A_246 : vector<256x32xi32>
    %shift_right_logical3A_248 = arith.constant 16 : i32
    %shift_right_logical3A_249 = vector.broadcast %shift_right_logical3A_248 : i32 to vector<256x32xi32>
    %shift_right_logical3A_250 = arith.shrui %bitcast_convert_type3A_244, %shift_right_logical3A_249 : vector<256x32xi32>
    %and3A_251 = arith.constant 1 : i32
    %and3A_252 = vector.broadcast %and3A_251 : i32 to vector<256x32xi32>
    %and3A_253 = arith.andi %shift_right_logical3A_250, %and3A_252 : vector<256x32xi32>
    %add3A_254 = arith.addi %add3A_247, %and3A_253 : vector<256x32xi32>
    %shift_right_logical3A_255 = arith.constant 16 : i32
    %shift_right_logical3A_256 = vector.broadcast %shift_right_logical3A_255 : i32 to vector<256x32xi32>
    %shift_right_logical3A_257 = arith.shrui %add3A_254, %shift_right_logical3A_256 : vector<256x32xi32>
    %shift_left3A_258 = arith.constant 16 : i32
    %shift_left3A_259 = vector.broadcast %shift_left3A_258 : i32 to vector<256x32xi32>
    %shift_left3A_260 = arith.shli %shift_right_logical3A_257, %shift_left3A_259 : vector<256x32xi32>
    %or3A_261 = arith.ori %shift_right_logical3A_242, %shift_left3A_260 : vector<256x32xi32>
    %bitcast_convert_type3A_262 = tpu.bitcast %or3A_261 : vector<256x32xi32> -> vector<256x32xi32>
    %get3A_263 = arith.constant 0 : index
    %get3A_264 = arith.constant 0 : index
    %get3A_265 = vector.load %arg3[%get3A_263, %get3A_264] : memref<256x128xf32, #tpu.memory_space<vmem>>, vector<256x128xf32>
    %get3A_266 = arith.constant 1 : index
    %get3A_267 = arith.constant 0 : index
    %get3A_268 = arith.constant 0 : index
    %get3A_269 = vector.load %arg5[%get3A_266, %get3A_267, %get3A_268] : memref<5x128x64xf32, #tpu.memory_space<vmem>>, vector<1x128x64xf32>
    %get3A_270 = vector.shape_cast %get3A_269 : vector<1x128x64xf32> to vector<128x64xf32>
    %dot_general3A_271 = arith.constant dense<0.000000e+00> : vector<256x64xf32>
    %dot_general3A_272 = tpu.matmul %get3A_265, %get3A_270, %dot_general3A_271 {dimension_numbers = #tpu.dot_dimension_numbers<[1], [0], [0], [1], [0, 0, 1, 1], [], []>, transpose_lhs_hint = false} : vector<256x128xf32>, vector<128x64xf32>, vector<256x64xf32> -> vector<256x64xf32>
    %slice3A_273 = vector.extract_strided_slice %dot_general3A_272 {offsets = [0, 0], sizes = [256, 32], strides = [1, 1]} : vector<256x64xf32> to vector<256x32xf32>
    %bitcast_convert_type3A_274 = tpu.bitcast %slice3A_273 : vector<256x32xf32> -> vector<256x32xi32>
    %add3A_275 = arith.constant 32767 : i32
    %add3A_276 = vector.broadcast %add3A_275 : i32 to vector<256x32xi32>
    %add3A_277 = arith.addi %bitcast_convert_type3A_274, %add3A_276 : vector<256x32xi32>
    %shift_right_logical3A_278 = arith.constant 16 : i32
    %shift_right_logical3A_279 = vector.broadcast %shift_right_logical3A_278 : i32 to vector<256x32xi32>
    %shift_right_logical3A_280 = arith.shrui %bitcast_convert_type3A_274, %shift_right_logical3A_279 : vector<256x32xi32>
    %and3A_281 = arith.constant 1 : i32
    %and3A_282 = vector.broadcast %and3A_281 : i32 to vector<256x32xi32>
    %and3A_283 = arith.andi %shift_right_logical3A_280, %and3A_282 : vector<256x32xi32>
    %add3A_284 = arith.addi %add3A_277, %and3A_283 : vector<256x32xi32>
    %shift_right_logical3A_285 = arith.constant 16 : i32
    %shift_right_logical3A_286 = vector.broadcast %shift_right_logical3A_285 : i32 to vector<256x32xi32>
    %shift_right_logical3A_287 = arith.shrui %add3A_284, %shift_right_logical3A_286 : vector<256x32xi32>
    %slice3A_288 = vector.extract_strided_slice %dot_general3A_272 {offsets = [0, 32], sizes = [256, 32], strides = [1, 1]} : vector<256x64xf32> to vector<256x32xf32>
    %bitcast_convert_type3A_289 = tpu.bitcast %slice3A_288 : vector<256x32xf32> -> vector<256x32xi32>
    %add3A_290 = arith.constant 32767 : i32
    %add3A_291 = vector.broadcast %add3A_290 : i32 to vector<256x32xi32>
    %add3A_292 = arith.addi %bitcast_convert_type3A_289, %add3A_291 : vector<256x32xi32>
    %shift_right_logical3A_293 = arith.constant 16 : i32
    %shift_right_logical3A_294 = vector.broadcast %shift_right_logical3A_293 : i32 to vector<256x32xi32>
    %shift_right_logical3A_295 = arith.shrui %bitcast_convert_type3A_289, %shift_right_logical3A_294 : vector<256x32xi32>
    %and3A_296 = arith.constant 1 : i32
    %and3A_297 = vector.broadcast %and3A_296 : i32 to vector<256x32xi32>
    %and3A_298 = arith.andi %shift_right_logical3A_295, %and3A_297 : vector<256x32xi32>
    %add3A_299 = arith.addi %add3A_292, %and3A_298 : vector<256x32xi32>
    %shift_right_logical3A_300 = arith.constant 16 : i32
    %shift_right_logical3A_301 = vector.broadcast %shift_right_logical3A_300 : i32 to vector<256x32xi32>
    %shift_right_logical3A_302 = arith.shrui %add3A_299, %shift_right_logical3A_301 : vector<256x32xi32>
    %shift_left3A_303 = arith.constant 16 : i32
    %shift_left3A_304 = vector.broadcast %shift_left3A_303 : i32 to vector<256x32xi32>
    %shift_left3A_305 = arith.shli %shift_right_logical3A_302, %shift_left3A_304 : vector<256x32xi32>
    %or3A_306 = arith.ori %shift_right_logical3A_287, %shift_left3A_305 : vector<256x32xi32>
    %bitcast_convert_type3A_307 = tpu.bitcast %or3A_306 : vector<256x32xi32> -> vector<256x32xi32>
    %get3A_308 = arith.constant 0 : index
    %get3A_309 = arith.constant 0 : index
    %get3A_310 = vector.load %arg4[%get3A_308, %get3A_309] : memref<256x128xf32, #tpu.memory_space<vmem>>, vector<256x128xf32>
    %get3A_311 = arith.constant 1 : index
    %get3A_312 = arith.constant 0 : index
    %get3A_313 = arith.constant 0 : index
    %get3A_314 = vector.load %arg5[%get3A_311, %get3A_312, %get3A_313] : memref<5x128x64xf32, #tpu.memory_space<vmem>>, vector<1x128x64xf32>
    %get3A_315 = vector.shape_cast %get3A_314 : vector<1x128x64xf32> to vector<128x64xf32>
    %dot_general3A_316 = arith.constant dense<0.000000e+00> : vector<256x64xf32>
    %dot_general3A_317 = tpu.matmul %get3A_310, %get3A_315, %dot_general3A_316 {dimension_numbers = #tpu.dot_dimension_numbers<[1], [0], [0], [1], [0, 0, 1, 1], [], []>, transpose_lhs_hint = false} : vector<256x128xf32>, vector<128x64xf32>, vector<256x64xf32> -> vector<256x64xf32>
    %slice3A_318 = vector.extract_strided_slice %dot_general3A_317 {offsets = [0, 0], sizes = [256, 32], strides = [1, 1]} : vector<256x64xf32> to vector<256x32xf32>
    %bitcast_convert_type3A_319 = tpu.bitcast %slice3A_318 : vector<256x32xf32> -> vector<256x32xi32>
    %add3A_320 = arith.constant 32767 : i32
    %add3A_321 = vector.broadcast %add3A_320 : i32 to vector<256x32xi32>
    %add3A_322 = arith.addi %bitcast_convert_type3A_319, %add3A_321 : vector<256x32xi32>
    %shift_right_logical3A_323 = arith.constant 16 : i32
    %shift_right_logical3A_324 = vector.broadcast %shift_right_logical3A_323 : i32 to vector<256x32xi32>
    %shift_right_logical3A_325 = arith.shrui %bitcast_convert_type3A_319, %shift_right_logical3A_324 : vector<256x32xi32>
    %and3A_326 = arith.constant 1 : i32
    %and3A_327 = vector.broadcast %and3A_326 : i32 to vector<256x32xi32>
    %and3A_328 = arith.andi %shift_right_logical3A_325, %and3A_327 : vector<256x32xi32>
    %add3A_329 = arith.addi %add3A_322, %and3A_328 : vector<256x32xi32>
    %shift_right_logical3A_330 = arith.constant 16 : i32
    %shift_right_logical3A_331 = vector.broadcast %shift_right_logical3A_330 : i32 to vector<256x32xi32>
    %shift_right_logical3A_332 = arith.shrui %add3A_329, %shift_right_logical3A_331 : vector<256x32xi32>
    %slice3A_333 = vector.extract_strided_slice %dot_general3A_317 {offsets = [0, 32], sizes = [256, 32], strides = [1, 1]} : vector<256x64xf32> to vector<256x32xf32>
    %bitcast_convert_type3A_334 = tpu.bitcast %slice3A_333 : vector<256x32xf32> -> vector<256x32xi32>
    %add3A_335 = arith.constant 32767 : i32
    %add3A_336 = vector.broadcast %add3A_335 : i32 to vector<256x32xi32>
    %add3A_337 = arith.addi %bitcast_convert_type3A_334, %add3A_336 : vector<256x32xi32>
    %shift_right_logical3A_338 = arith.constant 16 : i32
    %shift_right_logical3A_339 = vector.broadcast %shift_right_logical3A_338 : i32 to vector<256x32xi32>
    %shift_right_logical3A_340 = arith.shrui %bitcast_convert_type3A_334, %shift_right_logical3A_339 : vector<256x32xi32>
    %and3A_341 = arith.constant 1 : i32
    %and3A_342 = vector.broadcast %and3A_341 : i32 to vector<256x32xi32>
    %and3A_343 = arith.andi %shift_right_logical3A_340, %and3A_342 : vector<256x32xi32>
    %add3A_344 = arith.addi %add3A_337, %and3A_343 : vector<256x32xi32>
    %shift_right_logical3A_345 = arith.constant 16 : i32
    %shift_right_logical3A_346 = vector.broadcast %shift_right_logical3A_345 : i32 to vector<256x32xi32>
    %shift_right_logical3A_347 = arith.shrui %add3A_344, %shift_right_logical3A_346 : vector<256x32xi32>
    %shift_left3A_348 = arith.constant 16 : i32
    %shift_left3A_349 = vector.broadcast %shift_left3A_348 : i32 to vector<256x32xi32>
    %shift_left3A_350 = arith.shli %shift_right_logical3A_347, %shift_left3A_349 : vector<256x32xi32>
    %or3A_351 = arith.ori %shift_right_logical3A_332, %shift_left3A_350 : vector<256x32xi32>
    %bitcast_convert_type3A_352 = tpu.bitcast %or3A_351 : vector<256x32xi32> -> vector<256x32xi32>
    %concatenate3A_353 = tpu.concatenate %bitcast_convert_type3A_217, %bitcast_convert_type3A_262, %bitcast_convert_type3A_307, %bitcast_convert_type3A_352 in 1 : vector<256x32xi32>, vector<256x32xi32>, vector<256x32xi32>, vector<256x32xi32> -> vector<256x128xi32>
    %swap3A_354 = arith.constant 256 : index
    %swap3A_355 = arith.constant 0 : index
    %swap3A_356 = vector.load %arg6[%swap3A_354, %swap3A_355] : memref<1280x128xi32, #tpu.memory_space<vmem>>, vector<256x128xi32>
    tpu.vector_store %arg6[%swap3A_354, %swap3A_355], %concatenate3A_353 {strides = array<i32>} : memref<1280x128xi32, #tpu.memory_space<vmem>>, vector<256x128xi32>,
    %get3A_357 = arith.constant 0 : index
    %get3A_358 = arith.constant 0 : index
    %get3A_359 = vector.load %arg1[%get3A_357, %get3A_358] : memref<256x128xf32, #tpu.memory_space<vmem>>, vector<256x128xf32>
    %get3A_360 = arith.constant 2 : index
    %get3A_361 = arith.constant 0 : index
    %get3A_362 = arith.constant 0 : index
    %get3A_363 = vector.load %arg5[%get3A_360, %get3A_361, %get3A_362] : memref<5x128x64xf32, #tpu.memory_space<vmem>>, vector<1x128x64xf32>
    %get3A_364 = vector.shape_cast %get3A_363 : vector<1x128x64xf32> to vector<128x64xf32>
    %dot_general3A_365 = arith.constant dense<0.000000e+00> : vector<256x64xf32>
    %dot_general3A_366 = tpu.matmul %get3A_359, %get3A_364, %dot_general3A_365 {dimension_numbers = #tpu.dot_dimension_numbers<[1], [0], [0], [1], [0, 0, 1, 1], [], []>, transpose_lhs_hint = false} : vector<256x128xf32>, vector<128x64xf32>, vector<256x64xf32> -> vector<256x64xf32>
    %slice3A_367 = vector.extract_strided_slice %dot_general3A_366 {offsets = [0, 0], sizes = [256, 32], strides = [1, 1]} : vector<256x64xf32> to vector<256x32xf32>
    %bitcast_convert_type3A_368 = tpu.bitcast %slice3A_367 : vector<256x32xf32> -> vector<256x32xi32>
    %add3A_369 = arith.constant 32767 : i32
    %add3A_370 = vector.broadcast %add3A_369 : i32 to vector<256x32xi32>
    %add3A_371 = arith.addi %bitcast_convert_type3A_368, %add3A_370 : vector<256x32xi32>
    %shift_right_logical3A_372 = arith.constant 16 : i32
    %shift_right_logical3A_373 = vector.broadcast %shift_right_logical3A_372 : i32 to vector<256x32xi32>
    %shift_right_logical3A_374 = arith.shrui %bitcast_convert_type3A_368, %shift_right_logical3A_373 : vector<256x32xi32>
    %and3A_375 = arith.constant 1 : i32
    %and3A_376 = vector.broadcast %and3A_375 : i32 to vector<256x32xi32>
    %and3A_377 = arith.andi %shift_right_logical3A_374, %and3A_376 : vector<256x32xi32>
    %add3A_378 = arith.addi %add3A_371, %and3A_377 : vector<256x32xi32>
    %shift_right_logical3A_379 = arith.constant 16 : i32
    %shift_right_logical3A_380 = vector.broadcast %shift_right_logical3A_379 : i32 to vector<256x32xi32>
    %shift_right_logical3A_381 = arith.shrui %add3A_378, %shift_right_logical3A_380 : vector<256x32xi32>
    %slice3A_382 = vector.extract_strided_slice %dot_general3A_366 {offsets = [0, 32], sizes = [256, 32], strides = [1, 1]} : vector<256x64xf32> to vector<256x32xf32>
    %bitcast_convert_type3A_383 = tpu.bitcast %slice3A_382 : vector<256x32xf32> -> vector<256x32xi32>
    %add3A_384 = arith.constant 32767 : i32
    %add3A_385 = vector.broadcast %add3A_384 : i32 to vector<256x32xi32>
    %add3A_386 = arith.addi %bitcast_convert_type3A_383, %add3A_385 : vector<256x32xi32>
    %shift_right_logical3A_387 = arith.constant 16 : i32
    %shift_right_logical3A_388 = vector.broadcast %shift_right_logical3A_387 : i32 to vector<256x32xi32>
    %shift_right_logical3A_389 = arith.shrui %bitcast_convert_type3A_383, %shift_right_logical3A_388 : vector<256x32xi32>
    %and3A_390 = arith.constant 1 : i32
    %and3A_391 = vector.broadcast %and3A_390 : i32 to vector<256x32xi32>
    %and3A_392 = arith.andi %shift_right_logical3A_389, %and3A_391 : vector<256x32xi32>
    %add3A_393 = arith.addi %add3A_386, %and3A_392 : vector<256x32xi32>
    %shift_right_logical3A_394 = arith.constant 16 : i32
    %shift_right_logical3A_395 = vector.broadcast %shift_right_logical3A_394 : i32 to vector<256x32xi32>
    %shift_right_logical3A_396 = arith.shrui %add3A_393, %shift_right_logical3A_395 : vector<256x32xi32>
    %shift_left3A_397 = arith.constant 16 : i32
    %shift_left3A_398 = vector.broadcast %shift_left3A_397 : i32 to vector<256x32xi32>
    %shift_left3A_399 = arith.shli %shift_right_logical3A_396, %shift_left3A_398 : vector<256x32xi32>
    %or3A_400 = arith.ori %shift_right_logical3A_381, %shift_left3A_399 : vector<256x32xi32>
    %bitcast_convert_type3A_401 = tpu.bitcast %or3A_400 : vector<256x32xi32> -> vector<256x32xi32>
    %get3A_402 = arith.constant 0 : index
    %get3A_403 = arith.constant 0 : index
    %get3A_404 = vector.load %arg2[%get3A_402, %get3A_403] : memref<256x128xf32, #tpu.memory_space<vmem>>, vector<256x128xf32>
    %get3A_405 = arith.constant 2 : index
    %get3A_406 = arith.constant 0 : index
    %get3A_407 = arith.constant 0 : index
    %get3A_408 = vector.load %arg5[%get3A_405, %get3A_406, %get3A_407] : memref<5x128x64xf32, #tpu.memory_space<vmem>>, vector<1x128x64xf32>
    %get3A_409 = vector.shape_cast %get3A_408 : vector<1x128x64xf32> to vector<128x64xf32>
    %dot_general3A_410 = arith.constant dense<0.000000e+00> : vector<256x64xf32>
    %dot_general3A_411 = tpu.matmul %get3A_404, %get3A_409, %dot_general3A_410 {dimension_numbers = #tpu.dot_dimension_numbers<[1], [0], [0], [1], [0, 0, 1, 1], [], []>, transpose_lhs_hint = false} : vector<256x128xf32>, vector<128x64xf32>, vector<256x64xf32> -> vector<256x64xf32>
    %slice3A_412 = vector.extract_strided_slice %dot_general3A_411 {offsets = [0, 0], sizes = [256, 32], strides = [1, 1]} : vector<256x64xf32> to vector<256x32xf32>
    %bitcast_convert_type3A_413 = tpu.bitcast %slice3A_412 : vector<256x32xf32> -> vector<256x32xi32>
    %add3A_414 = arith.constant 32767 : i32
    %add3A_415 = vector.broadcast %add3A_414 : i32 to vector<256x32xi32>
    %add3A_416 = arith.addi %bitcast_convert_type3A_413, %add3A_415 : vector<256x32xi32>
    %shift_right_logical3A_417 = arith.constant 16 : i32
    %shift_right_logical3A_418 = vector.broadcast %shift_right_logical3A_417 : i32 to vector<256x32xi32>
    %shift_right_logical3A_419 = arith.shrui %bitcast_convert_type3A_413, %shift_right_logical3A_418 : vector<256x32xi32>
    %and3A_420 = arith.constant 1 : i32
    %and3A_421 = vector.broadcast %and3A_420 : i32 to vector<256x32xi32>
    %and3A_422 = arith.andi %shift_right_logical3A_419, %and3A_421 : vector<256x32xi32>
    %add3A_423 = arith.addi %add3A_416, %and3A_422 : vector<256x32xi32>
    %shift_right_logical3A_424 = arith.constant 16 : i32
    %shift_right_logical3A_425 = vector.broadcast %shift_right_logical3A_424 : i32 to vector<256x32xi32>
    %shift_right_logical3A_426 = arith.shrui %add3A_423, %shift_right_logical3A_425 : vector<256x32xi32>
    %slice3A_427 = vector.extract_strided_slice %dot_general3A_411 {offsets = [0, 32], sizes = [256, 32], strides = [1, 1]} : vector<256x64xf32> to vector<256x32xf32>
    %bitcast_convert_type3A_428 = tpu.bitcast %slice3A_427 : vector<256x32xf32> -> vector<256x32xi32>
    %add3A_429 = arith.constant 32767 : i32
    %add3A_430 = vector.broadcast %add3A_429 : i32 to vector<256x32xi32>
    %add3A_431 = arith.addi %bitcast_convert_type3A_428, %add3A_430 : vector<256x32xi32>
    %shift_right_logical3A_432 = arith.constant 16 : i32
    %shift_right_logical3A_433 = vector.broadcast %shift_right_logical3A_432 : i32 to vector<256x32xi32>
    %shift_right_logical3A_434 = arith.shrui %bitcast_convert_type3A_428, %shift_right_logical3A_433 : vector<256x32xi32>
    %and3A_435 = arith.constant 1 : i32
    %and3A_436 = vector.broadcast %and3A_435 : i32 to vector<256x32xi32>
    %and3A_437 = arith.andi %shift_right_logical3A_434, %and3A_436 : vector<256x32xi32>
    %add3A_438 = arith.addi %add3A_431, %and3A_437 : vector<256x32xi32>
    %shift_right_logical3A_439 = arith.constant 16 : i32
    %shift_right_logical3A_440 = vector.broadcast %shift_right_logical3A_439 : i32 to vector<256x32xi32>
    %shift_right_logical3A_441 = arith.shrui %add3A_438, %shift_right_logical3A_440 : vector<256x32xi32>
    %shift_left3A_442 = arith.constant 16 : i32
    %shift_left3A_443 = vector.broadcast %shift_left3A_442 : i32 to vector<256x32xi32>
    %shift_left3A_444 = arith.shli %shift_right_logical3A_441, %shift_left3A_443 : vector<256x32xi32>
    %or3A_445 = arith.ori %shift_right_logical3A_426, %shift_left3A_444 : vector<256x32xi32>
    %bitcast_convert_type3A_446 = tpu.bitcast %or3A_445 : vector<256x32xi32> -> vector<256x32xi32>
    %get3A_447 = arith.constant 0 : index
    %get3A_448 = arith.constant 0 : index
    %get3A_449 = vector.load %arg3[%get3A_447, %get3A_448] : memref<256x128xf32, #tpu.memory_space<vmem>>, vector<256x128xf32>
    %get3A_450 = arith.constant 2 : index
    %get3A_451 = arith.constant 0 : index
    %get3A_452 = arith.constant 0 : index
    %get3A_453 = vector.load %arg5[%get3A_450, %get3A_451, %get3A_452] : memref<5x128x64xf32, #tpu.memory_space<vmem>>, vector<1x128x64xf32>
    %get3A_454 = vector.shape_cast %get3A_453 : vector<1x128x64xf32> to vector<128x64xf32>
    %dot_general3A_455 = arith.constant dense<0.000000e+00> : vector<256x64xf32>
    %dot_general3A_456 = tpu.matmul %get3A_449, %get3A_454, %dot_general3A_455 {dimension_numbers = #tpu.dot_dimension_numbers<[1], [0], [0], [1], [0, 0, 1, 1], [], []>, transpose_lhs_hint = false} : vector<256x128xf32>, vector<128x64xf32>, vector<256x64xf32> -> vector<256x64xf32>
    %slice3A_457 = vector.extract_strided_slice %dot_general3A_456 {offsets = [0, 0], sizes = [256, 32], strides = [1, 1]} : vector<256x64xf32> to vector<256x32xf32>
    %bitcast_convert_type3A_458 = tpu.bitcast %slice3A_457 : vector<256x32xf32> -> vector<256x32xi32>
    %add3A_459 = arith.constant 32767 : i32
    %add3A_460 = vector.broadcast %add3A_459 : i32 to vector<256x32xi32>
    %add3A_461 = arith.addi %bitcast_convert_type3A_458, %add3A_460 : vector<256x32xi32>
    %shift_right_logical3A_462 = arith.constant 16 : i32
    %shift_right_logical3A_463 = vector.broadcast %shift_right_logical3A_462 : i32 to vector<256x32xi32>
    %shift_right_logical3A_464 = arith.shrui %bitcast_convert_type3A_458, %shift_right_logical3A_463 : vector<256x32xi32>
    %and3A_465 = arith.constant 1 : i32
    %and3A_466 = vector.broadcast %and3A_465 : i32 to vector<256x32xi32>
    %and3A_467 = arith.andi %shift_right_logical3A_464, %and3A_466 : vector<256x32xi32>
    %add3A_468 = arith.addi %add3A_461, %and3A_467 : vector<256x32xi32>
    %shift_right_logical3A_469 = arith.constant 16 : i32
    %shift_right_logical3A_470 = vector.broadcast %shift_right_logical3A_469 : i32 to vector<256x32xi32>
    %shift_right_logical3A_471 = arith.shrui %add3A_468, %shift_right_logical3A_470 : vector<256x32xi32>
    %slice3A_472 = vector.extract_strided_slice %dot_general3A_456 {offsets = [0, 32], sizes = [256, 32], strides = [1, 1]} : vector<256x64xf32> to vector<256x32xf32>
    %bitcast_convert_type3A_473 = tpu.bitcast %slice3A_472 : vector<256x32xf32> -> vector<256x32xi32>
    %add3A_474 = arith.constant 32767 : i32
    %add3A_475 = vector.broadcast %add3A_474 : i32 to vector<256x32xi32>
    %add3A_476 = arith.addi %bitcast_convert_type3A_473, %add3A_475 : vector<256x32xi32>
    %shift_right_logical3A_477 = arith.constant 16 : i32
    %shift_right_logical3A_478 = vector.broadcast %shift_right_logical3A_477 : i32 to vector<256x32xi32>
    %shift_right_logical3A_479 = arith.shrui %bitcast_convert_type3A_473, %shift_right_logical3A_478 : vector<256x32xi32>
    %and3A_480 = arith.constant 1 : i32
    %and3A_481 = vector.broadcast %and3A_480 : i32 to vector<256x32xi32>
    %and3A_482 = arith.andi %shift_right_logical3A_479, %and3A_481 : vector<256x32xi32>
    %add3A_483 = arith.addi %add3A_476, %and3A_482 : vector<256x32xi32>
    %shift_right_logical3A_484 = arith.constant 16 : i32
    %shift_right_logical3A_485 = vector.broadcast %shift_right_logical3A_484 : i32 to vector<256x32xi32>
    %shift_right_logical3A_486 = arith.shrui %add3A_483, %shift_right_logical3A_485 : vector<256x32xi32>
    %shift_left3A_487 = arith.constant 16 : i32
    %shift_left3A_488 = vector.broadcast %shift_left3A_487 : i32 to vector<256x32xi32>
    %shift_left3A_489 = arith.shli %shift_right_logical3A_486, %shift_left3A_488 : vector<256x32xi32>
    %or3A_490 = arith.ori %shift_right_logical3A_471, %shift_left3A_489 : vector<256x32xi32>
    %bitcast_convert_type3A_491 = tpu.bitcast %or3A_490 : vector<256x32xi32> -> vector<256x32xi32>
    %get3A_492 = arith.constant 0 : index
    %get3A_493 = arith.constant 0 : index
    %get3A_494 = vector.load %arg4[%get3A_492, %get3A_493] : memref<256x128xf32, #tpu.memory_space<vmem>>, vector<256x128xf32>
    %get3A_495 = arith.constant 2 : index
    %get3A_496 = arith.constant 0 : index
    %get3A_497 = arith.constant 0 : index
    %get3A_498 = vector.load %arg5[%get3A_495, %get3A_496, %get3A_497] : memref<5x128x64xf32, #tpu.memory_space<vmem>>, vector<1x128x64xf32>
    %get3A_499 = vector.shape_cast %get3A_498 : vector<1x128x64xf32> to vector<128x64xf32>
    %dot_general3A_500 = arith.constant dense<0.000000e+00> : vector<256x64xf32>
    %dot_general3A_501 = tpu.matmul %get3A_494, %get3A_499, %dot_general3A_500 {dimension_numbers = #tpu.dot_dimension_numbers<[1], [0], [0], [1], [0, 0, 1, 1], [], []>, transpose_lhs_hint = false} : vector<256x128xf32>, vector<128x64xf32>, vector<256x64xf32> -> vector<256x64xf32>
    %slice3A_502 = vector.extract_strided_slice %dot_general3A_501 {offsets = [0, 0], sizes = [256, 32], strides = [1, 1]} : vector<256x64xf32> to vector<256x32xf32>
    %bitcast_convert_type3A_503 = tpu.bitcast %slice3A_502 : vector<256x32xf32> -> vector<256x32xi32>
    %add3A_504 = arith.constant 32767 : i32
    %add3A_505 = vector.broadcast %add3A_504 : i32 to vector<256x32xi32>
    %add3A_506 = arith.addi %bitcast_convert_type3A_503, %add3A_505 : vector<256x32xi32>
    %shift_right_logical3A_507 = arith.constant 16 : i32
    %shift_right_logical3A_508 = vector.broadcast %shift_right_logical3A_507 : i32 to vector<256x32xi32>
    %shift_right_logical3A_509 = arith.shrui %bitcast_convert_type3A_503, %shift_right_logical3A_508 : vector<256x32xi32>
    %and3A_510 = arith.constant 1 : i32
    %and3A_511 = vector.broadcast %and3A_510 : i32 to vector<256x32xi32>
    %and3A_512 = arith.andi %shift_right_logical3A_509, %and3A_511 : vector<256x32xi32>
    %add3A_513 = arith.addi %add3A_506, %and3A_512 : vector<256x32xi32>
    %shift_right_logical3A_514 = arith.constant 16 : i32
    %shift_right_logical3A_515 = vector.broadcast %shift_right_logical3A_514 : i32 to vector<256x32xi32>
    %shift_right_logical3A_516 = arith.shrui %add3A_513, %shift_right_logical3A_515 : vector<256x32xi32>
    %slice3A_517 = vector.extract_strided_slice %dot_general3A_501 {offsets = [0, 32], sizes = [256, 32], strides = [1, 1]} : vector<256x64xf32> to vector<256x32xf32>
    %bitcast_convert_type3A_518 = tpu.bitcast %slice3A_517 : vector<256x32xf32> -> vector<256x32xi32>
    %add3A_519 = arith.constant 32767 : i32
    %add3A_520 = vector.broadcast %add3A_519 : i32 to vector<256x32xi32>
    %add3A_521 = arith.addi %bitcast_convert_type3A_518, %add3A_520 : vector<256x32xi32>
    %shift_right_logical3A_522 = arith.constant 16 : i32
    %shift_right_logical3A_523 = vector.broadcast %shift_right_logical3A_522 : i32 to vector<256x32xi32>
    %shift_right_logical3A_524 = arith.shrui %bitcast_convert_type3A_518, %shift_right_logical3A_523 : vector<256x32xi32>
    %and3A_525 = arith.constant 1 : i32
    %and3A_526 = vector.broadcast %and3A_525 : i32 to vector<256x32xi32>
    %and3A_527 = arith.andi %shift_right_logical3A_524, %and3A_526 : vector<256x32xi32>
    %add3A_528 = arith.addi %add3A_521, %and3A_527 : vector<256x32xi32>
    %shift_right_logical3A_529 = arith.constant 16 : i32
    %shift_right_logical3A_530 = vector.broadcast %shift_right_logical3A_529 : i32 to vector<256x32xi32>
    %shift_right_logical3A_531 = arith.shrui %add3A_528, %shift_right_logical3A_530 : vector<256x32xi32>
    %shift_left3A_532 = arith.constant 16 : i32
    %shift_left3A_533 = vector.broadcast %shift_left3A_532 : i32 to vector<256x32xi32>
    %shift_left3A_534 = arith.shli %shift_right_logical3A_531, %shift_left3A_533 : vector<256x32xi32>
    %or3A_535 = arith.ori %shift_right_logical3A_516, %shift_left3A_534 : vector<256x32xi32>
    %bitcast_convert_type3A_536 = tpu.bitcast %or3A_535 : vector<256x32xi32> -> vector<256x32xi32>
    %concatenate3A_537 = tpu.concatenate %bitcast_convert_type3A_401, %bitcast_convert_type3A_446, %bitcast_convert_type3A_491, %bitcast_convert_type3A_536 in 1 : vector<256x32xi32>, vector<256x32xi32>, vector<256x32xi32>, vector<256x32xi32> -> vector<256x128xi32>
    %swap3A_538 = arith.constant 512 : index
    %swap3A_539 = arith.constant 0 : index
    %swap3A_540 = vector.load %arg6[%swap3A_538, %swap3A_539] : memref<1280x128xi32, #tpu.memory_space<vmem>>, vector<256x128xi32>
    tpu.vector_store %arg6[%swap3A_538, %swap3A_539], %concatenate3A_537 {strides = array<i32>} : memref<1280x128xi32, #tpu.memory_space<vmem>>, vector<256x128xi32>,
    %get3A_541 = arith.constant 0 : index
    %get3A_542 = arith.constant 0 : index
    %get3A_543 = vector.load %arg1[%get3A_541, %get3A_542] : memref<256x128xf32, #tpu.memory_space<vmem>>, vector<256x128xf32>
    %get3A_544 = arith.constant 3 : index
    %get3A_545 = arith.constant 0 : index
    %get3A_546 = arith.constant 0 : index
    %get3A_547 = vector.load %arg5[%get3A_544, %get3A_545, %get3A_546] : memref<5x128x64xf32, #tpu.memory_space<vmem>>, vector<1x128x64xf32>
    %get3A_548 = vector.shape_cast %get3A_547 : vector<1x128x64xf32> to vector<128x64xf32>
    %dot_general3A_549 = arith.constant dense<0.000000e+00> : vector<256x64xf32>
    %dot_general3A_550 = tpu.matmul %get3A_543, %get3A_548, %dot_general3A_549 {dimension_numbers = #tpu.dot_dimension_numbers<[1], [0], [0], [1], [0, 0, 1, 1], [], []>, transpose_lhs_hint = false} : vector<256x128xf32>, vector<128x64xf32>, vector<256x64xf32> -> vector<256x64xf32>
    %slice3A_551 = vector.extract_strided_slice %dot_general3A_550 {offsets = [0, 0], sizes = [256, 32], strides = [1, 1]} : vector<256x64xf32> to vector<256x32xf32>
    %bitcast_convert_type3A_552 = tpu.bitcast %slice3A_551 : vector<256x32xf32> -> vector<256x32xi32>
    %add3A_553 = arith.constant 32767 : i32
    %add3A_554 = vector.broadcast %add3A_553 : i32 to vector<256x32xi32>
    %add3A_555 = arith.addi %bitcast_convert_type3A_552, %add3A_554 : vector<256x32xi32>
    %shift_right_logical3A_556 = arith.constant 16 : i32
    %shift_right_logical3A_557 = vector.broadcast %shift_right_logical3A_556 : i32 to vector<256x32xi32>
    %shift_right_logical3A_558 = arith.shrui %bitcast_convert_type3A_552, %shift_right_logical3A_557 : vector<256x32xi32>
    %and3A_559 = arith.constant 1 : i32
    %and3A_560 = vector.broadcast %and3A_559 : i32 to vector<256x32xi32>
    %and3A_561 = arith.andi %shift_right_logical3A_558, %and3A_560 : vector<256x32xi32>
    %add3A_562 = arith.addi %add3A_555, %and3A_561 : vector<256x32xi32>
    %shift_right_logical3A_563 = arith.constant 16 : i32
    %shift_right_logical3A_564 = vector.broadcast %shift_right_logical3A_563 : i32 to vector<256x32xi32>
    %shift_right_logical3A_565 = arith.shrui %add3A_562, %shift_right_logical3A_564 : vector<256x32xi32>
    %slice3A_566 = vector.extract_strided_slice %dot_general3A_550 {offsets = [0, 32], sizes = [256, 32], strides = [1, 1]} : vector<256x64xf32> to vector<256x32xf32>
    %bitcast_convert_type3A_567 = tpu.bitcast %slice3A_566 : vector<256x32xf32> -> vector<256x32xi32>
    %add3A_568 = arith.constant 32767 : i32
    %add3A_569 = vector.broadcast %add3A_568 : i32 to vector<256x32xi32>
    %add3A_570 = arith.addi %bitcast_convert_type3A_567, %add3A_569 : vector<256x32xi32>
    %shift_right_logical3A_571 = arith.constant 16 : i32
    %shift_right_logical3A_572 = vector.broadcast %shift_right_logical3A_571 : i32 to vector<256x32xi32>
    %shift_right_logical3A_573 = arith.shrui %bitcast_convert_type3A_567, %shift_right_logical3A_572 : vector<256x32xi32>
    %and3A_574 = arith.constant 1 : i32
    %and3A_575 = vector.broadcast %and3A_574 : i32 to vector<256x32xi32>
    %and3A_576 = arith.andi %shift_right_logical3A_573, %and3A_575 : vector<256x32xi32>
    %add3A_577 = arith.addi %add3A_570, %and3A_576 : vector<256x32xi32>
    %shift_right_logical3A_578 = arith.constant 16 : i32
    %shift_right_logical3A_579 = vector.broadcast %shift_right_logical3A_578 : i32 to vector<256x32xi32>
    %shift_right_logical3A_580 = arith.shrui %add3A_577, %shift_right_logical3A_579 : vector<256x32xi32>
    %shift_left3A_581 = arith.constant 16 : i32
    %shift_left3A_582 = vector.broadcast %shift_left3A_581 : i32 to vector<256x32xi32>
    %shift_left3A_583 = arith.shli %shift_right_logical3A_580, %shift_left3A_582 : vector<256x32xi32>
    %or3A_584 = arith.ori %shift_right_logical3A_565, %shift_left3A_583 : vector<256x32xi32>
    %bitcast_convert_type3A_585 = tpu.bitcast %or3A_584 : vector<256x32xi32> -> vector<256x32xi32>
    %get3A_586 = arith.constant 0 : index
    %get3A_587 = arith.constant 0 : index
    %get3A_588 = vector.load %arg2[%get3A_586, %get3A_587] : memref<256x128xf32, #tpu.memory_space<vmem>>, vector<256x128xf32>
    %get3A_589 = arith.constant 3 : index
    %get3A_590 = arith.constant 0 : index
    %get3A_591 = arith.constant 0 : index
    %get3A_592 = vector.load %arg5[%get3A_589, %get3A_590, %get3A_591] : memref<5x128x64xf32, #tpu.memory_space<vmem>>, vector<1x128x64xf32>
    %get3A_593 = vector.shape_cast %get3A_592 : vector<1x128x64xf32> to vector<128x64xf32>
    %dot_general3A_594 = arith.constant dense<0.000000e+00> : vector<256x64xf32>
    %dot_general3A_595 = tpu.matmul %get3A_588, %get3A_593, %dot_general3A_594 {dimension_numbers = #tpu.dot_dimension_numbers<[1], [0], [0], [1], [0, 0, 1, 1], [], []>, transpose_lhs_hint = false} : vector<256x128xf32>, vector<128x64xf32>, vector<256x64xf32> -> vector<256x64xf32>
    %slice3A_596 = vector.extract_strided_slice %dot_general3A_595 {offsets = [0, 0], sizes = [256, 32], strides = [1, 1]} : vector<256x64xf32> to vector<256x32xf32>
    %bitcast_convert_type3A_597 = tpu.bitcast %slice3A_596 : vector<256x32xf32> -> vector<256x32xi32>
    %add3A_598 = arith.constant 32767 : i32
    %add3A_599 = vector.broadcast %add3A_598 : i32 to vector<256x32xi32>
    %add3A_600 = arith.addi %bitcast_convert_type3A_597, %add3A_599 : vector<256x32xi32>
    %shift_right_logical3A_601 = arith.constant 16 : i32
    %shift_right_logical3A_602 = vector.broadcast %shift_right_logical3A_601 : i32 to vector<256x32xi32>
    %shift_right_logical3A_603 = arith.shrui %bitcast_convert_type3A_597, %shift_right_logical3A_602 : vector<256x32xi32>
    %and3A_604 = arith.constant 1 : i32
    %and3A_605 = vector.broadcast %and3A_604 : i32 to vector<256x32xi32>
    %and3A_606 = arith.andi %shift_right_logical3A_603, %and3A_605 : vector<256x32xi32>
    %add3A_607 = arith.addi %add3A_600, %and3A_606 : vector<256x32xi32>
    %shift_right_logical3A_608 = arith.constant 16 : i32
    %shift_right_logical3A_609 = vector.broadcast %shift_right_logical3A_608 : i32 to vector<256x32xi32>
    %shift_right_logical3A_610 = arith.shrui %add3A_607, %shift_right_logical3A_609 : vector<256x32xi32>
    %slice3A_611 = vector.extract_strided_slice %dot_general3A_595 {offsets = [0, 32], sizes = [256, 32], strides = [1, 1]} : vector<256x64xf32> to vector<256x32xf32>
    %bitcast_convert_type3A_612 = tpu.bitcast %slice3A_611 : vector<256x32xf32> -> vector<256x32xi32>
    %add3A_613 = arith.constant 32767 : i32
    %add3A_614 = vector.broadcast %add3A_613 : i32 to vector<256x32xi32>
    %add3A_615 = arith.addi %bitcast_convert_type3A_612, %add3A_614 : vector<256x32xi32>
    %shift_right_logical3A_616 = arith.constant 16 : i32
    %shift_right_logical3A_617 = vector.broadcast %shift_right_logical3A_616 : i32 to vector<256x32xi32>
    %shift_right_logical3A_618 = arith.shrui %bitcast_convert_type3A_612, %shift_right_logical3A_617 : vector<256x32xi32>
    %and3A_619 = arith.constant 1 : i32
    %and3A_620 = vector.broadcast %and3A_619 : i32 to vector<256x32xi32>
    %and3A_621 = arith.andi %shift_right_logical3A_618, %and3A_620 : vector<256x32xi32>
    %add3A_622 = arith.addi %add3A_615, %and3A_621 : vector<256x32xi32>
    %shift_right_logical3A_623 = arith.constant 16 : i32
    %shift_right_logical3A_624 = vector.broadcast %shift_right_logical3A_623 : i32 to vector<256x32xi32>
    %shift_right_logical3A_625 = arith.shrui %add3A_622, %shift_right_logical3A_624 : vector<256x32xi32>
    %shift_left3A_626 = arith.constant 16 : i32
    %shift_left3A_627 = vector.broadcast %shift_left3A_626 : i32 to vector<256x32xi32>
    %shift_left3A_628 = arith.shli %shift_right_logical3A_625, %shift_left3A_627 : vector<256x32xi32>
    %or3A_629 = arith.ori %shift_right_logical3A_610, %shift_left3A_628 : vector<256x32xi32>
    %bitcast_convert_type3A_630 = tpu.bitcast %or3A_629 : vector<256x32xi32> -> vector<256x32xi32>
    %get3A_631 = arith.constant 0 : index
    %get3A_632 = arith.constant 0 : index
    %get3A_633 = vector.load %arg3[%get3A_631, %get3A_632] : memref<256x128xf32, #tpu.memory_space<vmem>>, vector<256x128xf32>
    %get3A_634 = arith.constant 3 : index
    %get3A_635 = arith.constant 0 : index
    %get3A_636 = arith.constant 0 : index
    %get3A_637 = vector.load %arg5[%get3A_634, %get3A_635, %get3A_636] : memref<5x128x64xf32, #tpu.memory_space<vmem>>, vector<1x128x64xf32>
    %get3A_638 = vector.shape_cast %get3A_637 : vector<1x128x64xf32> to vector<128x64xf32>
    %dot_general3A_639 = arith.constant dense<0.000000e+00> : vector<256x64xf32>
    %dot_general3A_640 = tpu.matmul %get3A_633, %get3A_638, %dot_general3A_639 {dimension_numbers = #tpu.dot_dimension_numbers<[1], [0], [0], [1], [0, 0, 1, 1], [], []>, transpose_lhs_hint = false} : vector<256x128xf32>, vector<128x64xf32>, vector<256x64xf32> -> vector<256x64xf32>
    %slice3A_641 = vector.extract_strided_slice %dot_general3A_640 {offsets = [0, 0], sizes = [256, 32], strides = [1, 1]} : vector<256x64xf32> to vector<256x32xf32>
    %bitcast_convert_type3A_642 = tpu.bitcast %slice3A_641 : vector<256x32xf32> -> vector<256x32xi32>
    %add3A_643 = arith.constant 32767 : i32
    %add3A_644 = vector.broadcast %add3A_643 : i32 to vector<256x32xi32>
    %add3A_645 = arith.addi %bitcast_convert_type3A_642, %add3A_644 : vector<256x32xi32>
    %shift_right_logical3A_646 = arith.constant 16 : i32
    %shift_right_logical3A_647 = vector.broadcast %shift_right_logical3A_646 : i32 to vector<256x32xi32>
    %shift_right_logical3A_648 = arith.shrui %bitcast_convert_type3A_642, %shift_right_logical3A_647 : vector<256x32xi32>
    %and3A_649 = arith.constant 1 : i32
    %and3A_650 = vector.broadcast %and3A_649 : i32 to vector<256x32xi32>
    %and3A_651 = arith.andi %shift_right_logical3A_648, %and3A_650 : vector<256x32xi32>
    %add3A_652 = arith.addi %add3A_645, %and3A_651 : vector<256x32xi32>
    %shift_right_logical3A_653 = arith.constant 16 : i32
    %shift_right_logical3A_654 = vector.broadcast %shift_right_logical3A_653 : i32 to vector<256x32xi32>
    %shift_right_logical3A_655 = arith.shrui %add3A_652, %shift_right_logical3A_654 : vector<256x32xi32>
    %slice3A_656 = vector.extract_strided_slice %dot_general3A_640 {offsets = [0, 32], sizes = [256, 32], strides = [1, 1]} : vector<256x64xf32> to vector<256x32xf32>
    %bitcast_convert_type3A_657 = tpu.bitcast %slice3A_656 : vector<256x32xf32> -> vector<256x32xi32>
    %add3A_658 = arith.constant 32767 : i32
    %add3A_659 = vector.broadcast %add3A_658 : i32 to vector<256x32xi32>
    %add3A_660 = arith.addi %bitcast_convert_type3A_657, %add3A_659 : vector<256x32xi32>
    %shift_right_logical3A_661 = arith.constant 16 : i32
    %shift_right_logical3A_662 = vector.broadcast %shift_right_logical3A_661 : i32 to vector<256x32xi32>
    %shift_right_logical3A_663 = arith.shrui %bitcast_convert_type3A_657, %shift_right_logical3A_662 : vector<256x32xi32>
    %and3A_664 = arith.constant 1 : i32
    %and3A_665 = vector.broadcast %and3A_664 : i32 to vector<256x32xi32>
    %and3A_666 = arith.andi %shift_right_logical3A_663, %and3A_665 : vector<256x32xi32>
    %add3A_667 = arith.addi %add3A_660, %and3A_666 : vector<256x32xi32>
    %shift_right_logical3A_668 = arith.constant 16 : i32
    %shift_right_logical3A_669 = vector.broadcast %shift_right_logical3A_668 : i32 to vector<256x32xi32>
    %shift_right_logical3A_670 = arith.shrui %add3A_667, %shift_right_logical3A_669 : vector<256x32xi32>
    %shift_left3A_671 = arith.constant 16 : i32
    %shift_left3A_672 = vector.broadcast %shift_left3A_671 : i32 to vector<256x32xi32>
    %shift_left3A_673 = arith.shli %shift_right_logical3A_670, %shift_left3A_672 : vector<256x32xi32>
    %or3A_674 = arith.ori %shift_right_logical3A_655, %shift_left3A_673 : vector<256x32xi32>
    %bitcast_convert_type3A_675 = tpu.bitcast %or3A_674 : vector<256x32xi32> -> vector<256x32xi32>
    %get3A_676 = arith.constant 0 : index
    %get3A_677 = arith.constant 0 : index
    %get3A_678 = vector.load %arg4[%get3A_676, %get3A_677] : memref<256x128xf32, #tpu.memory_space<vmem>>, vector<256x128xf32>
    %get3A_679 = arith.constant 3 : index
    %get3A_680 = arith.constant 0 : index
    %get3A_681 = arith.constant 0 : index
    %get3A_682 = vector.load %arg5[%get3A_679, %get3A_680, %get3A_681] : memref<5x128x64xf32, #tpu.memory_space<vmem>>, vector<1x128x64xf32>
    %get3A_683 = vector.shape_cast %get3A_682 : vector<1x128x64xf32> to vector<128x64xf32>
    %dot_general3A_684 = arith.constant dense<0.000000e+00> : vector<256x64xf32>
    %dot_general3A_685 = tpu.matmul %get3A_678, %get3A_683, %dot_general3A_684 {dimension_numbers = #tpu.dot_dimension_numbers<[1], [0], [0], [1], [0, 0, 1, 1], [], []>, transpose_lhs_hint = false} : vector<256x128xf32>, vector<128x64xf32>, vector<256x64xf32> -> vector<256x64xf32>
    %slice3A_686 = vector.extract_strided_slice %dot_general3A_685 {offsets = [0, 0], sizes = [256, 32], strides = [1, 1]} : vector<256x64xf32> to vector<256x32xf32>
    %bitcast_convert_type3A_687 = tpu.bitcast %slice3A_686 : vector<256x32xf32> -> vector<256x32xi32>
    %add3A_688 = arith.constant 32767 : i32
    %add3A_689 = vector.broadcast %add3A_688 : i32 to vector<256x32xi32>
    %add3A_690 = arith.addi %bitcast_convert_type3A_687, %add3A_689 : vector<256x32xi32>
    %shift_right_logical3A_691 = arith.constant 16 : i32
    %shift_right_logical3A_692 = vector.broadcast %shift_right_logical3A_691 : i32 to vector<256x32xi32>
    %shift_right_logical3A_693 = arith.shrui %bitcast_convert_type3A_687, %shift_right_logical3A_692 : vector<256x32xi32>
    %and3A_694 = arith.constant 1 : i32
    %and3A_695 = vector.broadcast %and3A_694 : i32 to vector<256x32xi32>
    %and3A_696 = arith.andi %shift_right_logical3A_693, %and3A_695 : vector<256x32xi32>
    %add3A_697 = arith.addi %add3A_690, %and3A_696 : vector<256x32xi32>
    %shift_right_logical3A_698 = arith.constant 16 : i32
    %shift_right_logical3A_699 = vector.broadcast %shift_right_logical3A_698 : i32 to vector<256x32xi32>
    %shift_right_logical3A_700 = arith.shrui %add3A_697, %shift_right_logical3A_699 : vector<256x32xi32>
    %slice3A_701 = vector.extract_strided_slice %dot_general3A_685 {offsets = [0, 32], sizes = [256, 32], strides = [1, 1]} : vector<256x64xf32> to vector<256x32xf32>
    %bitcast_convert_type3A_702 = tpu.bitcast %slice3A_701 : vector<256x32xf32> -> vector<256x32xi32>
    %add3A_703 = arith.constant 32767 : i32
    %add3A_704 = vector.broadcast %add3A_703 : i32 to vector<256x32xi32>
    %add3A_705 = arith.addi %bitcast_convert_type3A_702, %add3A_704 : vector<256x32xi32>
    %shift_right_logical3A_706 = arith.constant 16 : i32
    %shift_right_logical3A_707 = vector.broadcast %shift_right_logical3A_706 : i32 to vector<256x32xi32>
    %shift_right_logical3A_708 = arith.shrui %bitcast_convert_type3A_702, %shift_right_logical3A_707 : vector<256x32xi32>
    %and3A_709 = arith.constant 1 : i32
    %and3A_710 = vector.broadcast %and3A_709 : i32 to vector<256x32xi32>
    %and3A_711 = arith.andi %shift_right_logical3A_708, %and3A_710 : vector<256x32xi32>
    %add3A_712 = arith.addi %add3A_705, %and3A_711 : vector<256x32xi32>
    %shift_right_logical3A_713 = arith.constant 16 : i32
    %shift_right_logical3A_714 = vector.broadcast %shift_right_logical3A_713 : i32 to vector<256x32xi32>
    %shift_right_logical3A_715 = arith.shrui %add3A_712, %shift_right_logical3A_714 : vector<256x32xi32>
    %shift_left3A_716 = arith.constant 16 : i32
    %shift_left3A_717 = vector.broadcast %shift_left3A_716 : i32 to vector<256x32xi32>
    %shift_left3A_718 = arith.shli %shift_right_logical3A_715, %shift_left3A_717 : vector<256x32xi32>
    %or3A_719 = arith.ori %shift_right_logical3A_700, %shift_left3A_718 : vector<256x32xi32>
    %bitcast_convert_type3A_720 = tpu.bitcast %or3A_719 : vector<256x32xi32> -> vector<256x32xi32>
    %concatenate3A_721 = tpu.concatenate %bitcast_convert_type3A_585, %bitcast_convert_type3A_630, %bitcast_convert_type3A_675, %bitcast_convert_type3A_720 in 1 : vector<256x32xi32>, vector<256x32xi32>, vector<256x32xi32>, vector<256x32xi32> -> vector<256x128xi32>
    %swap3A_722 = arith.constant 768 : index
    %swap3A_723 = arith.constant 0 : index
    %swap3A_724 = vector.load %arg6[%swap3A_722, %swap3A_723] : memref<1280x128xi32, #tpu.memory_space<vmem>>, vector<256x128xi32>
    tpu.vector_store %arg6[%swap3A_722, %swap3A_723], %concatenate3A_721 {strides = array<i32>} : memref<1280x128xi32, #tpu.memory_space<vmem>>, vector<256x128xi32>,
    %get3A_725 = arith.constant 0 : index
    %get3A_726 = arith.constant 0 : index
    %get3A_727 = vector.load %arg1[%get3A_725, %get3A_726] : memref<256x128xf32, #tpu.memory_space<vmem>>, vector<256x128xf32>
    %get3A_728 = arith.constant 4 : index
    %get3A_729 = arith.constant 0 : index
    %get3A_730 = arith.constant 0 : index
    %get3A_731 = vector.load %arg5[%get3A_728, %get3A_729, %get3A_730] : memref<5x128x64xf32, #tpu.memory_space<vmem>>, vector<1x128x64xf32>
    %get3A_732 = vector.shape_cast %get3A_731 : vector<1x128x64xf32> to vector<128x64xf32>
    %dot_general3A_733 = arith.constant dense<0.000000e+00> : vector<256x64xf32>
    %dot_general3A_734 = tpu.matmul %get3A_727, %get3A_732, %dot_general3A_733 {dimension_numbers = #tpu.dot_dimension_numbers<[1], [0], [0], [1], [0, 0, 1, 1], [], []>, transpose_lhs_hint = false} : vector<256x128xf32>, vector<128x64xf32>, vector<256x64xf32> -> vector<256x64xf32>
    %slice3A_735 = vector.extract_strided_slice %dot_general3A_734 {offsets = [0, 0], sizes = [256, 32], strides = [1, 1]} : vector<256x64xf32> to vector<256x32xf32>
    %bitcast_convert_type3A_736 = tpu.bitcast %slice3A_735 : vector<256x32xf32> -> vector<256x32xi32>
    %add3A_737 = arith.constant 32767 : i32
    %add3A_738 = vector.broadcast %add3A_737 : i32 to vector<256x32xi32>
    %add3A_739 = arith.addi %bitcast_convert_type3A_736, %add3A_738 : vector<256x32xi32>
    %shift_right_logical3A_740 = arith.constant 16 : i32
    %shift_right_logical3A_741 = vector.broadcast %shift_right_logical3A_740 : i32 to vector<256x32xi32>
    %shift_right_logical3A_742 = arith.shrui %bitcast_convert_type3A_736, %shift_right_logical3A_741 : vector<256x32xi32>
    %and3A_743 = arith.constant 1 : i32
    %and3A_744 = vector.broadcast %and3A_743 : i32 to vector<256x32xi32>
    %and3A_745 = arith.andi %shift_right_logical3A_742, %and3A_744 : vector<256x32xi32>
    %add3A_746 = arith.addi %add3A_739, %and3A_745 : vector<256x32xi32>
    %shift_right_logical3A_747 = arith.constant 16 : i32
    %shift_right_logical3A_748 = vector.broadcast %shift_right_logical3A_747 : i32 to vector<256x32xi32>
    %shift_right_logical3A_749 = arith.shrui %add3A_746, %shift_right_logical3A_748 : vector<256x32xi32>
    %slice3A_750 = vector.extract_strided_slice %dot_general3A_734 {offsets = [0, 32], sizes = [256, 32], strides = [1, 1]} : vector<256x64xf32> to vector<256x32xf32>
    %bitcast_convert_type3A_751 = tpu.bitcast %slice3A_750 : vector<256x32xf32> -> vector<256x32xi32>
    %add3A_752 = arith.constant 32767 : i32
    %add3A_753 = vector.broadcast %add3A_752 : i32 to vector<256x32xi32>
    %add3A_754 = arith.addi %bitcast_convert_type3A_751, %add3A_753 : vector<256x32xi32>
    %shift_right_logical3A_755 = arith.constant 16 : i32
    %shift_right_logical3A_756 = vector.broadcast %shift_right_logical3A_755 : i32 to vector<256x32xi32>
    %shift_right_logical3A_757 = arith.shrui %bitcast_convert_type3A_751, %shift_right_logical3A_756 : vector<256x32xi32>
    %and3A_758 = arith.constant 1 : i32
    %and3A_759 = vector.broadcast %and3A_758 : i32 to vector<256x32xi32>
    %and3A_760 = arith.andi %shift_right_logical3A_757, %and3A_759 : vector<256x32xi32>
    %add3A_761 = arith.addi %add3A_754, %and3A_760 : vector<256x32xi32>
    %shift_right_logical3A_762 = arith.constant 16 : i32
    %shift_right_logical3A_763 = vector.broadcast %shift_right_logical3A_762 : i32 to vector<256x32xi32>
    %shift_right_logical3A_764 = arith.shrui %add3A_761, %shift_right_logical3A_763 : vector<256x32xi32>
    %shift_left3A_765 = arith.constant 16 : i32
    %shift_left3A_766 = vector.broadcast %shift_left3A_765 : i32 to vector<256x32xi32>
    %shift_left3A_767 = arith.shli %shift_right_logical3A_764, %shift_left3A_766 : vector<256x32xi32>
    %or3A_768 = arith.ori %shift_right_logical3A_749, %shift_left3A_767 : vector<256x32xi32>
    %bitcast_convert_type3A_769 = tpu.bitcast %or3A_768 : vector<256x32xi32> -> vector<256x32xi32>
    %get3A_770 = arith.constant 0 : index
    %get3A_771 = arith.constant 0 : index
    %get3A_772 = vector.load %arg2[%get3A_770, %get3A_771] : memref<256x128xf32, #tpu.memory_space<vmem>>, vector<256x128xf32>
    %get3A_773 = arith.constant 4 : index
    %get3A_774 = arith.constant 0 : index
    %get3A_775 = arith.constant 0 : index
    %get3A_776 = vector.load %arg5[%get3A_773, %get3A_774, %get3A_775] : memref<5x128x64xf32, #tpu.memory_space<vmem>>, vector<1x128x64xf32>
    %get3A_777 = vector.shape_cast %get3A_776 : vector<1x128x64xf32> to vector<128x64xf32>
    %dot_general3A_778 = arith.constant dense<0.000000e+00> : vector<256x64xf32>
    %dot_general3A_779 = tpu.matmul %get3A_772, %get3A_777, %dot_general3A_778 {dimension_numbers = #tpu.dot_dimension_numbers<[1], [0], [0], [1], [0, 0, 1, 1], [], []>, transpose_lhs_hint = false} : vector<256x128xf32>, vector<128x64xf32>, vector<256x64xf32> -> vector<256x64xf32>
    %slice3A_780 = vector.extract_strided_slice %dot_general3A_779 {offsets = [0, 0], sizes = [256, 32], strides = [1, 1]} : vector<256x64xf32> to vector<256x32xf32>
    %bitcast_convert_type3A_781 = tpu.bitcast %slice3A_780 : vector<256x32xf32> -> vector<256x32xi32>
    %add3A_782 = arith.constant 32767 : i32
    %add3A_783 = vector.broadcast %add3A_782 : i32 to vector<256x32xi32>
    %add3A_784 = arith.addi %bitcast_convert_type3A_781, %add3A_783 : vector<256x32xi32>
    %shift_right_logical3A_785 = arith.constant 16 : i32
    %shift_right_logical3A_786 = vector.broadcast %shift_right_logical3A_785 : i32 to vector<256x32xi32>
    %shift_right_logical3A_787 = arith.shrui %bitcast_convert_type3A_781, %shift_right_logical3A_786 : vector<256x32xi32>
    %and3A_788 = arith.constant 1 : i32
    %and3A_789 = vector.broadcast %and3A_788 : i32 to vector<256x32xi32>
    %and3A_790 = arith.andi %shift_right_logical3A_787, %and3A_789 : vector<256x32xi32>
    %add3A_791 = arith.addi %add3A_784, %and3A_790 : vector<256x32xi32>
    %shift_right_logical3A_792 = arith.constant 16 : i32
    %shift_right_logical3A_793 = vector.broadcast %shift_right_logical3A_792 : i32 to vector<256x32xi32>
    %shift_right_logical3A_794 = arith.shrui %add3A_791, %shift_right_logical3A_793 : vector<256x32xi32>
    %slice3A_795 = vector.extract_strided_slice %dot_general3A_779 {offsets = [0, 32], sizes = [256, 32], strides = [1, 1]} : vector<256x64xf32> to vector<256x32xf32>
    %bitcast_convert_type3A_796 = tpu.bitcast %slice3A_795 : vector<256x32xf32> -> vector<256x32xi32>
    %add3A_797 = arith.constant 32767 : i32
    %add3A_798 = vector.broadcast %add3A_797 : i32 to vector<256x32xi32>
    %add3A_799 = arith.addi %bitcast_convert_type3A_796, %add3A_798 : vector<256x32xi32>
    %shift_right_logical3A_800 = arith.constant 16 : i32
    %shift_right_logical3A_801 = vector.broadcast %shift_right_logical3A_800 : i32 to vector<256x32xi32>
    %shift_right_logical3A_802 = arith.shrui %bitcast_convert_type3A_796, %shift_right_logical3A_801 : vector<256x32xi32>
    %and3A_803 = arith.constant 1 : i32
    %and3A_804 = vector.broadcast %and3A_803 : i32 to vector<256x32xi32>
    %and3A_805 = arith.andi %shift_right_logical3A_802, %and3A_804 : vector<256x32xi32>
    %add3A_806 = arith.addi %add3A_799, %and3A_805 : vector<256x32xi32>
    %shift_right_logical3A_807 = arith.constant 16 : i32
    %shift_right_logical3A_808 = vector.broadcast %shift_right_logical3A_807 : i32 to vector<256x32xi32>
    %shift_right_logical3A_809 = arith.shrui %add3A_806, %shift_right_logical3A_808 : vector<256x32xi32>
    %shift_left3A_810 = arith.constant 16 : i32
    %shift_left3A_811 = vector.broadcast %shift_left3A_810 : i32 to vector<256x32xi32>
    %shift_left3A_812 = arith.shli %shift_right_logical3A_809, %shift_left3A_811 : vector<256x32xi32>
    %or3A_813 = arith.ori %shift_right_logical3A_794, %shift_left3A_812 : vector<256x32xi32>
    %bitcast_convert_type3A_814 = tpu.bitcast %or3A_813 : vector<256x32xi32> -> vector<256x32xi32>
    %get3A_815 = arith.constant 0 : index
    %get3A_816 = arith.constant 0 : index
    %get3A_817 = vector.load %arg3[%get3A_815, %get3A_816] : memref<256x128xf32, #tpu.memory_space<vmem>>, vector<256x128xf32>
    %get3A_818 = arith.constant 4 : index
    %get3A_819 = arith.constant 0 : index
    %get3A_820 = arith.constant 0 : index
    %get3A_821 = vector.load %arg5[%get3A_818, %get3A_819, %get3A_820] : memref<5x128x64xf32, #tpu.memory_space<vmem>>, vector<1x128x64xf32>
    %get3A_822 = vector.shape_cast %get3A_821 : vector<1x128x64xf32> to vector<128x64xf32>
    %dot_general3A_823 = arith.constant dense<0.000000e+00> : vector<256x64xf32>
    %dot_general3A_824 = tpu.matmul %get3A_817, %get3A_822, %dot_general3A_823 {dimension_numbers = #tpu.dot_dimension_numbers<[1], [0], [0], [1], [0, 0, 1, 1], [], []>, transpose_lhs_hint = false} : vector<256x128xf32>, vector<128x64xf32>, vector<256x64xf32> -> vector<256x64xf32>
    %slice3A_825 = vector.extract_strided_slice %dot_general3A_824 {offsets = [0, 0], sizes = [256, 32], strides = [1, 1]} : vector<256x64xf32> to vector<256x32xf32>
    %bitcast_convert_type3A_826 = tpu.bitcast %slice3A_825 : vector<256x32xf32> -> vector<256x32xi32>
    %add3A_827 = arith.constant 32767 : i32
    %add3A_828 = vector.broadcast %add3A_827 : i32 to vector<256x32xi32>
    %add3A_829 = arith.addi %bitcast_convert_type3A_826, %add3A_828 : vector<256x32xi32>
    %shift_right_logical3A_830 = arith.constant 16 : i32
    %shift_right_logical3A_831 = vector.broadcast %shift_right_logical3A_830 : i32 to vector<256x32xi32>
    %shift_right_logical3A_832 = arith.shrui %bitcast_convert_type3A_826, %shift_right_logical3A_831 : vector<256x32xi32>
    %and3A_833 = arith.constant 1 : i32
    %and3A_834 = vector.broadcast %and3A_833 : i32 to vector<256x32xi32>
    %and3A_835 = arith.andi %shift_right_logical3A_832, %and3A_834 : vector<256x32xi32>
    %add3A_836 = arith.addi %add3A_829, %and3A_835 : vector<256x32xi32>
    %shift_right_logical3A_837 = arith.constant 16 : i32
    %shift_right_logical3A_838 = vector.broadcast %shift_right_logical3A_837 : i32 to vector<256x32xi32>
    %shift_right_logical3A_839 = arith.shrui %add3A_836, %shift_right_logical3A_838 : vector<256x32xi32>
    %slice3A_840 = vector.extract_strided_slice %dot_general3A_824 {offsets = [0, 32], sizes = [256, 32], strides = [1, 1]} : vector<256x64xf32> to vector<256x32xf32>
    %bitcast_convert_type3A_841 = tpu.bitcast %slice3A_840 : vector<256x32xf32> -> vector<256x32xi32>
    %add3A_842 = arith.constant 32767 : i32
    %add3A_843 = vector.broadcast %add3A_842 : i32 to vector<256x32xi32>
    %add3A_844 = arith.addi %bitcast_convert_type3A_841, %add3A_843 : vector<256x32xi32>
    %shift_right_logical3A_845 = arith.constant 16 : i32
    %shift_right_logical3A_846 = vector.broadcast %shift_right_logical3A_845 : i32 to vector<256x32xi32>
    %shift_right_logical3A_847 = arith.shrui %bitcast_convert_type3A_841, %shift_right_logical3A_846 : vector<256x32xi32>
    %and3A_848 = arith.constant 1 : i32
    %and3A_849 = vector.broadcast %and3A_848 : i32 to vector<256x32xi32>
    %and3A_850 = arith.andi %shift_right_logical3A_847, %and3A_849 : vector<256x32xi32>
    %add3A_851 = arith.addi %add3A_844, %and3A_850 : vector<256x32xi32>
    %shift_right_logical3A_852 = arith.constant 16 : i32
    %shift_right_logical3A_853 = vector.broadcast %shift_right_logical3A_852 : i32 to vector<256x32xi32>
    %shift_right_logical3A_854 = arith.shrui %add3A_851, %shift_right_logical3A_853 : vector<256x32xi32>
    %shift_left3A_855 = arith.constant 16 : i32
    %shift_left3A_856 = vector.broadcast %shift_left3A_855 : i32 to vector<256x32xi32>
    %shift_left3A_857 = arith.shli %shift_right_logical3A_854, %shift_left3A_856 : vector<256x32xi32>
    %or3A_858 = arith.ori %shift_right_logical3A_839, %shift_left3A_857 : vector<256x32xi32>
    %bitcast_convert_type3A_859 = tpu.bitcast %or3A_858 : vector<256x32xi32> -> vector<256x32xi32>
    %get3A_860 = arith.constant 0 : index
    %get3A_861 = arith.constant 0 : index
    %get3A_862 = vector.load %arg4[%get3A_860, %get3A_861] : memref<256x128xf32, #tpu.memory_space<vmem>>, vector<256x128xf32>
    %get3A_863 = arith.constant 4 : index
    %get3A_864 = arith.constant 0 : index
    %get3A_865 = arith.constant 0 : index
    %get3A_866 = vector.load %arg5[%get3A_863, %get3A_864, %get3A_865] : memref<5x128x64xf32, #tpu.memory_space<vmem>>, vector<1x128x64xf32>
    %get3A_867 = vector.shape_cast %get3A_866 : vector<1x128x64xf32> to vector<128x64xf32>
    %dot_general3A_868 = arith.constant dense<0.000000e+00> : vector<256x64xf32>
    %dot_general3A_869 = tpu.matmul %get3A_862, %get3A_867, %dot_general3A_868 {dimension_numbers = #tpu.dot_dimension_numbers<[1], [0], [0], [1], [0, 0, 1, 1], [], []>, transpose_lhs_hint = false} : vector<256x128xf32>, vector<128x64xf32>, vector<256x64xf32> -> vector<256x64xf32>
    %slice3A_870 = vector.extract_strided_slice %dot_general3A_869 {offsets = [0, 0], sizes = [256, 32], strides = [1, 1]} : vector<256x64xf32> to vector<256x32xf32>
    %bitcast_convert_type3A_871 = tpu.bitcast %slice3A_870 : vector<256x32xf32> -> vector<256x32xi32>
    %add3A_872 = arith.constant 32767 : i32
    %add3A_873 = vector.broadcast %add3A_872 : i32 to vector<256x32xi32>
    %add3A_874 = arith.addi %bitcast_convert_type3A_871, %add3A_873 : vector<256x32xi32>
    %shift_right_logical3A_875 = arith.constant 16 : i32
    %shift_right_logical3A_876 = vector.broadcast %shift_right_logical3A_875 : i32 to vector<256x32xi32>
    %shift_right_logical3A_877 = arith.shrui %bitcast_convert_type3A_871, %shift_right_logical3A_876 : vector<256x32xi32>
    %and3A_878 = arith.constant 1 : i32
    %and3A_879 = vector.broadcast %and3A_878 : i32 to vector<256x32xi32>
    %and3A_880 = arith.andi %shift_right_logical3A_877, %and3A_879 : vector<256x32xi32>
    %add3A_881 = arith.addi %add3A_874, %and3A_880 : vector<256x32xi32>
    %shift_right_logical3A_882 = arith.constant 16 : i32
    %shift_right_logical3A_883 = vector.broadcast %shift_right_logical3A_882 : i32 to vector<256x32xi32>
    %shift_right_logical3A_884 = arith.shrui %add3A_881, %shift_right_logical3A_883 : vector<256x32xi32>
    %slice3A_885 = vector.extract_strided_slice %dot_general3A_869 {offsets = [0, 32], sizes = [256, 32], strides = [1, 1]} : vector<256x64xf32> to vector<256x32xf32>
    %bitcast_convert_type3A_886 = tpu.bitcast %slice3A_885 : vector<256x32xf32> -> vector<256x32xi32>
    %add3A_887 = arith.constant 32767 : i32
    %add3A_888 = vector.broadcast %add3A_887 : i32 to vector<256x32xi32>
    %add3A_889 = arith.addi %bitcast_convert_type3A_886, %add3A_888 : vector<256x32xi32>
    %shift_right_logical3A_890 = arith.constant 16 : i32
    %shift_right_logical3A_891 = vector.broadcast %shift_right_logical3A_890 : i32 to vector<256x32xi32>
    %shift_right_logical3A_892 = arith.shrui %bitcast_convert_type3A_886, %shift_right_logical3A_891 : vector<256x32xi32>
    %and3A_893 = arith.constant 1 : i32
    %and3A_894 = vector.broadcast %and3A_893 : i32 to vector<256x32xi32>
    %and3A_895 = arith.andi %shift_right_logical3A_892, %and3A_894 : vector<256x32xi32>
    %add3A_896 = arith.addi %add3A_889, %and3A_895 : vector<256x32xi32>
    %shift_right_logical3A_897 = arith.constant 16 : i32
    %shift_right_logical3A_898 = vector.broadcast %shift_right_logical3A_897 : i32 to vector<256x32xi32>
    %shift_right_logical3A_899 = arith.shrui %add3A_896, %shift_right_logical3A_898 : vector<256x32xi32>
    %shift_left3A_900 = arith.constant 16 : i32
    %shift_left3A_901 = vector.broadcast %shift_left3A_900 : i32 to vector<256x32xi32>
    %shift_left3A_902 = arith.shli %shift_right_logical3A_899, %shift_left3A_901 : vector<256x32xi32>
    %or3A_903 = arith.ori %shift_right_logical3A_884, %shift_left3A_902 : vector<256x32xi32>
    %bitcast_convert_type3A_904 = tpu.bitcast %or3A_903 : vector<256x32xi32> -> vector<256x32xi32>
    %concatenate3A_905 = tpu.concatenate %bitcast_convert_type3A_769, %bitcast_convert_type3A_814, %bitcast_convert_type3A_859, %bitcast_convert_type3A_904 in 1 : vector<256x32xi32>, vector<256x32xi32>, vector<256x32xi32>, vector<256x32xi32> -> vector<256x128xi32>
    %swap3A_906 = arith.constant 1024 : index
    %swap3A_907 = arith.constant 0 : index
    %swap3A_908 = vector.load %arg6[%swap3A_906, %swap3A_907] : memref<1280x128xi32, #tpu.memory_space<vmem>>, vector<256x128xi32>
    tpu.vector_store %arg6[%swap3A_906, %swap3A_907], %concatenate3A_905 {strides = array<i32>} : memref<1280x128xi32, #tpu.memory_space<vmem>>, vector<256x128xi32>,
    return
  }
  func.func @transform_0(%arg0: i32) -> (i32, i32) {
    %c0_i32 = arith.constant 0 : i32
    %c0_i32_0 = arith.constant 0 : i32
    %c0_i32_1 = arith.constant 0 : i32
    return %c0_i32, %c0_i32_0 : i32, i32
  }
  func.func @transform_1(%arg0: i32) -> (i32, i32) {
    %c0_i32 = arith.constant 0 : i32
    %c0_i32_0 = arith.constant 0 : i32
    %c0_i32_1 = arith.constant 0 : i32
    return %c0_i32, %c0_i32_0 : i32, i32
  }
  func.func @transform_2(%arg0: i32) -> (i32, i32) {
    %c0_i32 = arith.constant 0 : i32
    %c0_i32_0 = arith.constant 0 : i32
    %c0_i32_1 = arith.constant 0 : i32
    return %c0_i32, %c0_i32_0 : i32, i32
  }
  func.func @transform_3(%arg0: i32) -> (i32, i32) {
    %c0_i32 = arith.constant 0 : i32
    %c0_i32_0 = arith.constant 0 : i32
    %c0_i32_1 = arith.constant 0 : i32
    return %c0_i32, %c0_i32_0 : i32, i32
  }
  func.func @transform_4(%arg0: i32) -> (i32, i32, i32) {
    %c0_i32 = arith.constant 0 : i32
    %c0_i32_0 = arith.constant 0 : i32
    %c0_i32_1 = arith.constant 0 : i32
    return %arg0, %c0_i32, %c0_i32_0 : i32, i32, i32
  }
  func.func @transform_5(%arg0: i32) -> (i32, i32) {
    %c0_i32 = arith.constant 0 : i32
    %c0_i32_0 = arith.constant 0 : i32
    return %arg0, %c0_i32 : i32, i32
  }
}

module attributes {stable_mosaic.version = 14 : i64} {
  func.func @_mlp2_body(%arg0: i32, %arg1: memref<64x2048xf32, #tpu.memory_space<vmem>>, %arg2: memref<64x1xf32, #tpu.memory_space<vmem>>, %arg3: memref<1000x64xf32, #tpu.memory_space<vmem>>, %arg4: memref<1000x1xf32, #tpu.memory_space<vmem>>, %arg5: memref<1000x2048xf32, #tpu.memory_space<vmem>>) attributes {dimension_semantics = [#tpu.dimension_semantics<arbitrary>], iteration_bounds = array<i64: 8>, scalar_prefetch = 0 : i64, scratch_operands = 0 : i64, tpu.core_type = #tpu.core_type<tc>, window_params = [{transform_indices = @transform_0, window_bounds = array<i64: 64, 2048>}, {pipeline_mode = #tpu.pipeline_mode<synchronous>, transform_indices = @transform_1, window_bounds = array<i64: 64, 1>}, {pipeline_mode = #tpu.pipeline_mode<synchronous>, transform_indices = @transform_2, window_bounds = array<i64: 1000, 64>}, {pipeline_mode = #tpu.pipeline_mode<synchronous>, transform_indices = @transform_3, window_bounds = array<i64: 1000, 1>}, {transform_indices = @transform_4, window_bounds = array<i64: 1000, 2048>}]} {
    %get3A = arith.constant 0 : index
    %get3A_0 = arith.constant 0 : index
    %get3A_1 = vector.load %arg1[%get3A, %get3A_0] : memref<64x2048xf32, #tpu.memory_space<vmem>>, vector<64x2048xf32>
    %get3A_2 = arith.constant 0 : index
    %get3A_3 = arith.constant 0 : index
    %get3A_4 = vector.load %arg2[%get3A_2, %get3A_3] : memref<64x1xf32, #tpu.memory_space<vmem>>, vector<64x1xf32>
    %add3A = vector.broadcast %get3A_4 : vector<64x1xf32> to vector<64x2048xf32>
    %add3A_5 = arith.addf %get3A_1, %add3A : vector<64x2048xf32>
    %max3A = arith.constant 0.000000e+00 : f32
    %max3A_6 = vector.broadcast %max3A : f32 to vector<64x2048xf32>
    %max3A_7 = arith.maximumf %add3A_5, %max3A_6 : vector<64x2048xf32>
    %get3A_8 = arith.constant 0 : index
    %get3A_9 = arith.constant 0 : index
    %get3A_10 = vector.load %arg3[%get3A_8, %get3A_9] : memref<1000x64xf32, #tpu.memory_space<vmem>>, vector<1000x64xf32>
    %dot_general3A = arith.constant dense<0.000000e+00> : vector<1000x2048xf32>
    %dot_general3A_11 = tpu.matmul %get3A_10, %max3A_7, %dot_general3A {dimension_numbers = #tpu.dot_dimension_numbers<[1], [0], [0], [1], [0, 0, 1, 1], [], []>, transpose_lhs_hint = false} : vector<1000x64xf32>, vector<64x2048xf32>, vector<1000x2048xf32> -> vector<1000x2048xf32>
    %get3A_12 = arith.constant 0 : index
    %get3A_13 = arith.constant 0 : index
    %get3A_14 = vector.load %arg4[%get3A_12, %get3A_13] : memref<1000x1xf32, #tpu.memory_space<vmem>>, vector<1000x1xf32>
    %add3A_15 = vector.broadcast %get3A_14 : vector<1000x1xf32> to vector<1000x2048xf32>
    %add3A_16 = arith.addf %dot_general3A_11, %add3A_15 : vector<1000x2048xf32>
    %swap3A = arith.constant 0 : index
    %swap3A_17 = arith.constant 0 : index
    %swap3A_18 = vector.load %arg5[%swap3A, %swap3A_17] : memref<1000x2048xf32, #tpu.memory_space<vmem>>, vector<1000x2048xf32>
    tpu.vector_store %arg5[%swap3A, %swap3A_17], %add3A_16 {strides = array<i32>} : memref<1000x2048xf32, #tpu.memory_space<vmem>>, vector<1000x2048xf32>,
    return
  }
  func.func @transform_0(%arg0: i32) -> (i32, i32) {
    %c0_i32 = arith.constant 0 : i32
    %c0_i32_0 = arith.constant 0 : i32
    return %c0_i32, %arg0 : i32, i32
  }
  func.func @transform_1(%arg0: i32) -> (i32, i32) {
    %c0_i32 = arith.constant 0 : i32
    %c0_i32_0 = arith.constant 0 : i32
    %c0_i32_1 = arith.constant 0 : i32
    return %c0_i32, %c0_i32_0 : i32, i32
  }
  func.func @transform_2(%arg0: i32) -> (i32, i32) {
    %c0_i32 = arith.constant 0 : i32
    %c0_i32_0 = arith.constant 0 : i32
    %c0_i32_1 = arith.constant 0 : i32
    return %c0_i32, %c0_i32_0 : i32, i32
  }
  func.func @transform_3(%arg0: i32) -> (i32, i32) {
    %c0_i32 = arith.constant 0 : i32
    %c0_i32_0 = arith.constant 0 : i32
    %c0_i32_1 = arith.constant 0 : i32
    return %c0_i32, %c0_i32_0 : i32, i32
  }
  func.func @transform_4(%arg0: i32) -> (i32, i32) {
    %add3A = arith.constant 0 : i32
    %add3A_0 = arith.addi %arg0, %add3A : i32
    %c0_i32 = arith.constant 0 : i32
    %c0_i32_1 = arith.constant 0 : i32
    return %c0_i32, %add3A_0 : i32, i32
  }
}

</mosaic_0001>

<sc_bundles>
// kernel: kernel.5.cloned.1.call-start
scs
__scs_entry_jumppad:
0x0: {  	(pc) =	sbr.rel $0x88, $3  }
0x1: {  	(tag) =	ssettag $0x0;
	lr =	simm.s32 $0x1  }
0x2: {  	[smem:$0x3F9B] =	sst lr;
	_ =	strace $0xD0000000  }
0x3: {  	_ = 	snop  }
0x4: {  	_ = 	snop  }
0x5: {  	_ = 	snop  }
0x6: {  	_ = 	snop  }
0x7: {  	_ = 	snop  }
__scs_overlays_trampoline_lowered:
0x8: {  	[smem:$0x3FAA] =	sst s0  }
0x9: {  	[smem:$0x3FAB] =	sst s1  }
0xa: {  	[smem:$0x3FAC] =	sst s2  }
0xb: {  	[smem:$0x3FAD] =	sst s3  }
0xc: {  	[smem:$0x3FAE] =	sst s4  }
0xd: {  	[smem:$0x3FAF] =	sst s5  }
0xe: {  	[smem:$0x3FB0] =	sst s6  }
0xf: {  	[smem:$0x3FB1] =	sst s7  }
0x10: {  	[smem:$0x3FB2] =	sst s8  }
0x11: {  	[smem:$0x3FB3] =	sst s9;
	s0 =	simm.s32 @!p0 $0x0  }
0x12: {  	s1 =	sld [smem:$0x3F99];
	s0 =	simm.s32 @p0 $0x1  }
0x13: {  	[smem:$0x3FB4] =	sst s0;
	s0 =	simm.s32 @!p1 $0x0  }
0x14: {  	s2 =	sld [smem:$0x3F98];
	s0 =	simm.s32 @p1 $0x1  }
0x15: {  	[smem:$0x3FB5] =	sst s0;
	s0 =	simm.s32 @!p2 $0x0  }
0x16: {  	s3 =	sld [smem:$0x3FDB];
	s0 =	simm.s32 @p2 $0x1  }
0x17: {  	s4 =	simm.s32 $0x1BF5;
	[smem:$0x3FB7] =	sst s0  }
0x18: {  	s0 =	sld [smem:$0x3F9A];
	_ =	swait.ge [sflag:s4], $0x0  }
0x19: {  	s7 =	sld [smem:$0x3F9B]  }
0x1a: {  	s8 =	sadd.s32 $0xFFFFE003, lr  }
0x1b: {  	s9 =	sadd.s32 $0xFFFFFEF7, lr;
	s5 =	simm.s32 $0xFFFFFFFF;
	p2 =	slt.u32 s8, $0xFFFFF086  }
0x1c: {  	p1 =	slt.u32 s9, $0xF7A;
	s5 =	simm.s32 @!p2 $0x0  }
0x1d: {  	s5 =	simm.s32 @p1 $0x1;
	p0 =	seq.s32 s7, s2  }
0x1e: {  	s7 =	smul.u32 @!p0 $0xF7A, s2;
	p2 =	seq.s32 @!p0 s5, $0x0  }
0x1f: {  	s9 =	smul.u32 $0xF7A, s1;
	s8 =	simm.s32 @!p0 $0x1BF5;
	p2 =	por !p2, p0  }
0x20: {  	[sflag:s8] =	ssyncset.s32 @!p0 $0xFFFFF086;
	s6 =	sadd.s32 @!p0 s3, s7;
	s7 =	simm.s32 @!p0 $0x108  }
0x21: {  	s3 =	sadd.s32 s3, s9;
	s6 =	sadd.s32 @!p0 $0x88, s6;
	s7 =	simm.s32 @p2 $0x1082  }
0x22: {  	[simem:s7], [sflag:s8] =	dma.local @!p0 [hbm:s6], $0xF7A  }
0x23: {  	s9 =	sor.u32 $0xD0000000, s2;
	s6 =	simm.s32 $0x108;
	_ =	swait.ge @!p0 [sflag:s8], $0x0  }
0x24: {  	s3 =	sadd.s32 $0x88, s3;
	s6 =	simm.s32 @!p1 $0x1082;
	[sflag:s4] =	ssyncset.s32 $0xFFFFF086  }
0x25: {  	[simem:s6], [sflag:s4] =	dma.local [hbm:s3], $0xF7A  }
0x26: {  	[smem:$0x3F9B] =	sst s1;
	(tag) =	ssettag s2;
	_ =	strace s9  }
0x27: {  	s1 =	sld [smem:$0x3FAB]  }
0x28: {  	s2 =	sld [smem:$0x3FAC]  }
0x29: {  	s4 =	sld [smem:$0x3FAE]  }
0x2a: {  	p0 =	seq.s32 s5, $0x0;
	s5 =	sld [smem:$0x3FAF]  }
0x2b: {  	s6 =	sld [smem:$0x3FB0]  }
0x2c: {  	s7 =	sld [smem:$0x3FB1]  }
0x2d: {  	s3 =	simm.s32 $0x108;
	s8 =	sld [smem:$0x3FB2]  }
0x2e: {  	s3 =	simm.s32 @!p0 $0x1082;
	s9 =	sld [smem:$0x3FB3]  }
0x2f: {  	lr =	sadd.s32 s0, s3;
	s0 =	sld [smem:$0x3FAA]  }
0x30: {  	s3 =	sld [smem:$0x3FAD]  }
0x31: {  	[smem:$0x3FB6] =	sst s10  }
0x32: {  	s10 =	sld [smem:$0x3FB4];
	_ =	sdelay $0x3  }
0x33: {  	p0 =	seq.s32 s10, $0x1;
	s10 =	sld [smem:$0x3FB6];
	_ =	sdelay $0x3  }
0x34: {  	[smem:$0x3FB6] =	sst s10  }
0x35: {  	s10 =	sld [smem:$0x3FB5];
	_ =	sdelay $0x3  }
0x36: {  	p1 =	seq.s32 s10, $0x1;
	s10 =	sld [smem:$0x3FB6];
	_ =	sdelay $0x3  }
0x37: {  	[smem:$0x3FB6] =	sst s10  }
0x38: {  	s10 =	sld [smem:$0x3FB7]  }
0x39: {  	_ = 	snop;
	(pc) =	sbr.ind lr, $3  }
0x3a: {  	_ = 	snop  }
0x3b: {  	_ = 	snop  }
0x3c: {  	p2 =	seq.s32 s10, $0x1;
	s10 =	sld [smem:$0x3FB6]  }
0x3d: {  	_ =	shalt  }
0x3e: {  	_ =	shalt  }
0x3f: {  	_ =	shalt  }
0x40: {  	_ =	shalt  }
0x41: {  	_ =	shalt  }
0x42: {  	_ =	shalt  }
0x43: {  	_ =	shalt  }
0x44: {  	_ =	shalt  }
0x45: {  	_ =	shalt  }
0x46: {  	_ =	shalt  }
0x47: {  	_ =	shalt  }
0x48: {  	_ =	shalt  }
0x49: {  	_ =	shalt  }
0x4a: {  	_ =	shalt  }
0x4b: {  	_ =	shalt  }
0x4c: {  	_ =	shalt  }
0x4d: {  	_ =	shalt  }
0x4e: {  	_ =	shalt  }
0x4f: {  	_ =	shalt  }
0x50: {  	_ =	shalt  }
0x51: {  	_ =	shalt  }
0x52: {  	_ =	shalt  }
0x53: {  	_ =	shalt  }
0x54: {  	_ =	shalt  }
0x55: {  	_ =	shalt  }
0x56: {  	_ =	shalt  }
0x57: {  	_ =	shalt  }
0x58: {  	_ =	shalt  }
0x59: {  	_ =	shalt  }
0x5a: {  	_ =	shalt  }
0x5b: {  	_ =	shalt  }
0x5c: {  	_ =	shalt  }
0x5d: {  	_ =	shalt  }
0x5e: {  	_ =	shalt  }
0x5f: {  	_ =	shalt  }
0x60: {  	_ =	shalt  }
0x61: {  	_ =	shalt  }
0x62: {  	_ =	shalt  }
0x63: {  	_ =	shalt  }
0x64: {  	_ =	shalt  }
0x65: {  	_ =	shalt  }
0x66: {  	_ =	shalt  }
0x67: {  	_ =	shalt  }
0x68: {  	_ =	shalt  }
0x69: {  	_ =	shalt  }
0x6a: {  	_ =	shalt  }
0x6b: {  	_ =	shalt  }
0x6c: {  	_ =	shalt  }
0x6d: {  	_ =	shalt  }
0x6e: {  	_ =	shalt  }
0x6f: {  	_ =	shalt  }
0x70: {  	_ =	shalt  }
0x71: {  	_ =	shalt  }
0x72: {  	_ =	shalt  }
0x73: {  	_ =	shalt  }
0x74: {  	_ =	shalt  }
0x75: {  	_ =	shalt  }
0x76: {  	_ =	shalt  }
0x77: {  	_ =	shalt  }
0x78: {  	_ =	shalt  }
0x79: {  	_ =	shalt  }
0x7a: {  	_ =	shalt  }
0x7b: {  	_ =	shalt  }
0x7c: {  	_ =	shalt  }
0x7d: {  	_ =	shalt  }
0x7e: {  	_ =	shalt  }
0x7f: {  	_ =	shalt  }
0x80: {  	_ =	shalt  }
0x81: {  	_ =	shalt  }
0x82: {  	_ =	shalt  }
0x83: {  	_ =	shalt  }
0x84: {  	_ =	shalt  }
0x85: {  	_ =	shalt  }
0x86: {  	_ =	shalt  }
0x87: {  	_ =	shalt  }
.Lfunc_end0:
.L_simem_size_0:
called_computation_lowered:
.L_overlay_start_0:
0x88: {  	s2 =	sld [smem:$0x3FD9]  }
0x89: {  	s3 =	sld [smem:$0x3FFE];
	_ =	sdelay $0x1  }
0x8a: {  	s1 =	srdreg.scid  }
0x8b: {  	s0 =	sand.u32 $0x1, s1  }
0x8c: {  	s17 =	sshll.u32 s0, $0xA;
	s2 =	sadd.s32 s3, s2  }
0x8d: {  	s2 =	sadd.s32 s2, s17  }
0x8e: {  	[smem:$0x3FC2] =	sst s2  }
0x8f: {  	_ = 	snop  }
0x90: {  	s2 =	sld [smem:$0x3FD0];
	(tm) =	ssettm $0x1  }
0x91: {  	s18 =	sld [smem:$0x3FFB];
	_ =	sdelay $0x3  }
0x92: {  	_ =	strace s18  }
0x93: {  	s3 =	sld [smem:$0x3FFC];
	_ =	sdelay $0x3  }
0x94: {  	_ =	strace s3  }
0x95: {  	s3 =	sld [smem:$0x3FFD];
	_ =	sdelay $0x3  }
0x96: {  	_ =	strace s3  }
0x97: {  	_ =	strace $0x8FFFFFFF  }
0x98: {  	s19 =	sld [smem:$0x3FDB];
	_ =	sdelay $0x1  }
0x99: {  	s4 =	simm.s32 $_scs_section_size  }
0x9a: {  	s5 =	simm.s32 $_size__tile_overlayer_lowered;
	s6 =	simm.s32 $_tile_overlayer_lowered  }
0x9b: {  	s22 =	simm.s32 $0x1BFF;
	s21 =	sshll.u32 s6, $0x1;
	s3 =	sadd.s32 s4, s19  }
0x9c: {  	s7 =	simm.s32 $0x0;
	s20 =	sshll.u32 s5, $0x1;
	s5 =	sadd.s32 s21, s3  }
0x9d: {  	[timem:s7], [sflag:s22] =	dma.local [hbm:s5], s20  }
0x9e: {  	_ =	swait.ge [sflag:s22], s20  }
0x9f: {  	s4 =	ssub.s32 $0x0, s20;
	[sflag:s22] =	ssyncset.done $0x0  }
0xa0: {  	[sflag:s22] =	ssyncadd.s32 s4;
	_ =	sdelay $0x1  }
0xa1: {  	s23 =	simm.s32 $0x1B8B  }
0xa2: {  	_ =	swait.ge [sflag:s23], $0x1  }
0xa3: {  	[sflag:s23] =	ssyncset.done $0x0  }
0xa4: {  	s25 =	simm.s32 $0x1B8E;
	s24 =	sld [smem:$0x3FFE];
	[sflag:s23] =	ssyncadd.s32 $0xFFFFFFFF  }
0xa5: {  	s26 =	simm.s32 $execute0_lowered;
	[smem:$0x3FD2] =	sst s25  }
0xa6: {  	s5 =	sshll.u32 s26, $0x1;
	_ =	strace $0x80000046;
	[dreg:$0x1] =	wrdreg $0xFFFFFFFF  }
0xa7: {  	s28 =	simm.s32 $_size_execute0_lowered;
	s3 =	sadd.s32 s3, s5;
	[dreg:$0x0] =	wrdreg $0x0  }
0xa8: {  	s5 =	sshll.u32 s28, $0x1;
	[dreg:$0x2] =	wrdreg s3  }
0xa9: {  	[dreg:$0x3] =	wrdreg s5  }
0xaa: {  	[dreg:$0x4] =	wrdreg $0xC0  }
0xab: {  	_ =	task [dreg:s7], $0x5FFFF  }
0xac: {  	[dreg:$0x1] =	wrdreg $0xFFFFFFFF  }
0xad: {  	[dreg:$0x0] =	wrdreg $0x60  }
0xae: {  	[dreg:$0x2] =	wrdreg s2  }
0xaf: {  	[dreg:$0x3] =	wrdreg s24  }
0xb0: {  	[dreg:$0x4] =	wrdreg $0x9  }
0xb1: {  	_ =	task.clear_ibuf [dreg:s7], $0x5FFFF;
	_ =	strace $0x90000046  }
0xb2: {  	s29 =	simm.s32 $0x9;
	_ =	strace $0x80000048  }
0xb3: {  	_ =	swait.ge [sflag:s29], $0x1  }
0xb4: {  	[sflag:s29] =	ssyncadd.s32 $0xFFFFFFFF  }
0xb5: {  	_ =	strace $0x90000048  }
0xb6: {  	_ =	sfence  }
0xb7: {  	s30 =	sld [smem:$0x0];
	_ =	sdelay $0x2  }
0xb8: {  	s31 =	sshll.u32 s1, $0xD;
	s1 =	sshrl.u32 s1, $0x2  }
0xb9: {  	s3 =	sand.u32 $0x4000, s31;
	s1 =	sadd.s32 s1, s30  }
0xba: {  	s0 =	sor.u32 s3, s0;
	s1 =	sshll.u32 s1, $0x11  }
0xbb: {  	s0 =	sor.u32 s1, s0  }
0xbc: {  	s0 =	sadd.s32 $0x8F2B, s0  }
0xbd: {  	[sflag:s0] =	ssyncadd.remote.s32 $0x1  }
0xbe: {  	_ =	sfence.sel $0xFFFF  }
0xbf: {  	[dreg:$0x0] =	wrdreg $0xFFFFFFFF;
	(pc) =	sbr.abs _section_cstart, $3  }
0xc0: {  	[dreg:$0x1] =	wrdreg $0xFFFFFFFF  }
0xc1: {  	_ =	task.clear_ibuf [dreg:s7], $0x2FFFF;
	_ =	strace $0x9FFFFFFF  }
0xc2: {  	(tm) =	ssettm $0x7FFFFFFF  }
0xc3: {  	_ =	shalt  }
tec
execute0_lowered:
.L_overlay_start_1:
0x0: {  	(tag) =	ssettag $0x1  }
0x1: {  	s1 =	srdreg.scid  }
0x2: {  	s0 =	stileid.u32;
	s2 =	rddreg [dreg:$0x0]  }
0x3: {  	s5 =	rddreg [dreg:$0x1];
	s3 =	simm.s32 $0x0;
	s10 =	simm.s32 $0x6400  }
0x4: {  	s11 =	simm.s32 $0x1;
	s12 =	simm.s32 $0xC800;
	s13 =	simm.s32 $0x12C00  }
0x5: {  	s14 =	simm.s32 $0x10;
	s15 =	simm.s32 $0x4000;
	s16 =	simm.s32 $0x2  }
0x6: {  	s17 =	simm.s32 $0x0;
	s4 =	sand.u32 $0x1, s1;
	s31 =	sshll.u32 s0, $0x1  }
0x7: {  	s1 =	rddreg [dreg:$0x2];
	s6 =	sor.u32 s4, s31;
	s8 =	ssub.s32 $0x2, s4  }
0x8: {  	v0 =	vlaneseq.u32;
	[smem:$0x7FF] =	sst s3;
	s7 =	smul.u32 $0xC80, s6;
	s9 =	sshrl.u32 s8, $0x1  }
0x9: {  	v0 =	vmul.u32 $0x10, v0;
	_ =	strace $0x80000047;
	s4 =	sadd.s32 $0x1A200, s5;
	s8 =	ssub.s32 s8, s9  }
0xa: {  	s9 =	simm.s32 $0x320;
	s7 =	sadd.s32 s7, s5;
	s5 =	sshll.u32 s6, $0x9  }
0xb: {  	v1 =	vor.u32 $0x100, v0;
	v2 =	vor.u32 $0x200, v0;
	v3 =	vor.u32 $0x300, v0;
	s6 =	sadd.s32 $0x1200, s7;
	s7 =	smax.u32 s8, $0x1;
	s8 =	simm.s32 $0x3  }
.LBB2_1:
0xc: {  	[tilespmem:s3], [sflag:$0x3] =	stream.linear.gather [hbm4b:s6+s3], $0x6400, $0x38;
	[tilespmem:$0x13000] =	vst v63  }
0xd: {  	_ =	swait.ge [sflag:s8], $0x6400  }
0xe: {  	[sflag:s8] =	ssyncset.done $0x0  }
0xf: {  	s18 =	simm.s32 $0x0;
	[sflag:s8] =	ssyncadd.s32 $0xFFFF9C00  }
0x10: {  	[tilespmem:s10], [sflag:$0x1] =	stream.indirect.gather [hbm4b:s2+s9], $0x20, s3, s9, $0xb8;
	[tilespmem:$0x13000] =	vst v63  }
.LBB2_2:
0x11: {  	s19 =	sshllo.u32 s18, $0x1  }
0x12: {  	_ =	swait.ge [sflag:s11], $0x6400;
	s20 =	smul.u32 $0xC80, s19  }
0x13: {  	[sflag:s11] =	ssyncset.done $0x0  }
0x14: {  	[sflag:s11] =	ssyncadd.s32 $0xFFFF9C00;
	s20 =	sshra.s32 s20, $0x2  }
0x15: {  	[tilespmem:s12], [sflag:$0x2] =	stream.indirect.gather [hbm4b:s2+s9], $0x20, s20, s9, $0xb8;
	[tilespmem:$0x13000] =	vst v63  }
0x16: {  	s20 =	simm.s32 $0x6720  }
0x17: {  	v4 =	vld [tilespmem:s20+$0xFFFFFCE0];
	_ =	sdelay $0x1  }
0x18: {  	v5 =	vld [tilespmem:s20+$0xFFFFFD00];
	_ =	sdelay $0x1  }
0x19: {  	v6 =	vld [tilespmem:s20+$0xFFFFFD20]  }
0x1a: {  	v7 =	vshll.u32 v4, $0x10  }
0x1b: {  	v8 =	vld [tilespmem:s20+$0xFFFFFD40];
	v4 =	vand.u32 $0xFFFF0000, v4;
	v7 =	vadd.f32 $0.0e+00, v7  }
0x1c: {  	v9 =	vshll.u32 v5, $0x10;
	v4 =	vadd.f32 $0.0e+00, v4  }
0x1d: {  	v32 =	vld [tilespmem:s20+$0xFFFFFD60];
	v5 =	vand.u32 $0xFFFF0000, v5;
	v7 =	vadd.f32 v9, v7  }
0x1e: {  	v4 =	vadd.f32 v5, v4;
	v5 =	vshll.u32 v6, $0x10  }
0x1f: {  	v6 =	vand.u32 $0xFFFF0000, v6;
	v5 =	vadd.f32 v5, v7;
	v7 =	vld [tilespmem:s20+$0xFFFFFD80]  }
0x20: {  	v4 =	vadd.f32 v6, v4;
	v6 =	vshll.u32 v8, $0x10  }
0x21: {  	v8 =	vand.u32 $0xFFFF0000, v8;
	v5 =	vadd.f32 v6, v5;
	v6 =	vld [tilespmem:s20+$0xFFFFFDA0]  }
0x22: {  	v33 =	vshll.u32 v32, $0x10;
	v4 =	vadd.f32 v8, v4  }
0x23: {  	v34 =	vld [tilespmem:s20+$0xFFFFFDC0];
	v9 =	vand.u32 $0xFFFF0000, v32;
	v5 =	vadd.f32 v33, v5  }
0x24: {  	v4 =	vadd.f32 v9, v4;
	v35 =	vshll.u32 v7, $0x10  }
0x25: {  	v36 =	vld [tilespmem:s20+$0xFFFFFDE0];
	v7 =	vand.u32 $0xFFFF0000, v7;
	v5 =	vadd.f32 v35, v5  }
0x26: {  	v4 =	vadd.f32 v7, v4;
	v7 =	vshll.u32 v6, $0x10  }
0x27: {  	v6 =	vand.u32 $0xFFFF0000, v6;
	v5 =	vadd.f32 v7, v5;
	v7 =	vld [tilespmem:s20+$0xFFFFFE00]  }
0x28: {  	v4 =	vadd.f32 v6, v4;
	v6 =	vshll.u32 v34, $0x10  }
0x29: {  	v8 =	vand.u32 $0xFFFF0000, v34;
	v5 =	vadd.f32 v6, v5;
	v6 =	vld [tilespmem:s20+$0xFFFFFE20]  }
0x2a: {  	v37 =	vshll.u32 v36, $0x10;
	v4 =	vadd.f32 v8, v4  }
0x2b: {  	v38 =	vld [tilespmem:s20+$0xFFFFFE40];
	v9 =	vand.u32 $0xFFFF0000, v36;
	v5 =	vadd.f32 v37, v5  }
0x2c: {  	v4 =	vadd.f32 v9, v4;
	v39 =	vshll.u32 v7, $0x10  }
0x2d: {  	v40 =	vld [tilespmem:s20+$0xFFFFFE60];
	v7 =	vand.u32 $0xFFFF0000, v7;
	v5 =	vadd.f32 v39, v5  }
0x2e: {  	v4 =	vadd.f32 v7, v4;
	v7 =	vshll.u32 v6, $0x10  }
0x2f: {  	v6 =	vand.u32 $0xFFFF0000, v6;
	v5 =	vadd.f32 v7, v5;
	v7 =	vld [tilespmem:s20+$0xFFFFFE80]  }
0x30: {  	v4 =	vadd.f32 v6, v4;
	v6 =	vshll.u32 v38, $0x10  }
0x31: {  	v8 =	vand.u32 $0xFFFF0000, v38;
	v5 =	vadd.f32 v6, v5;
	v6 =	vld [tilespmem:s20+$0xFFFFFEA0]  }
0x32: {  	v41 =	vshll.u32 v40, $0x10;
	v4 =	vadd.f32 v8, v4  }
0x33: {  	v42 =	vld [tilespmem:s20+$0xFFFFFEC0];
	v9 =	vand.u32 $0xFFFF0000, v40;
	v5 =	vadd.f32 v41, v5  }
0x34: {  	v4 =	vadd.f32 v9, v4;
	v43 =	vshll.u32 v7, $0x10  }
0x35: {  	v44 =	vld [tilespmem:s20+$0xFFFFFEE0];
	v7 =	vand.u32 $0xFFFF0000, v7;
	v5 =	vadd.f32 v43, v5  }
0x36: {  	v4 =	vadd.f32 v7, v4;
	v7 =	vshll.u32 v6, $0x10  }
0x37: {  	v6 =	vand.u32 $0xFFFF0000, v6;
	v5 =	vadd.f32 v7, v5;
	v7 =	vld [tilespmem:s20+$0xFFFFFF00]  }
0x38: {  	v4 =	vadd.f32 v6, v4;
	v6 =	vshll.u32 v42, $0x10  }
0x39: {  	v8 =	vand.u32 $0xFFFF0000, v42;
	v5 =	vadd.f32 v6, v5;
	v6 =	vld [tilespmem:s20+$0xFFFFFF20]  }
0x3a: {  	v45 =	vshll.u32 v44, $0x10;
	v4 =	vadd.f32 v8, v4  }
0x3b: {  	v46 =	vld [tilespmem:s20+$0xFFFFFF40];
	v9 =	vand.u32 $0xFFFF0000, v44;
	v5 =	vadd.f32 v45, v5  }
0x3c: {  	v4 =	vadd.f32 v9, v4;
	v47 =	vshll.u32 v7, $0x10  }
0x3d: {  	v48 =	vld [tilespmem:s20+$0xFFFFFF60];
	v7 =	vand.u32 $0xFFFF0000, v7;
	v5 =	vadd.f32 v47, v5  }
0x3e: {  	v4 =	vadd.f32 v7, v4;
	v7 =	vshll.u32 v6, $0x10  }
0x3f: {  	v6 =	vand.u32 $0xFFFF0000, v6;
	v5 =	vadd.f32 v7, v5;
	v7 =	vld [tilespmem:s20+$0xFFFFFF80]  }
0x40: {  	v4 =	vadd.f32 v6, v4;
	v6 =	vshll.u32 v46, $0x10  }
0x41: {  	v8 =	vand.u32 $0xFFFF0000, v46;
	v5 =	vadd.f32 v6, v5;
	v6 =	vld [tilespmem:s20+$0xFFFFFFA0]  }
0x42: {  	v49 =	vshll.u32 v48, $0x10;
	v4 =	vadd.f32 v8, v4  }
0x43: {  	v50 =	vld [tilespmem:s20+$0xFFFFFFC0];
	v9 =	vand.u32 $0xFFFF0000, v48;
	v5 =	vadd.f32 v49, v5  }
0x44: {  	v4 =	vadd.f32 v9, v4;
	v51 =	vshll.u32 v7, $0x10  }
0x45: {  	v52 =	vld [tilespmem:s20+$0xFFFFFFE0];
	v7 =	vand.u32 $0xFFFF0000, v7;
	v5 =	vadd.f32 v51, v5  }
0x46: {  	v4 =	vadd.f32 v7, v4;
	v7 =	vshll.u32 v6, $0x10  }
0x47: {  	v6 =	vand.u32 $0xFFFF0000, v6;
	v5 =	vadd.f32 v7, v5;
	v7 =	vld [tilespmem:s20+$0x0]  }
0x48: {  	v4 =	vadd.f32 v6, v4;
	v6 =	vshll.u32 v50, $0x10  }
0x49: {  	v8 =	vand.u32 $0xFFFF0000, v50;
	v5 =	vadd.f32 v6, v5;
	v6 =	vld [tilespmem:s20+$0x20]  }
0x4a: {  	v53 =	vshll.u32 v52, $0x10;
	v4 =	vadd.f32 v8, v4  }
0x4b: {  	v54 =	vld [tilespmem:s20+$0x40];
	v9 =	vand.u32 $0xFFFF0000, v52;
	v5 =	vadd.f32 v53, v5  }
0x4c: {  	v4 =	vadd.f32 v9, v4;
	v55 =	vshll.u32 v7, $0x10  }
0x4d: {  	v56 =	vld [tilespmem:s20+$0x60];
	v7 =	vand.u32 $0xFFFF0000, v7;
	v5 =	vadd.f32 v55, v5  }
0x4e: {  	v4 =	vadd.f32 v7, v4;
	v7 =	vshll.u32 v6, $0x10  }
0x4f: {  	v6 =	vand.u32 $0xFFFF0000, v6;
	v5 =	vadd.f32 v7, v5;
	v7 =	vld [tilespmem:s20+$0x80]  }
0x50: {  	v4 =	vadd.f32 v6, v4;
	v6 =	vshll.u32 v54, $0x10  }
0x51: {  	v8 =	vand.u32 $0xFFFF0000, v54;
	v5 =	vadd.f32 v6, v5;
	v6 =	vld [tilespmem:s20+$0xA0]  }
0x52: {  	v57 =	vshll.u32 v56, $0x10;
	v4 =	vadd.f32 v8, v4  }
0x53: {  	v58 =	vld [tilespmem:s20+$0xC0];
	v9 =	vand.u32 $0xFFFF0000, v56;
	v5 =	vadd.f32 v57, v5  }
0x54: {  	v4 =	vadd.f32 v9, v4;
	v59 =	vshll.u32 v7, $0x10  }
0x55: {  	v60 =	vld [tilespmem:s20+$0xE0];
	v7 =	vand.u32 $0xFFFF0000, v7;
	v5 =	vadd.f32 v59, v5  }
0x56: {  	v4 =	vadd.f32 v7, v4;
	v7 =	vshll.u32 v6, $0x10  }
0x57: {  	v6 =	vand.u32 $0xFFFF0000, v6;
	v5 =	vadd.f32 v7, v5;
	v7 =	vld [tilespmem:s20+$0x100]  }
0x58: {  	v4 =	vadd.f32 v6, v4;
	v6 =	vshll.u32 v58, $0x10  }
0x59: {  	v8 =	vand.u32 $0xFFFF0000, v58;
	v5 =	vadd.f32 v6, v5;
	v6 =	vld [tilespmem:s20+$0x120]  }
0x5a: {  	v61 =	vshll.u32 v60, $0x10;
	v4 =	vadd.f32 v8, v4  }
0x5b: {  	v62 =	vld [tilespmem:s20+$0x140];
	v9 =	vand.u32 $0xFFFF0000, v60;
	v5 =	vadd.f32 v61, v5  }
0x5c: {  	v4 =	vadd.f32 v9, v4;
	v63 =	vshll.u32 v7, $0x10  }
0x5d: {  	v12 =	vld [tilespmem:s20+$0x160];
	v7 =	vand.u32 $0xFFFF0000, v7;
	v5 =	vadd.f32 v63, v5  }
0x5e: {  	v4 =	vadd.f32 v7, v4;
	v7 =	vshll.u32 v6, $0x10  }
0x5f: {  	v6 =	vand.u32 $0xFFFF0000, v6;
	v5 =	vadd.f32 v7, v5;
	v7 =	vld [tilespmem:s20+$0x180]  }
0x60: {  	v4 =	vadd.f32 v6, v4;
	v6 =	vshll.u32 v62, $0x10  }
0x61: {  	v8 =	vand.u32 $0xFFFF0000, v62;
	v5 =	vadd.f32 v6, v5;
	v6 =	vld [tilespmem:s20+$0x1A0]  }
0x62: {  	v13 =	vshll.u32 v12, $0x10;
	v4 =	vadd.f32 v8, v4  }
0x63: {  	v14 =	vld [tilespmem:s20+$0x1C0];
	v9 =	vand.u32 $0xFFFF0000, v12;
	v5 =	vadd.f32 v13, v5  }
0x64: {  	v4 =	vadd.f32 v9, v4;
	v15 =	vshll.u32 v7, $0x10  }
0x65: {  	v16 =	vld [tilespmem:s20+$0x1E0];
	v7 =	vand.u32 $0xFFFF0000, v7;
	v5 =	vadd.f32 v15, v5  }
0x66: {  	v4 =	vadd.f32 v7, v4;
	v7 =	vshll.u32 v6, $0x10  }
0x67: {  	v6 =	vand.u32 $0xFFFF0000, v6;
	v5 =	vadd.f32 v7, v5;
	v7 =	vld [tilespmem:s20+$0x200]  }
0x68: {  	v4 =	vadd.f32 v6, v4;
	v6 =	vshll.u32 v14, $0x10  }
0x69: {  	v8 =	vand.u32 $0xFFFF0000, v14;
	v5 =	vadd.f32 v6, v5;
	v6 =	vld [tilespmem:s20+$0x220]  }
0x6a: {  	v17 =	vshll.u32 v16, $0x10;
	v4 =	vadd.f32 v8, v4  }
0x6b: {  	v18 =	vld [tilespmem:s20+$0x240];
	v9 =	vand.u32 $0xFFFF0000, v16;
	v5 =	vadd.f32 v17, v5  }
0x6c: {  	v4 =	vadd.f32 v9, v4;
	v19 =	vshll.u32 v7, $0x10  }
0x6d: {  	v20 =	vld [tilespmem:s20+$0x260];
	v7 =	vand.u32 $0xFFFF0000, v7;
	v5 =	vadd.f32 v19, v5  }
0x6e: {  	v4 =	vadd.f32 v7, v4;
	v7 =	vshll.u32 v6, $0x10  }
0x6f: {  	v6 =	vand.u32 $0xFFFF0000, v6;
	v5 =	vadd.f32 v7, v5;
	v7 =	vld [tilespmem:s20+$0x280]  }
0x70: {  	v4 =	vadd.f32 v6, v4;
	v6 =	vshll.u32 v18, $0x10  }
0x71: {  	v8 =	vand.u32 $0xFFFF0000, v18;
	v5 =	vadd.f32 v6, v5;
	v6 =	vld [tilespmem:s20+$0x2A0]  }
0x72: {  	v21 =	vshll.u32 v20, $0x10;
	v4 =	vadd.f32 v8, v4  }
0x73: {  	v22 =	vld [tilespmem:s20+$0x2C0];
	v9 =	vand.u32 $0xFFFF0000, v20;
	v5 =	vadd.f32 v21, v5  }
0x74: {  	v4 =	vadd.f32 v9, v4;
	v23 =	vshll.u32 v7, $0x10  }
0x75: {  	s21 =	simm.s32 $0x0;
	v24 =	vld [tilespmem:s20+$0x2E0];
	v7 =	vand.u32 $0xFFFF0000, v7;
	v5 =	vadd.f32 v23, v5  }
0x76: {  	v4 =	vadd.f32 v7, v4;
	v7 =	vmov s21;
	v10 =	vshll.u32 v6, $0x10  }
0x77: {  	v25 =	vld [tilespmem:s20+$0x300];
	v6 =	vand.u32 $0xFFFF0000, v6;
	v7 =	vand.u32 $0xF, v7;
	v5 =	vadd.f32 v10, v5  }
0x78: {  	v11 =	vshll.u32 v22, $0x10;
	v6 =	vadd.f32 v6, v4;
	v4 =	vbroadcast v7, $0x0  }
0x79: {  	v7 =	vand.u32 $0xFFFF0000, v22;
	v5 =	vadd.f32 v11, v5  }
0x7a: {  	v6 =	vadd.f32 v7, v6;
	v7 =	vshll.u32 v24, $0x10;
	v26 =	vor.u32 v0, v4  }
0x7b: {  	v9 =	vand.u32 $0xFFFF0000, v24;
	v5 =	vadd.f32 v7, v5;
	v7 =	vor.u32 v1, v4  }
0x7c: {  	v27 =	vshll.u32 v25, $0x10;
	v6 =	vadd.f32 v9, v6  }
0x7d: {  	v28 =	vand.u32 $0xFFFF0000, v25;
	v5 =	vadd.f32 v27, v5  }
0x7e: {  	v6 =	vadd.f32 v28, v6  }
0x7f: {  	[tilespmem:v26+s13+$0x0] =	vst.idx.msk $0xffff, v5  }
0x80: {  	[tilespmem:v7+s13+$0x0] =	vst.idx.msk $0xffff, v6  }
0x81: {  	v5 =	vld [tilespmem:s20+$0xFFFFFCF0];
	_ =	sdelay $0x1  }
0x82: {  	v6 =	vld [tilespmem:s20+$0xFFFFFD10];
	_ =	sdelay $0x1  }
0x83: {  	v7 =	vld [tilespmem:s20+$0xFFFFFD30]  }
0x84: {  	v29 =	vshll.u32 v5, $0x10  }
0x85: {  	v30 =	vld [tilespmem:s20+$0xFFFFFD50];
	v8 =	vadd.f32 $0.0e+00, v29  }
0x86: {  	v5 =	vand.u32 $0xFFFF0000, v5;
	v31 =	vshll.u32 v6, $0x10  }
0x87: {  	v32 =	vld [tilespmem:s20+$0xFFFFFD70];
	v5 =	vadd.f32 $0.0e+00, v5;
	v8 =	vadd.f32 v31, v8  }
0x88: {  	v6 =	vand.u32 $0xFFFF0000, v6;
	v33 =	vshll.u32 v7, $0x10  }
0x89: {  	v34 =	vld [tilespmem:s20+$0xFFFFFD90];
	v5 =	vadd.f32 v6, v5;
	v6 =	vadd.f32 v33, v8  }
0x8a: {  	v7 =	vand.u32 $0xFFFF0000, v7;
	v35 =	vshll.u32 v30, $0x10  }
0x8b: {  	v5 =	vadd.f32 v7, v5;
	v7 =	vld [tilespmem:s20+$0xFFFFFDB0];
	v6 =	vadd.f32 v35, v6  }
0x8c: {  	v9 =	vand.u32 $0xFFFF0000, v30;
	v36 =	vshll.u32 v32, $0x10  }
0x8d: {  	v37 =	vld [tilespmem:s20+$0xFFFFFDD0];
	v5 =	vadd.f32 v9, v5;
	v6 =	vadd.f32 v36, v6  }
0x8e: {  	v10 =	vand.u32 $0xFFFF0000, v32;
	v38 =	vshll.u32 v34, $0x10  }
0x8f: {  	v39 =	vld [tilespmem:s20+$0xFFFFFDF0];
	v5 =	vadd.f32 v10, v5;
	v6 =	vadd.f32 v38, v6  }
0x90: {  	v8 =	vand.u32 $0xFFFF0000, v34;
	v40 =	vshll.u32 v7, $0x10  }
0x91: {  	v41 =	vld [tilespmem:s20+$0xFFFFFE10];
	v5 =	vadd.f32 v8, v5;
	v6 =	vadd.f32 v40, v6  }
0x92: {  	v42 =	vshll.u32 v37, $0x10;
	v7 =	vand.u32 $0xFFFF0000, v7  }
0x93: {  	v5 =	vadd.f32 v7, v5;
	v7 =	vld [tilespmem:s20+$0xFFFFFE30];
	v6 =	vadd.f32 v42, v6  }
0x94: {  	v43 =	vshll.u32 v39, $0x10;
	v9 =	vand.u32 $0xFFFF0000, v37  }
0x95: {  	v44 =	vld [tilespmem:s20+$0xFFFFFE50];
	v5 =	vadd.f32 v9, v5;
	v6 =	vadd.f32 v43, v6  }
0x96: {  	v45 =	vshll.u32 v41, $0x10;
	v10 =	vand.u32 $0xFFFF0000, v39  }
0x97: {  	v46 =	vld [tilespmem:s20+$0xFFFFFE70];
	v5 =	vadd.f32 v10, v5;
	v6 =	vadd.f32 v45, v6  }
0x98: {  	v8 =	vand.u32 $0xFFFF0000, v41;
	v47 =	vshll.u32 v7, $0x10  }
0x99: {  	v48 =	vld [tilespmem:s20+$0xFFFFFE90];
	v5 =	vadd.f32 v8, v5;
	v6 =	vadd.f32 v47, v6  }
0x9a: {  	v49 =	vshll.u32 v44, $0x10;
	v7 =	vand.u32 $0xFFFF0000, v7  }
0x9b: {  	v5 =	vadd.f32 v7, v5;
	v7 =	vld [tilespmem:s20+$0xFFFFFEB0];
	v6 =	vadd.f32 v49, v6  }
0x9c: {  	v50 =	vshll.u32 v46, $0x10;
	v9 =	vand.u32 $0xFFFF0000, v44  }
0x9d: {  	v51 =	vld [tilespmem:s20+$0xFFFFFED0];
	v5 =	vadd.f32 v9, v5;
	v6 =	vadd.f32 v50, v6  }
0x9e: {  	v52 =	vshll.u32 v48, $0x10;
	v10 =	vand.u32 $0xFFFF0000, v46  }
0x9f: {  	v53 =	vld [tilespmem:s20+$0xFFFFFEF0];
	v5 =	vadd.f32 v10, v5;
	v6 =	vadd.f32 v52, v6  }
0xa0: {  	v8 =	vand.u32 $0xFFFF0000, v48;
	v54 =	vshll.u32 v7, $0x10  }
0xa1: {  	v55 =	vld [tilespmem:s20+$0xFFFFFF10];
	v5 =	vadd.f32 v8, v5;
	v6 =	vadd.f32 v54, v6  }
0xa2: {  	v56 =	vshll.u32 v51, $0x10;
	v7 =	vand.u32 $0xFFFF0000, v7  }
0xa3: {  	v5 =	vadd.f32 v7, v5;
	v7 =	vld [tilespmem:s20+$0xFFFFFF30];
	v6 =	vadd.f32 v56, v6  }
0xa4: {  	v57 =	vshll.u32 v53, $0x10;
	v9 =	vand.u32 $0xFFFF0000, v51  }
0xa5: {  	v58 =	vld [tilespmem:s20+$0xFFFFFF50];
	v5 =	vadd.f32 v9, v5;
	v6 =	vadd.f32 v57, v6  }
0xa6: {  	v59 =	vshll.u32 v55, $0x10;
	v10 =	vand.u32 $0xFFFF0000, v53  }
0xa7: {  	v60 =	vld [tilespmem:s20+$0xFFFFFF70];
	v5 =	vadd.f32 v10, v5;
	v6 =	vadd.f32 v59, v6  }
0xa8: {  	v8 =	vand.u32 $0xFFFF0000, v55;
	v61 =	vshll.u32 v7, $0x10  }
0xa9: {  	v62 =	vld [tilespmem:s20+$0xFFFFFF90];
	v5 =	vadd.f32 v8, v5;
	v6 =	vadd.f32 v61, v6  }
0xaa: {  	v63 =	vshll.u32 v58, $0x10;
	v7 =	vand.u32 $0xFFFF0000, v7  }
0xab: {  	v5 =	vadd.f32 v7, v5;
	v7 =	vld [tilespmem:s20+$0xFFFFFFB0];
	v6 =	vadd.f32 v63, v6  }
0xac: {  	v12 =	vshll.u32 v60, $0x10;
	v9 =	vand.u32 $0xFFFF0000, v58  }
0xad: {  	v13 =	vld [tilespmem:s20+$0xFFFFFFD0];
	v5 =	vadd.f32 v9, v5;
	v6 =	vadd.f32 v12, v6  }
0xae: {  	v14 =	vshll.u32 v62, $0x10;
	v10 =	vand.u32 $0xFFFF0000, v60  }
0xaf: {  	v15 =	vld [tilespmem:s20+$0xFFFFFFF0];
	v5 =	vadd.f32 v10, v5;
	v6 =	vadd.f32 v14, v6  }
0xb0: {  	v8 =	vand.u32 $0xFFFF0000, v62;
	v16 =	vshll.u32 v7, $0x10  }
0xb1: {  	v17 =	vld [tilespmem:s20+$0x10];
	v5 =	vadd.f32 v8, v5;
	v6 =	vadd.f32 v16, v6  }
0xb2: {  	v18 =	vshll.u32 v13, $0x10;
	v7 =	vand.u32 $0xFFFF0000, v7  }
0xb3: {  	v5 =	vadd.f32 v7, v5;
	v7 =	vld [tilespmem:s20+$0x30];
	v6 =	vadd.f32 v18, v6  }
0xb4: {  	v19 =	vshll.u32 v15, $0x10;
	v9 =	vand.u32 $0xFFFF0000, v13  }
0xb5: {  	v20 =	vld [tilespmem:s20+$0x50];
	v5 =	vadd.f32 v9, v5;
	v6 =	vadd.f32 v19, v6  }
0xb6: {  	v21 =	vshll.u32 v17, $0x10;
	v10 =	vand.u32 $0xFFFF0000, v15  }
0xb7: {  	v22 =	vld [tilespmem:s20+$0x70];
	v5 =	vadd.f32 v10, v5;
	v6 =	vadd.f32 v21, v6  }
0xb8: {  	v8 =	vand.u32 $0xFFFF0000, v17;
	v23 =	vshll.u32 v7, $0x10  }
0xb9: {  	v24 =	vld [tilespmem:s20+$0x90];
	v5 =	vadd.f32 v8, v5;
	v6 =	vadd.f32 v23, v6  }
0xba: {  	v25 =	vshll.u32 v20, $0x10;
	v7 =	vand.u32 $0xFFFF0000, v7  }
0xbb: {  	v5 =	vadd.f32 v7, v5;
	v7 =	vld [tilespmem:s20+$0xB0];
	v6 =	vadd.f32 v25, v6  }
0xbc: {  	v26 =	vshll.u32 v22, $0x10;
	v9 =	vand.u32 $0xFFFF0000, v20  }
0xbd: {  	v27 =	vld [tilespmem:s20+$0xD0];
	v5 =	vadd.f32 v9, v5;
	v6 =	vadd.f32 v26, v6  }
0xbe: {  	v28 =	vshll.u32 v24, $0x10;
	v10 =	vand.u32 $0xFFFF0000, v22  }
0xbf: {  	v29 =	vld [tilespmem:s20+$0xF0];
	v5 =	vadd.f32 v10, v5;
	v6 =	vadd.f32 v28, v6  }
0xc0: {  	v8 =	vand.u32 $0xFFFF0000, v24;
	v30 =	vshll.u32 v7, $0x10  }
0xc1: {  	v31 =	vld [tilespmem:s20+$0x110];
	v5 =	vadd.f32 v8, v5;
	v6 =	vadd.f32 v30, v6  }
0xc2: {  	v32 =	vshll.u32 v27, $0x10;
	v7 =	vand.u32 $0xFFFF0000, v7  }
0xc3: {  	v5 =	vadd.f32 v7, v5;
	v7 =	vld [tilespmem:s20+$0x130];
	v6 =	vadd.f32 v32, v6  }
0xc4: {  	v33 =	vshll.u32 v29, $0x10;
	v9 =	vand.u32 $0xFFFF0000, v27  }
0xc5: {  	v34 =	vld [tilespmem:s20+$0x150];
	v5 =	vadd.f32 v9, v5;
	v6 =	vadd.f32 v33, v6  }
0xc6: {  	v35 =	vshll.u32 v31, $0x10;
	v10 =	vand.u32 $0xFFFF0000, v29  }
0xc7: {  	v36 =	vld [tilespmem:s20+$0x170];
	v5 =	vadd.f32 v10, v5;
	v6 =	vadd.f32 v35, v6  }
0xc8: {  	v8 =	vand.u32 $0xFFFF0000, v31;
	v37 =	vshll.u32 v7, $0x10  }
0xc9: {  	v38 =	vld [tilespmem:s20+$0x190];
	v5 =	vadd.f32 v8, v5;
	v6 =	vadd.f32 v37, v6  }
0xca: {  	v39 =	vshll.u32 v34, $0x10;
	v7 =	vand.u32 $0xFFFF0000, v7  }
0xcb: {  	v5 =	vadd.f32 v7, v5;
	v7 =	vld [tilespmem:s20+$0x1B0];
	v6 =	vadd.f32 v39, v6  }
0xcc: {  	v40 =	vshll.u32 v36, $0x10;
	v9 =	vand.u32 $0xFFFF0000, v34  }
0xcd: {  	v41 =	vld [tilespmem:s20+$0x1D0];
	v5 =	vadd.f32 v9, v5;
	v6 =	vadd.f32 v40, v6  }
0xce: {  	v42 =	vshll.u32 v38, $0x10;
	v10 =	vand.u32 $0xFFFF0000, v36  }
0xcf: {  	v43 =	vld [tilespmem:s20+$0x1F0];
	v5 =	vadd.f32 v10, v5;
	v6 =	vadd.f32 v42, v6  }
0xd0: {  	v8 =	vand.u32 $0xFFFF0000, v38;
	v44 =	vshll.u32 v7, $0x10  }
0xd1: {  	v45 =	vld [tilespmem:s20+$0x210];
	v5 =	vadd.f32 v8, v5;
	v6 =	vadd.f32 v44, v6  }
0xd2: {  	v46 =	vshll.u32 v41, $0x10;
	v7 =	vand.u32 $0xFFFF0000, v7  }
0xd3: {  	v5 =	vadd.f32 v7, v5;
	v7 =	vld [tilespmem:s20+$0x230];
	v6 =	vadd.f32 v46, v6  }
0xd4: {  	v47 =	vshll.u32 v43, $0x10;
	v9 =	vand.u32 $0xFFFF0000, v41  }
0xd5: {  	v48 =	vld [tilespmem:s20+$0x250];
	v5 =	vadd.f32 v9, v5;
	v6 =	vadd.f32 v47, v6  }
0xd6: {  	v49 =	vshll.u32 v45, $0x10;
	v10 =	vand.u32 $0xFFFF0000, v43  }
0xd7: {  	v50 =	vld [tilespmem:s20+$0x270];
	v5 =	vadd.f32 v10, v5;
	v6 =	vadd.f32 v49, v6  }
0xd8: {  	v8 =	vand.u32 $0xFFFF0000, v45;
	v51 =	vshll.u32 v7, $0x10  }
0xd9: {  	v52 =	vld [tilespmem:s20+$0x290];
	v5 =	vadd.f32 v8, v5;
	v6 =	vadd.f32 v51, v6  }
0xda: {  	v53 =	vshll.u32 v48, $0x10;
	v7 =	vand.u32 $0xFFFF0000, v7  }
0xdb: {  	v5 =	vadd.f32 v7, v5;
	v7 =	vld [tilespmem:s20+$0x2B0];
	v6 =	vadd.f32 v53, v6  }
0xdc: {  	v54 =	vshll.u32 v50, $0x10;
	v9 =	vand.u32 $0xFFFF0000, v48  }
0xdd: {  	v55 =	vld [tilespmem:s20+$0x2D0];
	v5 =	vadd.f32 v9, v5;
	v6 =	vadd.f32 v54, v6  }
0xde: {  	v56 =	vshll.u32 v52, $0x10;
	v10 =	vand.u32 $0xFFFF0000, v50  }
0xdf: {  	v57 =	vld [tilespmem:s20+$0x2F0];
	v5 =	vadd.f32 v10, v5;
	v6 =	vadd.f32 v56, v6  }
0xe0: {  	v8 =	vand.u32 $0xFFFF0000, v52;
	v58 =	vshll.u32 v7, $0x10  }
0xe1: {  	v59 =	vld [tilespmem:s20+$0x310];
	v5 =	vadd.f32 v8, v5;
	v6 =	vadd.f32 v58, v6  }
0xe2: {  	v60 =	vshll.u32 v55, $0x10;
	v7 =	vand.u32 $0xFFFF0000, v7  }
0xe3: {  	v5 =	vadd.f32 v7, v5;
	v6 =	vadd.f32 v60, v6  }
0xe4: {  	v62 =	vor.u32 v2, v4;
	v61 =	vshll.u32 v57, $0x10;
	v7 =	vand.u32 $0xFFFF0000, v55  }
0xe5: {  	v5 =	vadd.f32 v7, v5;
	v6 =	vadd.f32 v61, v6  }
0xe6: {  	v4 =	vor.u32 v3, v4;
	v63 =	vshll.u32 v59, $0x10;
	v7 =	vand.u32 $0xFFFF0000, v57  }
0xe7: {  	v5 =	vadd.f32 v7, v5;
	v6 =	vadd.f32 v63, v6  }
0xe8: {  	v7 =	vand.u32 $0xFFFF0000, v59  }
0xe9: {  	s22 =	simm.s32 $0x1;
	s21 =	sshll.u32 s18, $0x1;
	v5 =	vadd.f32 v7, v5;
	[tilespmem:v62+s13+$0x0] =	vst.idx.msk $0xffff, v6  }
.LBB2_3:
0xea: {  	p0 =	sne.s32 s22, $0xF  }
0xeb: {  	[tilespmem:v4+s13+$0x0] =	vst.idx.msk $0xffff, v5;
	s20 =	sadd.s32 $0x640, s20;
	s23 =	smov.u32 s22;
	s22 =	sadd.s32 $0x1, s22  }
0xec: {  	v4 =	vld [tilespmem:s20+$0xFFFFFCE0];
	_ =	sdelay $0x1  }
0xed: {  	v5 =	vld [tilespmem:s20+$0xFFFFFD00];
	_ =	sdelay $0x1  }
0xee: {  	v6 =	vld [tilespmem:s20+$0xFFFFFD20]  }
0xef: {  	v7 =	vshll.u32 v4, $0x10;
	v4 =	vand.u32 $0xFFFF0000, v4  }
0xf0: {  	v7 =	vadd.f32 $0.0e+00, v7;
	v4 =	vadd.f32 $0.0e+00, v4;
	v8 =	vld [tilespmem:s20+$0xFFFFFD40]  }
0xf1: {  	v9 =	vshll.u32 v5, $0x10;
	v5 =	vand.u32 $0xFFFF0000, v5  }
0xf2: {  	v7 =	vadd.f32 v9, v7;
	v4 =	vadd.f32 v5, v4;
	v5 =	vld [tilespmem:s20+$0xFFFFFD60]  }
0xf3: {  	v9 =	vshll.u32 v6, $0x10;
	v6 =	vand.u32 $0xFFFF0000, v6  }
0xf4: {  	v7 =	vadd.f32 v9, v7;
	v4 =	vadd.f32 v6, v4;
	v6 =	vld [tilespmem:s20+$0xFFFFFD80]  }
0xf5: {  	v9 =	vshll.u32 v8, $0x10;
	v8 =	vand.u32 $0xFFFF0000, v8  }
0xf6: {  	v7 =	vadd.f32 v9, v7;
	v4 =	vadd.f32 v8, v4;
	v8 =	vld [tilespmem:s20+$0xFFFFFDA0]  }
0xf7: {  	v9 =	vshll.u32 v5, $0x10;
	v5 =	vand.u32 $0xFFFF0000, v5  }
0xf8: {  	v7 =	vadd.f32 v9, v7;
	v4 =	vadd.f32 v5, v4;
	v5 =	vld [tilespmem:s20+$0xFFFFFDC0]  }
0xf9: {  	v9 =	vshll.u32 v6, $0x10;
	v6 =	vand.u32 $0xFFFF0000, v6  }
0xfa: {  	v7 =	vadd.f32 v9, v7;
	v4 =	vadd.f32 v6, v4;
	v6 =	vld [tilespmem:s20+$0xFFFFFDE0]  }
0xfb: {  	v9 =	vshll.u32 v8, $0x10;
	v8 =	vand.u32 $0xFFFF0000, v8  }
0xfc: {  	v7 =	vadd.f32 v9, v7;
	v4 =	vadd.f32 v8, v4;
	v8 =	vld [tilespmem:s20+$0xFFFFFE00]  }
0xfd: {  	v9 =	vshll.u32 v5, $0x10;
	v5 =	vand.u32 $0xFFFF0000, v5  }
0xfe: {  	v7 =	vadd.f32 v9, v7;
	v4 =	vadd.f32 v5, v4;
	v5 =	vld [tilespmem:s20+$0xFFFFFE20]  }
0xff: {  	v9 =	vshll.u32 v6, $0x10;
	v6 =	vand.u32 $0xFFFF0000, v6  }
0x100: {  	v7 =	vadd.f32 v9, v7;
	v4 =	vadd.f32 v6, v4;
	v6 =	vld [tilespmem:s20+$0xFFFFFE40]  }
0x101: {  	v9 =	vshll.u32 v8, $0x10;
	v8 =	vand.u32 $0xFFFF0000, v8  }
0x102: {  	v7 =	vadd.f32 v9, v7;
	v4 =	vadd.f32 v8, v4;
	v8 =	vld [tilespmem:s20+$0xFFFFFE60]  }
0x103: {  	v9 =	vshll.u32 v5, $0x10;
	v5 =	vand.u32 $0xFFFF0000, v5  }
0x104: {  	v7 =	vadd.f32 v9, v7;
	v4 =	vadd.f32 v5, v4;
	v5 =	vld [tilespmem:s20+$0xFFFFFE80]  }
0x105: {  	v9 =	vshll.u32 v6, $0x10;
	v6 =	vand.u32 $0xFFFF0000, v6  }
0x106: {  	v7 =	vadd.f32 v9, v7;
	v4 =	vadd.f32 v6, v4;
	v6 =	vld [tilespmem:s20+$0xFFFFFEA0]  }
0x107: {  	v9 =	vshll.u32 v8, $0x10;
	v8 =	vand.u32 $0xFFFF0000, v8  }
0x108: {  	v7 =	vadd.f32 v9, v7;
	v4 =	vadd.f32 v8, v4;
	v8 =	vld [tilespmem:s20+$0xFFFFFEC0]  }
0x109: {  	v9 =	vshll.u32 v5, $0x10;
	v5 =	vand.u32 $0xFFFF0000, v5  }
0x10a: {  	v7 =	vadd.f32 v9, v7;
	v4 =	vadd.f32 v5, v4;
	v5 =	vld [tilespmem:s20+$0xFFFFFEE0]  }
0x10b: {  	v9 =	vshll.u32 v6, $0x10;
	v6 =	vand.u32 $0xFFFF0000, v6  }
0x10c: {  	v7 =	vadd.f32 v9, v7;
	v4 =	vadd.f32 v6, v4;
	v6 =	vld [tilespmem:s20+$0xFFFFFF00]  }
0x10d: {  	v9 =	vshll.u32 v8, $0x10;
	v8 =	vand.u32 $0xFFFF0000, v8  }
0x10e: {  	v7 =	vadd.f32 v9, v7;
	v4 =	vadd.f32 v8, v4;
	v8 =	vld [tilespmem:s20+$0xFFFFFF20]  }
0x10f: {  	v9 =	vshll.u32 v5, $0x10;
	v5 =	vand.u32 $0xFFFF0000, v5  }
0x110: {  	v7 =	vadd.f32 v9, v7;
	v4 =	vadd.f32 v5, v4;
	v5 =	vld [tilespmem:s20+$0xFFFFFF40]  }
0x111: {  	v9 =	vshll.u32 v6, $0x10;
	v6 =	vand.u32 $0xFFFF0000, v6  }
0x112: {  	v7 =	vadd.f32 v9, v7;
	v4 =	vadd.f32 v6, v4;
	v6 =	vld [tilespmem:s20+$0xFFFFFF60]  }
0x113: {  	v9 =	vshll.u32 v8, $0x10;
	v8 =	vand.u32 $0xFFFF0000, v8  }
0x114: {  	v7 =	vadd.f32 v9, v7;
	v4 =	vadd.f32 v8, v4;
	v8 =	vld [tilespmem:s20+$0xFFFFFF80]  }
0x115: {  	v9 =	vshll.u32 v5, $0x10;
	v5 =	vand.u32 $0xFFFF0000, v5  }
0x116: {  	v7 =	vadd.f32 v9, v7;
	v4 =	vadd.f32 v5, v4;
	v5 =	vld [tilespmem:s20+$0xFFFFFFA0]  }
0x117: {  	v9 =	vshll.u32 v6, $0x10;
	v6 =	vand.u32 $0xFFFF0000, v6  }
0x118: {  	v7 =	vadd.f32 v9, v7;
	v4 =	vadd.f32 v6, v4;
	v6 =	vld [tilespmem:s20+$0xFFFFFFC0]  }
0x119: {  	v9 =	vshll.u32 v8, $0x10;
	v8 =	vand.u32 $0xFFFF0000, v8  }
0x11a: {  	v7 =	vadd.f32 v9, v7;
	v4 =	vadd.f32 v8, v4;
	v8 =	vld [tilespmem:s20+$0xFFFFFFE0]  }
0x11b: {  	v9 =	vshll.u32 v5, $0x10;
	v5 =	vand.u32 $0xFFFF0000, v5  }
0x11c: {  	v7 =	vadd.f32 v9, v7;
	v4 =	vadd.f32 v5, v4;
	v5 =	vld [tilespmem:s20+$0x0]  }
0x11d: {  	v9 =	vshll.u32 v6, $0x10;
	v6 =	vand.u32 $0xFFFF0000, v6  }
0x11e: {  	v7 =	vadd.f32 v9, v7;
	v4 =	vadd.f32 v6, v4;
	v6 =	vld [tilespmem:s20+$0x20]  }
0x11f: {  	v9 =	vshll.u32 v8, $0x10;
	v8 =	vand.u32 $0xFFFF0000, v8  }
0x120: {  	v7 =	vadd.f32 v9, v7;
	v4 =	vadd.f32 v8, v4;
	v8 =	vld [tilespmem:s20+$0x40]  }
0x121: {  	v9 =	vshll.u32 v5, $0x10;
	v5 =	vand.u32 $0xFFFF0000, v5  }
0x122: {  	v7 =	vadd.f32 v9, v7;
	v4 =	vadd.f32 v5, v4;
	v5 =	vld [tilespmem:s20+$0x60]  }
0x123: {  	v9 =	vshll.u32 v6, $0x10;
	v6 =	vand.u32 $0xFFFF0000, v6  }
0x124: {  	v7 =	vadd.f32 v9, v7;
	v4 =	vadd.f32 v6, v4;
	v6 =	vld [tilespmem:s20+$0x80]  }
0x125: {  	v9 =	vshll.u32 v8, $0x10;
	v8 =	vand.u32 $0xFFFF0000, v8  }
0x126: {  	v7 =	vadd.f32 v9, v7;
	v4 =	vadd.f32 v8, v4;
	v8 =	vld [tilespmem:s20+$0xA0]  }
0x127: {  	v9 =	vshll.u32 v5, $0x10;
	v5 =	vand.u32 $0xFFFF0000, v5  }
0x128: {  	v7 =	vadd.f32 v9, v7;
	v4 =	vadd.f32 v5, v4;
	v5 =	vld [tilespmem:s20+$0xC0]  }
0x129: {  	v9 =	vshll.u32 v6, $0x10;
	v6 =	vand.u32 $0xFFFF0000, v6  }
0x12a: {  	v7 =	vadd.f32 v9, v7;
	v4 =	vadd.f32 v6, v4;
	v6 =	vld [tilespmem:s20+$0xE0]  }
0x12b: {  	v9 =	vshll.u32 v8, $0x10;
	v8 =	vand.u32 $0xFFFF0000, v8  }
0x12c: {  	v7 =	vadd.f32 v9, v7;
	v4 =	vadd.f32 v8, v4;
	v8 =	vld [tilespmem:s20+$0x100]  }
0x12d: {  	v9 =	vshll.u32 v5, $0x10;
	v5 =	vand.u32 $0xFFFF0000, v5  }
0x12e: {  	v7 =	vadd.f32 v9, v7;
	v4 =	vadd.f32 v5, v4;
	v5 =	vld [tilespmem:s20+$0x120]  }
0x12f: {  	v9 =	vshll.u32 v6, $0x10;
	v6 =	vand.u32 $0xFFFF0000, v6  }
0x130: {  	v7 =	vadd.f32 v9, v7;
	v4 =	vadd.f32 v6, v4;
	v6 =	vld [tilespmem:s20+$0x140]  }
0x131: {  	v9 =	vshll.u32 v8, $0x10;
	v8 =	vand.u32 $0xFFFF0000, v8  }
0x132: {  	v7 =	vadd.f32 v9, v7;
	v4 =	vadd.f32 v8, v4;
	v8 =	vld [tilespmem:s20+$0x160]  }
0x133: {  	v9 =	vshll.u32 v5, $0x10;
	v5 =	vand.u32 $0xFFFF0000, v5  }
0x134: {  	v7 =	vadd.f32 v9, v7;
	v4 =	vadd.f32 v5, v4;
	v5 =	vld [tilespmem:s20+$0x180]  }
0x135: {  	v9 =	vshll.u32 v6, $0x10;
	v6 =	vand.u32 $0xFFFF0000, v6  }
0x136: {  	v7 =	vadd.f32 v9, v7;
	v4 =	vadd.f32 v6, v4;
	v6 =	vld [tilespmem:s20+$0x1A0]  }
0x137: {  	v9 =	vshll.u32 v8, $0x10;
	v8 =	vand.u32 $0xFFFF0000, v8  }
0x138: {  	v7 =	vadd.f32 v9, v7;
	v4 =	vadd.f32 v8, v4;
	v8 =	vld [tilespmem:s20+$0x1C0]  }
0x139: {  	v9 =	vshll.u32 v5, $0x10;
	v5 =	vand.u32 $0xFFFF0000, v5  }
0x13a: {  	v7 =	vadd.f32 v9, v7;
	v4 =	vadd.f32 v5, v4;
	v5 =	vld [tilespmem:s20+$0x1E0]  }
0x13b: {  	v9 =	vshll.u32 v6, $0x10;
	v6 =	vand.u32 $0xFFFF0000, v6  }
0x13c: {  	v7 =	vadd.f32 v9, v7;
	v4 =	vadd.f32 v6, v4;
	v6 =	vld [tilespmem:s20+$0x200]  }
0x13d: {  	v9 =	vshll.u32 v8, $0x10;
	v8 =	vand.u32 $0xFFFF0000, v8  }
0x13e: {  	v7 =	vadd.f32 v9, v7;
	v4 =	vadd.f32 v8, v4;
	v8 =	vld [tilespmem:s20+$0x220]  }
0x13f: {  	v9 =	vshll.u32 v5, $0x10;
	v5 =	vand.u32 $0xFFFF0000, v5  }
0x140: {  	v7 =	vadd.f32 v9, v7;
	v4 =	vadd.f32 v5, v4;
	v5 =	vld [tilespmem:s20+$0x240]  }
0x141: {  	v9 =	vshll.u32 v6, $0x10;
	v6 =	vand.u32 $0xFFFF0000, v6  }
0x142: {  	v7 =	vadd.f32 v9, v7;
	v4 =	vadd.f32 v6, v4;
	v6 =	vld [tilespmem:s20+$0x260]  }
0x143: {  	v9 =	vshll.u32 v8, $0x10;
	v8 =	vand.u32 $0xFFFF0000, v8  }
0x144: {  	v7 =	vadd.f32 v9, v7;
	v4 =	vadd.f32 v8, v4;
	v8 =	vld [tilespmem:s20+$0x280]  }
0x145: {  	v9 =	vshll.u32 v5, $0x10;
	v5 =	vand.u32 $0xFFFF0000, v5  }
0x146: {  	v7 =	vadd.f32 v9, v7;
	v4 =	vadd.f32 v5, v4;
	v5 =	vld [tilespmem:s20+$0x2A0]  }
0x147: {  	v9 =	vshll.u32 v6, $0x10;
	v6 =	vand.u32 $0xFFFF0000, v6  }
0x148: {  	v7 =	vadd.f32 v9, v7;
	v4 =	vadd.f32 v6, v4;
	v6 =	vld [tilespmem:s20+$0x2C0]  }
0x149: {  	v9 =	vshll.u32 v8, $0x10;
	v8 =	vand.u32 $0xFFFF0000, v8  }
0x14a: {  	v7 =	vadd.f32 v9, v7;
	v4 =	vadd.f32 v8, v4;
	v8 =	vld [tilespmem:s20+$0x2E0]  }
0x14b: {  	v9 =	vmov s23;
	v10 =	vshll.u32 v5, $0x10;
	v5 =	vand.u32 $0xFFFF0000, v5  }
0x14c: {  	v7 =	vadd.f32 v10, v7;
	v5 =	vadd.f32 v5, v4;
	v10 =	vld [tilespmem:s20+$0x300];
	v4 =	vand.u32 $0xF, v9  }
0x14d: {  	v9 =	vshll.u32 v6, $0x10;
	v6 =	vand.u32 $0xFFFF0000, v6;
	v4 =	vbroadcast v4, $0x0  }
0x14e: {  	v7 =	vadd.f32 v9, v7;
	v5 =	vadd.f32 v6, v5  }
0x14f: {  	v6 =	vshll.u32 v8, $0x10;
	v8 =	vand.u32 $0xFFFF0000, v8;
	v9 =	vor.u32 v0, v4  }
0x150: {  	v6 =	vadd.f32 v6, v7;
	v5 =	vadd.f32 v8, v5;
	v7 =	vor.u32 v1, v4  }
0x151: {  	v8 =	vshll.u32 v10, $0x10  }
0x152: {  	v6 =	vadd.f32 v8, v6;
	v8 =	vand.u32 $0xFFFF0000, v10  }
0x153: {  	v5 =	vadd.f32 v8, v5  }
0x154: {  	[tilespmem:v9+s13+$0x0] =	vst.idx.msk $0xffff, v6  }
0x155: {  	[tilespmem:v7+s13+$0x0] =	vst.idx.msk $0xffff, v5  }
0x156: {  	v5 =	vld [tilespmem:s20+$0xFFFFFCF0];
	_ =	sdelay $0x1  }
0x157: {  	v6 =	vld [tilespmem:s20+$0xFFFFFD10];
	_ =	sdelay $0x1  }
0x158: {  	v7 =	vld [tilespmem:s20+$0xFFFFFD30]  }
0x159: {  	v8 =	vshll.u32 v5, $0x10;
	v5 =	vand.u32 $0xFFFF0000, v5  }
0x15a: {  	v8 =	vadd.f32 $0.0e+00, v8;
	v5 =	vadd.f32 $0.0e+00, v5;
	v9 =	vld [tilespmem:s20+$0xFFFFFD50]  }
0x15b: {  	v10 =	vshll.u32 v6, $0x10;
	v6 =	vand.u32 $0xFFFF0000, v6  }
0x15c: {  	v8 =	vadd.f32 v10, v8;
	v5 =	vadd.f32 v6, v5;
	v6 =	vld [tilespmem:s20+$0xFFFFFD70]  }
0x15d: {  	v10 =	vshll.u32 v7, $0x10;
	v7 =	vand.u32 $0xFFFF0000, v7  }
0x15e: {  	v8 =	vadd.f32 v10, v8;
	v5 =	vadd.f32 v7, v5;
	v7 =	vld [tilespmem:s20+$0xFFFFFD90]  }
0x15f: {  	v10 =	vshll.u32 v9, $0x10;
	v9 =	vand.u32 $0xFFFF0000, v9  }
0x160: {  	v8 =	vadd.f32 v10, v8;
	v5 =	vadd.f32 v9, v5;
	v9 =	vld [tilespmem:s20+$0xFFFFFDB0]  }
0x161: {  	v10 =	vshll.u32 v6, $0x10;
	v6 =	vand.u32 $0xFFFF0000, v6  }
0x162: {  	v8 =	vadd.f32 v10, v8;
	v5 =	vadd.f32 v6, v5;
	v6 =	vld [tilespmem:s20+$0xFFFFFDD0]  }
0x163: {  	v10 =	vshll.u32 v7, $0x10;
	v7 =	vand.u32 $0xFFFF0000, v7  }
0x164: {  	v8 =	vadd.f32 v10, v8;
	v5 =	vadd.f32 v7, v5;
	v7 =	vld [tilespmem:s20+$0xFFFFFDF0]  }
0x165: {  	v10 =	vshll.u32 v9, $0x10;
	v9 =	vand.u32 $0xFFFF0000, v9  }
0x166: {  	v8 =	vadd.f32 v10, v8;
	v5 =	vadd.f32 v9, v5;
	v9 =	vld [tilespmem:s20+$0xFFFFFE10]  }
0x167: {  	v10 =	vshll.u32 v6, $0x10;
	v6 =	vand.u32 $0xFFFF0000, v6  }
0x168: {  	v8 =	vadd.f32 v10, v8;
	v5 =	vadd.f32 v6, v5;
	v6 =	vld [tilespmem:s20+$0xFFFFFE30]  }
0x169: {  	v10 =	vshll.u32 v7, $0x10;
	v7 =	vand.u32 $0xFFFF0000, v7  }
0x16a: {  	v8 =	vadd.f32 v10, v8;
	v5 =	vadd.f32 v7, v5;
	v7 =	vld [tilespmem:s20+$0xFFFFFE50]  }
0x16b: {  	v10 =	vshll.u32 v9, $0x10;
	v9 =	vand.u32 $0xFFFF0000, v9  }
0x16c: {  	v8 =	vadd.f32 v10, v8;
	v5 =	vadd.f32 v9, v5;
	v9 =	vld [tilespmem:s20+$0xFFFFFE70]  }
0x16d: {  	v10 =	vshll.u32 v6, $0x10;
	v6 =	vand.u32 $0xFFFF0000, v6  }
0x16e: {  	v8 =	vadd.f32 v10, v8;
	v5 =	vadd.f32 v6, v5;
	v6 =	vld [tilespmem:s20+$0xFFFFFE90]  }
0x16f: {  	v10 =	vshll.u32 v7, $0x10;
	v7 =	vand.u32 $0xFFFF0000, v7  }
0x170: {  	v8 =	vadd.f32 v10, v8;
	v5 =	vadd.f32 v7, v5;
	v7 =	vld [tilespmem:s20+$0xFFFFFEB0]  }
0x171: {  	v10 =	vshll.u32 v9, $0x10;
	v9 =	vand.u32 $0xFFFF0000, v9  }
0x172: {  	v8 =	vadd.f32 v10, v8;
	v5 =	vadd.f32 v9, v5;
	v9 =	vld [tilespmem:s20+$0xFFFFFED0]  }
0x173: {  	v10 =	vshll.u32 v6, $0x10;
	v6 =	vand.u32 $0xFFFF0000, v6  }
0x174: {  	v8 =	vadd.f32 v10, v8;
	v5 =	vadd.f32 v6, v5;
	v6 =	vld [tilespmem:s20+$0xFFFFFEF0]  }
0x175: {  	v10 =	vshll.u32 v7, $0x10;
	v7 =	vand.u32 $0xFFFF0000, v7  }
0x176: {  	v8 =	vadd.f32 v10, v8;
	v5 =	vadd.f32 v7, v5;
	v7 =	vld [tilespmem:s20+$0xFFFFFF10]  }
0x177: {  	v10 =	vshll.u32 v9, $0x10;
	v9 =	vand.u32 $0xFFFF0000, v9  }
0x178: {  	v8 =	vadd.f32 v10, v8;
	v5 =	vadd.f32 v9, v5;
	v9 =	vld [tilespmem:s20+$0xFFFFFF30]  }
0x179: {  	v10 =	vshll.u32 v6, $0x10;
	v6 =	vand.u32 $0xFFFF0000, v6  }
0x17a: {  	v8 =	vadd.f32 v10, v8;
	v5 =	vadd.f32 v6, v5;
	v6 =	vld [tilespmem:s20+$0xFFFFFF50]  }
0x17b: {  	v10 =	vshll.u32 v7, $0x10;
	v7 =	vand.u32 $0xFFFF0000, v7  }
0x17c: {  	v8 =	vadd.f32 v10, v8;
	v5 =	vadd.f32 v7, v5;
	v7 =	vld [tilespmem:s20+$0xFFFFFF70]  }
0x17d: {  	v10 =	vshll.u32 v9, $0x10;
	v9 =	vand.u32 $0xFFFF0000, v9  }
0x17e: {  	v8 =	vadd.f32 v10, v8;
	v5 =	vadd.f32 v9, v5;
	v9 =	vld [tilespmem:s20+$0xFFFFFF90]  }
0x17f: {  	v10 =	vshll.u32 v6, $0x10;
	v6 =	vand.u32 $0xFFFF0000, v6  }
0x180: {  	v8 =	vadd.f32 v10, v8;
	v5 =	vadd.f32 v6, v5;
	v6 =	vld [tilespmem:s20+$0xFFFFFFB0]  }
0x181: {  	v10 =	vshll.u32 v7, $0x10;
	v7 =	vand.u32 $0xFFFF0000, v7  }
0x182: {  	v8 =	vadd.f32 v10, v8;
	v5 =	vadd.f32 v7, v5;
	v7 =	vld [tilespmem:s20+$0xFFFFFFD0]  }
0x183: {  	v10 =	vshll.u32 v9, $0x10;
	v9 =	vand.u32 $0xFFFF0000, v9  }
0x184: {  	v8 =	vadd.f32 v10, v8;
	v5 =	vadd.f32 v9, v5;
	v9 =	vld [tilespmem:s20+$0xFFFFFFF0]  }
0x185: {  	v10 =	vshll.u32 v6, $0x10;
	v6 =	vand.u32 $0xFFFF0000, v6  }
0x186: {  	v8 =	vadd.f32 v10, v8;
	v5 =	vadd.f32 v6, v5;
	v6 =	vld [tilespmem:s20+$0x10]  }
0x187: {  	v10 =	vshll.u32 v7, $0x10;
	v7 =	vand.u32 $0xFFFF0000, v7  }
0x188: {  	v8 =	vadd.f32 v10, v8;
	v5 =	vadd.f32 v7, v5;
	v7 =	vld [tilespmem:s20+$0x30]  }
0x189: {  	v10 =	vshll.u32 v9, $0x10;
	v9 =	vand.u32 $0xFFFF0000, v9  }
0x18a: {  	v8 =	vadd.f32 v10, v8;
	v5 =	vadd.f32 v9, v5;
	v9 =	vld [tilespmem:s20+$0x50]  }
0x18b: {  	v10 =	vshll.u32 v6, $0x10;
	v6 =	vand.u32 $0xFFFF0000, v6  }
0x18c: {  	v8 =	vadd.f32 v10, v8;
	v5 =	vadd.f32 v6, v5;
	v6 =	vld [tilespmem:s20+$0x70]  }
0x18d: {  	v10 =	vshll.u32 v7, $0x10;
	v7 =	vand.u32 $0xFFFF0000, v7  }
0x18e: {  	v8 =	vadd.f32 v10, v8;
	v5 =	vadd.f32 v7, v5;
	v7 =	vld [tilespmem:s20+$0x90]  }
0x18f: {  	v10 =	vshll.u32 v9, $0x10;
	v9 =	vand.u32 $0xFFFF0000, v9  }
0x190: {  	v8 =	vadd.f32 v10, v8;
	v5 =	vadd.f32 v9, v5;
	v9 =	vld [tilespmem:s20+$0xB0]  }
0x191: {  	v10 =	vshll.u32 v6, $0x10;
	v6 =	vand.u32 $0xFFFF0000, v6  }
0x192: {  	v8 =	vadd.f32 v10, v8;
	v5 =	vadd.f32 v6, v5;
	v6 =	vld [tilespmem:s20+$0xD0]  }
0x193: {  	v10 =	vshll.u32 v7, $0x10;
	v7 =	vand.u32 $0xFFFF0000, v7  }
0x194: {  	v8 =	vadd.f32 v10, v8;
	v5 =	vadd.f32 v7, v5;
	v7 =	vld [tilespmem:s20+$0xF0]  }
0x195: {  	v10 =	vshll.u32 v9, $0x10;
	v9 =	vand.u32 $0xFFFF0000, v9  }
0x196: {  	v8 =	vadd.f32 v10, v8;
	v5 =	vadd.f32 v9, v5;
	v9 =	vld [tilespmem:s20+$0x110]  }
0x197: {  	v10 =	vshll.u32 v6, $0x10;
	v6 =	vand.u32 $0xFFFF0000, v6  }
0x198: {  	v8 =	vadd.f32 v10, v8;
	v5 =	vadd.f32 v6, v5;
	v6 =	vld [tilespmem:s20+$0x130]  }
0x199: {  	v10 =	vshll.u32 v7, $0x10;
	v7 =	vand.u32 $0xFFFF0000, v7  }
0x19a: {  	v8 =	vadd.f32 v10, v8;
	v5 =	vadd.f32 v7, v5;
	v7 =	vld [tilespmem:s20+$0x150]  }
0x19b: {  	v10 =	vshll.u32 v9, $0x10;
	v9 =	vand.u32 $0xFFFF0000, v9  }
0x19c: {  	v8 =	vadd.f32 v10, v8;
	v5 =	vadd.f32 v9, v5;
	v9 =	vld [tilespmem:s20+$0x170]  }
0x19d: {  	v10 =	vshll.u32 v6, $0x10;
	v6 =	vand.u32 $0xFFFF0000, v6  }
0x19e: {  	v8 =	vadd.f32 v10, v8;
	v5 =	vadd.f32 v6, v5;
	v6 =	vld [tilespmem:s20+$0x190]  }
0x19f: {  	v10 =	vshll.u32 v7, $0x10;
	v7 =	vand.u32 $0xFFFF0000, v7  }
0x1a0: {  	v8 =	vadd.f32 v10, v8;
	v5 =	vadd.f32 v7, v5;
	v7 =	vld [tilespmem:s20+$0x1B0]  }
0x1a1: {  	v10 =	vshll.u32 v9, $0x10;
	v9 =	vand.u32 $0xFFFF0000, v9  }
0x1a2: {  	v8 =	vadd.f32 v10, v8;
	v5 =	vadd.f32 v9, v5;
	v9 =	vld [tilespmem:s20+$0x1D0]  }
0x1a3: {  	v10 =	vshll.u32 v6, $0x10;
	v6 =	vand.u32 $0xFFFF0000, v6  }
0x1a4: {  	v8 =	vadd.f32 v10, v8;
	v5 =	vadd.f32 v6, v5;
	v6 =	vld [tilespmem:s20+$0x1F0]  }
0x1a5: {  	v10 =	vshll.u32 v7, $0x10;
	v7 =	vand.u32 $0xFFFF0000, v7  }
0x1a6: {  	v8 =	vadd.f32 v10, v8;
	v5 =	vadd.f32 v7, v5;
	v7 =	vld [tilespmem:s20+$0x210]  }
0x1a7: {  	v10 =	vshll.u32 v9, $0x10;
	v9 =	vand.u32 $0xFFFF0000, v9  }
0x1a8: {  	v8 =	vadd.f32 v10, v8;
	v5 =	vadd.f32 v9, v5;
	v9 =	vld [tilespmem:s20+$0x230]  }
0x1a9: {  	v10 =	vshll.u32 v6, $0x10;
	v6 =	vand.u32 $0xFFFF0000, v6  }
0x1aa: {  	v8 =	vadd.f32 v10, v8;
	v5 =	vadd.f32 v6, v5;
	v6 =	vld [tilespmem:s20+$0x250]  }
0x1ab: {  	v10 =	vshll.u32 v7, $0x10;
	v7 =	vand.u32 $0xFFFF0000, v7  }
0x1ac: {  	v8 =	vadd.f32 v10, v8;
	v5 =	vadd.f32 v7, v5;
	v7 =	vld [tilespmem:s20+$0x270]  }
0x1ad: {  	v10 =	vshll.u32 v9, $0x10;
	v9 =	vand.u32 $0xFFFF0000, v9  }
0x1ae: {  	v8 =	vadd.f32 v10, v8;
	v5 =	vadd.f32 v9, v5;
	v9 =	vld [tilespmem:s20+$0x290]  }
0x1af: {  	v10 =	vshll.u32 v6, $0x10;
	v6 =	vand.u32 $0xFFFF0000, v6  }
0x1b0: {  	v8 =	vadd.f32 v10, v8;
	v5 =	vadd.f32 v6, v5;
	v6 =	vld [tilespmem:s20+$0x2B0]  }
0x1b1: {  	v10 =	vshll.u32 v7, $0x10;
	v7 =	vand.u32 $0xFFFF0000, v7  }
0x1b2: {  	v8 =	vadd.f32 v10, v8;
	v5 =	vadd.f32 v7, v5;
	v7 =	vld [tilespmem:s20+$0x2D0]  }
0x1b3: {  	v10 =	vshll.u32 v9, $0x10;
	v9 =	vand.u32 $0xFFFF0000, v9  }
0x1b4: {  	v8 =	vadd.f32 v10, v8;
	v5 =	vadd.f32 v9, v5;
	v9 =	vld [tilespmem:s20+$0x2F0]  }
0x1b5: {  	v10 =	vshll.u32 v6, $0x10;
	v6 =	vand.u32 $0xFFFF0000, v6  }
0x1b6: {  	v8 =	vadd.f32 v10, v8;
	v5 =	vadd.f32 v6, v5;
	v6 =	vld [tilespmem:s20+$0x310]  }
0x1b7: {  	v10 =	vshll.u32 v7, $0x10;
	v7 =	vand.u32 $0xFFFF0000, v7  }
0x1b8: {  	v8 =	vadd.f32 v10, v8;
	v5 =	vadd.f32 v7, v5  }
0x1b9: {  	v10 =	vor.u32 v2, v4;
	v7 =	vshll.u32 v9, $0x10;
	v9 =	vand.u32 $0xFFFF0000, v9  }
.Ltmp0:
0x1ba: {  	v4 =	vor.u32 v3, v4;
	v7 =	vadd.f32 v7, v8;
	v5 =	vadd.f32 v9, v5;
	(pc) =	sbr.rel @p0 .LBB2_3-.Ltmp0, $4  }
0x1bb: {  	v8 =	vshll.u32 v6, $0x10  }
0x1bc: {  	v6 =	vand.u32 $0xFFFF0000, v6;
	v7 =	vadd.f32 v8, v7  }
0x1bd: {  	v5 =	vadd.f32 v6, v5  }
0x1be: {  	[tilespmem:v10+s13+$0x0] =	vst.idx.msk $0xffff, v7  }
0x1bf: {  	_ = 	snop  }
0x1c0: {  	s20 =	sshll.u32 s18, $0x5  }
0x1c1: {  	s20 =	sadd.s32 s5, s20  }
0x1c2: {  	s20 =	sshrl.u32 s20, $0x3  }
0x1c3: {  	[tilespmem:v4+s13+$0x0] =	vst.idx.msk $0xffff, v5;
	s20 =	sadd.s32 s4, s20  }
0x1c4: {  	[hbm4b:s20+s14] =	stream.strided.scatter [tilespmem:s13], [sflag:$0x3], $0x400, s15, s14, $0x38;
	[tilespmem:$0x13000] =	vst v63  }
0x1c5: {  	_ =	swait.ge [sflag:s8], $0x400  }
0x1c6: {  	s30 =	smin.u32 s21, $0x1D;
	[sflag:s8] =	ssyncset.done $0x0  }
0x1c7: {  	s20 =	smul.u32 $0xC80, s30;
	[sflag:s8] =	ssyncadd.s32 $0xFFFFFC00  }
0x1c8: {  	_ =	swait.ge [sflag:s16], $0x6400  }
0x1c9: {  	s20 =	sshrl.u32 s20, $0x2;
	[sflag:s16] =	ssyncset.done $0x0  }
0x1ca: {  	s20 =	sadd.s32 $0x640, s20;
	[sflag:s16] =	ssyncadd.s32 $0xFFFF9C00  }
0x1cb: {  	[tilespmem:s10], [sflag:$0x1] =	stream.indirect.gather [hbm4b:s2+s9], $0x20, s20, s9, $0xb8;
	[tilespmem:$0x13000] =	vst v63  }
0x1cc: {  	s20 =	simm.s32 $0xCB20  }
0x1cd: {  	v4 =	vld [tilespmem:s20+$0xFFFFFCE0];
	_ =	sdelay $0x1  }
0x1ce: {  	v5 =	vld [tilespmem:s20+$0xFFFFFD00];
	_ =	sdelay $0x1  }
0x1cf: {  	v6 =	vld [tilespmem:s20+$0xFFFFFD20]  }
0x1d0: {  	v7 =	vshll.u32 v4, $0x10  }
0x1d1: {  	v8 =	vld [tilespmem:s20+$0xFFFFFD40];
	v4 =	vand.u32 $0xFFFF0000, v4;
	v7 =	vadd.f32 $0.0e+00, v7  }
0x1d2: {  	v9 =	vshll.u32 v5, $0x10;
	v4 =	vadd.f32 $0.0e+00, v4  }
0x1d3: {  	v32 =	vld [tilespmem:s20+$0xFFFFFD60];
	v5 =	vand.u32 $0xFFFF0000, v5;
	v7 =	vadd.f32 v9, v7  }
0x1d4: {  	v4 =	vadd.f32 v5, v4;
	v5 =	vshll.u32 v6, $0x10  }
0x1d5: {  	v6 =	vand.u32 $0xFFFF0000, v6;
	v5 =	vadd.f32 v5, v7;
	v7 =	vld [tilespmem:s20+$0xFFFFFD80]  }
0x1d6: {  	v4 =	vadd.f32 v6, v4;
	v6 =	vshll.u32 v8, $0x10  }
0x1d7: {  	v8 =	vand.u32 $0xFFFF0000, v8;
	v5 =	vadd.f32 v6, v5;
	v6 =	vld [tilespmem:s20+$0xFFFFFDA0]  }
0x1d8: {  	v33 =	vshll.u32 v32, $0x10;
	v4 =	vadd.f32 v8, v4  }
0x1d9: {  	v34 =	vld [tilespmem:s20+$0xFFFFFDC0];
	v9 =	vand.u32 $0xFFFF0000, v32;
	v5 =	vadd.f32 v33, v5  }
0x1da: {  	v4 =	vadd.f32 v9, v4;
	v35 =	vshll.u32 v7, $0x10  }
0x1db: {  	v36 =	vld [tilespmem:s20+$0xFFFFFDE0];
	v7 =	vand.u32 $0xFFFF0000, v7;
	v5 =	vadd.f32 v35, v5  }
0x1dc: {  	v4 =	vadd.f32 v7, v4;
	v7 =	vshll.u32 v6, $0x10  }
0x1dd: {  	v6 =	vand.u32 $0xFFFF0000, v6;
	v5 =	vadd.f32 v7, v5;
	v7 =	vld [tilespmem:s20+$0xFFFFFE00]  }
0x1de: {  	v4 =	vadd.f32 v6, v4;
	v6 =	vshll.u32 v34, $0x10  }
0x1df: {  	v8 =	vand.u32 $0xFFFF0000, v34;
	v5 =	vadd.f32 v6, v5;
	v6 =	vld [tilespmem:s20+$0xFFFFFE20]  }
0x1e0: {  	v37 =	vshll.u32 v36, $0x10;
	v4 =	vadd.f32 v8, v4  }
0x1e1: {  	v38 =	vld [tilespmem:s20+$0xFFFFFE40];
	v9 =	vand.u32 $0xFFFF0000, v36;
	v5 =	vadd.f32 v37, v5  }
0x1e2: {  	v4 =	vadd.f32 v9, v4;
	v39 =	vshll.u32 v7, $0x10  }
0x1e3: {  	v40 =	vld [tilespmem:s20+$0xFFFFFE60];
	v7 =	vand.u32 $0xFFFF0000, v7;
	v5 =	vadd.f32 v39, v5  }
0x1e4: {  	v4 =	vadd.f32 v7, v4;
	v7 =	vshll.u32 v6, $0x10  }
0x1e5: {  	v6 =	vand.u32 $0xFFFF0000, v6;
	v5 =	vadd.f32 v7, v5;
	v7 =	vld [tilespmem:s20+$0xFFFFFE80]  }
0x1e6: {  	v4 =	vadd.f32 v6, v4;
	v6 =	vshll.u32 v38, $0x10  }
0x1e7: {  	v8 =	vand.u32 $0xFFFF0000, v38;
	v5 =	vadd.f32 v6, v5;
	v6 =	vld [tilespmem:s20+$0xFFFFFEA0]  }
0x1e8: {  	v41 =	vshll.u32 v40, $0x10;
	v4 =	vadd.f32 v8, v4  }
0x1e9: {  	v42 =	vld [tilespmem:s20+$0xFFFFFEC0];
	v9 =	vand.u32 $0xFFFF0000, v40;
	v5 =	vadd.f32 v41, v5  }
0x1ea: {  	v4 =	vadd.f32 v9, v4;
	v43 =	vshll.u32 v7, $0x10  }
0x1eb: {  	v44 =	vld [tilespmem:s20+$0xFFFFFEE0];
	v7 =	vand.u32 $0xFFFF0000, v7;
	v5 =	vadd.f32 v43, v5  }
0x1ec: {  	v4 =	vadd.f32 v7, v4;
	v7 =	vshll.u32 v6, $0x10  }
0x1ed: {  	v6 =	vand.u32 $0xFFFF0000, v6;
	v5 =	vadd.f32 v7, v5;
	v7 =	vld [tilespmem:s20+$0xFFFFFF00]  }
0x1ee: {  	v4 =	vadd.f32 v6, v4;
	v6 =	vshll.u32 v42, $0x10  }
0x1ef: {  	v8 =	vand.u32 $0xFFFF0000, v42;
	v5 =	vadd.f32 v6, v5;
	v6 =	vld [tilespmem:s20+$0xFFFFFF20]  }
0x1f0: {  	v45 =	vshll.u32 v44, $0x10;
	v4 =	vadd.f32 v8, v4  }
0x1f1: {  	v46 =	vld [tilespmem:s20+$0xFFFFFF40];
	v9 =	vand.u32 $0xFFFF0000, v44;
	v5 =	vadd.f32 v45, v5  }
0x1f2: {  	v4 =	vadd.f32 v9, v4;
	v47 =	vshll.u32 v7, $0x10  }
0x1f3: {  	v48 =	vld [tilespmem:s20+$0xFFFFFF60];
	v7 =	vand.u32 $0xFFFF0000, v7;
	v5 =	vadd.f32 v47, v5  }
0x1f4: {  	v4 =	vadd.f32 v7, v4;
	v7 =	vshll.u32 v6, $0x10  }
0x1f5: {  	v6 =	vand.u32 $0xFFFF0000, v6;
	v5 =	vadd.f32 v7, v5;
	v7 =	vld [tilespmem:s20+$0xFFFFFF80]  }
0x1f6: {  	v4 =	vadd.f32 v6, v4;
	v6 =	vshll.u32 v46, $0x10  }
0x1f7: {  	v8 =	vand.u32 $0xFFFF0000, v46;
	v5 =	vadd.f32 v6, v5;
	v6 =	vld [tilespmem:s20+$0xFFFFFFA0]  }
0x1f8: {  	v49 =	vshll.u32 v48, $0x10;
	v4 =	vadd.f32 v8, v4  }
0x1f9: {  	v50 =	vld [tilespmem:s20+$0xFFFFFFC0];
	v9 =	vand.u32 $0xFFFF0000, v48;
	v5 =	vadd.f32 v49, v5  }
0x1fa: {  	v4 =	vadd.f32 v9, v4;
	v51 =	vshll.u32 v7, $0x10  }
0x1fb: {  	v52 =	vld [tilespmem:s20+$0xFFFFFFE0];
	v7 =	vand.u32 $0xFFFF0000, v7;
	v5 =	vadd.f32 v51, v5  }
0x1fc: {  	v4 =	vadd.f32 v7, v4;
	v7 =	vshll.u32 v6, $0x10  }
0x1fd: {  	v6 =	vand.u32 $0xFFFF0000, v6;
	v5 =	vadd.f32 v7, v5;
	v7 =	vld [tilespmem:s20+$0x0]  }
0x1fe: {  	v4 =	vadd.f32 v6, v4;
	v6 =	vshll.u32 v50, $0x10  }
0x1ff: {  	v8 =	vand.u32 $0xFFFF0000, v50;
	v5 =	vadd.f32 v6, v5;
	v6 =	vld [tilespmem:s20+$0x20]  }
0x200: {  	v53 =	vshll.u32 v52, $0x10;
	v4 =	vadd.f32 v8, v4  }
0x201: {  	v54 =	vld [tilespmem:s20+$0x40];
	v9 =	vand.u32 $0xFFFF0000, v52;
	v5 =	vadd.f32 v53, v5  }
0x202: {  	v4 =	vadd.f32 v9, v4;
	v55 =	vshll.u32 v7, $0x10  }
0x203: {  	v56 =	vld [tilespmem:s20+$0x60];
	v7 =	vand.u32 $0xFFFF0000, v7;
	v5 =	vadd.f32 v55, v5  }
0x204: {  	v4 =	vadd.f32 v7, v4;
	v7 =	vshll.u32 v6, $0x10  }
0x205: {  	v6 =	vand.u32 $0xFFFF0000, v6;
	v5 =	vadd.f32 v7, v5;
	v7 =	vld [tilespmem:s20+$0x80]  }
0x206: {  	v4 =	vadd.f32 v6, v4;
	v6 =	vshll.u32 v54, $0x10  }
0x207: {  	v8 =	vand.u32 $0xFFFF0000, v54;
	v5 =	vadd.f32 v6, v5;
	v6 =	vld [tilespmem:s20+$0xA0]  }
0x208: {  	v57 =	vshll.u32 v56, $0x10;
	v4 =	vadd.f32 v8, v4  }
0x209: {  	v58 =	vld [tilespmem:s20+$0xC0];
	v9 =	vand.u32 $0xFFFF0000, v56;
	v5 =	vadd.f32 v57, v5  }
0x20a: {  	v4 =	vadd.f32 v9, v4;
	v59 =	vshll.u32 v7, $0x10  }
0x20b: {  	v60 =	vld [tilespmem:s20+$0xE0];
	v7 =	vand.u32 $0xFFFF0000, v7;
	v5 =	vadd.f32 v59, v5  }
0x20c: {  	v4 =	vadd.f32 v7, v4;
	v7 =	vshll.u32 v6, $0x10  }
0x20d: {  	v6 =	vand.u32 $0xFFFF0000, v6;
	v5 =	vadd.f32 v7, v5;
	v7 =	vld [tilespmem:s20+$0x100]  }
0x20e: {  	v4 =	vadd.f32 v6, v4;
	v6 =	vshll.u32 v58, $0x10  }
0x20f: {  	v8 =	vand.u32 $0xFFFF0000, v58;
	v5 =	vadd.f32 v6, v5;
	v6 =	vld [tilespmem:s20+$0x120]  }
0x210: {  	v61 =	vshll.u32 v60, $0x10;
	v4 =	vadd.f32 v8, v4  }
0x211: {  	v62 =	vld [tilespmem:s20+$0x140];
	v9 =	vand.u32 $0xFFFF0000, v60;
	v5 =	vadd.f32 v61, v5  }
0x212: {  	v4 =	vadd.f32 v9, v4;
	v63 =	vshll.u32 v7, $0x10  }
0x213: {  	v12 =	vld [tilespmem:s20+$0x160];
	v7 =	vand.u32 $0xFFFF0000, v7;
	v5 =	vadd.f32 v63, v5  }
0x214: {  	v4 =	vadd.f32 v7, v4;
	v7 =	vshll.u32 v6, $0x10  }
0x215: {  	v6 =	vand.u32 $0xFFFF0000, v6;
	v5 =	vadd.f32 v7, v5;
	v7 =	vld [tilespmem:s20+$0x180]  }
0x216: {  	v4 =	vadd.f32 v6, v4;
	v6 =	vshll.u32 v62, $0x10  }
0x217: {  	v8 =	vand.u32 $0xFFFF0000, v62;
	v5 =	vadd.f32 v6, v5;
	v6 =	vld [tilespmem:s20+$0x1A0]  }
0x218: {  	v13 =	vshll.u32 v12, $0x10;
	v4 =	vadd.f32 v8, v4  }
0x219: {  	v14 =	vld [tilespmem:s20+$0x1C0];
	v9 =	vand.u32 $0xFFFF0000, v12;
	v5 =	vadd.f32 v13, v5  }
0x21a: {  	v4 =	vadd.f32 v9, v4;
	v15 =	vshll.u32 v7, $0x10  }
0x21b: {  	v16 =	vld [tilespmem:s20+$0x1E0];
	v7 =	vand.u32 $0xFFFF0000, v7;
	v5 =	vadd.f32 v15, v5  }
0x21c: {  	v4 =	vadd.f32 v7, v4;
	v7 =	vshll.u32 v6, $0x10  }
0x21d: {  	v6 =	vand.u32 $0xFFFF0000, v6;
	v5 =	vadd.f32 v7, v5;
	v7 =	vld [tilespmem:s20+$0x200]  }
0x21e: {  	v4 =	vadd.f32 v6, v4;
	v6 =	vshll.u32 v14, $0x10  }
0x21f: {  	v8 =	vand.u32 $0xFFFF0000, v14;
	v5 =	vadd.f32 v6, v5;
	v6 =	vld [tilespmem:s20+$0x220]  }
0x220: {  	v17 =	vshll.u32 v16, $0x10;
	v4 =	vadd.f32 v8, v4  }
0x221: {  	v18 =	vld [tilespmem:s20+$0x240];
	v9 =	vand.u32 $0xFFFF0000, v16;
	v5 =	vadd.f32 v17, v5  }
0x222: {  	v4 =	vadd.f32 v9, v4;
	v19 =	vshll.u32 v7, $0x10  }
0x223: {  	v20 =	vld [tilespmem:s20+$0x260];
	v7 =	vand.u32 $0xFFFF0000, v7;
	v5 =	vadd.f32 v19, v5  }
0x224: {  	v4 =	vadd.f32 v7, v4;
	v7 =	vshll.u32 v6, $0x10  }
0x225: {  	v6 =	vand.u32 $0xFFFF0000, v6;
	v5 =	vadd.f32 v7, v5;
	v7 =	vld [tilespmem:s20+$0x280]  }
0x226: {  	v4 =	vadd.f32 v6, v4;
	v6 =	vshll.u32 v18, $0x10  }
0x227: {  	v8 =	vand.u32 $0xFFFF0000, v18;
	v5 =	vadd.f32 v6, v5;
	v6 =	vld [tilespmem:s20+$0x2A0]  }
0x228: {  	v21 =	vshll.u32 v20, $0x10;
	v4 =	vadd.f32 v8, v4  }
0x229: {  	v22 =	vld [tilespmem:s20+$0x2C0];
	v9 =	vand.u32 $0xFFFF0000, v20;
	v5 =	vadd.f32 v21, v5  }
0x22a: {  	v4 =	vadd.f32 v9, v4;
	v23 =	vshll.u32 v7, $0x10  }
0x22b: {  	s31 =	simm.s32 $0x0;
	v24 =	vld [tilespmem:s20+$0x2E0];
	v7 =	vand.u32 $0xFFFF0000, v7;
	v5 =	vadd.f32 v23, v5  }
0x22c: {  	v4 =	vadd.f32 v7, v4;
	v7 =	vmov s31;
	v10 =	vshll.u32 v6, $0x10  }
0x22d: {  	v25 =	vld [tilespmem:s20+$0x300];
	v6 =	vand.u32 $0xFFFF0000, v6;
	v7 =	vand.u32 $0xF, v7;
	v5 =	vadd.f32 v10, v5  }
0x22e: {  	v11 =	vshll.u32 v22, $0x10;
	v6 =	vadd.f32 v6, v4;
	v4 =	vbroadcast v7, $0x0  }
0x22f: {  	v7 =	vand.u32 $0xFFFF0000, v22;
	v5 =	vadd.f32 v11, v5  }
0x230: {  	v6 =	vadd.f32 v7, v6;
	v7 =	vshll.u32 v24, $0x10;
	v26 =	vor.u32 v0, v4  }
0x231: {  	v9 =	vand.u32 $0xFFFF0000, v24;
	v5 =	vadd.f32 v7, v5;
	v7 =	vor.u32 v1, v4  }
0x232: {  	v27 =	vshll.u32 v25, $0x10;
	v6 =	vadd.f32 v9, v6  }
0x233: {  	v28 =	vand.u32 $0xFFFF0000, v25;
	v5 =	vadd.f32 v27, v5  }
0x234: {  	v6 =	vadd.f32 v28, v6  }
0x235: {  	[tilespmem:v26+s13+$0x0] =	vst.idx.msk $0xffff, v5  }
0x236: {  	[tilespmem:v7+s13+$0x0] =	vst.idx.msk $0xffff, v6  }
0x237: {  	v5 =	vld [tilespmem:s20+$0xFFFFFCF0];
	_ =	sdelay $0x1  }
0x238: {  	v6 =	vld [tilespmem:s20+$0xFFFFFD10];
	_ =	sdelay $0x1  }
0x239: {  	v7 =	vld [tilespmem:s20+$0xFFFFFD30]  }
0x23a: {  	v29 =	vshll.u32 v5, $0x10  }
0x23b: {  	v30 =	vld [tilespmem:s20+$0xFFFFFD50];
	v8 =	vadd.f32 $0.0e+00, v29  }
0x23c: {  	v5 =	vand.u32 $0xFFFF0000, v5;
	v31 =	vshll.u32 v6, $0x10  }
0x23d: {  	v32 =	vld [tilespmem:s20+$0xFFFFFD70];
	v5 =	vadd.f32 $0.0e+00, v5;
	v8 =	vadd.f32 v31, v8  }
0x23e: {  	v6 =	vand.u32 $0xFFFF0000, v6;
	v33 =	vshll.u32 v7, $0x10  }
0x23f: {  	v34 =	vld [tilespmem:s20+$0xFFFFFD90];
	v5 =	vadd.f32 v6, v5;
	v6 =	vadd.f32 v33, v8  }
0x240: {  	v7 =	vand.u32 $0xFFFF0000, v7;
	v35 =	vshll.u32 v30, $0x10  }
0x241: {  	v5 =	vadd.f32 v7, v5;
	v7 =	vld [tilespmem:s20+$0xFFFFFDB0];
	v6 =	vadd.f32 v35, v6  }
0x242: {  	v9 =	vand.u32 $0xFFFF0000, v30;
	v36 =	vshll.u32 v32, $0x10  }
0x243: {  	v37 =	vld [tilespmem:s20+$0xFFFFFDD0];
	v5 =	vadd.f32 v9, v5;
	v6 =	vadd.f32 v36, v6  }
0x244: {  	v10 =	vand.u32 $0xFFFF0000, v32;
	v38 =	vshll.u32 v34, $0x10  }
0x245: {  	v39 =	vld [tilespmem:s20+$0xFFFFFDF0];
	v5 =	vadd.f32 v10, v5;
	v6 =	vadd.f32 v38, v6  }
0x246: {  	v8 =	vand.u32 $0xFFFF0000, v34;
	v40 =	vshll.u32 v7, $0x10  }
0x247: {  	v41 =	vld [tilespmem:s20+$0xFFFFFE10];
	v5 =	vadd.f32 v8, v5;
	v6 =	vadd.f32 v40, v6  }
0x248: {  	v42 =	vshll.u32 v37, $0x10;
	v7 =	vand.u32 $0xFFFF0000, v7  }
0x249: {  	v5 =	vadd.f32 v7, v5;
	v7 =	vld [tilespmem:s20+$0xFFFFFE30];
	v6 =	vadd.f32 v42, v6  }
0x24a: {  	v43 =	vshll.u32 v39, $0x10;
	v9 =	vand.u32 $0xFFFF0000, v37  }
0x24b: {  	v44 =	vld [tilespmem:s20+$0xFFFFFE50];
	v5 =	vadd.f32 v9, v5;
	v6 =	vadd.f32 v43, v6  }
0x24c: {  	v45 =	vshll.u32 v41, $0x10;
	v10 =	vand.u32 $0xFFFF0000, v39  }
0x24d: {  	v46 =	vld [tilespmem:s20+$0xFFFFFE70];
	v5 =	vadd.f32 v10, v5;
	v6 =	vadd.f32 v45, v6  }
0x24e: {  	v8 =	vand.u32 $0xFFFF0000, v41;
	v47 =	vshll.u32 v7, $0x10  }
0x24f: {  	v48 =	vld [tilespmem:s20+$0xFFFFFE90];
	v5 =	vadd.f32 v8, v5;
	v6 =	vadd.f32 v47, v6  }
0x250: {  	v49 =	vshll.u32 v44, $0x10;
	v7 =	vand.u32 $0xFFFF0000, v7  }
0x251: {  	v5 =	vadd.f32 v7, v5;
	v7 =	vld [tilespmem:s20+$0xFFFFFEB0];
	v6 =	vadd.f32 v49, v6  }
0x252: {  	v50 =	vshll.u32 v46, $0x10;
	v9 =	vand.u32 $0xFFFF0000, v44  }
0x253: {  	v51 =	vld [tilespmem:s20+$0xFFFFFED0];
	v5 =	vadd.f32 v9, v5;
	v6 =	vadd.f32 v50, v6  }
0x254: {  	v52 =	vshll.u32 v48, $0x10;
	v10 =	vand.u32 $0xFFFF0000, v46  }
0x255: {  	v53 =	vld [tilespmem:s20+$0xFFFFFEF0];
	v5 =	vadd.f32 v10, v5;
	v6 =	vadd.f32 v52, v6  }
0x256: {  	v8 =	vand.u32 $0xFFFF0000, v48;
	v54 =	vshll.u32 v7, $0x10  }
0x257: {  	v55 =	vld [tilespmem:s20+$0xFFFFFF10];
	v5 =	vadd.f32 v8, v5;
	v6 =	vadd.f32 v54, v6  }
0x258: {  	v56 =	vshll.u32 v51, $0x10;
	v7 =	vand.u32 $0xFFFF0000, v7  }
0x259: {  	v5 =	vadd.f32 v7, v5;
	v7 =	vld [tilespmem:s20+$0xFFFFFF30];
	v6 =	vadd.f32 v56, v6  }
0x25a: {  	v57 =	vshll.u32 v53, $0x10;
	v9 =	vand.u32 $0xFFFF0000, v51  }
0x25b: {  	v58 =	vld [tilespmem:s20+$0xFFFFFF50];
	v5 =	vadd.f32 v9, v5;
	v6 =	vadd.f32 v57, v6  }
0x25c: {  	v59 =	vshll.u32 v55, $0x10;
	v10 =	vand.u32 $0xFFFF0000, v53  }
0x25d: {  	v60 =	vld [tilespmem:s20+$0xFFFFFF70];
	v5 =	vadd.f32 v10, v5;
	v6 =	vadd.f32 v59, v6  }
0x25e: {  	v8 =	vand.u32 $0xFFFF0000, v55;
	v61 =	vshll.u32 v7, $0x10  }
0x25f: {  	v62 =	vld [tilespmem:s20+$0xFFFFFF90];
	v5 =	vadd.f32 v8, v5;
	v6 =	vadd.f32 v61, v6  }
0x260: {  	v63 =	vshll.u32 v58, $0x10;
	v7 =	vand.u32 $0xFFFF0000, v7  }
0x261: {  	v5 =	vadd.f32 v7, v5;
	v7 =	vld [tilespmem:s20+$0xFFFFFFB0];
	v6 =	vadd.f32 v63, v6  }
0x262: {  	v12 =	vshll.u32 v60, $0x10;
	v9 =	vand.u32 $0xFFFF0000, v58  }
0x263: {  	v13 =	vld [tilespmem:s20+$0xFFFFFFD0];
	v5 =	vadd.f32 v9, v5;
	v6 =	vadd.f32 v12, v6  }
0x264: {  	v14 =	vshll.u32 v62, $0x10;
	v10 =	vand.u32 $0xFFFF0000, v60  }
0x265: {  	v15 =	vld [tilespmem:s20+$0xFFFFFFF0];
	v5 =	vadd.f32 v10, v5;
	v6 =	vadd.f32 v14, v6  }
0x266: {  	v8 =	vand.u32 $0xFFFF0000, v62;
	v16 =	vshll.u32 v7, $0x10  }
0x267: {  	v17 =	vld [tilespmem:s20+$0x10];
	v5 =	vadd.f32 v8, v5;
	v6 =	vadd.f32 v16, v6  }
0x268: {  	v18 =	vshll.u32 v13, $0x10;
	v7 =	vand.u32 $0xFFFF0000, v7  }
0x269: {  	v5 =	vadd.f32 v7, v5;
	v7 =	vld [tilespmem:s20+$0x30];
	v6 =	vadd.f32 v18, v6  }
0x26a: {  	v19 =	vshll.u32 v15, $0x10;
	v9 =	vand.u32 $0xFFFF0000, v13  }
0x26b: {  	v20 =	vld [tilespmem:s20+$0x50];
	v5 =	vadd.f32 v9, v5;
	v6 =	vadd.f32 v19, v6  }
0x26c: {  	v21 =	vshll.u32 v17, $0x10;
	v10 =	vand.u32 $0xFFFF0000, v15  }
0x26d: {  	v22 =	vld [tilespmem:s20+$0x70];
	v5 =	vadd.f32 v10, v5;
	v6 =	vadd.f32 v21, v6  }
0x26e: {  	v8 =	vand.u32 $0xFFFF0000, v17;
	v23 =	vshll.u32 v7, $0x10  }
0x26f: {  	v24 =	vld [tilespmem:s20+$0x90];
	v5 =	vadd.f32 v8, v5;
	v6 =	vadd.f32 v23, v6  }
0x270: {  	v25 =	vshll.u32 v20, $0x10;
	v7 =	vand.u32 $0xFFFF0000, v7  }
0x271: {  	v5 =	vadd.f32 v7, v5;
	v7 =	vld [tilespmem:s20+$0xB0];
	v6 =	vadd.f32 v25, v6  }
0x272: {  	v26 =	vshll.u32 v22, $0x10;
	v9 =	vand.u32 $0xFFFF0000, v20  }
0x273: {  	v27 =	vld [tilespmem:s20+$0xD0];
	v5 =	vadd.f32 v9, v5;
	v6 =	vadd.f32 v26, v6  }
0x274: {  	v28 =	vshll.u32 v24, $0x10;
	v10 =	vand.u32 $0xFFFF0000, v22  }
0x275: {  	v29 =	vld [tilespmem:s20+$0xF0];
	v5 =	vadd.f32 v10, v5;
	v6 =	vadd.f32 v28, v6  }
0x276: {  	v8 =	vand.u32 $0xFFFF0000, v24;
	v30 =	vshll.u32 v7, $0x10  }
0x277: {  	v31 =	vld [tilespmem:s20+$0x110];
	v5 =	vadd.f32 v8, v5;
	v6 =	vadd.f32 v30, v6  }
0x278: {  	v32 =	vshll.u32 v27, $0x10;
	v7 =	vand.u32 $0xFFFF0000, v7  }
0x279: {  	v5 =	vadd.f32 v7, v5;
	v7 =	vld [tilespmem:s20+$0x130];
	v6 =	vadd.f32 v32, v6  }
0x27a: {  	v33 =	vshll.u32 v29, $0x10;
	v9 =	vand.u32 $0xFFFF0000, v27  }
0x27b: {  	v34 =	vld [tilespmem:s20+$0x150];
	v5 =	vadd.f32 v9, v5;
	v6 =	vadd.f32 v33, v6  }
0x27c: {  	v35 =	vshll.u32 v31, $0x10;
	v10 =	vand.u32 $0xFFFF0000, v29  }
0x27d: {  	v36 =	vld [tilespmem:s20+$0x170];
	v5 =	vadd.f32 v10, v5;
	v6 =	vadd.f32 v35, v6  }
0x27e: {  	v8 =	vand.u32 $0xFFFF0000, v31;
	v37 =	vshll.u32 v7, $0x10  }
0x27f: {  	v38 =	vld [tilespmem:s20+$0x190];
	v5 =	vadd.f32 v8, v5;
	v6 =	vadd.f32 v37, v6  }
0x280: {  	v39 =	vshll.u32 v34, $0x10;
	v7 =	vand.u32 $0xFFFF0000, v7  }
0x281: {  	v5 =	vadd.f32 v7, v5;
	v7 =	vld [tilespmem:s20+$0x1B0];
	v6 =	vadd.f32 v39, v6  }
0x282: {  	v40 =	vshll.u32 v36, $0x10;
	v9 =	vand.u32 $0xFFFF0000, v34  }
0x283: {  	v41 =	vld [tilespmem:s20+$0x1D0];
	v5 =	vadd.f32 v9, v5;
	v6 =	vadd.f32 v40, v6  }
0x284: {  	v42 =	vshll.u32 v38, $0x10;
	v10 =	vand.u32 $0xFFFF0000, v36  }
0x285: {  	v43 =	vld [tilespmem:s20+$0x1F0];
	v5 =	vadd.f32 v10, v5;
	v6 =	vadd.f32 v42, v6  }
0x286: {  	v8 =	vand.u32 $0xFFFF0000, v38;
	v44 =	vshll.u32 v7, $0x10  }
0x287: {  	v45 =	vld [tilespmem:s20+$0x210];
	v5 =	vadd.f32 v8, v5;
	v6 =	vadd.f32 v44, v6  }
0x288: {  	v46 =	vshll.u32 v41, $0x10;
	v7 =	vand.u32 $0xFFFF0000, v7  }
0x289: {  	v5 =	vadd.f32 v7, v5;
	v7 =	vld [tilespmem:s20+$0x230];
	v6 =	vadd.f32 v46, v6  }
0x28a: {  	v47 =	vshll.u32 v43, $0x10;
	v9 =	vand.u32 $0xFFFF0000, v41  }
0x28b: {  	v48 =	vld [tilespmem:s20+$0x250];
	v5 =	vadd.f32 v9, v5;
	v6 =	vadd.f32 v47, v6  }
0x28c: {  	v49 =	vshll.u32 v45, $0x10;
	v10 =	vand.u32 $0xFFFF0000, v43  }
0x28d: {  	v50 =	vld [tilespmem:s20+$0x270];
	v5 =	vadd.f32 v10, v5;
	v6 =	vadd.f32 v49, v6  }
0x28e: {  	v8 =	vand.u32 $0xFFFF0000, v45;
	v51 =	vshll.u32 v7, $0x10  }
0x28f: {  	v52 =	vld [tilespmem:s20+$0x290];
	v5 =	vadd.f32 v8, v5;
	v6 =	vadd.f32 v51, v6  }
0x290: {  	v53 =	vshll.u32 v48, $0x10;
	v7 =	vand.u32 $0xFFFF0000, v7  }
0x291: {  	v5 =	vadd.f32 v7, v5;
	v7 =	vld [tilespmem:s20+$0x2B0];
	v6 =	vadd.f32 v53, v6  }
0x292: {  	v54 =	vshll.u32 v50, $0x10;
	v9 =	vand.u32 $0xFFFF0000, v48  }
0x293: {  	v55 =	vld [tilespmem:s20+$0x2D0];
	v5 =	vadd.f32 v9, v5;
	v6 =	vadd.f32 v54, v6  }
0x294: {  	v56 =	vshll.u32 v52, $0x10;
	v10 =	vand.u32 $0xFFFF0000, v50  }
0x295: {  	v57 =	vld [tilespmem:s20+$0x2F0];
	v5 =	vadd.f32 v10, v5;
	v6 =	vadd.f32 v56, v6  }
0x296: {  	v8 =	vand.u32 $0xFFFF0000, v52;
	v58 =	vshll.u32 v7, $0x10  }
0x297: {  	v59 =	vld [tilespmem:s20+$0x310];
	v5 =	vadd.f32 v8, v5;
	v6 =	vadd.f32 v58, v6  }
0x298: {  	v60 =	vshll.u32 v55, $0x10;
	v7 =	vand.u32 $0xFFFF0000, v7  }
0x299: {  	v5 =	vadd.f32 v7, v5;
	v6 =	vadd.f32 v60, v6  }
0x29a: {  	v62 =	vor.u32 v2, v4;
	v61 =	vshll.u32 v57, $0x10;
	v7 =	vand.u32 $0xFFFF0000, v55  }
0x29b: {  	v5 =	vadd.f32 v7, v5;
	v6 =	vadd.f32 v61, v6  }
0x29c: {  	v4 =	vor.u32 v3, v4;
	v63 =	vshll.u32 v59, $0x10;
	v7 =	vand.u32 $0xFFFF0000, v57  }
0x29d: {  	v5 =	vadd.f32 v7, v5;
	v6 =	vadd.f32 v63, v6  }
0x29e: {  	v7 =	vand.u32 $0xFFFF0000, v59  }
0x29f: {  	s21 =	simm.s32 $0x1;
	v5 =	vadd.f32 v7, v5;
	[tilespmem:v62+s13+$0x0] =	vst.idx.msk $0xffff, v6  }
.LBB2_5:
0x2a0: {  	p0 =	sne.s32 s21, $0xF  }
0x2a1: {  	[tilespmem:v4+s13+$0x0] =	vst.idx.msk $0xffff, v5;
	s20 =	sadd.s32 $0x640, s20;
	s22 =	smov.u32 s21;
	s21 =	sadd.s32 $0x1, s21  }
0x2a2: {  	v4 =	vld [tilespmem:s20+$0xFFFFFCE0];
	_ =	sdelay $0x1  }
0x2a3: {  	v5 =	vld [tilespmem:s20+$0xFFFFFD00];
	_ =	sdelay $0x1  }
0x2a4: {  	v6 =	vld [tilespmem:s20+$0xFFFFFD20]  }
0x2a5: {  	v7 =	vshll.u32 v4, $0x10;
	v4 =	vand.u32 $0xFFFF0000, v4  }
0x2a6: {  	v7 =	vadd.f32 $0.0e+00, v7;
	v4 =	vadd.f32 $0.0e+00, v4;
	v8 =	vld [tilespmem:s20+$0xFFFFFD40]  }
0x2a7: {  	v9 =	vshll.u32 v5, $0x10;
	v5 =	vand.u32 $0xFFFF0000, v5  }
0x2a8: {  	v7 =	vadd.f32 v9, v7;
	v4 =	vadd.f32 v5, v4;
	v5 =	vld [tilespmem:s20+$0xFFFFFD60]  }
0x2a9: {  	v9 =	vshll.u32 v6, $0x10;
	v6 =	vand.u32 $0xFFFF0000, v6  }
0x2aa: {  	v7 =	vadd.f32 v9, v7;
	v4 =	vadd.f32 v6, v4;
	v6 =	vld [tilespmem:s20+$0xFFFFFD80]  }
0x2ab: {  	v9 =	vshll.u32 v8, $0x10;
	v8 =	vand.u32 $0xFFFF0000, v8  }
0x2ac: {  	v7 =	vadd.f32 v9, v7;
	v4 =	vadd.f32 v8, v4;
	v8 =	vld [tilespmem:s20+$0xFFFFFDA0]  }
0x2ad: {  	v9 =	vshll.u32 v5, $0x10;
	v5 =	vand.u32 $0xFFFF0000, v5  }
0x2ae: {  	v7 =	vadd.f32 v9, v7;
	v4 =	vadd.f32 v5, v4;
	v5 =	vld [tilespmem:s20+$0xFFFFFDC0]  }
0x2af: {  	v9 =	vshll.u32 v6, $0x10;
	v6 =	vand.u32 $0xFFFF0000, v6  }
0x2b0: {  	v7 =	vadd.f32 v9, v7;
	v4 =	vadd.f32 v6, v4;
	v6 =	vld [tilespmem:s20+$0xFFFFFDE0]  }
0x2b1: {  	v9 =	vshll.u32 v8, $0x10;
	v8 =	vand.u32 $0xFFFF0000, v8  }
0x2b2: {  	v7 =	vadd.f32 v9, v7;
	v4 =	vadd.f32 v8, v4;
	v8 =	vld [tilespmem:s20+$0xFFFFFE00]  }
0x2b3: {  	v9 =	vshll.u32 v5, $0x10;
	v5 =	vand.u32 $0xFFFF0000, v5  }
0x2b4: {  	v7 =	vadd.f32 v9, v7;
	v4 =	vadd.f32 v5, v4;
	v5 =	vld [tilespmem:s20+$0xFFFFFE20]  }
0x2b5: {  	v9 =	vshll.u32 v6, $0x10;
	v6 =	vand.u32 $0xFFFF0000, v6  }
0x2b6: {  	v7 =	vadd.f32 v9, v7;
	v4 =	vadd.f32 v6, v4;
	v6 =	vld [tilespmem:s20+$0xFFFFFE40]  }
0x2b7: {  	v9 =	vshll.u32 v8, $0x10;
	v8 =	vand.u32 $0xFFFF0000, v8  }
0x2b8: {  	v7 =	vadd.f32 v9, v7;
	v4 =	vadd.f32 v8, v4;
	v8 =	vld [tilespmem:s20+$0xFFFFFE60]  }
0x2b9: {  	v9 =	vshll.u32 v5, $0x10;
	v5 =	vand.u32 $0xFFFF0000, v5  }
0x2ba: {  	v7 =	vadd.f32 v9, v7;
	v4 =	vadd.f32 v5, v4;
	v5 =	vld [tilespmem:s20+$0xFFFFFE80]  }
0x2bb: {  	v9 =	vshll.u32 v6, $0x10;
	v6 =	vand.u32 $0xFFFF0000, v6  }
0x2bc: {  	v7 =	vadd.f32 v9, v7;
	v4 =	vadd.f32 v6, v4;
	v6 =	vld [tilespmem:s20+$0xFFFFFEA0]  }
0x2bd: {  	v9 =	vshll.u32 v8, $0x10;
	v8 =	vand.u32 $0xFFFF0000, v8  }
0x2be: {  	v7 =	vadd.f32 v9, v7;
	v4 =	vadd.f32 v8, v4;
	v8 =	vld [tilespmem:s20+$0xFFFFFEC0]  }
0x2bf: {  	v9 =	vshll.u32 v5, $0x10;
	v5 =	vand.u32 $0xFFFF0000, v5  }
0x2c0: {  	v7 =	vadd.f32 v9, v7;
	v4 =	vadd.f32 v5, v4;
	v5 =	vld [tilespmem:s20+$0xFFFFFEE0]  }
0x2c1: {  	v9 =	vshll.u32 v6, $0x10;
	v6 =	vand.u32 $0xFFFF0000, v6  }
0x2c2: {  	v7 =	vadd.f32 v9, v7;
	v4 =	vadd.f32 v6, v4;
	v6 =	vld [tilespmem:s20+$0xFFFFFF00]  }
0x2c3: {  	v9 =	vshll.u32 v8, $0x10;
	v8 =	vand.u32 $0xFFFF0000, v8  }
0x2c4: {  	v7 =	vadd.f32 v9, v7;
	v4 =	vadd.f32 v8, v4;
	v8 =	vld [tilespmem:s20+$0xFFFFFF20]  }
0x2c5: {  	v9 =	vshll.u32 v5, $0x10;
	v5 =	vand.u32 $0xFFFF0000, v5  }
0x2c6: {  	v7 =	vadd.f32 v9, v7;
	v4 =	vadd.f32 v5, v4;
	v5 =	vld [tilespmem:s20+$0xFFFFFF40]  }
0x2c7: {  	v9 =	vshll.u32 v6, $0x10;
	v6 =	vand.u32 $0xFFFF0000, v6  }
0x2c8: {  	v7 =	vadd.f32 v9, v7;
	v4 =	vadd.f32 v6, v4;
	v6 =	vld [tilespmem:s20+$0xFFFFFF60]  }
0x2c9: {  	v9 =	vshll.u32 v8, $0x10;
	v8 =	vand.u32 $0xFFFF0000, v8  }
0x2ca: {  	v7 =	vadd.f32 v9, v7;
	v4 =	vadd.f32 v8, v4;
	v8 =	vld [tilespmem:s20+$0xFFFFFF80]  }
0x2cb: {  	v9 =	vshll.u32 v5, $0x10;
	v5 =	vand.u32 $0xFFFF0000, v5  }
0x2cc: {  	v7 =	vadd.f32 v9, v7;
	v4 =	vadd.f32 v5, v4;
	v5 =	vld [tilespmem:s20+$0xFFFFFFA0]  }
0x2cd: {  	v9 =	vshll.u32 v6, $0x10;
	v6 =	vand.u32 $0xFFFF0000, v6  }
0x2ce: {  	v7 =	vadd.f32 v9, v7;
	v4 =	vadd.f32 v6, v4;
	v6 =	vld [tilespmem:s20+$0xFFFFFFC0]  }
0x2cf: {  	v9 =	vshll.u32 v8, $0x10;
	v8 =	vand.u32 $0xFFFF0000, v8  }
0x2d0: {  	v7 =	vadd.f32 v9, v7;
	v4 =	vadd.f32 v8, v4;
	v8 =	vld [tilespmem:s20+$0xFFFFFFE0]  }
0x2d1: {  	v9 =	vshll.u32 v5, $0x10;
	v5 =	vand.u32 $0xFFFF0000, v5  }
0x2d2: {  	v7 =	vadd.f32 v9, v7;
	v4 =	vadd.f32 v5, v4;
	v5 =	vld [tilespmem:s20+$0x0]  }
0x2d3: {  	v9 =	vshll.u32 v6, $0x10;
	v6 =	vand.u32 $0xFFFF0000, v6  }
0x2d4: {  	v7 =	vadd.f32 v9, v7;
	v4 =	vadd.f32 v6, v4;
	v6 =	vld [tilespmem:s20+$0x20]  }
0x2d5: {  	v9 =	vshll.u32 v8, $0x10;
	v8 =	vand.u32 $0xFFFF0000, v8  }
0x2d6: {  	v7 =	vadd.f32 v9, v7;
	v4 =	vadd.f32 v8, v4;
	v8 =	vld [tilespmem:s20+$0x40]  }
0x2d7: {  	v9 =	vshll.u32 v5, $0x10;
	v5 =	vand.u32 $0xFFFF0000, v5  }
0x2d8: {  	v7 =	vadd.f32 v9, v7;
	v4 =	vadd.f32 v5, v4;
	v5 =	vld [tilespmem:s20+$0x60]  }
0x2d9: {  	v9 =	vshll.u32 v6, $0x10;
	v6 =	vand.u32 $0xFFFF0000, v6  }
0x2da: {  	v7 =	vadd.f32 v9, v7;
	v4 =	vadd.f32 v6, v4;
	v6 =	vld [tilespmem:s20+$0x80]  }
0x2db: {  	v9 =	vshll.u32 v8, $0x10;
	v8 =	vand.u32 $0xFFFF0000, v8  }
0x2dc: {  	v7 =	vadd.f32 v9, v7;
	v4 =	vadd.f32 v8, v4;
	v8 =	vld [tilespmem:s20+$0xA0]  }
0x2dd: {  	v9 =	vshll.u32 v5, $0x10;
	v5 =	vand.u32 $0xFFFF0000, v5  }
0x2de: {  	v7 =	vadd.f32 v9, v7;
	v4 =	vadd.f32 v5, v4;
	v5 =	vld [tilespmem:s20+$0xC0]  }
0x2df: {  	v9 =	vshll.u32 v6, $0x10;
	v6 =	vand.u32 $0xFFFF0000, v6  }
0x2e0: {  	v7 =	vadd.f32 v9, v7;
	v4 =	vadd.f32 v6, v4;
	v6 =	vld [tilespmem:s20+$0xE0]  }
0x2e1: {  	v9 =	vshll.u32 v8, $0x10;
	v8 =	vand.u32 $0xFFFF0000, v8  }
0x2e2: {  	v7 =	vadd.f32 v9, v7;
	v4 =	vadd.f32 v8, v4;
	v8 =	vld [tilespmem:s20+$0x100]  }
0x2e3: {  	v9 =	vshll.u32 v5, $0x10;
	v5 =	vand.u32 $0xFFFF0000, v5  }
0x2e4: {  	v7 =	vadd.f32 v9, v7;
	v4 =	vadd.f32 v5, v4;
	v5 =	vld [tilespmem:s20+$0x120]  }
0x2e5: {  	v9 =	vshll.u32 v6, $0x10;
	v6 =	vand.u32 $0xFFFF0000, v6  }
0x2e6: {  	v7 =	vadd.f32 v9, v7;
	v4 =	vadd.f32 v6, v4;
	v6 =	vld [tilespmem:s20+$0x140]  }
0x2e7: {  	v9 =	vshll.u32 v8, $0x10;
	v8 =	vand.u32 $0xFFFF0000, v8  }
0x2e8: {  	v7 =	vadd.f32 v9, v7;
	v4 =	vadd.f32 v8, v4;
	v8 =	vld [tilespmem:s20+$0x160]  }
0x2e9: {  	v9 =	vshll.u32 v5, $0x10;
	v5 =	vand.u32 $0xFFFF0000, v5  }
0x2ea: {  	v7 =	vadd.f32 v9, v7;
	v4 =	vadd.f32 v5, v4;
	v5 =	vld [tilespmem:s20+$0x180]  }
0x2eb: {  	v9 =	vshll.u32 v6, $0x10;
	v6 =	vand.u32 $0xFFFF0000, v6  }
0x2ec: {  	v7 =	vadd.f32 v9, v7;
	v4 =	vadd.f32 v6, v4;
	v6 =	vld [tilespmem:s20+$0x1A0]  }
0x2ed: {  	v9 =	vshll.u32 v8, $0x10;
	v8 =	vand.u32 $0xFFFF0000, v8  }
0x2ee: {  	v7 =	vadd.f32 v9, v7;
	v4 =	vadd.f32 v8, v4;
	v8 =	vld [tilespmem:s20+$0x1C0]  }
0x2ef: {  	v9 =	vshll.u32 v5, $0x10;
	v5 =	vand.u32 $0xFFFF0000, v5  }
0x2f0: {  	v7 =	vadd.f32 v9, v7;
	v4 =	vadd.f32 v5, v4;
	v5 =	vld [tilespmem:s20+$0x1E0]  }
0x2f1: {  	v9 =	vshll.u32 v6, $0x10;
	v6 =	vand.u32 $0xFFFF0000, v6  }
0x2f2: {  	v7 =	vadd.f32 v9, v7;
	v4 =	vadd.f32 v6, v4;
	v6 =	vld [tilespmem:s20+$0x200]  }
0x2f3: {  	v9 =	vshll.u32 v8, $0x10;
	v8 =	vand.u32 $0xFFFF0000, v8  }
0x2f4: {  	v7 =	vadd.f32 v9, v7;
	v4 =	vadd.f32 v8, v4;
	v8 =	vld [tilespmem:s20+$0x220]  }
0x2f5: {  	v9 =	vshll.u32 v5, $0x10;
	v5 =	vand.u32 $0xFFFF0000, v5  }
0x2f6: {  	v7 =	vadd.f32 v9, v7;
	v4 =	vadd.f32 v5, v4;
	v5 =	vld [tilespmem:s20+$0x240]  }
0x2f7: {  	v9 =	vshll.u32 v6, $0x10;
	v6 =	vand.u32 $0xFFFF0000, v6  }
0x2f8: {  	v7 =	vadd.f32 v9, v7;
	v4 =	vadd.f32 v6, v4;
	v6 =	vld [tilespmem:s20+$0x260]  }
0x2f9: {  	v9 =	vshll.u32 v8, $0x10;
	v8 =	vand.u32 $0xFFFF0000, v8  }
0x2fa: {  	v7 =	vadd.f32 v9, v7;
	v4 =	vadd.f32 v8, v4;
	v8 =	vld [tilespmem:s20+$0x280]  }
0x2fb: {  	v9 =	vshll.u32 v5, $0x10;
	v5 =	vand.u32 $0xFFFF0000, v5  }
0x2fc: {  	v7 =	vadd.f32 v9, v7;
	v4 =	vadd.f32 v5, v4;
	v5 =	vld [tilespmem:s20+$0x2A0]  }
0x2fd: {  	v9 =	vshll.u32 v6, $0x10;
	v6 =	vand.u32 $0xFFFF0000, v6  }
0x2fe: {  	v7 =	vadd.f32 v9, v7;
	v4 =	vadd.f32 v6, v4;
	v6 =	vld [tilespmem:s20+$0x2C0]  }
0x2ff: {  	v9 =	vshll.u32 v8, $0x10;
	v8 =	vand.u32 $0xFFFF0000, v8  }
0x300: {  	v7 =	vadd.f32 v9, v7;
	v4 =	vadd.f32 v8, v4;
	v8 =	vld [tilespmem:s20+$0x2E0]  }
0x301: {  	v9 =	vmov s22;
	v10 =	vshll.u32 v5, $0x10;
	v5 =	vand.u32 $0xFFFF0000, v5  }
0x302: {  	v7 =	vadd.f32 v10, v7;
	v5 =	vadd.f32 v5, v4;
	v10 =	vld [tilespmem:s20+$0x300];
	v4 =	vand.u32 $0xF, v9  }
0x303: {  	v9 =	vshll.u32 v6, $0x10;
	v6 =	vand.u32 $0xFFFF0000, v6;
	v4 =	vbroadcast v4, $0x0  }
0x304: {  	v7 =	vadd.f32 v9, v7;
	v5 =	vadd.f32 v6, v5  }
0x305: {  	v6 =	vshll.u32 v8, $0x10;
	v8 =	vand.u32 $0xFFFF0000, v8;
	v9 =	vor.u32 v0, v4  }
0x306: {  	v6 =	vadd.f32 v6, v7;
	v5 =	vadd.f32 v8, v5;
	v7 =	vor.u32 v1, v4  }
0x307: {  	v8 =	vshll.u32 v10, $0x10  }
0x308: {  	v6 =	vadd.f32 v8, v6;
	v8 =	vand.u32 $0xFFFF0000, v10  }
0x309: {  	v5 =	vadd.f32 v8, v5  }
0x30a: {  	[tilespmem:v9+s13+$0x0] =	vst.idx.msk $0xffff, v6  }
0x30b: {  	[tilespmem:v7+s13+$0x0] =	vst.idx.msk $0xffff, v5  }
0x30c: {  	v5 =	vld [tilespmem:s20+$0xFFFFFCF0];
	_ =	sdelay $0x1  }
0x30d: {  	v6 =	vld [tilespmem:s20+$0xFFFFFD10];
	_ =	sdelay $0x1  }
0x30e: {  	v7 =	vld [tilespmem:s20+$0xFFFFFD30]  }
0x30f: {  	v8 =	vshll.u32 v5, $0x10;
	v5 =	vand.u32 $0xFFFF0000, v5  }
0x310: {  	v8 =	vadd.f32 $0.0e+00, v8;
	v5 =	vadd.f32 $0.0e+00, v5;
	v9 =	vld [tilespmem:s20+$0xFFFFFD50]  }
0x311: {  	v10 =	vshll.u32 v6, $0x10;
	v6 =	vand.u32 $0xFFFF0000, v6  }
0x312: {  	v8 =	vadd.f32 v10, v8;
	v5 =	vadd.f32 v6, v5;
	v6 =	vld [tilespmem:s20+$0xFFFFFD70]  }
0x313: {  	v10 =	vshll.u32 v7, $0x10;
	v7 =	vand.u32 $0xFFFF0000, v7  }
0x314: {  	v8 =	vadd.f32 v10, v8;
	v5 =	vadd.f32 v7, v5;
	v7 =	vld [tilespmem:s20+$0xFFFFFD90]  }
0x315: {  	v10 =	vshll.u32 v9, $0x10;
	v9 =	vand.u32 $0xFFFF0000, v9  }
0x316: {  	v8 =	vadd.f32 v10, v8;
	v5 =	vadd.f32 v9, v5;
	v9 =	vld [tilespmem:s20+$0xFFFFFDB0]  }
0x317: {  	v10 =	vshll.u32 v6, $0x10;
	v6 =	vand.u32 $0xFFFF0000, v6  }
0x318: {  	v8 =	vadd.f32 v10, v8;
	v5 =	vadd.f32 v6, v5;
	v6 =	vld [tilespmem:s20+$0xFFFFFDD0]  }
0x319: {  	v10 =	vshll.u32 v7, $0x10;
	v7 =	vand.u32 $0xFFFF0000, v7  }
0x31a: {  	v8 =	vadd.f32 v10, v8;
	v5 =	vadd.f32 v7, v5;
	v7 =	vld [tilespmem:s20+$0xFFFFFDF0]  }
0x31b: {  	v10 =	vshll.u32 v9, $0x10;
	v9 =	vand.u32 $0xFFFF0000, v9  }
0x31c: {  	v8 =	vadd.f32 v10, v8;
	v5 =	vadd.f32 v9, v5;
	v9 =	vld [tilespmem:s20+$0xFFFFFE10]  }
0x31d: {  	v10 =	vshll.u32 v6, $0x10;
	v6 =	vand.u32 $0xFFFF0000, v6  }
0x31e: {  	v8 =	vadd.f32 v10, v8;
	v5 =	vadd.f32 v6, v5;
	v6 =	vld [tilespmem:s20+$0xFFFFFE30]  }
0x31f: {  	v10 =	vshll.u32 v7, $0x10;
	v7 =	vand.u32 $0xFFFF0000, v7  }
0x320: {  	v8 =	vadd.f32 v10, v8;
	v5 =	vadd.f32 v7, v5;
	v7 =	vld [tilespmem:s20+$0xFFFFFE50]  }
0x321: {  	v10 =	vshll.u32 v9, $0x10;
	v9 =	vand.u32 $0xFFFF0000, v9  }
0x322: {  	v8 =	vadd.f32 v10, v8;
	v5 =	vadd.f32 v9, v5;
	v9 =	vld [tilespmem:s20+$0xFFFFFE70]  }
0x323: {  	v10 =	vshll.u32 v6, $0x10;
	v6 =	vand.u32 $0xFFFF0000, v6  }
0x324: {  	v8 =	vadd.f32 v10, v8;
	v5 =	vadd.f32 v6, v5;
	v6 =	vld [tilespmem:s20+$0xFFFFFE90]  }
0x325: {  	v10 =	vshll.u32 v7, $0x10;
	v7 =	vand.u32 $0xFFFF0000, v7  }
0x326: {  	v8 =	vadd.f32 v10, v8;
	v5 =	vadd.f32 v7, v5;
	v7 =	vld [tilespmem:s20+$0xFFFFFEB0]  }
0x327: {  	v10 =	vshll.u32 v9, $0x10;
	v9 =	vand.u32 $0xFFFF0000, v9  }
0x328: {  	v8 =	vadd.f32 v10, v8;
	v5 =	vadd.f32 v9, v5;
	v9 =	vld [tilespmem:s20+$0xFFFFFED0]  }
0x329: {  	v10 =	vshll.u32 v6, $0x10;
	v6 =	vand.u32 $0xFFFF0000, v6  }
0x32a: {  	v8 =	vadd.f32 v10, v8;
	v5 =	vadd.f32 v6, v5;
	v6 =	vld [tilespmem:s20+$0xFFFFFEF0]  }
0x32b: {  	v10 =	vshll.u32 v7, $0x10;
	v7 =	vand.u32 $0xFFFF0000, v7  }
0x32c: {  	v8 =	vadd.f32 v10, v8;
	v5 =	vadd.f32 v7, v5;
	v7 =	vld [tilespmem:s20+$0xFFFFFF10]  }
0x32d: {  	v10 =	vshll.u32 v9, $0x10;
	v9 =	vand.u32 $0xFFFF0000, v9  }
0x32e: {  	v8 =	vadd.f32 v10, v8;
	v5 =	vadd.f32 v9, v5;
	v9 =	vld [tilespmem:s20+$0xFFFFFF30]  }
0x32f: {  	v10 =	vshll.u32 v6, $0x10;
	v6 =	vand.u32 $0xFFFF0000, v6  }
0x330: {  	v8 =	vadd.f32 v10, v8;
	v5 =	vadd.f32 v6, v5;
	v6 =	vld [tilespmem:s20+$0xFFFFFF50]  }
0x331: {  	v10 =	vshll.u32 v7, $0x10;
	v7 =	vand.u32 $0xFFFF0000, v7  }
0x332: {  	v8 =	vadd.f32 v10, v8;
	v5 =	vadd.f32 v7, v5;
	v7 =	vld [tilespmem:s20+$0xFFFFFF70]  }
0x333: {  	v10 =	vshll.u32 v9, $0x10;
	v9 =	vand.u32 $0xFFFF0000, v9  }
0x334: {  	v8 =	vadd.f32 v10, v8;
	v5 =	vadd.f32 v9, v5;
	v9 =	vld [tilespmem:s20+$0xFFFFFF90]  }
0x335: {  	v10 =	vshll.u32 v6, $0x10;
	v6 =	vand.u32 $0xFFFF0000, v6  }
0x336: {  	v8 =	vadd.f32 v10, v8;
	v5 =	vadd.f32 v6, v5;
	v6 =	vld [tilespmem:s20+$0xFFFFFFB0]  }
0x337: {  	v10 =	vshll.u32 v7, $0x10;
	v7 =	vand.u32 $0xFFFF0000, v7  }
0x338: {  	v8 =	vadd.f32 v10, v8;
	v5 =	vadd.f32 v7, v5;
	v7 =	vld [tilespmem:s20+$0xFFFFFFD0]  }
0x339: {  	v10 =	vshll.u32 v9, $0x10;
	v9 =	vand.u32 $0xFFFF0000, v9  }
0x33a: {  	v8 =	vadd.f32 v10, v8;
	v5 =	vadd.f32 v9, v5;
	v9 =	vld [tilespmem:s20+$0xFFFFFFF0]  }
0x33b: {  	v10 =	vshll.u32 v6, $0x10;
	v6 =	vand.u32 $0xFFFF0000, v6  }
0x33c: {  	v8 =	vadd.f32 v10, v8;
	v5 =	vadd.f32 v6, v5;
	v6 =	vld [tilespmem:s20+$0x10]  }
0x33d: {  	v10 =	vshll.u32 v7, $0x10;
	v7 =	vand.u32 $0xFFFF0000, v7  }
0x33e: {  	v8 =	vadd.f32 v10, v8;
	v5 =	vadd.f32 v7, v5;
	v7 =	vld [tilespmem:s20+$0x30]  }
0x33f: {  	v10 =	vshll.u32 v9, $0x10;
	v9 =	vand.u32 $0xFFFF0000, v9  }
0x340: {  	v8 =	vadd.f32 v10, v8;
	v5 =	vadd.f32 v9, v5;
	v9 =	vld [tilespmem:s20+$0x50]  }
0x341: {  	v10 =	vshll.u32 v6, $0x10;
	v6 =	vand.u32 $0xFFFF0000, v6  }
0x342: {  	v8 =	vadd.f32 v10, v8;
	v5 =	vadd.f32 v6, v5;
	v6 =	vld [tilespmem:s20+$0x70]  }
0x343: {  	v10 =	vshll.u32 v7, $0x10;
	v7 =	vand.u32 $0xFFFF0000, v7  }
0x344: {  	v8 =	vadd.f32 v10, v8;
	v5 =	vadd.f32 v7, v5;
	v7 =	vld [tilespmem:s20+$0x90]  }
0x345: {  	v10 =	vshll.u32 v9, $0x10;
	v9 =	vand.u32 $0xFFFF0000, v9  }
0x346: {  	v8 =	vadd.f32 v10, v8;
	v5 =	vadd.f32 v9, v5;
	v9 =	vld [tilespmem:s20+$0xB0]  }
0x347: {  	v10 =	vshll.u32 v6, $0x10;
	v6 =	vand.u32 $0xFFFF0000, v6  }
0x348: {  	v8 =	vadd.f32 v10, v8;
	v5 =	vadd.f32 v6, v5;
	v6 =	vld [tilespmem:s20+$0xD0]  }
0x349: {  	v10 =	vshll.u32 v7, $0x10;
	v7 =	vand.u32 $0xFFFF0000, v7  }
0x34a: {  	v8 =	vadd.f32 v10, v8;
	v5 =	vadd.f32 v7, v5;
	v7 =	vld [tilespmem:s20+$0xF0]  }
0x34b: {  	v10 =	vshll.u32 v9, $0x10;
	v9 =	vand.u32 $0xFFFF0000, v9  }
0x34c: {  	v8 =	vadd.f32 v10, v8;
	v5 =	vadd.f32 v9, v5;
	v9 =	vld [tilespmem:s20+$0x110]  }
0x34d: {  	v10 =	vshll.u32 v6, $0x10;
	v6 =	vand.u32 $0xFFFF0000, v6  }
0x34e: {  	v8 =	vadd.f32 v10, v8;
	v5 =	vadd.f32 v6, v5;
	v6 =	vld [tilespmem:s20+$0x130]  }
0x34f: {  	v10 =	vshll.u32 v7, $0x10;
	v7 =	vand.u32 $0xFFFF0000, v7  }
0x350: {  	v8 =	vadd.f32 v10, v8;
	v5 =	vadd.f32 v7, v5;
	v7 =	vld [tilespmem:s20+$0x150]  }
0x351: {  	v10 =	vshll.u32 v9, $0x10;
	v9 =	vand.u32 $0xFFFF0000, v9  }
0x352: {  	v8 =	vadd.f32 v10, v8;
	v5 =	vadd.f32 v9, v5;
	v9 =	vld [tilespmem:s20+$0x170]  }
0x353: {  	v10 =	vshll.u32 v6, $0x10;
	v6 =	vand.u32 $0xFFFF0000, v6  }
0x354: {  	v8 =	vadd.f32 v10, v8;
	v5 =	vadd.f32 v6, v5;
	v6 =	vld [tilespmem:s20+$0x190]  }
0x355: {  	v10 =	vshll.u32 v7, $0x10;
	v7 =	vand.u32 $0xFFFF0000, v7  }
0x356: {  	v8 =	vadd.f32 v10, v8;
	v5 =	vadd.f32 v7, v5;
	v7 =	vld [tilespmem:s20+$0x1B0]  }
0x357: {  	v10 =	vshll.u32 v9, $0x10;
	v9 =	vand.u32 $0xFFFF0000, v9  }
0x358: {  	v8 =	vadd.f32 v10, v8;
	v5 =	vadd.f32 v9, v5;
	v9 =	vld [tilespmem:s20+$0x1D0]  }
0x359: {  	v10 =	vshll.u32 v6, $0x10;
	v6 =	vand.u32 $0xFFFF0000, v6  }
0x35a: {  	v8 =	vadd.f32 v10, v8;
	v5 =	vadd.f32 v6, v5;
	v6 =	vld [tilespmem:s20+$0x1F0]  }
0x35b: {  	v10 =	vshll.u32 v7, $0x10;
	v7 =	vand.u32 $0xFFFF0000, v7  }
0x35c: {  	v8 =	vadd.f32 v10, v8;
	v5 =	vadd.f32 v7, v5;
	v7 =	vld [tilespmem:s20+$0x210]  }
0x35d: {  	v10 =	vshll.u32 v9, $0x10;
	v9 =	vand.u32 $0xFFFF0000, v9  }
0x35e: {  	v8 =	vadd.f32 v10, v8;
	v5 =	vadd.f32 v9, v5;
	v9 =	vld [tilespmem:s20+$0x230]  }
0x35f: {  	v10 =	vshll.u32 v6, $0x10;
	v6 =	vand.u32 $0xFFFF0000, v6  }
0x360: {  	v8 =	vadd.f32 v10, v8;
	v5 =	vadd.f32 v6, v5;
	v6 =	vld [tilespmem:s20+$0x250]  }
0x361: {  	v10 =	vshll.u32 v7, $0x10;
	v7 =	vand.u32 $0xFFFF0000, v7  }
0x362: {  	v8 =	vadd.f32 v10, v8;
	v5 =	vadd.f32 v7, v5;
	v7 =	vld [tilespmem:s20+$0x270]  }
0x363: {  	v10 =	vshll.u32 v9, $0x10;
	v9 =	vand.u32 $0xFFFF0000, v9  }
0x364: {  	v8 =	vadd.f32 v10, v8;
	v5 =	vadd.f32 v9, v5;
	v9 =	vld [tilespmem:s20+$0x290]  }
0x365: {  	v10 =	vshll.u32 v6, $0x10;
	v6 =	vand.u32 $0xFFFF0000, v6  }
0x366: {  	v8 =	vadd.f32 v10, v8;
	v5 =	vadd.f32 v6, v5;
	v6 =	vld [tilespmem:s20+$0x2B0]  }
0x367: {  	v10 =	vshll.u32 v7, $0x10;
	v7 =	vand.u32 $0xFFFF0000, v7  }
0x368: {  	v8 =	vadd.f32 v10, v8;
	v5 =	vadd.f32 v7, v5;
	v7 =	vld [tilespmem:s20+$0x2D0]  }
0x369: {  	v10 =	vshll.u32 v9, $0x10;
	v9 =	vand.u32 $0xFFFF0000, v9  }
0x36a: {  	v8 =	vadd.f32 v10, v8;
	v5 =	vadd.f32 v9, v5;
	v9 =	vld [tilespmem:s20+$0x2F0]  }
0x36b: {  	v10 =	vshll.u32 v6, $0x10;
	v6 =	vand.u32 $0xFFFF0000, v6  }
0x36c: {  	v8 =	vadd.f32 v10, v8;
	v5 =	vadd.f32 v6, v5;
	v6 =	vld [tilespmem:s20+$0x310]  }
0x36d: {  	v10 =	vshll.u32 v7, $0x10;
	v7 =	vand.u32 $0xFFFF0000, v7  }
0x36e: {  	v8 =	vadd.f32 v10, v8;
	v5 =	vadd.f32 v7, v5  }
0x36f: {  	v10 =	vor.u32 v2, v4;
	v7 =	vshll.u32 v9, $0x10;
	v9 =	vand.u32 $0xFFFF0000, v9  }
.Ltmp1:
0x370: {  	v4 =	vor.u32 v3, v4;
	v7 =	vadd.f32 v7, v8;
	v5 =	vadd.f32 v9, v5;
	(pc) =	sbr.rel @p0 .LBB2_5-.Ltmp1, $4  }
0x371: {  	v8 =	vshll.u32 v6, $0x10  }
0x372: {  	v6 =	vand.u32 $0xFFFF0000, v6;
	v7 =	vadd.f32 v8, v7  }
0x373: {  	v5 =	vadd.f32 v6, v5  }
0x374: {  	[tilespmem:v10+s13+$0x0] =	vst.idx.msk $0xffff, v7  }
0x375: {  	_ = 	snop  }
0x376: {  	s19 =	sshll.u32 s19, $0x4  }
0x377: {  	s18 =	sadd.s32 $0x1, s18;
	s19 =	sadd.s32 s5, s19  }
0x378: {  	p0 =	sne.s32 s18, $0x10;
	s19 =	sshrl.u32 s19, $0x3  }
.Ltmp2:
0x379: {  	[tilespmem:v4+s13+$0x0] =	vst.idx.msk $0xffff, v5;
	s19 =	sadd.s32 s4, s19;
	(pc) =	sbr.rel @p0 .LBB2_2-.Ltmp2, $4  }
0x37a: {  	[hbm4b:s19+s14] =	stream.strided.scatter [tilespmem:s13], [sflag:$0x3], $0x400, s15, s14, $0x38;
	[tilespmem:$0x13000] =	vst v63  }
0x37b: {  	_ =	swait.ge [sflag:s8], $0x400  }
0x37c: {  	[sflag:s8] =	ssyncset.done $0x0  }
0x37d: {  	[sflag:s8] =	ssyncadd.s32 $0xFFFFFC00  }
0x37e: {  	s17 =	sadd.s32 $0x1, s17  }
0x37f: {  	p0 =	sne.s32 s17, s7  }
.Ltmp3:
0x380: {  	_ = 	snop;
	(pc) =	sbr.rel @p0 .LBB2_1-.Ltmp3, $4  }
0x381: {  	_ = 	snop  }
0x382: {  	_ =	swait.ge [sflag:s11], $0x6400  }
0x383: {  	[sflag:s11] =	ssyncset.done $0x0  }
0x384: {  	[sflag:s11] =	ssyncadd.s32 $0xFFFF9C00  }
0x385: {  	_ =	sfence.sel $0x180000  }
0x386: {  	[bflag:$0x0] =	sbarrier.arrive $0xFFFF  }
0x387: {  	p0 =	sne.s32 s0, $0x0;
	_ =	strace $0x90000047  }
0x388: {  	s0 =	sadd.s32 @!p0 $0x100000, s1;
	[bflag:$0x2] =	sbarrier.arrive $0xFFFF  }
0x389: {  	[sflag:s0] =	ssyncadd.tile.s32 @!p0 $0x1;
	_ =	shalt  }
.Lfunc_end2:
_tile_overlayer_lowered:
.L_overlay_start_2:
0x38a: {  	(tag) =	ssettag $0x2  }
0x38b: {  	s0 =	rddreg [dreg:$0x0];
	s2 =	stileid.u32  }
0x38c: {  	s1 =	rddreg [dreg:$0x1];
	p0 =	sne.s32 s2, $0x0  }
0x38d: {  	s3 =	rddreg [dreg:$0x2];
	[bflag:$0x3] =	sbarrier.arrive $0xFFFF;
	s2 =	simm.s32 @!p0 $0x1C03  }
0x38e: {  	[timem:s3], [sflag:s2] =	dma.local @!p0 [hbm:s0], s1  }
0x38f: {  	s0 =	simm.s32 @!p0 $0x3  }
0x390: {  	_ =	swait.ge @!p0 [sflag:s0], s1  }
0x391: {  	s1 =	ssub.s32 @!p0 $0x0, s1;
	[sflag:s0] =	ssyncset.done @!p0 $0x0  }
0x392: {  	[sflag:s0] =	ssyncadd.s32 @!p0 s1  }
0x393: {  	[bflag:$0x3] =	sbarrier.arrive $0xFFFF  }
0x394: {  	_ =	shalt  }

</sc_bundles>
